<compile_context>
chip_gen: v7x
topology: tpu7x:2x2x1
jax: 0.10.2.dev20260603
libtpu: 0.0.44.dev20260713+nightly
codegen_flags: <defaults>
</compile_context>

<pallas_src>
import functools

import jax
import jax.numpy as jnp
import numpy as np
from jax import lax
from jax.experimental import pallas as pl
from jax.experimental.pallas import tpu as pltpu, tpu_sc as plsc

N = 10000
D = 128
DOUT = 40
E = 320000

NC = 2
NS = 16
NW = NC * NS
CH = 128
NPAD = 10240
RPT = NPAD // NS
PAIRS = 40
CHUNKS = 2 * PAIRS
TOT_E = NW * CH * CHUNKS
PAD_E = TOT_E - E
BR = 1024

_mesh = plsc.VectorSubcoreMesh(
    core_axis_name="c", subcore_axis_name="s", num_cores=NC, num_subcores=NS)


@functools.partial(
    pl.kernel,
    out_type=jax.ShapeDtypeStruct((NC * NPAD,), jnp.float32),
    mesh=_mesh,
    scratch_types=[
        pltpu.VMEM((CHUNKS, CH), jnp.int32),
        pltpu.VMEM((CH,), jnp.int32),
        pltpu.VMEM((CH,), jnp.int32),
        pltpu.VMEM((CH,), jnp.float32),
        pltpu.VMEM((RPT,), jnp.float32),
        pltpu.VMEM_SHARED((NPAD,), jnp.float32),
        pltpu.SemaphoreType.DMA,
        pltpu.SemaphoreType.DMA,
    ],
)
def _deg_kernel(ei_hbm, out_hbm, iball, ixa, ixb, ones_v, zero_v, deg_s,
                ssa, ssb):
    cid = lax.axis_index("c")
    sid = lax.axis_index("s")
    wid = cid * NS + sid
    rbase = sid * RPT
    for i in range(CH // 16):
        ones_v[pl.ds(i * 16, 16)] = jnp.full((16,), 1.0, jnp.float32)
    for i in range(RPT // 16):
        zero_v[pl.ds(i * 16, 16)] = jnp.zeros((16,), jnp.float32)
    pltpu.sync_copy(ei_hbm.at[pl.ds(wid * CHUNKS, CHUNKS)], iball)
    pltpu.sync_copy(zero_v, deg_s.at[pl.ds(rbase, RPT)])
    plsc.subcore_barrier()

    def body(i, carry):
        @pl.when(i > 0)
        def _():
            pltpu.make_async_copy(ones_v, deg_s.at[ixa], ssa).wait()
        for j in range(CH // 16):
            ixa[pl.ds(j * 16, 16)] = (
                iball[2 * i, pl.ds(j * 16, 16)] >> 16)
        pltpu.async_copy(ones_v, deg_s.at[ixa], ssa, add=True)
        @pl.when(i > 0)
        def _():
            pltpu.make_async_copy(ones_v, deg_s.at[ixb], ssb).wait()
        for j in range(CH // 16):
            ixb[pl.ds(j * 16, 16)] = (
                iball[2 * i + 1, pl.ds(j * 16, 16)] >> 16)
        pltpu.async_copy(ones_v, deg_s.at[ixb], ssb, add=True)
        return carry

    lax.fori_loop(0, PAIRS, body, 0)
    pltpu.make_async_copy(ones_v, deg_s.at[ixa], ssa).wait()
    pltpu.make_async_copy(ones_v, deg_s.at[ixb], ssb).wait()
    plsc.subcore_barrier()
    pltpu.sync_copy(deg_s.at[pl.ds(rbase, RPT)],
                    out_hbm.at[pl.ds(cid * NPAD + rbase, RPT)])


SCH = 32
SQUADS = CHUNKS // 2
STAGES = 8


@functools.partial(
    pl.kernel,
    out_type=jax.ShapeDtypeStruct((NC * NPAD, D), jnp.float32),
    mesh=_mesh,
    scratch_types=[
        pltpu.VMEM((CHUNKS, CH), jnp.int32),
        pltpu.VMEM((2, SCH), jnp.int32),
        pltpu.VMEM((2, SCH), jnp.int32),
        pltpu.VMEM((2, SCH), jnp.int32),
        pltpu.VMEM((2, SCH), jnp.int32),
        pltpu.VMEM((2, SCH), jnp.int32),
        pltpu.VMEM((2, SCH), jnp.int32),
        pltpu.VMEM((2, SCH), jnp.int32),
        pltpu.VMEM((2, SCH), jnp.int32),
        pltpu.VMEM((SCH, D), jnp.float32),
        pltpu.VMEM((SCH, D), jnp.float32),
        pltpu.VMEM((SCH, D), jnp.float32),
        pltpu.VMEM((SCH, D), jnp.float32),
        pltpu.VMEM((SCH, D), jnp.float32),
        pltpu.VMEM((SCH, D), jnp.float32),
        pltpu.VMEM((SCH, D), jnp.float32),
        pltpu.VMEM((SCH, D), jnp.float32),
        pltpu.VMEM_SHARED((NPAD, D), jnp.float32),
        pltpu.SemaphoreType.DMA,
        pltpu.SemaphoreType.DMA,
        pltpu.SemaphoreType.DMA,
        pltpu.SemaphoreType.DMA,
        pltpu.SemaphoreType.DMA,
        pltpu.SemaphoreType.DMA,
        pltpu.SemaphoreType.DMA,
        pltpu.SemaphoreType.DMA,
        pltpu.SemaphoreType.DMA,
        pltpu.SemaphoreType.DMA,
        pltpu.SemaphoreType.DMA,
        pltpu.SemaphoreType.DMA,
        pltpu.SemaphoreType.DMA,
        pltpu.SemaphoreType.DMA,
        pltpu.SemaphoreType.DMA,
        pltpu.SemaphoreType.DMA,
    ],
)
def _scatter_kernel(g_hbm, ei_hbm, zsrc_hbm, out_hbm,
                    iball, ix0, ix1, ix2, ix3, ix4, ix5, ix6, ix7,
                    rw0, rw1, rw2, rw3, rw4, rw5, rw6, rw7, acc_s,
                    gs0, gs1, gs2, gs3, gs4, gs5, gs6, gs7,
                    ss0, ss1, ss2, ss3, ss4, ss5, ss6, ss7):
    cid = lax.axis_index("c")
    sid = lax.axis_index("s")
    wid = cid * NS + sid
    rbase = sid * RPT
    ix = (ix0, ix1, ix2, ix3, ix4, ix5, ix6, ix7)
    rw = (rw0, rw1, rw2, rw3, rw4, rw5, rw6, rw7)
    gs = (gs0, gs1, gs2, gs3, gs4, gs5, gs6, gs7)
    ss = (ss0, ss1, ss2, ss3, ss4, ss5, ss6, ss7)

    pltpu.sync_copy(ei_hbm.at[pl.ds(wid * CHUNKS, CHUNKS)], iball)

    @pl.when(cid == 0)
    def _():
        pltpu.sync_copy(g_hbm.at[pl.ds(rbase, RPT)], acc_s.at[pl.ds(rbase, RPT)])

    @pl.when(cid != 0)
    def _():
        pltpu.sync_copy(zsrc_hbm, acc_s.at[pl.ds(rbase, RPT)])

    plsc.subcore_barrier()

    def body(i, carry):
        for k in range(STAGES):
            r = 2 * i + k // 4
            off = (k % 4) * SCH
            @pl.when(i > 0)
            def _():
                pltpu.make_async_copy(rw[k], acc_s.at[ix[k].at[1]], ss[k]).wait()
            for j in range(SCH // 16):
                v = iball[r, pl.ds(off + j * 16, 16)]
                ix[k][0, pl.ds(j * 16, 16)] = v & 0xFFFF
                ix[k][1, pl.ds(j * 16, 16)] = v >> 16
            pltpu.async_copy(g_hbm.at[ix[k].at[0]], rw[k], gs[k])
        for k in range(STAGES):
            pltpu.make_async_copy(g_hbm.at[ix[k].at[0]], rw[k], gs[k]).wait()
            pltpu.async_copy(rw[k], acc_s.at[ix[k].at[1]], ss[k], add=True)
        return carry

    lax.fori_loop(0, SQUADS, body, 0)
    for k in range(STAGES):
        pltpu.make_async_copy(rw[k], acc_s.at[ix[k].at[1]], ss[k]).wait()
    plsc.subcore_barrier()
    pltpu.sync_copy(acc_s.at[pl.ds(rbase, RPT)],
                    out_hbm.at[pl.ds(cid * NPAD + rbase, RPT)])


def _prep_body(x_ref, d0_ref, d1_ref, g_ref, dinv_ref, dginv_ref):
    deg = d0_ref[...] + d1_ref[...] + 1.0
    dv = lax.rsqrt(deg)
    g_ref[...] = x_ref[...] * dv
    dinv_ref[...] = dv
    dginv_ref[...] = dv * dv


_prep = pl.pallas_call(
    _prep_body,
    grid=(NPAD // BR,),
    in_specs=[
        pl.BlockSpec((BR, D), lambda i: (i, 0)),
        pl.BlockSpec((BR, 1), lambda i: (i, 0)),
        pl.BlockSpec((BR, 1), lambda i: (i, 0)),
    ],
    out_specs=[
        pl.BlockSpec((BR, D), lambda i: (i, 0)),
        pl.BlockSpec((BR, 1), lambda i: (i, 0)),
        pl.BlockSpec((BR, 1), lambda i: (i, 0)),
    ],
    out_shape=[
        jax.ShapeDtypeStruct((NPAD, D), jnp.float32),
        jax.ShapeDtypeStruct((NPAD, 1), jnp.float32),
        jax.ShapeDtypeStruct((NPAD, 1), jnp.float32),
    ],
)


def _combine_body(s0_ref, s1_ref, dginv_ref, g_ref):
    g_ref[...] = (s0_ref[...] + s1_ref[...]) * dginv_ref[...]


_combine = pl.pallas_call(
    _combine_body,
    grid=(NPAD // BR,),
    in_specs=[
        pl.BlockSpec((BR, D), lambda i: (i, 0)),
        pl.BlockSpec((BR, D), lambda i: (i + NPAD // BR, 0)),
        pl.BlockSpec((BR, 1), lambda i: (i, 0)),
    ],
    out_specs=pl.BlockSpec((BR, D), lambda i: (i, 0)),
    out_shape=jax.ShapeDtypeStruct((NPAD, D), jnp.float32),
)


def _final_body(s0_ref, s1_ref, dinv_ref, wt_ref, b_ref, out_ref, emb_ref):
    h2 = (s0_ref[...] + s1_ref[...]) * dinv_ref[...]
    emb = jnp.dot(h2, wt_ref[...], preferred_element_type=jnp.float32) + b_ref[...]
    col = lax.broadcasted_iota(jnp.int32, emb.shape, 1)
    logits = jnp.where(col < DOUT, emb, -1e30)
    m = jnp.max(logits, axis=1, keepdims=True)
    lse = jnp.log(jnp.sum(jnp.exp(logits - m), axis=1, keepdims=True)) + m
    emb_ref[...] = emb
    out_ref[...] = emb - lse


_final = pl.pallas_call(
    _final_body,
    grid=(NPAD // BR,),
    in_specs=[
        pl.BlockSpec((BR, D), lambda i: (i, 0)),
        pl.BlockSpec((BR, D), lambda i: (i + NPAD // BR, 0)),
        pl.BlockSpec((BR, 1), lambda i: (i, 0)),
        pl.BlockSpec((D, D), lambda i: (0, 0)),
        pl.BlockSpec((1, D), lambda i: (0, 0)),
    ],
    out_specs=[
        pl.BlockSpec((BR, D), lambda i: (i, 0)),
        pl.BlockSpec((BR, D), lambda i: (i, 0)),
    ],
    out_shape=[
        jax.ShapeDtypeStruct((NPAD, D), jnp.float32),
        jax.ShapeDtypeStruct((NPAD, D), jnp.float32),
    ],
)


_PAD_SRC = np.int32(10000) + (np.arange(PAD_E, dtype=np.int32) % (NPAD - N))
_PAD_DST = np.int32(10000) + ((np.arange(PAD_E, dtype=np.int32) * 7 + 3) % (NPAD - N))


@jax.jit
def kernel(x, edge_index, W, b):
    src_p = jnp.concatenate([edge_index[0], _PAD_SRC])
    dst_p = jnp.concatenate([edge_index[1], _PAD_DST])
    ei_p = (src_p + dst_p * 65536).reshape(NW * CHUNKS, CH)
    x_p = jnp.pad(x, ((0, NPAD - N), (0, 0)))
    wt = jnp.zeros((D, D), jnp.float32).at[:, :DOUT].set(W.T)
    bp = jnp.zeros((1, D), jnp.float32).at[0, :DOUT].set(b)
    zsrc = jnp.zeros((RPT, D), jnp.float32)

    degp = _deg_kernel(ei_p)
    g0, dinv, dginv = _prep(x_p, degp[:NPAD, None], degp[NPAD:, None])
    s1 = _scatter_kernel(g0, ei_p, zsrc)
    g1 = _combine(s1, s1, dginv)
    s2 = _scatter_kernel(g1, ei_p, zsrc)
    outp, embp = _final(s2, s2, dinv, wt, bp)
    return outp[:N, :DOUT], embp[:N, :DOUT]

# --- scband reference (transcript-rebuilt; emitter-appended) ---
"""Pipeline reference for scband-sgc-75204877353222 (READ-ONLY COPY).

The authoritative reference and input builder live on the scoring server;
editing this copy changes nothing except your own understanding.
"""

import jax, jax.numpy as jnp
import numpy as np

N = 10000
E = 320000
D_IN = 128
D_OUT = 40
K = 2


def setup_inputs(seed: int = 0) -> dict:
    key = jax.random.key(seed)
    k1, k2, k3 = jax.random.split(key, 3)
    x = jax.random.normal(k1, (N, D_IN), dtype=jnp.float32)
    edge_index = jax.random.randint(k2, (2, E), 0, N, dtype=jnp.int32)
    # Learned parameters of the SGConv linear layer (out = lin(propagated_x))
    W = jax.random.normal(k3, (D_OUT, D_IN), dtype=jnp.float32) * (1.0 / np.sqrt(D_IN))
    b = jnp.zeros((D_OUT,), dtype=jnp.float32)
    return {"x": x, "edge_index": edge_index, "W": W, "b": b}


def reference(x, edge_index, W, b):
    n = x.shape[0]
    # add self loops (PyG gcn_norm with add_self_loops=True)
    loop = jnp.arange(n, dtype=edge_index.dtype)
    src = jnp.concatenate([edge_index[0], loop])
    dst = jnp.concatenate([edge_index[1], loop])
    # symmetric normalization: deg computed at dst with unit edge weights
    deg = jnp.zeros((n,), dtype=x.dtype).at[dst].add(1.0)
    dinv = jnp.where(deg > 0, 1.0 / jnp.sqrt(deg), 0.0)
    norm = dinv[src] * dinv[dst]
    # K-hop propagation: x <- (D^-1/2 (A+I) D^-1/2) x, repeated K times
    h = x
    for _ in range(K):
        msg = h[src] * norm[:, None]
        h = jnp.zeros_like(h).at[dst].add(msg)
    # final linear transform (SGConv.lin)
    emb = h @ W.T + b
    out = jax.nn.log_softmax(emb, axis=1)
    return (out, emb)

if __name__ == "__main__":
    import jax
    _d = setup_inputs()
    print(jax.jit(kernel)(*tuple(_d.values())))

</pallas_src>

<mosaic_0001>
#map = affine_map<(d0, d1) -> (0, 0)>
module attributes {stable_mosaic.version = 14 : i64} {
  func.func @_scatter_kernel(%arg0: i32, %arg1: i32, %arg2: memref<10240x128xf32, #tpu.memory_space<hbm>>, %arg3: memref<2560x128xi32, #tpu.memory_space<hbm>>, %arg4: memref<640x128xf32, #tpu.memory_space<hbm>>, %arg5: memref<20480x128xf32, #tpu.memory_space<hbm>>, %arg6: memref<80x128xi32, #tpu.memory_space<vmem>>, %arg7: memref<2x32xi32, #tpu.memory_space<vmem>>, %arg8: memref<2x32xi32, #tpu.memory_space<vmem>>, %arg9: memref<2x32xi32, #tpu.memory_space<vmem>>, %arg10: memref<2x32xi32, #tpu.memory_space<vmem>>, %arg11: memref<2x32xi32, #tpu.memory_space<vmem>>, %arg12: memref<2x32xi32, #tpu.memory_space<vmem>>, %arg13: memref<2x32xi32, #tpu.memory_space<vmem>>, %arg14: memref<2x32xi32, #tpu.memory_space<vmem>>, %arg15: memref<32x128xf32, #tpu.memory_space<vmem>>, %arg16: memref<32x128xf32, #tpu.memory_space<vmem>>, %arg17: memref<32x128xf32, #tpu.memory_space<vmem>>, %arg18: memref<32x128xf32, #tpu.memory_space<vmem>>, %arg19: memref<32x128xf32, #tpu.memory_space<vmem>>, %arg20: memref<32x128xf32, #tpu.memory_space<vmem>>, %arg21: memref<32x128xf32, #tpu.memory_space<vmem>>, %arg22: memref<32x128xf32, #tpu.memory_space<vmem>>, %arg23: memref<10240x128xf32, #tpu.memory_space<vmem_shared>>, %arg24: memref<!tpu.dma_semaphore, #tpu.memory_space<semaphore_mem>>, %arg25: memref<!tpu.dma_semaphore, #tpu.memory_space<semaphore_mem>>, %arg26: memref<!tpu.dma_semaphore, #tpu.memory_space<semaphore_mem>>, %arg27: memref<!tpu.dma_semaphore, #tpu.memory_space<semaphore_mem>>, %arg28: memref<!tpu.dma_semaphore, #tpu.memory_space<semaphore_mem>>, %arg29: memref<!tpu.dma_semaphore, #tpu.memory_space<semaphore_mem>>, %arg30: memref<!tpu.dma_semaphore, #tpu.memory_space<semaphore_mem>>, %arg31: memref<!tpu.dma_semaphore, #tpu.memory_space<semaphore_mem>>, %arg32: memref<!tpu.dma_semaphore, #tpu.memory_space<semaphore_mem>>, %arg33: memref<!tpu.dma_semaphore, #tpu.memory_space<semaphore_mem>>, %arg34: memref<!tpu.dma_semaphore, #tpu.memory_space<semaphore_mem>>, %arg35: memref<!tpu.dma_semaphore, #tpu.memory_space<semaphore_mem>>, %arg36: memref<!tpu.dma_semaphore, #tpu.memory_space<semaphore_mem>>, %arg37: memref<!tpu.dma_semaphore, #tpu.memory_space<semaphore_mem>>, %arg38: memref<!tpu.dma_semaphore, #tpu.memory_space<semaphore_mem>>, %arg39: memref<!tpu.dma_semaphore, #tpu.memory_space<semaphore_mem>>) attributes {dimension_semantics = [#tpu.dimension_semantics<core_parallel>, #tpu.dimension_semantics<subcore_parallel>], iteration_bounds = array<i64: 2, 16>, scalar_prefetch = 0 : i64, scratch_operands = 34 : i64, tpu.core_type = #tpu.core_type<sc_vector_subcore>, window_params = [{transform_indices = #map}, {transform_indices = #map}, {transform_indices = #map}, {transform_indices = #map}]} {
    %mul3A = arith.constant 16 : i32
    %mul3A_0 = arith.muli %arg0, %mul3A : i32
    %add3A = arith.addi %mul3A_0, %arg1 : i32
    %mul3A_1 = arith.constant 640 : i32
    %mul3A_2 = arith.muli %arg1, %mul3A_1 : i32
    %mul3A_3 = arith.constant 80 : i32
    %mul3A_4 = arith.muli %add3A, %mul3A_3 : i32
    "tpu.region"() ({
      %run_scoped3A = tpu.sem_alloc : memref<!tpu.dma_semaphore, #tpu.memory_space<semaphore_mem>>
      %dma_start3A = arith.constant 0 : i32
      %dma_start3A_75 = tpu.memref_slice %arg3[%mul3A_4, %dma_start3A] : memref<2560x128xi32, #tpu.memory_space<hbm>> -> memref<80x128xi32, #tpu.memory_space<hbm>>
      %dma_start3A_76 = arith.constant 0 : i32
      %dma_start3A_77 = tpu.memref_slice %arg3[%mul3A_4, %dma_start3A_76] : memref<2560x128xi32, #tpu.memory_space<hbm>> -> memref<80x128xi32, #tpu.memory_space<hbm>>
      tpu.enqueue_dma source(%dma_start3A_77 : memref<80x128xi32, #tpu.memory_space<hbm>>) target(%arg6 : memref<80x128xi32, #tpu.memory_space<vmem>>) target_semaphore(%run_scoped3A : memref<!tpu.dma_semaphore, #tpu.memory_space<semaphore_mem>>)
      %dma_wait3A_78 = arith.constant 0 : i32
      %dma_wait3A_79 = tpu.memref_slice %arg3[%mul3A_4, %dma_wait3A_78] : memref<2560x128xi32, #tpu.memory_space<hbm>> -> memref<80x128xi32, #tpu.memory_space<hbm>>
      %dma_wait3A_80 = arith.constant 0 : i32
      %dma_wait3A_81 = tpu.memref_slice %arg3[%mul3A_4, %dma_wait3A_80] : memref<2560x128xi32, #tpu.memory_space<hbm>> -> memref<80x128xi32, #tpu.memory_space<hbm>>
      tpu.wait_dma2 semaphore(%run_scoped3A : memref<!tpu.dma_semaphore, #tpu.memory_space<semaphore_mem>>) src(%dma_wait3A_81 : memref<80x128xi32, #tpu.memory_space<hbm>>) dst(%arg6 : memref<80x128xi32, #tpu.memory_space<vmem>>)
      tpu.yield
    }) : () -> ()
    %eq3A = arith.constant 0 : i32
    %eq3A_5 = arith.cmpi eq, %arg0, %eq3A : i32
    %convert_element_type3A = arith.extui %eq3A_5 : i1 to i32
    %cond3A = arith.constant 0 : i32
    %cond3A_6 = arith.cmpi ne, %convert_element_type3A, %cond3A : i32
    scf.if %cond3A_6 {
      "tpu.region"() ({
        %run_scoped3A = tpu.sem_alloc : memref<!tpu.dma_semaphore, #tpu.memory_space<semaphore_mem>>
        %dma_start3A = arith.constant 0 : i32
        %dma_start3A_75 = tpu.memref_slice %arg23[%mul3A_2, %dma_start3A] : memref<10240x128xf32, #tpu.memory_space<vmem_shared>> -> memref<640x128xf32, #tpu.memory_space<vmem_shared>>
        %dma_start3A_76 = arith.constant 0 : i32
        %dma_start3A_77 = tpu.memref_slice %arg2[%mul3A_2, %dma_start3A_76] : memref<10240x128xf32, #tpu.memory_space<hbm>> -> memref<640x128xf32, #tpu.memory_space<hbm>>
        tpu.enqueue_dma source(%dma_start3A_77 : memref<640x128xf32, #tpu.memory_space<hbm>>) target(%dma_start3A_75 : memref<640x128xf32, #tpu.memory_space<vmem_shared>>) target_semaphore(%run_scoped3A : memref<!tpu.dma_semaphore, #tpu.memory_space<semaphore_mem>>)
        %dma_wait3A_78 = arith.constant 0 : i32
        %dma_wait3A_79 = tpu.memref_slice %arg23[%mul3A_2, %dma_wait3A_78] : memref<10240x128xf32, #tpu.memory_space<vmem_shared>> -> memref<640x128xf32, #tpu.memory_space<vmem_shared>>
        %dma_wait3A_80 = arith.constant 0 : i32
        %dma_wait3A_81 = tpu.memref_slice %arg2[%mul3A_2, %dma_wait3A_80] : memref<10240x128xf32, #tpu.memory_space<hbm>> -> memref<640x128xf32, #tpu.memory_space<hbm>>
        tpu.wait_dma2 semaphore(%run_scoped3A : memref<!tpu.dma_semaphore, #tpu.memory_space<semaphore_mem>>) src(%dma_wait3A_81 : memref<640x128xf32, #tpu.memory_space<hbm>>) dst(%dma_wait3A_79 : memref<640x128xf32, #tpu.memory_space<vmem_shared>>)
        tpu.yield
      }) : () -> ()
    } else {
    }
    %ne3A = arith.constant 0 : i32
    %ne3A_7 = arith.cmpi ne, %arg0, %ne3A : i32
    %convert_element_type3A_8 = arith.extui %ne3A_7 : i1 to i32
    %cond3A_9 = arith.constant 0 : i32
    %cond3A_10 = arith.cmpi ne, %convert_element_type3A_8, %cond3A_9 : i32
    scf.if %cond3A_10 {
      "tpu.region"() ({
        %run_scoped3A = tpu.sem_alloc : memref<!tpu.dma_semaphore, #tpu.memory_space<semaphore_mem>>
        %dma_start3A = arith.constant 0 : i32
        %dma_start3A_75 = tpu.memref_slice %arg23[%mul3A_2, %dma_start3A] : memref<10240x128xf32, #tpu.memory_space<vmem_shared>> -> memref<640x128xf32, #tpu.memory_space<vmem_shared>>
        tpu.enqueue_dma source(%arg4 : memref<640x128xf32, #tpu.memory_space<hbm>>) target(%dma_start3A_75 : memref<640x128xf32, #tpu.memory_space<vmem_shared>>) target_semaphore(%run_scoped3A : memref<!tpu.dma_semaphore, #tpu.memory_space<semaphore_mem>>)
        %dma_wait3A_76 = arith.constant 0 : i32
        %dma_wait3A_77 = tpu.memref_slice %arg23[%mul3A_2, %dma_wait3A_76] : memref<10240x128xf32, #tpu.memory_space<vmem_shared>> -> memref<640x128xf32, #tpu.memory_space<vmem_shared>>
        tpu.wait_dma2 semaphore(%run_scoped3A : memref<!tpu.dma_semaphore, #tpu.memory_space<semaphore_mem>>) src(%arg4 : memref<640x128xf32, #tpu.memory_space<hbm>>) dst(%dma_wait3A_77 : memref<640x128xf32, #tpu.memory_space<vmem_shared>>)
        tpu.yield
      }) : () -> ()
    } else {
    }
    %barrier3A = arith.constant 0 : index
    tpu.barrier barrier_id(%barrier3A)
    %scan3A = arith.constant 0 : i32
    %scan3A_11 = arith.constant 0 : i32
    %scan3A_12 = arith.constant 40 : i32
    %scan3A_13 = arith.addi %scan3A_11, %scan3A_12 : i32
    %scan3A_14 = arith.constant 1 : i32
    scf.for %scan3A_75 = %scan3A_11 to %scan3A_13 step %scan3A_14  : i32 {
      %mul3A_76 = arith.constant 2 : i32
      %mul3A_77 = arith.muli %mul3A_76, %scan3A_75 : i32
      %add3A_78 = arith.constant 0 : i32
      %add3A_79 = arith.addi %mul3A_77, %add3A_78 : i32
      %gt3A = arith.constant 0 : i32
      %gt3A_80 = arith.cmpi sgt, %scan3A_75, %gt3A : i32
      %convert_element_type3A_81 = arith.extui %gt3A_80 : i1 to i32
      %cond3A_82 = arith.constant 0 : i32
      %cond3A_83 = arith.cmpi ne, %convert_element_type3A_81, %cond3A_82 : i32
      scf.if %cond3A_83 {
        %dma_wait3A_662 = arith.constant 1 : i32
        %dma_wait3A_663 = arith.constant 0 : i32
        %dma_wait3A_664 = tpu.memref_slice %arg7[%dma_wait3A_662, %dma_wait3A_663] : memref<2x32xi32, #tpu.memory_space<vmem>> -> memref<1x32xi32, #tpu.memory_space<vmem>>
        %dma_wait3A_665 = tpu.memref_squeeze %dma_wait3A_664 : memref<1x32xi32, #tpu.memory_space<vmem>> -> memref<32xi32, #tpu.memory_space<vmem>>
        %dma_wait3A_666 = arith.constant 0 : i32
        %dma_wait3A_667 = arith.constant 0 : i32
        %dma_wait3A_668 = tpu.memref_slice %arg23[%dma_wait3A_666, %dma_wait3A_667] : memref<10240x128xf32, #tpu.memory_space<vmem_shared>> -> memref<10240x128xf32, #tpu.memory_space<vmem_shared>>
        tpu.wait_indirect_dma semaphore(%arg32 : memref<!tpu.dma_semaphore, #tpu.memory_space<semaphore_mem>>) src(%arg15 : memref<32x128xf32, #tpu.memory_space<vmem>>) dst(%dma_wait3A_668 : memref<10240x128xf32, #tpu.memory_space<vmem_shared>>)
      } else {
      }
      %get3A = arith.index_cast %add3A_79 : i32 to index
      %get3A_84 = arith.constant 0 : index
      %get3A_85 = tpu.vector_load %arg6[%get3A, %get3A_84] {strides = array<i32>} : memref<80x128xi32, #tpu.memory_space<vmem>>, vector<1x16xi32>,
      %get3A_86 = vector.shape_cast %get3A_85 : vector<1x16xi32> to vector<16xi32>
      %and3A = arith.constant 65535 : i32
      %and3A_87 = vector.broadcast %and3A : i32 to vector<16xi32>
      %and3A_88 = arith.andi %get3A_86, %and3A_87 : vector<16xi32>
      %swap3A = arith.constant 0 : i32
      %swap3A_89 = arith.index_cast %swap3A : i32 to index
      %swap3A_90 = arith.constant 0 : index
      %swap3A_91 = tpu.vector_load %arg7[%swap3A_89, %swap3A_90] {strides = array<i32>} : memref<2x32xi32, #tpu.memory_space<vmem>>, vector<1x16xi32>,
      %swap3A_92 = vector.shape_cast %swap3A_91 : vector<1x16xi32> to vector<16xi32>
      %swap3A_93 = vector.shape_cast %and3A_88 : vector<16xi32> to vector<1x16xi32>
      tpu.vector_store %arg7[%swap3A_89, %swap3A_90], %swap3A_93 {strides = array<i32>} : memref<2x32xi32, #tpu.memory_space<vmem>>, vector<1x16xi32>,
      %shift_right_arithmetic3A = arith.constant 16 : i32
      %shift_right_arithmetic3A_94 = vector.broadcast %shift_right_arithmetic3A : i32 to vector<16xi32>
      %shift_right_arithmetic3A_95 = arith.shrsi %get3A_86, %shift_right_arithmetic3A_94 : vector<16xi32>
      %swap3A_96 = arith.constant 1 : i32
      %swap3A_97 = arith.index_cast %swap3A_96 : i32 to index
      %swap3A_98 = arith.constant 0 : index
      %swap3A_99 = tpu.vector_load %arg7[%swap3A_97, %swap3A_98] {strides = array<i32>} : memref<2x32xi32, #tpu.memory_space<vmem>>, vector<1x16xi32>,
      %swap3A_100 = vector.shape_cast %swap3A_99 : vector<1x16xi32> to vector<16xi32>
      %swap3A_101 = vector.shape_cast %shift_right_arithmetic3A_95 : vector<16xi32> to vector<1x16xi32>
      tpu.vector_store %arg7[%swap3A_97, %swap3A_98], %swap3A_101 {strides = array<i32>} : memref<2x32xi32, #tpu.memory_space<vmem>>, vector<1x16xi32>,
      %get3A_102 = arith.index_cast %add3A_79 : i32 to index
      %get3A_103 = arith.constant 16 : index
      %get3A_104 = tpu.vector_load %arg6[%get3A_102, %get3A_103] {strides = array<i32>} : memref<80x128xi32, #tpu.memory_space<vmem>>, vector<1x16xi32>,
      %get3A_105 = vector.shape_cast %get3A_104 : vector<1x16xi32> to vector<16xi32>
      %and3A_106 = arith.constant 65535 : i32
      %and3A_107 = vector.broadcast %and3A_106 : i32 to vector<16xi32>
      %and3A_108 = arith.andi %get3A_105, %and3A_107 : vector<16xi32>
      %swap3A_109 = arith.constant 0 : i32
      %swap3A_110 = arith.index_cast %swap3A_109 : i32 to index
      %swap3A_111 = arith.constant 16 : index
      %swap3A_112 = tpu.vector_load %arg7[%swap3A_110, %swap3A_111] {strides = array<i32>} : memref<2x32xi32, #tpu.memory_space<vmem>>, vector<1x16xi32>,
      %swap3A_113 = vector.shape_cast %swap3A_112 : vector<1x16xi32> to vector<16xi32>
      %swap3A_114 = vector.shape_cast %and3A_108 : vector<16xi32> to vector<1x16xi32>
      tpu.vector_store %arg7[%swap3A_110, %swap3A_111], %swap3A_114 {strides = array<i32>} : memref<2x32xi32, #tpu.memory_space<vmem>>, vector<1x16xi32>,
      %shift_right_arithmetic3A_115 = arith.constant 16 : i32
      %shift_right_arithmetic3A_116 = vector.broadcast %shift_right_arithmetic3A_115 : i32 to vector<16xi32>
      %shift_right_arithmetic3A_117 = arith.shrsi %get3A_105, %shift_right_arithmetic3A_116 : vector<16xi32>
      %swap3A_118 = arith.constant 1 : i32
      %swap3A_119 = arith.index_cast %swap3A_118 : i32 to index
      %swap3A_120 = arith.constant 16 : index
      %swap3A_121 = tpu.vector_load %arg7[%swap3A_119, %swap3A_120] {strides = array<i32>} : memref<2x32xi32, #tpu.memory_space<vmem>>, vector<1x16xi32>,
      %swap3A_122 = vector.shape_cast %swap3A_121 : vector<1x16xi32> to vector<16xi32>
      %swap3A_123 = vector.shape_cast %shift_right_arithmetic3A_117 : vector<16xi32> to vector<1x16xi32>
      tpu.vector_store %arg7[%swap3A_119, %swap3A_120], %swap3A_123 {strides = array<i32>} : memref<2x32xi32, #tpu.memory_space<vmem>>, vector<1x16xi32>,
      %dma_start3A = arith.constant 0 : i32
      %dma_start3A_124 = arith.constant 0 : i32
      %dma_start3A_125 = tpu.memref_slice %arg7[%dma_start3A, %dma_start3A_124] : memref<2x32xi32, #tpu.memory_space<vmem>> -> memref<1x32xi32, #tpu.memory_space<vmem>>
      %dma_start3A_126 = tpu.memref_squeeze %dma_start3A_125 : memref<1x32xi32, #tpu.memory_space<vmem>> -> memref<32xi32, #tpu.memory_space<vmem>>
      %dma_start3A_127 = arith.constant 0 : i32
      %dma_start3A_128 = arith.constant 0 : i32
      %dma_start3A_129 = tpu.memref_slice %arg2[%dma_start3A_127, %dma_start3A_128] : memref<10240x128xf32, #tpu.memory_space<hbm>> -> memref<10240x128xf32, #tpu.memory_space<hbm>>
      tpu.enqueue_indirect_dma source(%dma_start3A_129 : memref<10240x128xf32, #tpu.memory_space<hbm>>) target(%arg15 : memref<32x128xf32, #tpu.memory_space<vmem>>) offsets(%dma_start3A_126 : memref<32xi32, #tpu.memory_space<vmem>>) semaphore(%arg24 : memref<!tpu.dma_semaphore, #tpu.memory_space<semaphore_mem>>)
      %mul3A_130 = arith.constant 2 : i32
      %mul3A_131 = arith.muli %mul3A_130, %scan3A_75 : i32
      %add3A_132 = arith.constant 0 : i32
      %add3A_133 = arith.addi %mul3A_131, %add3A_132 : i32
      %gt3A_134 = arith.constant 0 : i32
      %gt3A_135 = arith.cmpi sgt, %scan3A_75, %gt3A_134 : i32
      %convert_element_type3A_136 = arith.extui %gt3A_135 : i1 to i32
      %cond3A_137 = arith.constant 0 : i32
      %cond3A_138 = arith.cmpi ne, %convert_element_type3A_136, %cond3A_137 : i32
      scf.if %cond3A_138 {
        %dma_wait3A_662 = arith.constant 1 : i32
        %dma_wait3A_663 = arith.constant 0 : i32
        %dma_wait3A_664 = tpu.memref_slice %arg8[%dma_wait3A_662, %dma_wait3A_663] : memref<2x32xi32, #tpu.memory_space<vmem>> -> memref<1x32xi32, #tpu.memory_space<vmem>>
        %dma_wait3A_665 = tpu.memref_squeeze %dma_wait3A_664 : memref<1x32xi32, #tpu.memory_space<vmem>> -> memref<32xi32, #tpu.memory_space<vmem>>
        %dma_wait3A_666 = arith.constant 0 : i32
        %dma_wait3A_667 = arith.constant 0 : i32
        %dma_wait3A_668 = tpu.memref_slice %arg23[%dma_wait3A_666, %dma_wait3A_667] : memref<10240x128xf32, #tpu.memory_space<vmem_shared>> -> memref<10240x128xf32, #tpu.memory_space<vmem_shared>>
        tpu.wait_indirect_dma semaphore(%arg33 : memref<!tpu.dma_semaphore, #tpu.memory_space<semaphore_mem>>) src(%arg16 : memref<32x128xf32, #tpu.memory_space<vmem>>) dst(%dma_wait3A_668 : memref<10240x128xf32, #tpu.memory_space<vmem_shared>>)
      } else {
      }
      %get3A_139 = arith.index_cast %add3A_133 : i32 to index
      %get3A_140 = arith.constant 32 : index
      %get3A_141 = tpu.vector_load %arg6[%get3A_139, %get3A_140] {strides = array<i32>} : memref<80x128xi32, #tpu.memory_space<vmem>>, vector<1x16xi32>,
      %get3A_142 = vector.shape_cast %get3A_141 : vector<1x16xi32> to vector<16xi32>
      %and3A_143 = arith.constant 65535 : i32
      %and3A_144 = vector.broadcast %and3A_143 : i32 to vector<16xi32>
      %and3A_145 = arith.andi %get3A_142, %and3A_144 : vector<16xi32>
      %swap3A_146 = arith.constant 0 : i32
      %swap3A_147 = arith.index_cast %swap3A_146 : i32 to index
      %swap3A_148 = arith.constant 0 : index
      %swap3A_149 = tpu.vector_load %arg8[%swap3A_147, %swap3A_148] {strides = array<i32>} : memref<2x32xi32, #tpu.memory_space<vmem>>, vector<1x16xi32>,
      %swap3A_150 = vector.shape_cast %swap3A_149 : vector<1x16xi32> to vector<16xi32>
      %swap3A_151 = vector.shape_cast %and3A_145 : vector<16xi32> to vector<1x16xi32>
      tpu.vector_store %arg8[%swap3A_147, %swap3A_148], %swap3A_151 {strides = array<i32>} : memref<2x32xi32, #tpu.memory_space<vmem>>, vector<1x16xi32>,
      %shift_right_arithmetic3A_152 = arith.constant 16 : i32
      %shift_right_arithmetic3A_153 = vector.broadcast %shift_right_arithmetic3A_152 : i32 to vector<16xi32>
      %shift_right_arithmetic3A_154 = arith.shrsi %get3A_142, %shift_right_arithmetic3A_153 : vector<16xi32>
      %swap3A_155 = arith.constant 1 : i32
      %swap3A_156 = arith.index_cast %swap3A_155 : i32 to index
      %swap3A_157 = arith.constant 0 : index
      %swap3A_158 = tpu.vector_load %arg8[%swap3A_156, %swap3A_157] {strides = array<i32>} : memref<2x32xi32, #tpu.memory_space<vmem>>, vector<1x16xi32>,
      %swap3A_159 = vector.shape_cast %swap3A_158 : vector<1x16xi32> to vector<16xi32>
      %swap3A_160 = vector.shape_cast %shift_right_arithmetic3A_154 : vector<16xi32> to vector<1x16xi32>
      tpu.vector_store %arg8[%swap3A_156, %swap3A_157], %swap3A_160 {strides = array<i32>} : memref<2x32xi32, #tpu.memory_space<vmem>>, vector<1x16xi32>,
      %get3A_161 = arith.index_cast %add3A_133 : i32 to index
      %get3A_162 = arith.constant 48 : index
      %get3A_163 = tpu.vector_load %arg6[%get3A_161, %get3A_162] {strides = array<i32>} : memref<80x128xi32, #tpu.memory_space<vmem>>, vector<1x16xi32>,
      %get3A_164 = vector.shape_cast %get3A_163 : vector<1x16xi32> to vector<16xi32>
      %and3A_165 = arith.constant 65535 : i32
      %and3A_166 = vector.broadcast %and3A_165 : i32 to vector<16xi32>
      %and3A_167 = arith.andi %get3A_164, %and3A_166 : vector<16xi32>
      %swap3A_168 = arith.constant 0 : i32
      %swap3A_169 = arith.index_cast %swap3A_168 : i32 to index
      %swap3A_170 = arith.constant 16 : index
      %swap3A_171 = tpu.vector_load %arg8[%swap3A_169, %swap3A_170] {strides = array<i32>} : memref<2x32xi32, #tpu.memory_space<vmem>>, vector<1x16xi32>,
      %swap3A_172 = vector.shape_cast %swap3A_171 : vector<1x16xi32> to vector<16xi32>
      %swap3A_173 = vector.shape_cast %and3A_167 : vector<16xi32> to vector<1x16xi32>
      tpu.vector_store %arg8[%swap3A_169, %swap3A_170], %swap3A_173 {strides = array<i32>} : memref<2x32xi32, #tpu.memory_space<vmem>>, vector<1x16xi32>,
      %shift_right_arithmetic3A_174 = arith.constant 16 : i32
      %shift_right_arithmetic3A_175 = vector.broadcast %shift_right_arithmetic3A_174 : i32 to vector<16xi32>
      %shift_right_arithmetic3A_176 = arith.shrsi %get3A_164, %shift_right_arithmetic3A_175 : vector<16xi32>
      %swap3A_177 = arith.constant 1 : i32
      %swap3A_178 = arith.index_cast %swap3A_177 : i32 to index
      %swap3A_179 = arith.constant 16 : index
      %swap3A_180 = tpu.vector_load %arg8[%swap3A_178, %swap3A_179] {strides = array<i32>} : memref<2x32xi32, #tpu.memory_space<vmem>>, vector<1x16xi32>,
      %swap3A_181 = vector.shape_cast %swap3A_180 : vector<1x16xi32> to vector<16xi32>
      %swap3A_182 = vector.shape_cast %shift_right_arithmetic3A_176 : vector<16xi32> to vector<1x16xi32>
      tpu.vector_store %arg8[%swap3A_178, %swap3A_179], %swap3A_182 {strides = array<i32>} : memref<2x32xi32, #tpu.memory_space<vmem>>, vector<1x16xi32>,
      %dma_start3A_183 = arith.constant 0 : i32
      %dma_start3A_184 = arith.constant 0 : i32
      %dma_start3A_185 = tpu.memref_slice %arg8[%dma_start3A_183, %dma_start3A_184] : memref<2x32xi32, #tpu.memory_space<vmem>> -> memref<1x32xi32, #tpu.memory_space<vmem>>
      %dma_start3A_186 = tpu.memref_squeeze %dma_start3A_185 : memref<1x32xi32, #tpu.memory_space<vmem>> -> memref<32xi32, #tpu.memory_space<vmem>>
      %dma_start3A_187 = arith.constant 0 : i32
      %dma_start3A_188 = arith.constant 0 : i32
      %dma_start3A_189 = tpu.memref_slice %arg2[%dma_start3A_187, %dma_start3A_188] : memref<10240x128xf32, #tpu.memory_space<hbm>> -> memref<10240x128xf32, #tpu.memory_space<hbm>>
      tpu.enqueue_indirect_dma source(%dma_start3A_189 : memref<10240x128xf32, #tpu.memory_space<hbm>>) target(%arg16 : memref<32x128xf32, #tpu.memory_space<vmem>>) offsets(%dma_start3A_186 : memref<32xi32, #tpu.memory_space<vmem>>) semaphore(%arg25 : memref<!tpu.dma_semaphore, #tpu.memory_space<semaphore_mem>>)
      %mul3A_190 = arith.constant 2 : i32
      %mul3A_191 = arith.muli %mul3A_190, %scan3A_75 : i32
      %add3A_192 = arith.constant 0 : i32
      %add3A_193 = arith.addi %mul3A_191, %add3A_192 : i32
      %gt3A_194 = arith.constant 0 : i32
      %gt3A_195 = arith.cmpi sgt, %scan3A_75, %gt3A_194 : i32
      %convert_element_type3A_196 = arith.extui %gt3A_195 : i1 to i32
      %cond3A_197 = arith.constant 0 : i32
      %cond3A_198 = arith.cmpi ne, %convert_element_type3A_196, %cond3A_197 : i32
      scf.if %cond3A_198 {
        %dma_wait3A_662 = arith.constant 1 : i32
        %dma_wait3A_663 = arith.constant 0 : i32
        %dma_wait3A_664 = tpu.memref_slice %arg9[%dma_wait3A_662, %dma_wait3A_663] : memref<2x32xi32, #tpu.memory_space<vmem>> -> memref<1x32xi32, #tpu.memory_space<vmem>>
        %dma_wait3A_665 = tpu.memref_squeeze %dma_wait3A_664 : memref<1x32xi32, #tpu.memory_space<vmem>> -> memref<32xi32, #tpu.memory_space<vmem>>
        %dma_wait3A_666 = arith.constant 0 : i32
        %dma_wait3A_667 = arith.constant 0 : i32
        %dma_wait3A_668 = tpu.memref_slice %arg23[%dma_wait3A_666, %dma_wait3A_667] : memref<10240x128xf32, #tpu.memory_space<vmem_shared>> -> memref<10240x128xf32, #tpu.memory_space<vmem_shared>>
        tpu.wait_indirect_dma semaphore(%arg34 : memref<!tpu.dma_semaphore, #tpu.memory_space<semaphore_mem>>) src(%arg17 : memref<32x128xf32, #tpu.memory_space<vmem>>) dst(%dma_wait3A_668 : memref<10240x128xf32, #tpu.memory_space<vmem_shared>>)
      } else {
      }
      %get3A_199 = arith.index_cast %add3A_193 : i32 to index
      %get3A_200 = arith.constant 64 : index
      %get3A_201 = tpu.vector_load %arg6[%get3A_199, %get3A_200] {strides = array<i32>} : memref<80x128xi32, #tpu.memory_space<vmem>>, vector<1x16xi32>,
      %get3A_202 = vector.shape_cast %get3A_201 : vector<1x16xi32> to vector<16xi32>
      %and3A_203 = arith.constant 65535 : i32
      %and3A_204 = vector.broadcast %and3A_203 : i32 to vector<16xi32>
      %and3A_205 = arith.andi %get3A_202, %and3A_204 : vector<16xi32>
      %swap3A_206 = arith.constant 0 : i32
      %swap3A_207 = arith.index_cast %swap3A_206 : i32 to index
      %swap3A_208 = arith.constant 0 : index
      %swap3A_209 = tpu.vector_load %arg9[%swap3A_207, %swap3A_208] {strides = array<i32>} : memref<2x32xi32, #tpu.memory_space<vmem>>, vector<1x16xi32>,
      %swap3A_210 = vector.shape_cast %swap3A_209 : vector<1x16xi32> to vector<16xi32>
      %swap3A_211 = vector.shape_cast %and3A_205 : vector<16xi32> to vector<1x16xi32>
      tpu.vector_store %arg9[%swap3A_207, %swap3A_208], %swap3A_211 {strides = array<i32>} : memref<2x32xi32, #tpu.memory_space<vmem>>, vector<1x16xi32>,
      %shift_right_arithmetic3A_212 = arith.constant 16 : i32
      %shift_right_arithmetic3A_213 = vector.broadcast %shift_right_arithmetic3A_212 : i32 to vector<16xi32>
      %shift_right_arithmetic3A_214 = arith.shrsi %get3A_202, %shift_right_arithmetic3A_213 : vector<16xi32>
      %swap3A_215 = arith.constant 1 : i32
      %swap3A_216 = arith.index_cast %swap3A_215 : i32 to index
      %swap3A_217 = arith.constant 0 : index
      %swap3A_218 = tpu.vector_load %arg9[%swap3A_216, %swap3A_217] {strides = array<i32>} : memref<2x32xi32, #tpu.memory_space<vmem>>, vector<1x16xi32>,
      %swap3A_219 = vector.shape_cast %swap3A_218 : vector<1x16xi32> to vector<16xi32>
      %swap3A_220 = vector.shape_cast %shift_right_arithmetic3A_214 : vector<16xi32> to vector<1x16xi32>
      tpu.vector_store %arg9[%swap3A_216, %swap3A_217], %swap3A_220 {strides = array<i32>} : memref<2x32xi32, #tpu.memory_space<vmem>>, vector<1x16xi32>,
      %get3A_221 = arith.index_cast %add3A_193 : i32 to index
      %get3A_222 = arith.constant 80 : index
      %get3A_223 = tpu.vector_load %arg6[%get3A_221, %get3A_222] {strides = array<i32>} : memref<80x128xi32, #tpu.memory_space<vmem>>, vector<1x16xi32>,
      %get3A_224 = vector.shape_cast %get3A_223 : vector<1x16xi32> to vector<16xi32>
      %and3A_225 = arith.constant 65535 : i32
      %and3A_226 = vector.broadcast %and3A_225 : i32 to vector<16xi32>
      %and3A_227 = arith.andi %get3A_224, %and3A_226 : vector<16xi32>
      %swap3A_228 = arith.constant 0 : i32
      %swap3A_229 = arith.index_cast %swap3A_228 : i32 to index
      %swap3A_230 = arith.constant 16 : index
      %swap3A_231 = tpu.vector_load %arg9[%swap3A_229, %swap3A_230] {strides = array<i32>} : memref<2x32xi32, #tpu.memory_space<vmem>>, vector<1x16xi32>,
      %swap3A_232 = vector.shape_cast %swap3A_231 : vector<1x16xi32> to vector<16xi32>
      %swap3A_233 = vector.shape_cast %and3A_227 : vector<16xi32> to vector<1x16xi32>
      tpu.vector_store %arg9[%swap3A_229, %swap3A_230], %swap3A_233 {strides = array<i32>} : memref<2x32xi32, #tpu.memory_space<vmem>>, vector<1x16xi32>,
      %shift_right_arithmetic3A_234 = arith.constant 16 : i32
      %shift_right_arithmetic3A_235 = vector.broadcast %shift_right_arithmetic3A_234 : i32 to vector<16xi32>
      %shift_right_arithmetic3A_236 = arith.shrsi %get3A_224, %shift_right_arithmetic3A_235 : vector<16xi32>
      %swap3A_237 = arith.constant 1 : i32
      %swap3A_238 = arith.index_cast %swap3A_237 : i32 to index
      %swap3A_239 = arith.constant 16 : index
      %swap3A_240 = tpu.vector_load %arg9[%swap3A_238, %swap3A_239] {strides = array<i32>} : memref<2x32xi32, #tpu.memory_space<vmem>>, vector<1x16xi32>,
      %swap3A_241 = vector.shape_cast %swap3A_240 : vector<1x16xi32> to vector<16xi32>
      %swap3A_242 = vector.shape_cast %shift_right_arithmetic3A_236 : vector<16xi32> to vector<1x16xi32>
      tpu.vector_store %arg9[%swap3A_238, %swap3A_239], %swap3A_242 {strides = array<i32>} : memref<2x32xi32, #tpu.memory_space<vmem>>, vector<1x16xi32>,
      %dma_start3A_243 = arith.constant 0 : i32
      %dma_start3A_244 = arith.constant 0 : i32
      %dma_start3A_245 = tpu.memref_slice %arg9[%dma_start3A_243, %dma_start3A_244] : memref<2x32xi32, #tpu.memory_space<vmem>> -> memref<1x32xi32, #tpu.memory_space<vmem>>
      %dma_start3A_246 = tpu.memref_squeeze %dma_start3A_245 : memref<1x32xi32, #tpu.memory_space<vmem>> -> memref<32xi32, #tpu.memory_space<vmem>>
      %dma_start3A_247 = arith.constant 0 : i32
      %dma_start3A_248 = arith.constant 0 : i32
      %dma_start3A_249 = tpu.memref_slice %arg2[%dma_start3A_247, %dma_start3A_248] : memref<10240x128xf32, #tpu.memory_space<hbm>> -> memref<10240x128xf32, #tpu.memory_space<hbm>>
      tpu.enqueue_indirect_dma source(%dma_start3A_249 : memref<10240x128xf32, #tpu.memory_space<hbm>>) target(%arg17 : memref<32x128xf32, #tpu.memory_space<vmem>>) offsets(%dma_start3A_246 : memref<32xi32, #tpu.memory_space<vmem>>) semaphore(%arg26 : memref<!tpu.dma_semaphore, #tpu.memory_space<semaphore_mem>>)
      %mul3A_250 = arith.constant 2 : i32
      %mul3A_251 = arith.muli %mul3A_250, %scan3A_75 : i32
      %add3A_252 = arith.constant 0 : i32
      %add3A_253 = arith.addi %mul3A_251, %add3A_252 : i32
      %gt3A_254 = arith.constant 0 : i32
      %gt3A_255 = arith.cmpi sgt, %scan3A_75, %gt3A_254 : i32
      %convert_element_type3A_256 = arith.extui %gt3A_255 : i1 to i32
      %cond3A_257 = arith.constant 0 : i32
      %cond3A_258 = arith.cmpi ne, %convert_element_type3A_256, %cond3A_257 : i32
      scf.if %cond3A_258 {
        %dma_wait3A_662 = arith.constant 1 : i32
        %dma_wait3A_663 = arith.constant 0 : i32
        %dma_wait3A_664 = tpu.memref_slice %arg10[%dma_wait3A_662, %dma_wait3A_663] : memref<2x32xi32, #tpu.memory_space<vmem>> -> memref<1x32xi32, #tpu.memory_space<vmem>>
        %dma_wait3A_665 = tpu.memref_squeeze %dma_wait3A_664 : memref<1x32xi32, #tpu.memory_space<vmem>> -> memref<32xi32, #tpu.memory_space<vmem>>
        %dma_wait3A_666 = arith.constant 0 : i32
        %dma_wait3A_667 = arith.constant 0 : i32
        %dma_wait3A_668 = tpu.memref_slice %arg23[%dma_wait3A_666, %dma_wait3A_667] : memref<10240x128xf32, #tpu.memory_space<vmem_shared>> -> memref<10240x128xf32, #tpu.memory_space<vmem_shared>>
        tpu.wait_indirect_dma semaphore(%arg35 : memref<!tpu.dma_semaphore, #tpu.memory_space<semaphore_mem>>) src(%arg18 : memref<32x128xf32, #tpu.memory_space<vmem>>) dst(%dma_wait3A_668 : memref<10240x128xf32, #tpu.memory_space<vmem_shared>>)
      } else {
      }
      %get3A_259 = arith.index_cast %add3A_253 : i32 to index
      %get3A_260 = arith.constant 96 : index
      %get3A_261 = tpu.vector_load %arg6[%get3A_259, %get3A_260] {strides = array<i32>} : memref<80x128xi32, #tpu.memory_space<vmem>>, vector<1x16xi32>,
      %get3A_262 = vector.shape_cast %get3A_261 : vector<1x16xi32> to vector<16xi32>
      %and3A_263 = arith.constant 65535 : i32
      %and3A_264 = vector.broadcast %and3A_263 : i32 to vector<16xi32>
      %and3A_265 = arith.andi %get3A_262, %and3A_264 : vector<16xi32>
      %swap3A_266 = arith.constant 0 : i32
      %swap3A_267 = arith.index_cast %swap3A_266 : i32 to index
      %swap3A_268 = arith.constant 0 : index
      %swap3A_269 = tpu.vector_load %arg10[%swap3A_267, %swap3A_268] {strides = array<i32>} : memref<2x32xi32, #tpu.memory_space<vmem>>, vector<1x16xi32>,
      %swap3A_270 = vector.shape_cast %swap3A_269 : vector<1x16xi32> to vector<16xi32>
      %swap3A_271 = vector.shape_cast %and3A_265 : vector<16xi32> to vector<1x16xi32>
      tpu.vector_store %arg10[%swap3A_267, %swap3A_268], %swap3A_271 {strides = array<i32>} : memref<2x32xi32, #tpu.memory_space<vmem>>, vector<1x16xi32>,
      %shift_right_arithmetic3A_272 = arith.constant 16 : i32
      %shift_right_arithmetic3A_273 = vector.broadcast %shift_right_arithmetic3A_272 : i32 to vector<16xi32>
      %shift_right_arithmetic3A_274 = arith.shrsi %get3A_262, %shift_right_arithmetic3A_273 : vector<16xi32>
      %swap3A_275 = arith.constant 1 : i32
      %swap3A_276 = arith.index_cast %swap3A_275 : i32 to index
      %swap3A_277 = arith.constant 0 : index
      %swap3A_278 = tpu.vector_load %arg10[%swap3A_276, %swap3A_277] {strides = array<i32>} : memref<2x32xi32, #tpu.memory_space<vmem>>, vector<1x16xi32>,
      %swap3A_279 = vector.shape_cast %swap3A_278 : vector<1x16xi32> to vector<16xi32>
      %swap3A_280 = vector.shape_cast %shift_right_arithmetic3A_274 : vector<16xi32> to vector<1x16xi32>
      tpu.vector_store %arg10[%swap3A_276, %swap3A_277], %swap3A_280 {strides = array<i32>} : memref<2x32xi32, #tpu.memory_space<vmem>>, vector<1x16xi32>,
      %get3A_281 = arith.index_cast %add3A_253 : i32 to index
      %get3A_282 = arith.constant 112 : index
      %get3A_283 = tpu.vector_load %arg6[%get3A_281, %get3A_282] {strides = array<i32>} : memref<80x128xi32, #tpu.memory_space<vmem>>, vector<1x16xi32>,
      %get3A_284 = vector.shape_cast %get3A_283 : vector<1x16xi32> to vector<16xi32>
      %and3A_285 = arith.constant 65535 : i32
      %and3A_286 = vector.broadcast %and3A_285 : i32 to vector<16xi32>
      %and3A_287 = arith.andi %get3A_284, %and3A_286 : vector<16xi32>
      %swap3A_288 = arith.constant 0 : i32
      %swap3A_289 = arith.index_cast %swap3A_288 : i32 to index
      %swap3A_290 = arith.constant 16 : index
      %swap3A_291 = tpu.vector_load %arg10[%swap3A_289, %swap3A_290] {strides = array<i32>} : memref<2x32xi32, #tpu.memory_space<vmem>>, vector<1x16xi32>,
      %swap3A_292 = vector.shape_cast %swap3A_291 : vector<1x16xi32> to vector<16xi32>
      %swap3A_293 = vector.shape_cast %and3A_287 : vector<16xi32> to vector<1x16xi32>
      tpu.vector_store %arg10[%swap3A_289, %swap3A_290], %swap3A_293 {strides = array<i32>} : memref<2x32xi32, #tpu.memory_space<vmem>>, vector<1x16xi32>,
      %shift_right_arithmetic3A_294 = arith.constant 16 : i32
      %shift_right_arithmetic3A_295 = vector.broadcast %shift_right_arithmetic3A_294 : i32 to vector<16xi32>
      %shift_right_arithmetic3A_296 = arith.shrsi %get3A_284, %shift_right_arithmetic3A_295 : vector<16xi32>
      %swap3A_297 = arith.constant 1 : i32
      %swap3A_298 = arith.index_cast %swap3A_297 : i32 to index
      %swap3A_299 = arith.constant 16 : index
      %swap3A_300 = tpu.vector_load %arg10[%swap3A_298, %swap3A_299] {strides = array<i32>} : memref<2x32xi32, #tpu.memory_space<vmem>>, vector<1x16xi32>,
      %swap3A_301 = vector.shape_cast %swap3A_300 : vector<1x16xi32> to vector<16xi32>
      %swap3A_302 = vector.shape_cast %shift_right_arithmetic3A_296 : vector<16xi32> to vector<1x16xi32>
      tpu.vector_store %arg10[%swap3A_298, %swap3A_299], %swap3A_302 {strides = array<i32>} : memref<2x32xi32, #tpu.memory_space<vmem>>, vector<1x16xi32>,
      %dma_start3A_303 = arith.constant 0 : i32
      %dma_start3A_304 = arith.constant 0 : i32
      %dma_start3A_305 = tpu.memref_slice %arg10[%dma_start3A_303, %dma_start3A_304] : memref<2x32xi32, #tpu.memory_space<vmem>> -> memref<1x32xi32, #tpu.memory_space<vmem>>
      %dma_start3A_306 = tpu.memref_squeeze %dma_start3A_305 : memref<1x32xi32, #tpu.memory_space<vmem>> -> memref<32xi32, #tpu.memory_space<vmem>>
      %dma_start3A_307 = arith.constant 0 : i32
      %dma_start3A_308 = arith.constant 0 : i32
      %dma_start3A_309 = tpu.memref_slice %arg2[%dma_start3A_307, %dma_start3A_308] : memref<10240x128xf32, #tpu.memory_space<hbm>> -> memref<10240x128xf32, #tpu.memory_space<hbm>>
      tpu.enqueue_indirect_dma source(%dma_start3A_309 : memref<10240x128xf32, #tpu.memory_space<hbm>>) target(%arg18 : memref<32x128xf32, #tpu.memory_space<vmem>>) offsets(%dma_start3A_306 : memref<32xi32, #tpu.memory_space<vmem>>) semaphore(%arg27 : memref<!tpu.dma_semaphore, #tpu.memory_space<semaphore_mem>>)
      %mul3A_310 = arith.constant 2 : i32
      %mul3A_311 = arith.muli %mul3A_310, %scan3A_75 : i32
      %add3A_312 = arith.constant 1 : i32
      %add3A_313 = arith.addi %mul3A_311, %add3A_312 : i32
      %gt3A_314 = arith.constant 0 : i32
      %gt3A_315 = arith.cmpi sgt, %scan3A_75, %gt3A_314 : i32
      %convert_element_type3A_316 = arith.extui %gt3A_315 : i1 to i32
      %cond3A_317 = arith.constant 0 : i32
      %cond3A_318 = arith.cmpi ne, %convert_element_type3A_316, %cond3A_317 : i32
      scf.if %cond3A_318 {
        %dma_wait3A_662 = arith.constant 1 : i32
        %dma_wait3A_663 = arith.constant 0 : i32
        %dma_wait3A_664 = tpu.memref_slice %arg11[%dma_wait3A_662, %dma_wait3A_663] : memref<2x32xi32, #tpu.memory_space<vmem>> -> memref<1x32xi32, #tpu.memory_space<vmem>>
        %dma_wait3A_665 = tpu.memref_squeeze %dma_wait3A_664 : memref<1x32xi32, #tpu.memory_space<vmem>> -> memref<32xi32, #tpu.memory_space<vmem>>
        %dma_wait3A_666 = arith.constant 0 : i32
        %dma_wait3A_667 = arith.constant 0 : i32
        %dma_wait3A_668 = tpu.memref_slice %arg23[%dma_wait3A_666, %dma_wait3A_667] : memref<10240x128xf32, #tpu.memory_space<vmem_shared>> -> memref<10240x128xf32, #tpu.memory_space<vmem_shared>>
        tpu.wait_indirect_dma semaphore(%arg36 : memref<!tpu.dma_semaphore, #tpu.memory_space<semaphore_mem>>) src(%arg19 : memref<32x128xf32, #tpu.memory_space<vmem>>) dst(%dma_wait3A_668 : memref<10240x128xf32, #tpu.memory_space<vmem_shared>>)
      } else {
      }
      %get3A_319 = arith.index_cast %add3A_313 : i32 to index
      %get3A_320 = arith.constant 0 : index
      %get3A_321 = tpu.vector_load %arg6[%get3A_319, %get3A_320] {strides = array<i32>} : memref<80x128xi32, #tpu.memory_space<vmem>>, vector<1x16xi32>,
      %get3A_322 = vector.shape_cast %get3A_321 : vector<1x16xi32> to vector<16xi32>
      %and3A_323 = arith.constant 65535 : i32
      %and3A_324 = vector.broadcast %and3A_323 : i32 to vector<16xi32>
      %and3A_325 = arith.andi %get3A_322, %and3A_324 : vector<16xi32>
      %swap3A_326 = arith.constant 0 : i32
      %swap3A_327 = arith.index_cast %swap3A_326 : i32 to index
      %swap3A_328 = arith.constant 0 : index
      %swap3A_329 = tpu.vector_load %arg11[%swap3A_327, %swap3A_328] {strides = array<i32>} : memref<2x32xi32, #tpu.memory_space<vmem>>, vector<1x16xi32>,
      %swap3A_330 = vector.shape_cast %swap3A_329 : vector<1x16xi32> to vector<16xi32>
      %swap3A_331 = vector.shape_cast %and3A_325 : vector<16xi32> to vector<1x16xi32>
      tpu.vector_store %arg11[%swap3A_327, %swap3A_328], %swap3A_331 {strides = array<i32>} : memref<2x32xi32, #tpu.memory_space<vmem>>, vector<1x16xi32>,
      %shift_right_arithmetic3A_332 = arith.constant 16 : i32
      %shift_right_arithmetic3A_333 = vector.broadcast %shift_right_arithmetic3A_332 : i32 to vector<16xi32>
      %shift_right_arithmetic3A_334 = arith.shrsi %get3A_322, %shift_right_arithmetic3A_333 : vector<16xi32>
      %swap3A_335 = arith.constant 1 : i32
      %swap3A_336 = arith.index_cast %swap3A_335 : i32 to index
      %swap3A_337 = arith.constant 0 : index
      %swap3A_338 = tpu.vector_load %arg11[%swap3A_336, %swap3A_337] {strides = array<i32>} : memref<2x32xi32, #tpu.memory_space<vmem>>, vector<1x16xi32>,
      %swap3A_339 = vector.shape_cast %swap3A_338 : vector<1x16xi32> to vector<16xi32>
      %swap3A_340 = vector.shape_cast %shift_right_arithmetic3A_334 : vector<16xi32> to vector<1x16xi32>
      tpu.vector_store %arg11[%swap3A_336, %swap3A_337], %swap3A_340 {strides = array<i32>} : memref<2x32xi32, #tpu.memory_space<vmem>>, vector<1x16xi32>,
      %get3A_341 = arith.index_cast %add3A_313 : i32 to index
      %get3A_342 = arith.constant 16 : index
      %get3A_343 = tpu.vector_load %arg6[%get3A_341, %get3A_342] {strides = array<i32>} : memref<80x128xi32, #tpu.memory_space<vmem>>, vector<1x16xi32>,
      %get3A_344 = vector.shape_cast %get3A_343 : vector<1x16xi32> to vector<16xi32>
      %and3A_345 = arith.constant 65535 : i32
      %and3A_346 = vector.broadcast %and3A_345 : i32 to vector<16xi32>
      %and3A_347 = arith.andi %get3A_344, %and3A_346 : vector<16xi32>
      %swap3A_348 = arith.constant 0 : i32
      %swap3A_349 = arith.index_cast %swap3A_348 : i32 to index
      %swap3A_350 = arith.constant 16 : index
      %swap3A_351 = tpu.vector_load %arg11[%swap3A_349, %swap3A_350] {strides = array<i32>} : memref<2x32xi32, #tpu.memory_space<vmem>>, vector<1x16xi32>,
      %swap3A_352 = vector.shape_cast %swap3A_351 : vector<1x16xi32> to vector<16xi32>
      %swap3A_353 = vector.shape_cast %and3A_347 : vector<16xi32> to vector<1x16xi32>
      tpu.vector_store %arg11[%swap3A_349, %swap3A_350], %swap3A_353 {strides = array<i32>} : memref<2x32xi32, #tpu.memory_space<vmem>>, vector<1x16xi32>,
      %shift_right_arithmetic3A_354 = arith.constant 16 : i32
      %shift_right_arithmetic3A_355 = vector.broadcast %shift_right_arithmetic3A_354 : i32 to vector<16xi32>
      %shift_right_arithmetic3A_356 = arith.shrsi %get3A_344, %shift_right_arithmetic3A_355 : vector<16xi32>
      %swap3A_357 = arith.constant 1 : i32
      %swap3A_358 = arith.index_cast %swap3A_357 : i32 to index
      %swap3A_359 = arith.constant 16 : index
      %swap3A_360 = tpu.vector_load %arg11[%swap3A_358, %swap3A_359] {strides = array<i32>} : memref<2x32xi32, #tpu.memory_space<vmem>>, vector<1x16xi32>,
      %swap3A_361 = vector.shape_cast %swap3A_360 : vector<1x16xi32> to vector<16xi32>
      %swap3A_362 = vector.shape_cast %shift_right_arithmetic3A_356 : vector<16xi32> to vector<1x16xi32>
      tpu.vector_store %arg11[%swap3A_358, %swap3A_359], %swap3A_362 {strides = array<i32>} : memref<2x32xi32, #tpu.memory_space<vmem>>, vector<1x16xi32>,
      %dma_start3A_363 = arith.constant 0 : i32
      %dma_start3A_364 = arith.constant 0 : i32
      %dma_start3A_365 = tpu.memref_slice %arg11[%dma_start3A_363, %dma_start3A_364] : memref<2x32xi32, #tpu.memory_space<vmem>> -> memref<1x32xi32, #tpu.memory_space<vmem>>
      %dma_start3A_366 = tpu.memref_squeeze %dma_start3A_365 : memref<1x32xi32, #tpu.memory_space<vmem>> -> memref<32xi32, #tpu.memory_space<vmem>>
      %dma_start3A_367 = arith.constant 0 : i32
      %dma_start3A_368 = arith.constant 0 : i32
      %dma_start3A_369 = tpu.memref_slice %arg2[%dma_start3A_367, %dma_start3A_368] : memref<10240x128xf32, #tpu.memory_space<hbm>> -> memref<10240x128xf32, #tpu.memory_space<hbm>>
      tpu.enqueue_indirect_dma source(%dma_start3A_369 : memref<10240x128xf32, #tpu.memory_space<hbm>>) target(%arg19 : memref<32x128xf32, #tpu.memory_space<vmem>>) offsets(%dma_start3A_366 : memref<32xi32, #tpu.memory_space<vmem>>) semaphore(%arg28 : memref<!tpu.dma_semaphore, #tpu.memory_space<semaphore_mem>>)
      %mul3A_370 = arith.constant 2 : i32
      %mul3A_371 = arith.muli %mul3A_370, %scan3A_75 : i32
      %add3A_372 = arith.constant 1 : i32
      %add3A_373 = arith.addi %mul3A_371, %add3A_372 : i32
      %gt3A_374 = arith.constant 0 : i32
      %gt3A_375 = arith.cmpi sgt, %scan3A_75, %gt3A_374 : i32
      %convert_element_type3A_376 = arith.extui %gt3A_375 : i1 to i32
      %cond3A_377 = arith.constant 0 : i32
      %cond3A_378 = arith.cmpi ne, %convert_element_type3A_376, %cond3A_377 : i32
      scf.if %cond3A_378 {
        %dma_wait3A_662 = arith.constant 1 : i32
        %dma_wait3A_663 = arith.constant 0 : i32
        %dma_wait3A_664 = tpu.memref_slice %arg12[%dma_wait3A_662, %dma_wait3A_663] : memref<2x32xi32, #tpu.memory_space<vmem>> -> memref<1x32xi32, #tpu.memory_space<vmem>>
        %dma_wait3A_665 = tpu.memref_squeeze %dma_wait3A_664 : memref<1x32xi32, #tpu.memory_space<vmem>> -> memref<32xi32, #tpu.memory_space<vmem>>
        %dma_wait3A_666 = arith.constant 0 : i32
        %dma_wait3A_667 = arith.constant 0 : i32
        %dma_wait3A_668 = tpu.memref_slice %arg23[%dma_wait3A_666, %dma_wait3A_667] : memref<10240x128xf32, #tpu.memory_space<vmem_shared>> -> memref<10240x128xf32, #tpu.memory_space<vmem_shared>>
        tpu.wait_indirect_dma semaphore(%arg37 : memref<!tpu.dma_semaphore, #tpu.memory_space<semaphore_mem>>) src(%arg20 : memref<32x128xf32, #tpu.memory_space<vmem>>) dst(%dma_wait3A_668 : memref<10240x128xf32, #tpu.memory_space<vmem_shared>>)
      } else {
      }
      %get3A_379 = arith.index_cast %add3A_373 : i32 to index
      %get3A_380 = arith.constant 32 : index
      %get3A_381 = tpu.vector_load %arg6[%get3A_379, %get3A_380] {strides = array<i32>} : memref<80x128xi32, #tpu.memory_space<vmem>>, vector<1x16xi32>,
      %get3A_382 = vector.shape_cast %get3A_381 : vector<1x16xi32> to vector<16xi32>
      %and3A_383 = arith.constant 65535 : i32
      %and3A_384 = vector.broadcast %and3A_383 : i32 to vector<16xi32>
      %and3A_385 = arith.andi %get3A_382, %and3A_384 : vector<16xi32>
      %swap3A_386 = arith.constant 0 : i32
      %swap3A_387 = arith.index_cast %swap3A_386 : i32 to index
      %swap3A_388 = arith.constant 0 : index
      %swap3A_389 = tpu.vector_load %arg12[%swap3A_387, %swap3A_388] {strides = array<i32>} : memref<2x32xi32, #tpu.memory_space<vmem>>, vector<1x16xi32>,
      %swap3A_390 = vector.shape_cast %swap3A_389 : vector<1x16xi32> to vector<16xi32>
      %swap3A_391 = vector.shape_cast %and3A_385 : vector<16xi32> to vector<1x16xi32>
      tpu.vector_store %arg12[%swap3A_387, %swap3A_388], %swap3A_391 {strides = array<i32>} : memref<2x32xi32, #tpu.memory_space<vmem>>, vector<1x16xi32>,
      %shift_right_arithmetic3A_392 = arith.constant 16 : i32
      %shift_right_arithmetic3A_393 = vector.broadcast %shift_right_arithmetic3A_392 : i32 to vector<16xi32>
      %shift_right_arithmetic3A_394 = arith.shrsi %get3A_382, %shift_right_arithmetic3A_393 : vector<16xi32>
      %swap3A_395 = arith.constant 1 : i32
      %swap3A_396 = arith.index_cast %swap3A_395 : i32 to index
      %swap3A_397 = arith.constant 0 : index
      %swap3A_398 = tpu.vector_load %arg12[%swap3A_396, %swap3A_397] {strides = array<i32>} : memref<2x32xi32, #tpu.memory_space<vmem>>, vector<1x16xi32>,
      %swap3A_399 = vector.shape_cast %swap3A_398 : vector<1x16xi32> to vector<16xi32>
      %swap3A_400 = vector.shape_cast %shift_right_arithmetic3A_394 : vector<16xi32> to vector<1x16xi32>
      tpu.vector_store %arg12[%swap3A_396, %swap3A_397], %swap3A_400 {strides = array<i32>} : memref<2x32xi32, #tpu.memory_space<vmem>>, vector<1x16xi32>,
      %get3A_401 = arith.index_cast %add3A_373 : i32 to index
      %get3A_402 = arith.constant 48 : index
      %get3A_403 = tpu.vector_load %arg6[%get3A_401, %get3A_402] {strides = array<i32>} : memref<80x128xi32, #tpu.memory_space<vmem>>, vector<1x16xi32>,
      %get3A_404 = vector.shape_cast %get3A_403 : vector<1x16xi32> to vector<16xi32>
      %and3A_405 = arith.constant 65535 : i32
      %and3A_406 = vector.broadcast %and3A_405 : i32 to vector<16xi32>
      %and3A_407 = arith.andi %get3A_404, %and3A_406 : vector<16xi32>
      %swap3A_408 = arith.constant 0 : i32
      %swap3A_409 = arith.index_cast %swap3A_408 : i32 to index
      %swap3A_410 = arith.constant 16 : index
      %swap3A_411 = tpu.vector_load %arg12[%swap3A_409, %swap3A_410] {strides = array<i32>} : memref<2x32xi32, #tpu.memory_space<vmem>>, vector<1x16xi32>,
      %swap3A_412 = vector.shape_cast %swap3A_411 : vector<1x16xi32> to vector<16xi32>
      %swap3A_413 = vector.shape_cast %and3A_407 : vector<16xi32> to vector<1x16xi32>
      tpu.vector_store %arg12[%swap3A_409, %swap3A_410], %swap3A_413 {strides = array<i32>} : memref<2x32xi32, #tpu.memory_space<vmem>>, vector<1x16xi32>,
      %shift_right_arithmetic3A_414 = arith.constant 16 : i32
      %shift_right_arithmetic3A_415 = vector.broadcast %shift_right_arithmetic3A_414 : i32 to vector<16xi32>
      %shift_right_arithmetic3A_416 = arith.shrsi %get3A_404, %shift_right_arithmetic3A_415 : vector<16xi32>
      %swap3A_417 = arith.constant 1 : i32
      %swap3A_418 = arith.index_cast %swap3A_417 : i32 to index
      %swap3A_419 = arith.constant 16 : index
      %swap3A_420 = tpu.vector_load %arg12[%swap3A_418, %swap3A_419] {strides = array<i32>} : memref<2x32xi32, #tpu.memory_space<vmem>>, vector<1x16xi32>,
      %swap3A_421 = vector.shape_cast %swap3A_420 : vector<1x16xi32> to vector<16xi32>
      %swap3A_422 = vector.shape_cast %shift_right_arithmetic3A_416 : vector<16xi32> to vector<1x16xi32>
      tpu.vector_store %arg12[%swap3A_418, %swap3A_419], %swap3A_422 {strides = array<i32>} : memref<2x32xi32, #tpu.memory_space<vmem>>, vector<1x16xi32>,
      %dma_start3A_423 = arith.constant 0 : i32
      %dma_start3A_424 = arith.constant 0 : i32
      %dma_start3A_425 = tpu.memref_slice %arg12[%dma_start3A_423, %dma_start3A_424] : memref<2x32xi32, #tpu.memory_space<vmem>> -> memref<1x32xi32, #tpu.memory_space<vmem>>
      %dma_start3A_426 = tpu.memref_squeeze %dma_start3A_425 : memref<1x32xi32, #tpu.memory_space<vmem>> -> memref<32xi32, #tpu.memory_space<vmem>>
      %dma_start3A_427 = arith.constant 0 : i32
      %dma_start3A_428 = arith.constant 0 : i32
      %dma_start3A_429 = tpu.memref_slice %arg2[%dma_start3A_427, %dma_start3A_428] : memref<10240x128xf32, #tpu.memory_space<hbm>> -> memref<10240x128xf32, #tpu.memory_space<hbm>>
      tpu.enqueue_indirect_dma source(%dma_start3A_429 : memref<10240x128xf32, #tpu.memory_space<hbm>>) target(%arg20 : memref<32x128xf32, #tpu.memory_space<vmem>>) offsets(%dma_start3A_426 : memref<32xi32, #tpu.memory_space<vmem>>) semaphore(%arg29 : memref<!tpu.dma_semaphore, #tpu.memory_space<semaphore_mem>>)
      %mul3A_430 = arith.constant 2 : i32
      %mul3A_431 = arith.muli %mul3A_430, %scan3A_75 : i32
      %add3A_432 = arith.constant 1 : i32
      %add3A_433 = arith.addi %mul3A_431, %add3A_432 : i32
      %gt3A_434 = arith.constant 0 : i32
      %gt3A_435 = arith.cmpi sgt, %scan3A_75, %gt3A_434 : i32
      %convert_element_type3A_436 = arith.extui %gt3A_435 : i1 to i32
      %cond3A_437 = arith.constant 0 : i32
      %cond3A_438 = arith.cmpi ne, %convert_element_type3A_436, %cond3A_437 : i32
      scf.if %cond3A_438 {
        %dma_wait3A_662 = arith.constant 1 : i32
        %dma_wait3A_663 = arith.constant 0 : i32
        %dma_wait3A_664 = tpu.memref_slice %arg13[%dma_wait3A_662, %dma_wait3A_663] : memref<2x32xi32, #tpu.memory_space<vmem>> -> memref<1x32xi32, #tpu.memory_space<vmem>>
        %dma_wait3A_665 = tpu.memref_squeeze %dma_wait3A_664 : memref<1x32xi32, #tpu.memory_space<vmem>> -> memref<32xi32, #tpu.memory_space<vmem>>
        %dma_wait3A_666 = arith.constant 0 : i32
        %dma_wait3A_667 = arith.constant 0 : i32
        %dma_wait3A_668 = tpu.memref_slice %arg23[%dma_wait3A_666, %dma_wait3A_667] : memref<10240x128xf32, #tpu.memory_space<vmem_shared>> -> memref<10240x128xf32, #tpu.memory_space<vmem_shared>>
        tpu.wait_indirect_dma semaphore(%arg38 : memref<!tpu.dma_semaphore, #tpu.memory_space<semaphore_mem>>) src(%arg21 : memref<32x128xf32, #tpu.memory_space<vmem>>) dst(%dma_wait3A_668 : memref<10240x128xf32, #tpu.memory_space<vmem_shared>>)
      } else {
      }
      %get3A_439 = arith.index_cast %add3A_433 : i32 to index
      %get3A_440 = arith.constant 64 : index
      %get3A_441 = tpu.vector_load %arg6[%get3A_439, %get3A_440] {strides = array<i32>} : memref<80x128xi32, #tpu.memory_space<vmem>>, vector<1x16xi32>,
      %get3A_442 = vector.shape_cast %get3A_441 : vector<1x16xi32> to vector<16xi32>
      %and3A_443 = arith.constant 65535 : i32
      %and3A_444 = vector.broadcast %and3A_443 : i32 to vector<16xi32>
      %and3A_445 = arith.andi %get3A_442, %and3A_444 : vector<16xi32>
      %swap3A_446 = arith.constant 0 : i32
      %swap3A_447 = arith.index_cast %swap3A_446 : i32 to index
      %swap3A_448 = arith.constant 0 : index
      %swap3A_449 = tpu.vector_load %arg13[%swap3A_447, %swap3A_448] {strides = array<i32>} : memref<2x32xi32, #tpu.memory_space<vmem>>, vector<1x16xi32>,
      %swap3A_450 = vector.shape_cast %swap3A_449 : vector<1x16xi32> to vector<16xi32>
      %swap3A_451 = vector.shape_cast %and3A_445 : vector<16xi32> to vector<1x16xi32>
      tpu.vector_store %arg13[%swap3A_447, %swap3A_448], %swap3A_451 {strides = array<i32>} : memref<2x32xi32, #tpu.memory_space<vmem>>, vector<1x16xi32>,
      %shift_right_arithmetic3A_452 = arith.constant 16 : i32
      %shift_right_arithmetic3A_453 = vector.broadcast %shift_right_arithmetic3A_452 : i32 to vector<16xi32>
      %shift_right_arithmetic3A_454 = arith.shrsi %get3A_442, %shift_right_arithmetic3A_453 : vector<16xi32>
      %swap3A_455 = arith.constant 1 : i32
      %swap3A_456 = arith.index_cast %swap3A_455 : i32 to index
      %swap3A_457 = arith.constant 0 : index
      %swap3A_458 = tpu.vector_load %arg13[%swap3A_456, %swap3A_457] {strides = array<i32>} : memref<2x32xi32, #tpu.memory_space<vmem>>, vector<1x16xi32>,
      %swap3A_459 = vector.shape_cast %swap3A_458 : vector<1x16xi32> to vector<16xi32>
      %swap3A_460 = vector.shape_cast %shift_right_arithmetic3A_454 : vector<16xi32> to vector<1x16xi32>
      tpu.vector_store %arg13[%swap3A_456, %swap3A_457], %swap3A_460 {strides = array<i32>} : memref<2x32xi32, #tpu.memory_space<vmem>>, vector<1x16xi32>,
      %get3A_461 = arith.index_cast %add3A_433 : i32 to index
      %get3A_462 = arith.constant 80 : index
      %get3A_463 = tpu.vector_load %arg6[%get3A_461, %get3A_462] {strides = array<i32>} : memref<80x128xi32, #tpu.memory_space<vmem>>, vector<1x16xi32>,
      %get3A_464 = vector.shape_cast %get3A_463 : vector<1x16xi32> to vector<16xi32>
      %and3A_465 = arith.constant 65535 : i32
      %and3A_466 = vector.broadcast %and3A_465 : i32 to vector<16xi32>
      %and3A_467 = arith.andi %get3A_464, %and3A_466 : vector<16xi32>
      %swap3A_468 = arith.constant 0 : i32
      %swap3A_469 = arith.index_cast %swap3A_468 : i32 to index
      %swap3A_470 = arith.constant 16 : index
      %swap3A_471 = tpu.vector_load %arg13[%swap3A_469, %swap3A_470] {strides = array<i32>} : memref<2x32xi32, #tpu.memory_space<vmem>>, vector<1x16xi32>,
      %swap3A_472 = vector.shape_cast %swap3A_471 : vector<1x16xi32> to vector<16xi32>
      %swap3A_473 = vector.shape_cast %and3A_467 : vector<16xi32> to vector<1x16xi32>
      tpu.vector_store %arg13[%swap3A_469, %swap3A_470], %swap3A_473 {strides = array<i32>} : memref<2x32xi32, #tpu.memory_space<vmem>>, vector<1x16xi32>,
      %shift_right_arithmetic3A_474 = arith.constant 16 : i32
      %shift_right_arithmetic3A_475 = vector.broadcast %shift_right_arithmetic3A_474 : i32 to vector<16xi32>
      %shift_right_arithmetic3A_476 = arith.shrsi %get3A_464, %shift_right_arithmetic3A_475 : vector<16xi32>
      %swap3A_477 = arith.constant 1 : i32
      %swap3A_478 = arith.index_cast %swap3A_477 : i32 to index
      %swap3A_479 = arith.constant 16 : index
      %swap3A_480 = tpu.vector_load %arg13[%swap3A_478, %swap3A_479] {strides = array<i32>} : memref<2x32xi32, #tpu.memory_space<vmem>>, vector<1x16xi32>,
      %swap3A_481 = vector.shape_cast %swap3A_480 : vector<1x16xi32> to vector<16xi32>
      %swap3A_482 = vector.shape_cast %shift_right_arithmetic3A_476 : vector<16xi32> to vector<1x16xi32>
      tpu.vector_store %arg13[%swap3A_478, %swap3A_479], %swap3A_482 {strides = array<i32>} : memref<2x32xi32, #tpu.memory_space<vmem>>, vector<1x16xi32>,
      %dma_start3A_483 = arith.constant 0 : i32
      %dma_start3A_484 = arith.constant 0 : i32
      %dma_start3A_485 = tpu.memref_slice %arg13[%dma_start3A_483, %dma_start3A_484] : memref<2x32xi32, #tpu.memory_space<vmem>> -> memref<1x32xi32, #tpu.memory_space<vmem>>
      %dma_start3A_486 = tpu.memref_squeeze %dma_start3A_485 : memref<1x32xi32, #tpu.memory_space<vmem>> -> memref<32xi32, #tpu.memory_space<vmem>>
      %dma_start3A_487 = arith.constant 0 : i32
      %dma_start3A_488 = arith.constant 0 : i32
      %dma_start3A_489 = tpu.memref_slice %arg2[%dma_start3A_487, %dma_start3A_488] : memref<10240x128xf32, #tpu.memory_space<hbm>> -> memref<10240x128xf32, #tpu.memory_space<hbm>>
      tpu.enqueue_indirect_dma source(%dma_start3A_489 : memref<10240x128xf32, #tpu.memory_space<hbm>>) target(%arg21 : memref<32x128xf32, #tpu.memory_space<vmem>>) offsets(%dma_start3A_486 : memref<32xi32, #tpu.memory_space<vmem>>) semaphore(%arg30 : memref<!tpu.dma_semaphore, #tpu.memory_space<semaphore_mem>>)
      %mul3A_490 = arith.constant 2 : i32
      %mul3A_491 = arith.muli %mul3A_490, %scan3A_75 : i32
      %add3A_492 = arith.constant 1 : i32
      %add3A_493 = arith.addi %mul3A_491, %add3A_492 : i32
      %gt3A_494 = arith.constant 0 : i32
      %gt3A_495 = arith.cmpi sgt, %scan3A_75, %gt3A_494 : i32
      %convert_element_type3A_496 = arith.extui %gt3A_495 : i1 to i32
      %cond3A_497 = arith.constant 0 : i32
      %cond3A_498 = arith.cmpi ne, %convert_element_type3A_496, %cond3A_497 : i32
      scf.if %cond3A_498 {
        %dma_wait3A_662 = arith.constant 1 : i32
        %dma_wait3A_663 = arith.constant 0 : i32
        %dma_wait3A_664 = tpu.memref_slice %arg14[%dma_wait3A_662, %dma_wait3A_663] : memref<2x32xi32, #tpu.memory_space<vmem>> -> memref<1x32xi32, #tpu.memory_space<vmem>>
        %dma_wait3A_665 = tpu.memref_squeeze %dma_wait3A_664 : memref<1x32xi32, #tpu.memory_space<vmem>> -> memref<32xi32, #tpu.memory_space<vmem>>
        %dma_wait3A_666 = arith.constant 0 : i32
        %dma_wait3A_667 = arith.constant 0 : i32
        %dma_wait3A_668 = tpu.memref_slice %arg23[%dma_wait3A_666, %dma_wait3A_667] : memref<10240x128xf32, #tpu.memory_space<vmem_shared>> -> memref<10240x128xf32, #tpu.memory_space<vmem_shared>>
        tpu.wait_indirect_dma semaphore(%arg39 : memref<!tpu.dma_semaphore, #tpu.memory_space<semaphore_mem>>) src(%arg22 : memref<32x128xf32, #tpu.memory_space<vmem>>) dst(%dma_wait3A_668 : memref<10240x128xf32, #tpu.memory_space<vmem_shared>>)
      } else {
      }
      %get3A_499 = arith.index_cast %add3A_493 : i32 to index
      %get3A_500 = arith.constant 96 : index
      %get3A_501 = tpu.vector_load %arg6[%get3A_499, %get3A_500] {strides = array<i32>} : memref<80x128xi32, #tpu.memory_space<vmem>>, vector<1x16xi32>,
      %get3A_502 = vector.shape_cast %get3A_501 : vector<1x16xi32> to vector<16xi32>
      %and3A_503 = arith.constant 65535 : i32
      %and3A_504 = vector.broadcast %and3A_503 : i32 to vector<16xi32>
      %and3A_505 = arith.andi %get3A_502, %and3A_504 : vector<16xi32>
      %swap3A_506 = arith.constant 0 : i32
      %swap3A_507 = arith.index_cast %swap3A_506 : i32 to index
      %swap3A_508 = arith.constant 0 : index
      %swap3A_509 = tpu.vector_load %arg14[%swap3A_507, %swap3A_508] {strides = array<i32>} : memref<2x32xi32, #tpu.memory_space<vmem>>, vector<1x16xi32>,
      %swap3A_510 = vector.shape_cast %swap3A_509 : vector<1x16xi32> to vector<16xi32>
      %swap3A_511 = vector.shape_cast %and3A_505 : vector<16xi32> to vector<1x16xi32>
      tpu.vector_store %arg14[%swap3A_507, %swap3A_508], %swap3A_511 {strides = array<i32>} : memref<2x32xi32, #tpu.memory_space<vmem>>, vector<1x16xi32>,
      %shift_right_arithmetic3A_512 = arith.constant 16 : i32
      %shift_right_arithmetic3A_513 = vector.broadcast %shift_right_arithmetic3A_512 : i32 to vector<16xi32>
      %shift_right_arithmetic3A_514 = arith.shrsi %get3A_502, %shift_right_arithmetic3A_513 : vector<16xi32>
      %swap3A_515 = arith.constant 1 : i32
      %swap3A_516 = arith.index_cast %swap3A_515 : i32 to index
      %swap3A_517 = arith.constant 0 : index
      %swap3A_518 = tpu.vector_load %arg14[%swap3A_516, %swap3A_517] {strides = array<i32>} : memref<2x32xi32, #tpu.memory_space<vmem>>, vector<1x16xi32>,
      %swap3A_519 = vector.shape_cast %swap3A_518 : vector<1x16xi32> to vector<16xi32>
      %swap3A_520 = vector.shape_cast %shift_right_arithmetic3A_514 : vector<16xi32> to vector<1x16xi32>
      tpu.vector_store %arg14[%swap3A_516, %swap3A_517], %swap3A_520 {strides = array<i32>} : memref<2x32xi32, #tpu.memory_space<vmem>>, vector<1x16xi32>,
      %get3A_521 = arith.index_cast %add3A_493 : i32 to index
      %get3A_522 = arith.constant 112 : index
      %get3A_523 = tpu.vector_load %arg6[%get3A_521, %get3A_522] {strides = array<i32>} : memref<80x128xi32, #tpu.memory_space<vmem>>, vector<1x16xi32>,
      %get3A_524 = vector.shape_cast %get3A_523 : vector<1x16xi32> to vector<16xi32>
      %and3A_525 = arith.constant 65535 : i32
      %and3A_526 = vector.broadcast %and3A_525 : i32 to vector<16xi32>
      %and3A_527 = arith.andi %get3A_524, %and3A_526 : vector<16xi32>
      %swap3A_528 = arith.constant 0 : i32
      %swap3A_529 = arith.index_cast %swap3A_528 : i32 to index
      %swap3A_530 = arith.constant 16 : index
      %swap3A_531 = tpu.vector_load %arg14[%swap3A_529, %swap3A_530] {strides = array<i32>} : memref<2x32xi32, #tpu.memory_space<vmem>>, vector<1x16xi32>,
      %swap3A_532 = vector.shape_cast %swap3A_531 : vector<1x16xi32> to vector<16xi32>
      %swap3A_533 = vector.shape_cast %and3A_527 : vector<16xi32> to vector<1x16xi32>
      tpu.vector_store %arg14[%swap3A_529, %swap3A_530], %swap3A_533 {strides = array<i32>} : memref<2x32xi32, #tpu.memory_space<vmem>>, vector<1x16xi32>,
      %shift_right_arithmetic3A_534 = arith.constant 16 : i32
      %shift_right_arithmetic3A_535 = vector.broadcast %shift_right_arithmetic3A_534 : i32 to vector<16xi32>
      %shift_right_arithmetic3A_536 = arith.shrsi %get3A_524, %shift_right_arithmetic3A_535 : vector<16xi32>
      %swap3A_537 = arith.constant 1 : i32
      %swap3A_538 = arith.index_cast %swap3A_537 : i32 to index
      %swap3A_539 = arith.constant 16 : index
      %swap3A_540 = tpu.vector_load %arg14[%swap3A_538, %swap3A_539] {strides = array<i32>} : memref<2x32xi32, #tpu.memory_space<vmem>>, vector<1x16xi32>,
      %swap3A_541 = vector.shape_cast %swap3A_540 : vector<1x16xi32> to vector<16xi32>
      %swap3A_542 = vector.shape_cast %shift_right_arithmetic3A_536 : vector<16xi32> to vector<1x16xi32>
      tpu.vector_store %arg14[%swap3A_538, %swap3A_539], %swap3A_542 {strides = array<i32>} : memref<2x32xi32, #tpu.memory_space<vmem>>, vector<1x16xi32>,
      %dma_start3A_543 = arith.constant 0 : i32
      %dma_start3A_544 = arith.constant 0 : i32
      %dma_start3A_545 = tpu.memref_slice %arg14[%dma_start3A_543, %dma_start3A_544] : memref<2x32xi32, #tpu.memory_space<vmem>> -> memref<1x32xi32, #tpu.memory_space<vmem>>
      %dma_start3A_546 = tpu.memref_squeeze %dma_start3A_545 : memref<1x32xi32, #tpu.memory_space<vmem>> -> memref<32xi32, #tpu.memory_space<vmem>>
      %dma_start3A_547 = arith.constant 0 : i32
      %dma_start3A_548 = arith.constant 0 : i32
      %dma_start3A_549 = tpu.memref_slice %arg2[%dma_start3A_547, %dma_start3A_548] : memref<10240x128xf32, #tpu.memory_space<hbm>> -> memref<10240x128xf32, #tpu.memory_space<hbm>>
      tpu.enqueue_indirect_dma source(%dma_start3A_549 : memref<10240x128xf32, #tpu.memory_space<hbm>>) target(%arg22 : memref<32x128xf32, #tpu.memory_space<vmem>>) offsets(%dma_start3A_546 : memref<32xi32, #tpu.memory_space<vmem>>) semaphore(%arg31 : memref<!tpu.dma_semaphore, #tpu.memory_space<semaphore_mem>>)
      %dma_wait3A_550 = arith.constant 0 : i32
      %dma_wait3A_551 = arith.constant 0 : i32
      %dma_wait3A_552 = tpu.memref_slice %arg7[%dma_wait3A_550, %dma_wait3A_551] : memref<2x32xi32, #tpu.memory_space<vmem>> -> memref<1x32xi32, #tpu.memory_space<vmem>>
      %dma_wait3A_553 = tpu.memref_squeeze %dma_wait3A_552 : memref<1x32xi32, #tpu.memory_space<vmem>> -> memref<32xi32, #tpu.memory_space<vmem>>
      %dma_wait3A_554 = arith.constant 0 : i32
      %dma_wait3A_555 = arith.constant 0 : i32
      %dma_wait3A_556 = tpu.memref_slice %arg2[%dma_wait3A_554, %dma_wait3A_555] : memref<10240x128xf32, #tpu.memory_space<hbm>> -> memref<10240x128xf32, #tpu.memory_space<hbm>>
      tpu.wait_indirect_dma semaphore(%arg24 : memref<!tpu.dma_semaphore, #tpu.memory_space<semaphore_mem>>) src(%dma_wait3A_556 : memref<10240x128xf32, #tpu.memory_space<hbm>>) dst(%arg15 : memref<32x128xf32, #tpu.memory_space<vmem>>)
      %dma_start3A_557 = arith.constant 1 : i32
      %dma_start3A_558 = arith.constant 0 : i32
      %dma_start3A_559 = tpu.memref_slice %arg7[%dma_start3A_557, %dma_start3A_558] : memref<2x32xi32, #tpu.memory_space<vmem>> -> memref<1x32xi32, #tpu.memory_space<vmem>>
      %dma_start3A_560 = tpu.memref_squeeze %dma_start3A_559 : memref<1x32xi32, #tpu.memory_space<vmem>> -> memref<32xi32, #tpu.memory_space<vmem>>
      %dma_start3A_561 = arith.constant 0 : i32
      %dma_start3A_562 = arith.constant 0 : i32
      %dma_start3A_563 = tpu.memref_slice %arg23[%dma_start3A_561, %dma_start3A_562] : memref<10240x128xf32, #tpu.memory_space<vmem_shared>> -> memref<10240x128xf32, #tpu.memory_space<vmem_shared>>
      tpu.enqueue_indirect_dma source(%arg15 : memref<32x128xf32, #tpu.memory_space<vmem>>) target(%dma_start3A_563 : memref<10240x128xf32, #tpu.memory_space<vmem_shared>>) offsets(%dma_start3A_560 : memref<32xi32, #tpu.memory_space<vmem>>) semaphore(%arg32 : memref<!tpu.dma_semaphore, #tpu.memory_space<semaphore_mem>>) {add = true}
      %dma_wait3A_564 = arith.constant 0 : i32
      %dma_wait3A_565 = arith.constant 0 : i32
      %dma_wait3A_566 = tpu.memref_slice %arg8[%dma_wait3A_564, %dma_wait3A_565] : memref<2x32xi32, #tpu.memory_space<vmem>> -> memref<1x32xi32, #tpu.memory_space<vmem>>
      %dma_wait3A_567 = tpu.memref_squeeze %dma_wait3A_566 : memref<1x32xi32, #tpu.memory_space<vmem>> -> memref<32xi32, #tpu.memory_space<vmem>>
      %dma_wait3A_568 = arith.constant 0 : i32
      %dma_wait3A_569 = arith.constant 0 : i32
      %dma_wait3A_570 = tpu.memref_slice %arg2[%dma_wait3A_568, %dma_wait3A_569] : memref<10240x128xf32, #tpu.memory_space<hbm>> -> memref<10240x128xf32, #tpu.memory_space<hbm>>
      tpu.wait_indirect_dma semaphore(%arg25 : memref<!tpu.dma_semaphore, #tpu.memory_space<semaphore_mem>>) src(%dma_wait3A_570 : memref<10240x128xf32, #tpu.memory_space<hbm>>) dst(%arg16 : memref<32x128xf32, #tpu.memory_space<vmem>>)
      %dma_start3A_571 = arith.constant 1 : i32
      %dma_start3A_572 = arith.constant 0 : i32
      %dma_start3A_573 = tpu.memref_slice %arg8[%dma_start3A_571, %dma_start3A_572] : memref<2x32xi32, #tpu.memory_space<vmem>> -> memref<1x32xi32, #tpu.memory_space<vmem>>
      %dma_start3A_574 = tpu.memref_squeeze %dma_start3A_573 : memref<1x32xi32, #tpu.memory_space<vmem>> -> memref<32xi32, #tpu.memory_space<vmem>>
      %dma_start3A_575 = arith.constant 0 : i32
      %dma_start3A_576 = arith.constant 0 : i32
      %dma_start3A_577 = tpu.memref_slice %arg23[%dma_start3A_575, %dma_start3A_576] : memref<10240x128xf32, #tpu.memory_space<vmem_shared>> -> memref<10240x128xf32, #tpu.memory_space<vmem_shared>>
      tpu.enqueue_indirect_dma source(%arg16 : memref<32x128xf32, #tpu.memory_space<vmem>>) target(%dma_start3A_577 : memref<10240x128xf32, #tpu.memory_space<vmem_shared>>) offsets(%dma_start3A_574 : memref<32xi32, #tpu.memory_space<vmem>>) semaphore(%arg33 : memref<!tpu.dma_semaphore, #tpu.memory_space<semaphore_mem>>) {add = true}
      %dma_wait3A_578 = arith.constant 0 : i32
      %dma_wait3A_579 = arith.constant 0 : i32
      %dma_wait3A_580 = tpu.memref_slice %arg9[%dma_wait3A_578, %dma_wait3A_579] : memref<2x32xi32, #tpu.memory_space<vmem>> -> memref<1x32xi32, #tpu.memory_space<vmem>>
      %dma_wait3A_581 = tpu.memref_squeeze %dma_wait3A_580 : memref<1x32xi32, #tpu.memory_space<vmem>> -> memref<32xi32, #tpu.memory_space<vmem>>
      %dma_wait3A_582 = arith.constant 0 : i32
      %dma_wait3A_583 = arith.constant 0 : i32
      %dma_wait3A_584 = tpu.memref_slice %arg2[%dma_wait3A_582, %dma_wait3A_583] : memref<10240x128xf32, #tpu.memory_space<hbm>> -> memref<10240x128xf32, #tpu.memory_space<hbm>>
      tpu.wait_indirect_dma semaphore(%arg26 : memref<!tpu.dma_semaphore, #tpu.memory_space<semaphore_mem>>) src(%dma_wait3A_584 : memref<10240x128xf32, #tpu.memory_space<hbm>>) dst(%arg17 : memref<32x128xf32, #tpu.memory_space<vmem>>)
      %dma_start3A_585 = arith.constant 1 : i32
      %dma_start3A_586 = arith.constant 0 : i32
      %dma_start3A_587 = tpu.memref_slice %arg9[%dma_start3A_585, %dma_start3A_586] : memref<2x32xi32, #tpu.memory_space<vmem>> -> memref<1x32xi32, #tpu.memory_space<vmem>>
      %dma_start3A_588 = tpu.memref_squeeze %dma_start3A_587 : memref<1x32xi32, #tpu.memory_space<vmem>> -> memref<32xi32, #tpu.memory_space<vmem>>
      %dma_start3A_589 = arith.constant 0 : i32
      %dma_start3A_590 = arith.constant 0 : i32
      %dma_start3A_591 = tpu.memref_slice %arg23[%dma_start3A_589, %dma_start3A_590] : memref<10240x128xf32, #tpu.memory_space<vmem_shared>> -> memref<10240x128xf32, #tpu.memory_space<vmem_shared>>
      tpu.enqueue_indirect_dma source(%arg17 : memref<32x128xf32, #tpu.memory_space<vmem>>) target(%dma_start3A_591 : memref<10240x128xf32, #tpu.memory_space<vmem_shared>>) offsets(%dma_start3A_588 : memref<32xi32, #tpu.memory_space<vmem>>) semaphore(%arg34 : memref<!tpu.dma_semaphore, #tpu.memory_space<semaphore_mem>>) {add = true}
      %dma_wait3A_592 = arith.constant 0 : i32
      %dma_wait3A_593 = arith.constant 0 : i32
      %dma_wait3A_594 = tpu.memref_slice %arg10[%dma_wait3A_592, %dma_wait3A_593] : memref<2x32xi32, #tpu.memory_space<vmem>> -> memref<1x32xi32, #tpu.memory_space<vmem>>
      %dma_wait3A_595 = tpu.memref_squeeze %dma_wait3A_594 : memref<1x32xi32, #tpu.memory_space<vmem>> -> memref<32xi32, #tpu.memory_space<vmem>>
      %dma_wait3A_596 = arith.constant 0 : i32
      %dma_wait3A_597 = arith.constant 0 : i32
      %dma_wait3A_598 = tpu.memref_slice %arg2[%dma_wait3A_596, %dma_wait3A_597] : memref<10240x128xf32, #tpu.memory_space<hbm>> -> memref<10240x128xf32, #tpu.memory_space<hbm>>
      tpu.wait_indirect_dma semaphore(%arg27 : memref<!tpu.dma_semaphore, #tpu.memory_space<semaphore_mem>>) src(%dma_wait3A_598 : memref<10240x128xf32, #tpu.memory_space<hbm>>) dst(%arg18 : memref<32x128xf32, #tpu.memory_space<vmem>>)
      %dma_start3A_599 = arith.constant 1 : i32
      %dma_start3A_600 = arith.constant 0 : i32
      %dma_start3A_601 = tpu.memref_slice %arg10[%dma_start3A_599, %dma_start3A_600] : memref<2x32xi32, #tpu.memory_space<vmem>> -> memref<1x32xi32, #tpu.memory_space<vmem>>
      %dma_start3A_602 = tpu.memref_squeeze %dma_start3A_601 : memref<1x32xi32, #tpu.memory_space<vmem>> -> memref<32xi32, #tpu.memory_space<vmem>>
      %dma_start3A_603 = arith.constant 0 : i32
      %dma_start3A_604 = arith.constant 0 : i32
      %dma_start3A_605 = tpu.memref_slice %arg23[%dma_start3A_603, %dma_start3A_604] : memref<10240x128xf32, #tpu.memory_space<vmem_shared>> -> memref<10240x128xf32, #tpu.memory_space<vmem_shared>>
      tpu.enqueue_indirect_dma source(%arg18 : memref<32x128xf32, #tpu.memory_space<vmem>>) target(%dma_start3A_605 : memref<10240x128xf32, #tpu.memory_space<vmem_shared>>) offsets(%dma_start3A_602 : memref<32xi32, #tpu.memory_space<vmem>>) semaphore(%arg35 : memref<!tpu.dma_semaphore, #tpu.memory_space<semaphore_mem>>) {add = true}
      %dma_wait3A_606 = arith.constant 0 : i32
      %dma_wait3A_607 = arith.constant 0 : i32
      %dma_wait3A_608 = tpu.memref_slice %arg11[%dma_wait3A_606, %dma_wait3A_607] : memref<2x32xi32, #tpu.memory_space<vmem>> -> memref<1x32xi32, #tpu.memory_space<vmem>>
      %dma_wait3A_609 = tpu.memref_squeeze %dma_wait3A_608 : memref<1x32xi32, #tpu.memory_space<vmem>> -> memref<32xi32, #tpu.memory_space<vmem>>
      %dma_wait3A_610 = arith.constant 0 : i32
      %dma_wait3A_611 = arith.constant 0 : i32
      %dma_wait3A_612 = tpu.memref_slice %arg2[%dma_wait3A_610, %dma_wait3A_611] : memref<10240x128xf32, #tpu.memory_space<hbm>> -> memref<10240x128xf32, #tpu.memory_space<hbm>>
      tpu.wait_indirect_dma semaphore(%arg28 : memref<!tpu.dma_semaphore, #tpu.memory_space<semaphore_mem>>) src(%dma_wait3A_612 : memref<10240x128xf32, #tpu.memory_space<hbm>>) dst(%arg19 : memref<32x128xf32, #tpu.memory_space<vmem>>)
      %dma_start3A_613 = arith.constant 1 : i32
      %dma_start3A_614 = arith.constant 0 : i32
      %dma_start3A_615 = tpu.memref_slice %arg11[%dma_start3A_613, %dma_start3A_614] : memref<2x32xi32, #tpu.memory_space<vmem>> -> memref<1x32xi32, #tpu.memory_space<vmem>>
      %dma_start3A_616 = tpu.memref_squeeze %dma_start3A_615 : memref<1x32xi32, #tpu.memory_space<vmem>> -> memref<32xi32, #tpu.memory_space<vmem>>
      %dma_start3A_617 = arith.constant 0 : i32
      %dma_start3A_618 = arith.constant 0 : i32
      %dma_start3A_619 = tpu.memref_slice %arg23[%dma_start3A_617, %dma_start3A_618] : memref<10240x128xf32, #tpu.memory_space<vmem_shared>> -> memref<10240x128xf32, #tpu.memory_space<vmem_shared>>
      tpu.enqueue_indirect_dma source(%arg19 : memref<32x128xf32, #tpu.memory_space<vmem>>) target(%dma_start3A_619 : memref<10240x128xf32, #tpu.memory_space<vmem_shared>>) offsets(%dma_start3A_616 : memref<32xi32, #tpu.memory_space<vmem>>) semaphore(%arg36 : memref<!tpu.dma_semaphore, #tpu.memory_space<semaphore_mem>>) {add = true}
      %dma_wait3A_620 = arith.constant 0 : i32
      %dma_wait3A_621 = arith.constant 0 : i32
      %dma_wait3A_622 = tpu.memref_slice %arg12[%dma_wait3A_620, %dma_wait3A_621] : memref<2x32xi32, #tpu.memory_space<vmem>> -> memref<1x32xi32, #tpu.memory_space<vmem>>
      %dma_wait3A_623 = tpu.memref_squeeze %dma_wait3A_622 : memref<1x32xi32, #tpu.memory_space<vmem>> -> memref<32xi32, #tpu.memory_space<vmem>>
      %dma_wait3A_624 = arith.constant 0 : i32
      %dma_wait3A_625 = arith.constant 0 : i32
      %dma_wait3A_626 = tpu.memref_slice %arg2[%dma_wait3A_624, %dma_wait3A_625] : memref<10240x128xf32, #tpu.memory_space<hbm>> -> memref<10240x128xf32, #tpu.memory_space<hbm>>
      tpu.wait_indirect_dma semaphore(%arg29 : memref<!tpu.dma_semaphore, #tpu.memory_space<semaphore_mem>>) src(%dma_wait3A_626 : memref<10240x128xf32, #tpu.memory_space<hbm>>) dst(%arg20 : memref<32x128xf32, #tpu.memory_space<vmem>>)
      %dma_start3A_627 = arith.constant 1 : i32
      %dma_start3A_628 = arith.constant 0 : i32
      %dma_start3A_629 = tpu.memref_slice %arg12[%dma_start3A_627, %dma_start3A_628] : memref<2x32xi32, #tpu.memory_space<vmem>> -> memref<1x32xi32, #tpu.memory_space<vmem>>
      %dma_start3A_630 = tpu.memref_squeeze %dma_start3A_629 : memref<1x32xi32, #tpu.memory_space<vmem>> -> memref<32xi32, #tpu.memory_space<vmem>>
      %dma_start3A_631 = arith.constant 0 : i32
      %dma_start3A_632 = arith.constant 0 : i32
      %dma_start3A_633 = tpu.memref_slice %arg23[%dma_start3A_631, %dma_start3A_632] : memref<10240x128xf32, #tpu.memory_space<vmem_shared>> -> memref<10240x128xf32, #tpu.memory_space<vmem_shared>>
      tpu.enqueue_indirect_dma source(%arg20 : memref<32x128xf32, #tpu.memory_space<vmem>>) target(%dma_start3A_633 : memref<10240x128xf32, #tpu.memory_space<vmem_shared>>) offsets(%dma_start3A_630 : memref<32xi32, #tpu.memory_space<vmem>>) semaphore(%arg37 : memref<!tpu.dma_semaphore, #tpu.memory_space<semaphore_mem>>) {add = true}
      %dma_wait3A_634 = arith.constant 0 : i32
      %dma_wait3A_635 = arith.constant 0 : i32
      %dma_wait3A_636 = tpu.memref_slice %arg13[%dma_wait3A_634, %dma_wait3A_635] : memref<2x32xi32, #tpu.memory_space<vmem>> -> memref<1x32xi32, #tpu.memory_space<vmem>>
      %dma_wait3A_637 = tpu.memref_squeeze %dma_wait3A_636 : memref<1x32xi32, #tpu.memory_space<vmem>> -> memref<32xi32, #tpu.memory_space<vmem>>
      %dma_wait3A_638 = arith.constant 0 : i32
      %dma_wait3A_639 = arith.constant 0 : i32
      %dma_wait3A_640 = tpu.memref_slice %arg2[%dma_wait3A_638, %dma_wait3A_639] : memref<10240x128xf32, #tpu.memory_space<hbm>> -> memref<10240x128xf32, #tpu.memory_space<hbm>>
      tpu.wait_indirect_dma semaphore(%arg30 : memref<!tpu.dma_semaphore, #tpu.memory_space<semaphore_mem>>) src(%dma_wait3A_640 : memref<10240x128xf32, #tpu.memory_space<hbm>>) dst(%arg21 : memref<32x128xf32, #tpu.memory_space<vmem>>)
      %dma_start3A_641 = arith.constant 1 : i32
      %dma_start3A_642 = arith.constant 0 : i32
      %dma_start3A_643 = tpu.memref_slice %arg13[%dma_start3A_641, %dma_start3A_642] : memref<2x32xi32, #tpu.memory_space<vmem>> -> memref<1x32xi32, #tpu.memory_space<vmem>>
      %dma_start3A_644 = tpu.memref_squeeze %dma_start3A_643 : memref<1x32xi32, #tpu.memory_space<vmem>> -> memref<32xi32, #tpu.memory_space<vmem>>
      %dma_start3A_645 = arith.constant 0 : i32
      %dma_start3A_646 = arith.constant 0 : i32
      %dma_start3A_647 = tpu.memref_slice %arg23[%dma_start3A_645, %dma_start3A_646] : memref<10240x128xf32, #tpu.memory_space<vmem_shared>> -> memref<10240x128xf32, #tpu.memory_space<vmem_shared>>
      tpu.enqueue_indirect_dma source(%arg21 : memref<32x128xf32, #tpu.memory_space<vmem>>) target(%dma_start3A_647 : memref<10240x128xf32, #tpu.memory_space<vmem_shared>>) offsets(%dma_start3A_644 : memref<32xi32, #tpu.memory_space<vmem>>) semaphore(%arg38 : memref<!tpu.dma_semaphore, #tpu.memory_space<semaphore_mem>>) {add = true}
      %dma_wait3A_648 = arith.constant 0 : i32
      %dma_wait3A_649 = arith.constant 0 : i32
      %dma_wait3A_650 = tpu.memref_slice %arg14[%dma_wait3A_648, %dma_wait3A_649] : memref<2x32xi32, #tpu.memory_space<vmem>> -> memref<1x32xi32, #tpu.memory_space<vmem>>
      %dma_wait3A_651 = tpu.memref_squeeze %dma_wait3A_650 : memref<1x32xi32, #tpu.memory_space<vmem>> -> memref<32xi32, #tpu.memory_space<vmem>>
      %dma_wait3A_652 = arith.constant 0 : i32
      %dma_wait3A_653 = arith.constant 0 : i32
      %dma_wait3A_654 = tpu.memref_slice %arg2[%dma_wait3A_652, %dma_wait3A_653] : memref<10240x128xf32, #tpu.memory_space<hbm>> -> memref<10240x128xf32, #tpu.memory_space<hbm>>
      tpu.wait_indirect_dma semaphore(%arg31 : memref<!tpu.dma_semaphore, #tpu.memory_space<semaphore_mem>>) src(%dma_wait3A_654 : memref<10240x128xf32, #tpu.memory_space<hbm>>) dst(%arg22 : memref<32x128xf32, #tpu.memory_space<vmem>>)
      %dma_start3A_655 = arith.constant 1 : i32
      %dma_start3A_656 = arith.constant 0 : i32
      %dma_start3A_657 = tpu.memref_slice %arg14[%dma_start3A_655, %dma_start3A_656] : memref<2x32xi32, #tpu.memory_space<vmem>> -> memref<1x32xi32, #tpu.memory_space<vmem>>
      %dma_start3A_658 = tpu.memref_squeeze %dma_start3A_657 : memref<1x32xi32, #tpu.memory_space<vmem>> -> memref<32xi32, #tpu.memory_space<vmem>>
      %dma_start3A_659 = arith.constant 0 : i32
      %dma_start3A_660 = arith.constant 0 : i32
      %dma_start3A_661 = tpu.memref_slice %arg23[%dma_start3A_659, %dma_start3A_660] : memref<10240x128xf32, #tpu.memory_space<vmem_shared>> -> memref<10240x128xf32, #tpu.memory_space<vmem_shared>>
      tpu.enqueue_indirect_dma source(%arg22 : memref<32x128xf32, #tpu.memory_space<vmem>>) target(%dma_start3A_661 : memref<10240x128xf32, #tpu.memory_space<vmem_shared>>) offsets(%dma_start3A_658 : memref<32xi32, #tpu.memory_space<vmem>>) semaphore(%arg39 : memref<!tpu.dma_semaphore, #tpu.memory_space<semaphore_mem>>) {add = true}
    }
    %scan3A_15 = arith.constant 40 : i32
    %dma_wait3A = arith.constant 1 : i32
    %dma_wait3A_16 = arith.constant 0 : i32
    %dma_wait3A_17 = tpu.memref_slice %arg7[%dma_wait3A, %dma_wait3A_16] : memref<2x32xi32, #tpu.memory_space<vmem>> -> memref<1x32xi32, #tpu.memory_space<vmem>>
    %dma_wait3A_18 = tpu.memref_squeeze %dma_wait3A_17 : memref<1x32xi32, #tpu.memory_space<vmem>> -> memref<32xi32, #tpu.memory_space<vmem>>
    %dma_wait3A_19 = arith.constant 0 : i32
    %dma_wait3A_20 = arith.constant 0 : i32
    %dma_wait3A_21 = tpu.memref_slice %arg23[%dma_wait3A_19, %dma_wait3A_20] : memref<10240x128xf32, #tpu.memory_space<vmem_shared>> -> memref<10240x128xf32, #tpu.memory_space<vmem_shared>>
    tpu.wait_indirect_dma semaphore(%arg32 : memref<!tpu.dma_semaphore, #tpu.memory_space<semaphore_mem>>) src(%arg15 : memref<32x128xf32, #tpu.memory_space<vmem>>) dst(%dma_wait3A_21 : memref<10240x128xf32, #tpu.memory_space<vmem_shared>>)
    %dma_wait3A_22 = arith.constant 1 : i32
    %dma_wait3A_23 = arith.constant 0 : i32
    %dma_wait3A_24 = tpu.memref_slice %arg8[%dma_wait3A_22, %dma_wait3A_23] : memref<2x32xi32, #tpu.memory_space<vmem>> -> memref<1x32xi32, #tpu.memory_space<vmem>>
    %dma_wait3A_25 = tpu.memref_squeeze %dma_wait3A_24 : memref<1x32xi32, #tpu.memory_space<vmem>> -> memref<32xi32, #tpu.memory_space<vmem>>
    %dma_wait3A_26 = arith.constant 0 : i32
    %dma_wait3A_27 = arith.constant 0 : i32
    %dma_wait3A_28 = tpu.memref_slice %arg23[%dma_wait3A_26, %dma_wait3A_27] : memref<10240x128xf32, #tpu.memory_space<vmem_shared>> -> memref<10240x128xf32, #tpu.memory_space<vmem_shared>>
    tpu.wait_indirect_dma semaphore(%arg33 : memref<!tpu.dma_semaphore, #tpu.memory_space<semaphore_mem>>) src(%arg16 : memref<32x128xf32, #tpu.memory_space<vmem>>) dst(%dma_wait3A_28 : memref<10240x128xf32, #tpu.memory_space<vmem_shared>>)
    %dma_wait3A_29 = arith.constant 1 : i32
    %dma_wait3A_30 = arith.constant 0 : i32
    %dma_wait3A_31 = tpu.memref_slice %arg9[%dma_wait3A_29, %dma_wait3A_30] : memref<2x32xi32, #tpu.memory_space<vmem>> -> memref<1x32xi32, #tpu.memory_space<vmem>>
    %dma_wait3A_32 = tpu.memref_squeeze %dma_wait3A_31 : memref<1x32xi32, #tpu.memory_space<vmem>> -> memref<32xi32, #tpu.memory_space<vmem>>
    %dma_wait3A_33 = arith.constant 0 : i32
    %dma_wait3A_34 = arith.constant 0 : i32
    %dma_wait3A_35 = tpu.memref_slice %arg23[%dma_wait3A_33, %dma_wait3A_34] : memref<10240x128xf32, #tpu.memory_space<vmem_shared>> -> memref<10240x128xf32, #tpu.memory_space<vmem_shared>>
    tpu.wait_indirect_dma semaphore(%arg34 : memref<!tpu.dma_semaphore, #tpu.memory_space<semaphore_mem>>) src(%arg17 : memref<32x128xf32, #tpu.memory_space<vmem>>) dst(%dma_wait3A_35 : memref<10240x128xf32, #tpu.memory_space<vmem_shared>>)
    %dma_wait3A_36 = arith.constant 1 : i32
    %dma_wait3A_37 = arith.constant 0 : i32
    %dma_wait3A_38 = tpu.memref_slice %arg10[%dma_wait3A_36, %dma_wait3A_37] : memref<2x32xi32, #tpu.memory_space<vmem>> -> memref<1x32xi32, #tpu.memory_space<vmem>>
    %dma_wait3A_39 = tpu.memref_squeeze %dma_wait3A_38 : memref<1x32xi32, #tpu.memory_space<vmem>> -> memref<32xi32, #tpu.memory_space<vmem>>
    %dma_wait3A_40 = arith.constant 0 : i32
    %dma_wait3A_41 = arith.constant 0 : i32
    %dma_wait3A_42 = tpu.memref_slice %arg23[%dma_wait3A_40, %dma_wait3A_41] : memref<10240x128xf32, #tpu.memory_space<vmem_shared>> -> memref<10240x128xf32, #tpu.memory_space<vmem_shared>>
    tpu.wait_indirect_dma semaphore(%arg35 : memref<!tpu.dma_semaphore, #tpu.memory_space<semaphore_mem>>) src(%arg18 : memref<32x128xf32, #tpu.memory_space<vmem>>) dst(%dma_wait3A_42 : memref<10240x128xf32, #tpu.memory_space<vmem_shared>>)
    %dma_wait3A_43 = arith.constant 1 : i32
    %dma_wait3A_44 = arith.constant 0 : i32
    %dma_wait3A_45 = tpu.memref_slice %arg11[%dma_wait3A_43, %dma_wait3A_44] : memref<2x32xi32, #tpu.memory_space<vmem>> -> memref<1x32xi32, #tpu.memory_space<vmem>>
    %dma_wait3A_46 = tpu.memref_squeeze %dma_wait3A_45 : memref<1x32xi32, #tpu.memory_space<vmem>> -> memref<32xi32, #tpu.memory_space<vmem>>
    %dma_wait3A_47 = arith.constant 0 : i32
    %dma_wait3A_48 = arith.constant 0 : i32
    %dma_wait3A_49 = tpu.memref_slice %arg23[%dma_wait3A_47, %dma_wait3A_48] : memref<10240x128xf32, #tpu.memory_space<vmem_shared>> -> memref<10240x128xf32, #tpu.memory_space<vmem_shared>>
    tpu.wait_indirect_dma semaphore(%arg36 : memref<!tpu.dma_semaphore, #tpu.memory_space<semaphore_mem>>) src(%arg19 : memref<32x128xf32, #tpu.memory_space<vmem>>) dst(%dma_wait3A_49 : memref<10240x128xf32, #tpu.memory_space<vmem_shared>>)
    %dma_wait3A_50 = arith.constant 1 : i32
    %dma_wait3A_51 = arith.constant 0 : i32
    %dma_wait3A_52 = tpu.memref_slice %arg12[%dma_wait3A_50, %dma_wait3A_51] : memref<2x32xi32, #tpu.memory_space<vmem>> -> memref<1x32xi32, #tpu.memory_space<vmem>>
    %dma_wait3A_53 = tpu.memref_squeeze %dma_wait3A_52 : memref<1x32xi32, #tpu.memory_space<vmem>> -> memref<32xi32, #tpu.memory_space<vmem>>
    %dma_wait3A_54 = arith.constant 0 : i32
    %dma_wait3A_55 = arith.constant 0 : i32
    %dma_wait3A_56 = tpu.memref_slice %arg23[%dma_wait3A_54, %dma_wait3A_55] : memref<10240x128xf32, #tpu.memory_space<vmem_shared>> -> memref<10240x128xf32, #tpu.memory_space<vmem_shared>>
    tpu.wait_indirect_dma semaphore(%arg37 : memref<!tpu.dma_semaphore, #tpu.memory_space<semaphore_mem>>) src(%arg20 : memref<32x128xf32, #tpu.memory_space<vmem>>) dst(%dma_wait3A_56 : memref<10240x128xf32, #tpu.memory_space<vmem_shared>>)
    %dma_wait3A_57 = arith.constant 1 : i32
    %dma_wait3A_58 = arith.constant 0 : i32
    %dma_wait3A_59 = tpu.memref_slice %arg13[%dma_wait3A_57, %dma_wait3A_58] : memref<2x32xi32, #tpu.memory_space<vmem>> -> memref<1x32xi32, #tpu.memory_space<vmem>>
    %dma_wait3A_60 = tpu.memref_squeeze %dma_wait3A_59 : memref<1x32xi32, #tpu.memory_space<vmem>> -> memref<32xi32, #tpu.memory_space<vmem>>
    %dma_wait3A_61 = arith.constant 0 : i32
    %dma_wait3A_62 = arith.constant 0 : i32
    %dma_wait3A_63 = tpu.memref_slice %arg23[%dma_wait3A_61, %dma_wait3A_62] : memref<10240x128xf32, #tpu.memory_space<vmem_shared>> -> memref<10240x128xf32, #tpu.memory_space<vmem_shared>>
    tpu.wait_indirect_dma semaphore(%arg38 : memref<!tpu.dma_semaphore, #tpu.memory_space<semaphore_mem>>) src(%arg21 : memref<32x128xf32, #tpu.memory_space<vmem>>) dst(%dma_wait3A_63 : memref<10240x128xf32, #tpu.memory_space<vmem_shared>>)
    %dma_wait3A_64 = arith.constant 1 : i32
    %dma_wait3A_65 = arith.constant 0 : i32
    %dma_wait3A_66 = tpu.memref_slice %arg14[%dma_wait3A_64, %dma_wait3A_65] : memref<2x32xi32, #tpu.memory_space<vmem>> -> memref<1x32xi32, #tpu.memory_space<vmem>>
    %dma_wait3A_67 = tpu.memref_squeeze %dma_wait3A_66 : memref<1x32xi32, #tpu.memory_space<vmem>> -> memref<32xi32, #tpu.memory_space<vmem>>
    %dma_wait3A_68 = arith.constant 0 : i32
    %dma_wait3A_69 = arith.constant 0 : i32
    %dma_wait3A_70 = tpu.memref_slice %arg23[%dma_wait3A_68, %dma_wait3A_69] : memref<10240x128xf32, #tpu.memory_space<vmem_shared>> -> memref<10240x128xf32, #tpu.memory_space<vmem_shared>>
    tpu.wait_indirect_dma semaphore(%arg39 : memref<!tpu.dma_semaphore, #tpu.memory_space<semaphore_mem>>) src(%arg22 : memref<32x128xf32, #tpu.memory_space<vmem>>) dst(%dma_wait3A_70 : memref<10240x128xf32, #tpu.memory_space<vmem_shared>>)
    %barrier3A_71 = arith.constant 0 : index
    tpu.barrier barrier_id(%barrier3A_71)
    %mul3A_72 = arith.constant 10240 : i32
    %mul3A_73 = arith.muli %arg0, %mul3A_72 : i32
    %add3A_74 = arith.addi %mul3A_73, %mul3A_2 : i32
    "tpu.region"() ({
      %run_scoped3A = tpu.sem_alloc : memref<!tpu.dma_semaphore, #tpu.memory_space<semaphore_mem>>
      %dma_start3A = arith.constant 0 : i32
      %dma_start3A_75 = tpu.memref_slice %arg5[%add3A_74, %dma_start3A] : memref<20480x128xf32, #tpu.memory_space<hbm>> -> memref<640x128xf32, #tpu.memory_space<hbm>>
      %dma_start3A_76 = arith.constant 0 : i32
      %dma_start3A_77 = tpu.memref_slice %arg23[%mul3A_2, %dma_start3A_76] : memref<10240x128xf32, #tpu.memory_space<vmem_shared>> -> memref<640x128xf32, #tpu.memory_space<vmem_shared>>
      tpu.enqueue_dma source(%dma_start3A_77 : memref<640x128xf32, #tpu.memory_space<vmem_shared>>) target(%dma_start3A_75 : memref<640x128xf32, #tpu.memory_space<hbm>>) target_semaphore(%run_scoped3A : memref<!tpu.dma_semaphore, #tpu.memory_space<semaphore_mem>>)
      %dma_wait3A_78 = arith.constant 0 : i32
      %dma_wait3A_79 = tpu.memref_slice %arg5[%add3A_74, %dma_wait3A_78] : memref<20480x128xf32, #tpu.memory_space<hbm>> -> memref<640x128xf32, #tpu.memory_space<hbm>>
      %dma_wait3A_80 = arith.constant 0 : i32
      %dma_wait3A_81 = tpu.memref_slice %arg23[%mul3A_2, %dma_wait3A_80] : memref<10240x128xf32, #tpu.memory_space<vmem_shared>> -> memref<640x128xf32, #tpu.memory_space<vmem_shared>>
      tpu.wait_dma2 semaphore(%run_scoped3A : memref<!tpu.dma_semaphore, #tpu.memory_space<semaphore_mem>>) src(%dma_wait3A_81 : memref<640x128xf32, #tpu.memory_space<vmem_shared>>) dst(%dma_wait3A_79 : memref<640x128xf32, #tpu.memory_space<hbm>>)
      tpu.yield
    }) : () -> ()
    return
  }
}

#map = affine_map<(d0, d1) -> (0, 0)>
#map1 = affine_map<(d0, d1) -> (0)>
module attributes {stable_mosaic.version = 14 : i64} {
  func.func @_deg_kernel(%arg0: i32, %arg1: i32, %arg2: memref<2560x128xi32, #tpu.memory_space<hbm>>, %arg3: memref<20480xf32, #tpu.memory_space<hbm>>, %arg4: memref<80x128xi32, #tpu.memory_space<vmem>>, %arg5: memref<128xi32, #tpu.memory_space<vmem>>, %arg6: memref<128xi32, #tpu.memory_space<vmem>>, %arg7: memref<128xf32, #tpu.memory_space<vmem>>, %arg8: memref<640xf32, #tpu.memory_space<vmem>>, %arg9: memref<10240xf32, #tpu.memory_space<vmem_shared>>, %arg10: memref<!tpu.dma_semaphore, #tpu.memory_space<semaphore_mem>>, %arg11: memref<!tpu.dma_semaphore, #tpu.memory_space<semaphore_mem>>) attributes {dimension_semantics = [#tpu.dimension_semantics<core_parallel>, #tpu.dimension_semantics<subcore_parallel>], iteration_bounds = array<i64: 2, 16>, scalar_prefetch = 0 : i64, scratch_operands = 8 : i64, tpu.core_type = #tpu.core_type<sc_vector_subcore>, window_params = [{transform_indices = #map}, {transform_indices = #map1}]} {
    %mul3A = arith.constant 16 : i32
    %mul3A_0 = arith.muli %arg0, %mul3A : i32
    %add3A = arith.addi %mul3A_0, %arg1 : i32
    %mul3A_1 = arith.constant 640 : i32
    %mul3A_2 = arith.muli %arg1, %mul3A_1 : i32
    %broadcast_in_dim3A = arith.constant 1.000000e+00 : f32
    %broadcast_in_dim3A_3 = vector.broadcast %broadcast_in_dim3A : f32 to vector<16xf32>
    %swap3A = arith.constant 0 : index
    %swap3A_4 = tpu.vector_load %arg7[%swap3A] {strides = array<i32>} : memref<128xf32, #tpu.memory_space<vmem>>, vector<16xf32>,
    %swap3A_5 = vector.shape_cast %swap3A_4 : vector<16xf32> to vector<16xf32>
    %swap3A_6 = vector.shape_cast %broadcast_in_dim3A_3 : vector<16xf32> to vector<16xf32>
    tpu.vector_store %arg7[%swap3A], %swap3A_6 {strides = array<i32>} : memref<128xf32, #tpu.memory_space<vmem>>, vector<16xf32>,
    %broadcast_in_dim3A_7 = arith.constant 1.000000e+00 : f32
    %broadcast_in_dim3A_8 = vector.broadcast %broadcast_in_dim3A_7 : f32 to vector<16xf32>
    %swap3A_9 = arith.constant 16 : index
    %swap3A_10 = tpu.vector_load %arg7[%swap3A_9] {strides = array<i32>} : memref<128xf32, #tpu.memory_space<vmem>>, vector<16xf32>,
    %swap3A_11 = vector.shape_cast %swap3A_10 : vector<16xf32> to vector<16xf32>
    %swap3A_12 = vector.shape_cast %broadcast_in_dim3A_8 : vector<16xf32> to vector<16xf32>
    tpu.vector_store %arg7[%swap3A_9], %swap3A_12 {strides = array<i32>} : memref<128xf32, #tpu.memory_space<vmem>>, vector<16xf32>,
    %broadcast_in_dim3A_13 = arith.constant 1.000000e+00 : f32
    %broadcast_in_dim3A_14 = vector.broadcast %broadcast_in_dim3A_13 : f32 to vector<16xf32>
    %swap3A_15 = arith.constant 32 : index
    %swap3A_16 = tpu.vector_load %arg7[%swap3A_15] {strides = array<i32>} : memref<128xf32, #tpu.memory_space<vmem>>, vector<16xf32>,
    %swap3A_17 = vector.shape_cast %swap3A_16 : vector<16xf32> to vector<16xf32>
    %swap3A_18 = vector.shape_cast %broadcast_in_dim3A_14 : vector<16xf32> to vector<16xf32>
    tpu.vector_store %arg7[%swap3A_15], %swap3A_18 {strides = array<i32>} : memref<128xf32, #tpu.memory_space<vmem>>, vector<16xf32>,
    %broadcast_in_dim3A_19 = arith.constant 1.000000e+00 : f32
    %broadcast_in_dim3A_20 = vector.broadcast %broadcast_in_dim3A_19 : f32 to vector<16xf32>
    %swap3A_21 = arith.constant 48 : index
    %swap3A_22 = tpu.vector_load %arg7[%swap3A_21] {strides = array<i32>} : memref<128xf32, #tpu.memory_space<vmem>>, vector<16xf32>,
    %swap3A_23 = vector.shape_cast %swap3A_22 : vector<16xf32> to vector<16xf32>
    %swap3A_24 = vector.shape_cast %broadcast_in_dim3A_20 : vector<16xf32> to vector<16xf32>
    tpu.vector_store %arg7[%swap3A_21], %swap3A_24 {strides = array<i32>} : memref<128xf32, #tpu.memory_space<vmem>>, vector<16xf32>,
    %broadcast_in_dim3A_25 = arith.constant 1.000000e+00 : f32
    %broadcast_in_dim3A_26 = vector.broadcast %broadcast_in_dim3A_25 : f32 to vector<16xf32>
    %swap3A_27 = arith.constant 64 : index
    %swap3A_28 = tpu.vector_load %arg7[%swap3A_27] {strides = array<i32>} : memref<128xf32, #tpu.memory_space<vmem>>, vector<16xf32>,
    %swap3A_29 = vector.shape_cast %swap3A_28 : vector<16xf32> to vector<16xf32>
    %swap3A_30 = vector.shape_cast %broadcast_in_dim3A_26 : vector<16xf32> to vector<16xf32>
    tpu.vector_store %arg7[%swap3A_27], %swap3A_30 {strides = array<i32>} : memref<128xf32, #tpu.memory_space<vmem>>, vector<16xf32>,
    %broadcast_in_dim3A_31 = arith.constant 1.000000e+00 : f32
    %broadcast_in_dim3A_32 = vector.broadcast %broadcast_in_dim3A_31 : f32 to vector<16xf32>
    %swap3A_33 = arith.constant 80 : index
    %swap3A_34 = tpu.vector_load %arg7[%swap3A_33] {strides = array<i32>} : memref<128xf32, #tpu.memory_space<vmem>>, vector<16xf32>,
    %swap3A_35 = vector.shape_cast %swap3A_34 : vector<16xf32> to vector<16xf32>
    %swap3A_36 = vector.shape_cast %broadcast_in_dim3A_32 : vector<16xf32> to vector<16xf32>
    tpu.vector_store %arg7[%swap3A_33], %swap3A_36 {strides = array<i32>} : memref<128xf32, #tpu.memory_space<vmem>>, vector<16xf32>,
    %broadcast_in_dim3A_37 = arith.constant 1.000000e+00 : f32
    %broadcast_in_dim3A_38 = vector.broadcast %broadcast_in_dim3A_37 : f32 to vector<16xf32>
    %swap3A_39 = arith.constant 96 : index
    %swap3A_40 = tpu.vector_load %arg7[%swap3A_39] {strides = array<i32>} : memref<128xf32, #tpu.memory_space<vmem>>, vector<16xf32>,
    %swap3A_41 = vector.shape_cast %swap3A_40 : vector<16xf32> to vector<16xf32>
    %swap3A_42 = vector.shape_cast %broadcast_in_dim3A_38 : vector<16xf32> to vector<16xf32>
    tpu.vector_store %arg7[%swap3A_39], %swap3A_42 {strides = array<i32>} : memref<128xf32, #tpu.memory_space<vmem>>, vector<16xf32>,
    %broadcast_in_dim3A_43 = arith.constant 1.000000e+00 : f32
    %broadcast_in_dim3A_44 = vector.broadcast %broadcast_in_dim3A_43 : f32 to vector<16xf32>
    %swap3A_45 = arith.constant 112 : index
    %swap3A_46 = tpu.vector_load %arg7[%swap3A_45] {strides = array<i32>} : memref<128xf32, #tpu.memory_space<vmem>>, vector<16xf32>,
    %swap3A_47 = vector.shape_cast %swap3A_46 : vector<16xf32> to vector<16xf32>
    %swap3A_48 = vector.shape_cast %broadcast_in_dim3A_44 : vector<16xf32> to vector<16xf32>
    tpu.vector_store %arg7[%swap3A_45], %swap3A_48 {strides = array<i32>} : memref<128xf32, #tpu.memory_space<vmem>>, vector<16xf32>,
    %broadcast_in_dim3A_49 = arith.constant 0.000000e+00 : f32
    %broadcast_in_dim3A_50 = vector.broadcast %broadcast_in_dim3A_49 : f32 to vector<16xf32>
    %swap3A_51 = arith.constant 0 : index
    %swap3A_52 = tpu.vector_load %arg8[%swap3A_51] {strides = array<i32>} : memref<640xf32, #tpu.memory_space<vmem>>, vector<16xf32>,
    %swap3A_53 = vector.shape_cast %swap3A_52 : vector<16xf32> to vector<16xf32>
    %swap3A_54 = vector.shape_cast %broadcast_in_dim3A_50 : vector<16xf32> to vector<16xf32>
    tpu.vector_store %arg8[%swap3A_51], %swap3A_54 {strides = array<i32>} : memref<640xf32, #tpu.memory_space<vmem>>, vector<16xf32>,
    %broadcast_in_dim3A_55 = arith.constant 0.000000e+00 : f32
    %broadcast_in_dim3A_56 = vector.broadcast %broadcast_in_dim3A_55 : f32 to vector<16xf32>
    %swap3A_57 = arith.constant 16 : index
    %swap3A_58 = tpu.vector_load %arg8[%swap3A_57] {strides = array<i32>} : memref<640xf32, #tpu.memory_space<vmem>>, vector<16xf32>,
    %swap3A_59 = vector.shape_cast %swap3A_58 : vector<16xf32> to vector<16xf32>
    %swap3A_60 = vector.shape_cast %broadcast_in_dim3A_56 : vector<16xf32> to vector<16xf32>
    tpu.vector_store %arg8[%swap3A_57], %swap3A_60 {strides = array<i32>} : memref<640xf32, #tpu.memory_space<vmem>>, vector<16xf32>,
    %broadcast_in_dim3A_61 = arith.constant 0.000000e+00 : f32
    %broadcast_in_dim3A_62 = vector.broadcast %broadcast_in_dim3A_61 : f32 to vector<16xf32>
    %swap3A_63 = arith.constant 32 : index
    %swap3A_64 = tpu.vector_load %arg8[%swap3A_63] {strides = array<i32>} : memref<640xf32, #tpu.memory_space<vmem>>, vector<16xf32>,
    %swap3A_65 = vector.shape_cast %swap3A_64 : vector<16xf32> to vector<16xf32>
    %swap3A_66 = vector.shape_cast %broadcast_in_dim3A_62 : vector<16xf32> to vector<16xf32>
    tpu.vector_store %arg8[%swap3A_63], %swap3A_66 {strides = array<i32>} : memref<640xf32, #tpu.memory_space<vmem>>, vector<16xf32>,
    %broadcast_in_dim3A_67 = arith.constant 0.000000e+00 : f32
    %broadcast_in_dim3A_68 = vector.broadcast %broadcast_in_dim3A_67 : f32 to vector<16xf32>
    %swap3A_69 = arith.constant 48 : index
    %swap3A_70 = tpu.vector_load %arg8[%swap3A_69] {strides = array<i32>} : memref<640xf32, #tpu.memory_space<vmem>>, vector<16xf32>,
    %swap3A_71 = vector.shape_cast %swap3A_70 : vector<16xf32> to vector<16xf32>
    %swap3A_72 = vector.shape_cast %broadcast_in_dim3A_68 : vector<16xf32> to vector<16xf32>
    tpu.vector_store %arg8[%swap3A_69], %swap3A_72 {strides = array<i32>} : memref<640xf32, #tpu.memory_space<vmem>>, vector<16xf32>,
    %broadcast_in_dim3A_73 = arith.constant 0.000000e+00 : f32
    %broadcast_in_dim3A_74 = vector.broadcast %broadcast_in_dim3A_73 : f32 to vector<16xf32>
    %swap3A_75 = arith.constant 64 : index
    %swap3A_76 = tpu.vector_load %arg8[%swap3A_75] {strides = array<i32>} : memref<640xf32, #tpu.memory_space<vmem>>, vector<16xf32>,
    %swap3A_77 = vector.shape_cast %swap3A_76 : vector<16xf32> to vector<16xf32>
    %swap3A_78 = vector.shape_cast %broadcast_in_dim3A_74 : vector<16xf32> to vector<16xf32>
    tpu.vector_store %arg8[%swap3A_75], %swap3A_78 {strides = array<i32>} : memref<640xf32, #tpu.memory_space<vmem>>, vector<16xf32>,
    %broadcast_in_dim3A_79 = arith.constant 0.000000e+00 : f32
    %broadcast_in_dim3A_80 = vector.broadcast %broadcast_in_dim3A_79 : f32 to vector<16xf32>
    %swap3A_81 = arith.constant 80 : index
    %swap3A_82 = tpu.vector_load %arg8[%swap3A_81] {strides = array<i32>} : memref<640xf32, #tpu.memory_space<vmem>>, vector<16xf32>,
    %swap3A_83 = vector.shape_cast %swap3A_82 : vector<16xf32> to vector<16xf32>
    %swap3A_84 = vector.shape_cast %broadcast_in_dim3A_80 : vector<16xf32> to vector<16xf32>
    tpu.vector_store %arg8[%swap3A_81], %swap3A_84 {strides = array<i32>} : memref<640xf32, #tpu.memory_space<vmem>>, vector<16xf32>,
    %broadcast_in_dim3A_85 = arith.constant 0.000000e+00 : f32
    %broadcast_in_dim3A_86 = vector.broadcast %broadcast_in_dim3A_85 : f32 to vector<16xf32>
    %swap3A_87 = arith.constant 96 : index
    %swap3A_88 = tpu.vector_load %arg8[%swap3A_87] {strides = array<i32>} : memref<640xf32, #tpu.memory_space<vmem>>, vector<16xf32>,
    %swap3A_89 = vector.shape_cast %swap3A_88 : vector<16xf32> to vector<16xf32>
    %swap3A_90 = vector.shape_cast %broadcast_in_dim3A_86 : vector<16xf32> to vector<16xf32>
    tpu.vector_store %arg8[%swap3A_87], %swap3A_90 {strides = array<i32>} : memref<640xf32, #tpu.memory_space<vmem>>, vector<16xf32>,
    %broadcast_in_dim3A_91 = arith.constant 0.000000e+00 : f32
    %broadcast_in_dim3A_92 = vector.broadcast %broadcast_in_dim3A_91 : f32 to vector<16xf32>
    %swap3A_93 = arith.constant 112 : index
    %swap3A_94 = tpu.vector_load %arg8[%swap3A_93] {strides = array<i32>} : memref<640xf32, #tpu.memory_space<vmem>>, vector<16xf32>,
    %swap3A_95 = vector.shape_cast %swap3A_94 : vector<16xf32> to vector<16xf32>
    %swap3A_96 = vector.shape_cast %broadcast_in_dim3A_92 : vector<16xf32> to vector<16xf32>
    tpu.vector_store %arg8[%swap3A_93], %swap3A_96 {strides = array<i32>} : memref<640xf32, #tpu.memory_space<vmem>>, vector<16xf32>,
    %broadcast_in_dim3A_97 = arith.constant 0.000000e+00 : f32
    %broadcast_in_dim3A_98 = vector.broadcast %broadcast_in_dim3A_97 : f32 to vector<16xf32>
    %swap3A_99 = arith.constant 128 : index
    %swap3A_100 = tpu.vector_load %arg8[%swap3A_99] {strides = array<i32>} : memref<640xf32, #tpu.memory_space<vmem>>, vector<16xf32>,
    %swap3A_101 = vector.shape_cast %swap3A_100 : vector<16xf32> to vector<16xf32>
    %swap3A_102 = vector.shape_cast %broadcast_in_dim3A_98 : vector<16xf32> to vector<16xf32>
    tpu.vector_store %arg8[%swap3A_99], %swap3A_102 {strides = array<i32>} : memref<640xf32, #tpu.memory_space<vmem>>, vector<16xf32>,
    %broadcast_in_dim3A_103 = arith.constant 0.000000e+00 : f32
    %broadcast_in_dim3A_104 = vector.broadcast %broadcast_in_dim3A_103 : f32 to vector<16xf32>
    %swap3A_105 = arith.constant 144 : index
    %swap3A_106 = tpu.vector_load %arg8[%swap3A_105] {strides = array<i32>} : memref<640xf32, #tpu.memory_space<vmem>>, vector<16xf32>,
    %swap3A_107 = vector.shape_cast %swap3A_106 : vector<16xf32> to vector<16xf32>
    %swap3A_108 = vector.shape_cast %broadcast_in_dim3A_104 : vector<16xf32> to vector<16xf32>
    tpu.vector_store %arg8[%swap3A_105], %swap3A_108 {strides = array<i32>} : memref<640xf32, #tpu.memory_space<vmem>>, vector<16xf32>,
    %broadcast_in_dim3A_109 = arith.constant 0.000000e+00 : f32
    %broadcast_in_dim3A_110 = vector.broadcast %broadcast_in_dim3A_109 : f32 to vector<16xf32>
    %swap3A_111 = arith.constant 160 : index
    %swap3A_112 = tpu.vector_load %arg8[%swap3A_111] {strides = array<i32>} : memref<640xf32, #tpu.memory_space<vmem>>, vector<16xf32>,
    %swap3A_113 = vector.shape_cast %swap3A_112 : vector<16xf32> to vector<16xf32>
    %swap3A_114 = vector.shape_cast %broadcast_in_dim3A_110 : vector<16xf32> to vector<16xf32>
    tpu.vector_store %arg8[%swap3A_111], %swap3A_114 {strides = array<i32>} : memref<640xf32, #tpu.memory_space<vmem>>, vector<16xf32>,
    %broadcast_in_dim3A_115 = arith.constant 0.000000e+00 : f32
    %broadcast_in_dim3A_116 = vector.broadcast %broadcast_in_dim3A_115 : f32 to vector<16xf32>
    %swap3A_117 = arith.constant 176 : index
    %swap3A_118 = tpu.vector_load %arg8[%swap3A_117] {strides = array<i32>} : memref<640xf32, #tpu.memory_space<vmem>>, vector<16xf32>,
    %swap3A_119 = vector.shape_cast %swap3A_118 : vector<16xf32> to vector<16xf32>
    %swap3A_120 = vector.shape_cast %broadcast_in_dim3A_116 : vector<16xf32> to vector<16xf32>
    tpu.vector_store %arg8[%swap3A_117], %swap3A_120 {strides = array<i32>} : memref<640xf32, #tpu.memory_space<vmem>>, vector<16xf32>,
    %broadcast_in_dim3A_121 = arith.constant 0.000000e+00 : f32
    %broadcast_in_dim3A_122 = vector.broadcast %broadcast_in_dim3A_121 : f32 to vector<16xf32>
    %swap3A_123 = arith.constant 192 : index
    %swap3A_124 = tpu.vector_load %arg8[%swap3A_123] {strides = array<i32>} : memref<640xf32, #tpu.memory_space<vmem>>, vector<16xf32>,
    %swap3A_125 = vector.shape_cast %swap3A_124 : vector<16xf32> to vector<16xf32>
    %swap3A_126 = vector.shape_cast %broadcast_in_dim3A_122 : vector<16xf32> to vector<16xf32>
    tpu.vector_store %arg8[%swap3A_123], %swap3A_126 {strides = array<i32>} : memref<640xf32, #tpu.memory_space<vmem>>, vector<16xf32>,
    %broadcast_in_dim3A_127 = arith.constant 0.000000e+00 : f32
    %broadcast_in_dim3A_128 = vector.broadcast %broadcast_in_dim3A_127 : f32 to vector<16xf32>
    %swap3A_129 = arith.constant 208 : index
    %swap3A_130 = tpu.vector_load %arg8[%swap3A_129] {strides = array<i32>} : memref<640xf32, #tpu.memory_space<vmem>>, vector<16xf32>,
    %swap3A_131 = vector.shape_cast %swap3A_130 : vector<16xf32> to vector<16xf32>
    %swap3A_132 = vector.shape_cast %broadcast_in_dim3A_128 : vector<16xf32> to vector<16xf32>
    tpu.vector_store %arg8[%swap3A_129], %swap3A_132 {strides = array<i32>} : memref<640xf32, #tpu.memory_space<vmem>>, vector<16xf32>,
    %broadcast_in_dim3A_133 = arith.constant 0.000000e+00 : f32
    %broadcast_in_dim3A_134 = vector.broadcast %broadcast_in_dim3A_133 : f32 to vector<16xf32>
    %swap3A_135 = arith.constant 224 : index
    %swap3A_136 = tpu.vector_load %arg8[%swap3A_135] {strides = array<i32>} : memref<640xf32, #tpu.memory_space<vmem>>, vector<16xf32>,
    %swap3A_137 = vector.shape_cast %swap3A_136 : vector<16xf32> to vector<16xf32>
    %swap3A_138 = vector.shape_cast %broadcast_in_dim3A_134 : vector<16xf32> to vector<16xf32>
    tpu.vector_store %arg8[%swap3A_135], %swap3A_138 {strides = array<i32>} : memref<640xf32, #tpu.memory_space<vmem>>, vector<16xf32>,
    %broadcast_in_dim3A_139 = arith.constant 0.000000e+00 : f32
    %broadcast_in_dim3A_140 = vector.broadcast %broadcast_in_dim3A_139 : f32 to vector<16xf32>
    %swap3A_141 = arith.constant 240 : index
    %swap3A_142 = tpu.vector_load %arg8[%swap3A_141] {strides = array<i32>} : memref<640xf32, #tpu.memory_space<vmem>>, vector<16xf32>,
    %swap3A_143 = vector.shape_cast %swap3A_142 : vector<16xf32> to vector<16xf32>
    %swap3A_144 = vector.shape_cast %broadcast_in_dim3A_140 : vector<16xf32> to vector<16xf32>
    tpu.vector_store %arg8[%swap3A_141], %swap3A_144 {strides = array<i32>} : memref<640xf32, #tpu.memory_space<vmem>>, vector<16xf32>,
    %broadcast_in_dim3A_145 = arith.constant 0.000000e+00 : f32
    %broadcast_in_dim3A_146 = vector.broadcast %broadcast_in_dim3A_145 : f32 to vector<16xf32>
    %swap3A_147 = arith.constant 256 : index
    %swap3A_148 = tpu.vector_load %arg8[%swap3A_147] {strides = array<i32>} : memref<640xf32, #tpu.memory_space<vmem>>, vector<16xf32>,
    %swap3A_149 = vector.shape_cast %swap3A_148 : vector<16xf32> to vector<16xf32>
    %swap3A_150 = vector.shape_cast %broadcast_in_dim3A_146 : vector<16xf32> to vector<16xf32>
    tpu.vector_store %arg8[%swap3A_147], %swap3A_150 {strides = array<i32>} : memref<640xf32, #tpu.memory_space<vmem>>, vector<16xf32>,
    %broadcast_in_dim3A_151 = arith.constant 0.000000e+00 : f32
    %broadcast_in_dim3A_152 = vector.broadcast %broadcast_in_dim3A_151 : f32 to vector<16xf32>
    %swap3A_153 = arith.constant 272 : index
    %swap3A_154 = tpu.vector_load %arg8[%swap3A_153] {strides = array<i32>} : memref<640xf32, #tpu.memory_space<vmem>>, vector<16xf32>,
    %swap3A_155 = vector.shape_cast %swap3A_154 : vector<16xf32> to vector<16xf32>
    %swap3A_156 = vector.shape_cast %broadcast_in_dim3A_152 : vector<16xf32> to vector<16xf32>
    tpu.vector_store %arg8[%swap3A_153], %swap3A_156 {strides = array<i32>} : memref<640xf32, #tpu.memory_space<vmem>>, vector<16xf32>,
    %broadcast_in_dim3A_157 = arith.constant 0.000000e+00 : f32
    %broadcast_in_dim3A_158 = vector.broadcast %broadcast_in_dim3A_157 : f32 to vector<16xf32>
    %swap3A_159 = arith.constant 288 : index
    %swap3A_160 = tpu.vector_load %arg8[%swap3A_159] {strides = array<i32>} : memref<640xf32, #tpu.memory_space<vmem>>, vector<16xf32>,
    %swap3A_161 = vector.shape_cast %swap3A_160 : vector<16xf32> to vector<16xf32>
    %swap3A_162 = vector.shape_cast %broadcast_in_dim3A_158 : vector<16xf32> to vector<16xf32>
    tpu.vector_store %arg8[%swap3A_159], %swap3A_162 {strides = array<i32>} : memref<640xf32, #tpu.memory_space<vmem>>, vector<16xf32>,
    %broadcast_in_dim3A_163 = arith.constant 0.000000e+00 : f32
    %broadcast_in_dim3A_164 = vector.broadcast %broadcast_in_dim3A_163 : f32 to vector<16xf32>
    %swap3A_165 = arith.constant 304 : index
    %swap3A_166 = tpu.vector_load %arg8[%swap3A_165] {strides = array<i32>} : memref<640xf32, #tpu.memory_space<vmem>>, vector<16xf32>,
    %swap3A_167 = vector.shape_cast %swap3A_166 : vector<16xf32> to vector<16xf32>
    %swap3A_168 = vector.shape_cast %broadcast_in_dim3A_164 : vector<16xf32> to vector<16xf32>
    tpu.vector_store %arg8[%swap3A_165], %swap3A_168 {strides = array<i32>} : memref<640xf32, #tpu.memory_space<vmem>>, vector<16xf32>,
    %broadcast_in_dim3A_169 = arith.constant 0.000000e+00 : f32
    %broadcast_in_dim3A_170 = vector.broadcast %broadcast_in_dim3A_169 : f32 to vector<16xf32>
    %swap3A_171 = arith.constant 320 : index
    %swap3A_172 = tpu.vector_load %arg8[%swap3A_171] {strides = array<i32>} : memref<640xf32, #tpu.memory_space<vmem>>, vector<16xf32>,
    %swap3A_173 = vector.shape_cast %swap3A_172 : vector<16xf32> to vector<16xf32>
    %swap3A_174 = vector.shape_cast %broadcast_in_dim3A_170 : vector<16xf32> to vector<16xf32>
    tpu.vector_store %arg8[%swap3A_171], %swap3A_174 {strides = array<i32>} : memref<640xf32, #tpu.memory_space<vmem>>, vector<16xf32>,
    %broadcast_in_dim3A_175 = arith.constant 0.000000e+00 : f32
    %broadcast_in_dim3A_176 = vector.broadcast %broadcast_in_dim3A_175 : f32 to vector<16xf32>
    %swap3A_177 = arith.constant 336 : index
    %swap3A_178 = tpu.vector_load %arg8[%swap3A_177] {strides = array<i32>} : memref<640xf32, #tpu.memory_space<vmem>>, vector<16xf32>,
    %swap3A_179 = vector.shape_cast %swap3A_178 : vector<16xf32> to vector<16xf32>
    %swap3A_180 = vector.shape_cast %broadcast_in_dim3A_176 : vector<16xf32> to vector<16xf32>
    tpu.vector_store %arg8[%swap3A_177], %swap3A_180 {strides = array<i32>} : memref<640xf32, #tpu.memory_space<vmem>>, vector<16xf32>,
    %broadcast_in_dim3A_181 = arith.constant 0.000000e+00 : f32
    %broadcast_in_dim3A_182 = vector.broadcast %broadcast_in_dim3A_181 : f32 to vector<16xf32>
    %swap3A_183 = arith.constant 352 : index
    %swap3A_184 = tpu.vector_load %arg8[%swap3A_183] {strides = array<i32>} : memref<640xf32, #tpu.memory_space<vmem>>, vector<16xf32>,
    %swap3A_185 = vector.shape_cast %swap3A_184 : vector<16xf32> to vector<16xf32>
    %swap3A_186 = vector.shape_cast %broadcast_in_dim3A_182 : vector<16xf32> to vector<16xf32>
    tpu.vector_store %arg8[%swap3A_183], %swap3A_186 {strides = array<i32>} : memref<640xf32, #tpu.memory_space<vmem>>, vector<16xf32>,
    %broadcast_in_dim3A_187 = arith.constant 0.000000e+00 : f32
    %broadcast_in_dim3A_188 = vector.broadcast %broadcast_in_dim3A_187 : f32 to vector<16xf32>
    %swap3A_189 = arith.constant 368 : index
    %swap3A_190 = tpu.vector_load %arg8[%swap3A_189] {strides = array<i32>} : memref<640xf32, #tpu.memory_space<vmem>>, vector<16xf32>,
    %swap3A_191 = vector.shape_cast %swap3A_190 : vector<16xf32> to vector<16xf32>
    %swap3A_192 = vector.shape_cast %broadcast_in_dim3A_188 : vector<16xf32> to vector<16xf32>
    tpu.vector_store %arg8[%swap3A_189], %swap3A_192 {strides = array<i32>} : memref<640xf32, #tpu.memory_space<vmem>>, vector<16xf32>,
    %broadcast_in_dim3A_193 = arith.constant 0.000000e+00 : f32
    %broadcast_in_dim3A_194 = vector.broadcast %broadcast_in_dim3A_193 : f32 to vector<16xf32>
    %swap3A_195 = arith.constant 384 : index
    %swap3A_196 = tpu.vector_load %arg8[%swap3A_195] {strides = array<i32>} : memref<640xf32, #tpu.memory_space<vmem>>, vector<16xf32>,
    %swap3A_197 = vector.shape_cast %swap3A_196 : vector<16xf32> to vector<16xf32>
    %swap3A_198 = vector.shape_cast %broadcast_in_dim3A_194 : vector<16xf32> to vector<16xf32>
    tpu.vector_store %arg8[%swap3A_195], %swap3A_198 {strides = array<i32>} : memref<640xf32, #tpu.memory_space<vmem>>, vector<16xf32>,
    %broadcast_in_dim3A_199 = arith.constant 0.000000e+00 : f32
    %broadcast_in_dim3A_200 = vector.broadcast %broadcast_in_dim3A_199 : f32 to vector<16xf32>
    %swap3A_201 = arith.constant 400 : index
    %swap3A_202 = tpu.vector_load %arg8[%swap3A_201] {strides = array<i32>} : memref<640xf32, #tpu.memory_space<vmem>>, vector<16xf32>,
    %swap3A_203 = vector.shape_cast %swap3A_202 : vector<16xf32> to vector<16xf32>
    %swap3A_204 = vector.shape_cast %broadcast_in_dim3A_200 : vector<16xf32> to vector<16xf32>
    tpu.vector_store %arg8[%swap3A_201], %swap3A_204 {strides = array<i32>} : memref<640xf32, #tpu.memory_space<vmem>>, vector<16xf32>,
    %broadcast_in_dim3A_205 = arith.constant 0.000000e+00 : f32
    %broadcast_in_dim3A_206 = vector.broadcast %broadcast_in_dim3A_205 : f32 to vector<16xf32>
    %swap3A_207 = arith.constant 416 : index
    %swap3A_208 = tpu.vector_load %arg8[%swap3A_207] {strides = array<i32>} : memref<640xf32, #tpu.memory_space<vmem>>, vector<16xf32>,
    %swap3A_209 = vector.shape_cast %swap3A_208 : vector<16xf32> to vector<16xf32>
    %swap3A_210 = vector.shape_cast %broadcast_in_dim3A_206 : vector<16xf32> to vector<16xf32>
    tpu.vector_store %arg8[%swap3A_207], %swap3A_210 {strides = array<i32>} : memref<640xf32, #tpu.memory_space<vmem>>, vector<16xf32>,
    %broadcast_in_dim3A_211 = arith.constant 0.000000e+00 : f32
    %broadcast_in_dim3A_212 = vector.broadcast %broadcast_in_dim3A_211 : f32 to vector<16xf32>
    %swap3A_213 = arith.constant 432 : index
    %swap3A_214 = tpu.vector_load %arg8[%swap3A_213] {strides = array<i32>} : memref<640xf32, #tpu.memory_space<vmem>>, vector<16xf32>,
    %swap3A_215 = vector.shape_cast %swap3A_214 : vector<16xf32> to vector<16xf32>
    %swap3A_216 = vector.shape_cast %broadcast_in_dim3A_212 : vector<16xf32> to vector<16xf32>
    tpu.vector_store %arg8[%swap3A_213], %swap3A_216 {strides = array<i32>} : memref<640xf32, #tpu.memory_space<vmem>>, vector<16xf32>,
    %broadcast_in_dim3A_217 = arith.constant 0.000000e+00 : f32
    %broadcast_in_dim3A_218 = vector.broadcast %broadcast_in_dim3A_217 : f32 to vector<16xf32>
    %swap3A_219 = arith.constant 448 : index
    %swap3A_220 = tpu.vector_load %arg8[%swap3A_219] {strides = array<i32>} : memref<640xf32, #tpu.memory_space<vmem>>, vector<16xf32>,
    %swap3A_221 = vector.shape_cast %swap3A_220 : vector<16xf32> to vector<16xf32>
    %swap3A_222 = vector.shape_cast %broadcast_in_dim3A_218 : vector<16xf32> to vector<16xf32>
    tpu.vector_store %arg8[%swap3A_219], %swap3A_222 {strides = array<i32>} : memref<640xf32, #tpu.memory_space<vmem>>, vector<16xf32>,
    %broadcast_in_dim3A_223 = arith.constant 0.000000e+00 : f32
    %broadcast_in_dim3A_224 = vector.broadcast %broadcast_in_dim3A_223 : f32 to vector<16xf32>
    %swap3A_225 = arith.constant 464 : index
    %swap3A_226 = tpu.vector_load %arg8[%swap3A_225] {strides = array<i32>} : memref<640xf32, #tpu.memory_space<vmem>>, vector<16xf32>,
    %swap3A_227 = vector.shape_cast %swap3A_226 : vector<16xf32> to vector<16xf32>
    %swap3A_228 = vector.shape_cast %broadcast_in_dim3A_224 : vector<16xf32> to vector<16xf32>
    tpu.vector_store %arg8[%swap3A_225], %swap3A_228 {strides = array<i32>} : memref<640xf32, #tpu.memory_space<vmem>>, vector<16xf32>,
    %broadcast_in_dim3A_229 = arith.constant 0.000000e+00 : f32
    %broadcast_in_dim3A_230 = vector.broadcast %broadcast_in_dim3A_229 : f32 to vector<16xf32>
    %swap3A_231 = arith.constant 480 : index
    %swap3A_232 = tpu.vector_load %arg8[%swap3A_231] {strides = array<i32>} : memref<640xf32, #tpu.memory_space<vmem>>, vector<16xf32>,
    %swap3A_233 = vector.shape_cast %swap3A_232 : vector<16xf32> to vector<16xf32>
    %swap3A_234 = vector.shape_cast %broadcast_in_dim3A_230 : vector<16xf32> to vector<16xf32>
    tpu.vector_store %arg8[%swap3A_231], %swap3A_234 {strides = array<i32>} : memref<640xf32, #tpu.memory_space<vmem>>, vector<16xf32>,
    %broadcast_in_dim3A_235 = arith.constant 0.000000e+00 : f32
    %broadcast_in_dim3A_236 = vector.broadcast %broadcast_in_dim3A_235 : f32 to vector<16xf32>
    %swap3A_237 = arith.constant 496 : index
    %swap3A_238 = tpu.vector_load %arg8[%swap3A_237] {strides = array<i32>} : memref<640xf32, #tpu.memory_space<vmem>>, vector<16xf32>,
    %swap3A_239 = vector.shape_cast %swap3A_238 : vector<16xf32> to vector<16xf32>
    %swap3A_240 = vector.shape_cast %broadcast_in_dim3A_236 : vector<16xf32> to vector<16xf32>
    tpu.vector_store %arg8[%swap3A_237], %swap3A_240 {strides = array<i32>} : memref<640xf32, #tpu.memory_space<vmem>>, vector<16xf32>,
    %broadcast_in_dim3A_241 = arith.constant 0.000000e+00 : f32
    %broadcast_in_dim3A_242 = vector.broadcast %broadcast_in_dim3A_241 : f32 to vector<16xf32>
    %swap3A_243 = arith.constant 512 : index
    %swap3A_244 = tpu.vector_load %arg8[%swap3A_243] {strides = array<i32>} : memref<640xf32, #tpu.memory_space<vmem>>, vector<16xf32>,
    %swap3A_245 = vector.shape_cast %swap3A_244 : vector<16xf32> to vector<16xf32>
    %swap3A_246 = vector.shape_cast %broadcast_in_dim3A_242 : vector<16xf32> to vector<16xf32>
    tpu.vector_store %arg8[%swap3A_243], %swap3A_246 {strides = array<i32>} : memref<640xf32, #tpu.memory_space<vmem>>, vector<16xf32>,
    %broadcast_in_dim3A_247 = arith.constant 0.000000e+00 : f32
    %broadcast_in_dim3A_248 = vector.broadcast %broadcast_in_dim3A_247 : f32 to vector<16xf32>
    %swap3A_249 = arith.constant 528 : index
    %swap3A_250 = tpu.vector_load %arg8[%swap3A_249] {strides = array<i32>} : memref<640xf32, #tpu.memory_space<vmem>>, vector<16xf32>,
    %swap3A_251 = vector.shape_cast %swap3A_250 : vector<16xf32> to vector<16xf32>
    %swap3A_252 = vector.shape_cast %broadcast_in_dim3A_248 : vector<16xf32> to vector<16xf32>
    tpu.vector_store %arg8[%swap3A_249], %swap3A_252 {strides = array<i32>} : memref<640xf32, #tpu.memory_space<vmem>>, vector<16xf32>,
    %broadcast_in_dim3A_253 = arith.constant 0.000000e+00 : f32
    %broadcast_in_dim3A_254 = vector.broadcast %broadcast_in_dim3A_253 : f32 to vector<16xf32>
    %swap3A_255 = arith.constant 544 : index
    %swap3A_256 = tpu.vector_load %arg8[%swap3A_255] {strides = array<i32>} : memref<640xf32, #tpu.memory_space<vmem>>, vector<16xf32>,
    %swap3A_257 = vector.shape_cast %swap3A_256 : vector<16xf32> to vector<16xf32>
    %swap3A_258 = vector.shape_cast %broadcast_in_dim3A_254 : vector<16xf32> to vector<16xf32>
    tpu.vector_store %arg8[%swap3A_255], %swap3A_258 {strides = array<i32>} : memref<640xf32, #tpu.memory_space<vmem>>, vector<16xf32>,
    %broadcast_in_dim3A_259 = arith.constant 0.000000e+00 : f32
    %broadcast_in_dim3A_260 = vector.broadcast %broadcast_in_dim3A_259 : f32 to vector<16xf32>
    %swap3A_261 = arith.constant 560 : index
    %swap3A_262 = tpu.vector_load %arg8[%swap3A_261] {strides = array<i32>} : memref<640xf32, #tpu.memory_space<vmem>>, vector<16xf32>,
    %swap3A_263 = vector.shape_cast %swap3A_262 : vector<16xf32> to vector<16xf32>
    %swap3A_264 = vector.shape_cast %broadcast_in_dim3A_260 : vector<16xf32> to vector<16xf32>
    tpu.vector_store %arg8[%swap3A_261], %swap3A_264 {strides = array<i32>} : memref<640xf32, #tpu.memory_space<vmem>>, vector<16xf32>,
    %broadcast_in_dim3A_265 = arith.constant 0.000000e+00 : f32
    %broadcast_in_dim3A_266 = vector.broadcast %broadcast_in_dim3A_265 : f32 to vector<16xf32>
    %swap3A_267 = arith.constant 576 : index
    %swap3A_268 = tpu.vector_load %arg8[%swap3A_267] {strides = array<i32>} : memref<640xf32, #tpu.memory_space<vmem>>, vector<16xf32>,
    %swap3A_269 = vector.shape_cast %swap3A_268 : vector<16xf32> to vector<16xf32>
    %swap3A_270 = vector.shape_cast %broadcast_in_dim3A_266 : vector<16xf32> to vector<16xf32>
    tpu.vector_store %arg8[%swap3A_267], %swap3A_270 {strides = array<i32>} : memref<640xf32, #tpu.memory_space<vmem>>, vector<16xf32>,
    %broadcast_in_dim3A_271 = arith.constant 0.000000e+00 : f32
    %broadcast_in_dim3A_272 = vector.broadcast %broadcast_in_dim3A_271 : f32 to vector<16xf32>
    %swap3A_273 = arith.constant 592 : index
    %swap3A_274 = tpu.vector_load %arg8[%swap3A_273] {strides = array<i32>} : memref<640xf32, #tpu.memory_space<vmem>>, vector<16xf32>,
    %swap3A_275 = vector.shape_cast %swap3A_274 : vector<16xf32> to vector<16xf32>
    %swap3A_276 = vector.shape_cast %broadcast_in_dim3A_272 : vector<16xf32> to vector<16xf32>
    tpu.vector_store %arg8[%swap3A_273], %swap3A_276 {strides = array<i32>} : memref<640xf32, #tpu.memory_space<vmem>>, vector<16xf32>,
    %broadcast_in_dim3A_277 = arith.constant 0.000000e+00 : f32
    %broadcast_in_dim3A_278 = vector.broadcast %broadcast_in_dim3A_277 : f32 to vector<16xf32>
    %swap3A_279 = arith.constant 608 : index
    %swap3A_280 = tpu.vector_load %arg8[%swap3A_279] {strides = array<i32>} : memref<640xf32, #tpu.memory_space<vmem>>, vector<16xf32>,
    %swap3A_281 = vector.shape_cast %swap3A_280 : vector<16xf32> to vector<16xf32>
    %swap3A_282 = vector.shape_cast %broadcast_in_dim3A_278 : vector<16xf32> to vector<16xf32>
    tpu.vector_store %arg8[%swap3A_279], %swap3A_282 {strides = array<i32>} : memref<640xf32, #tpu.memory_space<vmem>>, vector<16xf32>,
    %broadcast_in_dim3A_283 = arith.constant 0.000000e+00 : f32
    %broadcast_in_dim3A_284 = vector.broadcast %broadcast_in_dim3A_283 : f32 to vector<16xf32>
    %swap3A_285 = arith.constant 624 : index
    %swap3A_286 = tpu.vector_load %arg8[%swap3A_285] {strides = array<i32>} : memref<640xf32, #tpu.memory_space<vmem>>, vector<16xf32>,
    %swap3A_287 = vector.shape_cast %swap3A_286 : vector<16xf32> to vector<16xf32>
    %swap3A_288 = vector.shape_cast %broadcast_in_dim3A_284 : vector<16xf32> to vector<16xf32>
    tpu.vector_store %arg8[%swap3A_285], %swap3A_288 {strides = array<i32>} : memref<640xf32, #tpu.memory_space<vmem>>, vector<16xf32>,
    %mul3A_289 = arith.constant 80 : i32
    %mul3A_290 = arith.muli %add3A, %mul3A_289 : i32
    "tpu.region"() ({
      %run_scoped3A = tpu.sem_alloc : memref<!tpu.dma_semaphore, #tpu.memory_space<semaphore_mem>>
      %dma_start3A = arith.constant 0 : i32
      %dma_start3A_303 = tpu.memref_slice %arg2[%mul3A_290, %dma_start3A] : memref<2560x128xi32, #tpu.memory_space<hbm>> -> memref<80x128xi32, #tpu.memory_space<hbm>>
      %dma_start3A_304 = arith.constant 0 : i32
      %dma_start3A_305 = tpu.memref_slice %arg2[%mul3A_290, %dma_start3A_304] : memref<2560x128xi32, #tpu.memory_space<hbm>> -> memref<80x128xi32, #tpu.memory_space<hbm>>
      tpu.enqueue_dma source(%dma_start3A_305 : memref<80x128xi32, #tpu.memory_space<hbm>>) target(%arg4 : memref<80x128xi32, #tpu.memory_space<vmem>>) target_semaphore(%run_scoped3A : memref<!tpu.dma_semaphore, #tpu.memory_space<semaphore_mem>>)
      %dma_wait3A_306 = arith.constant 0 : i32
      %dma_wait3A_307 = tpu.memref_slice %arg2[%mul3A_290, %dma_wait3A_306] : memref<2560x128xi32, #tpu.memory_space<hbm>> -> memref<80x128xi32, #tpu.memory_space<hbm>>
      %dma_wait3A_308 = arith.constant 0 : i32
      %dma_wait3A_309 = tpu.memref_slice %arg2[%mul3A_290, %dma_wait3A_308] : memref<2560x128xi32, #tpu.memory_space<hbm>> -> memref<80x128xi32, #tpu.memory_space<hbm>>
      tpu.wait_dma2 semaphore(%run_scoped3A : memref<!tpu.dma_semaphore, #tpu.memory_space<semaphore_mem>>) src(%dma_wait3A_309 : memref<80x128xi32, #tpu.memory_space<hbm>>) dst(%arg4 : memref<80x128xi32, #tpu.memory_space<vmem>>)
      tpu.yield
    }) : () -> ()
    "tpu.region"() ({
      %run_scoped3A = tpu.sem_alloc : memref<!tpu.dma_semaphore, #tpu.memory_space<semaphore_mem>>
      %dma_start3A = tpu.memref_slice %arg9[%mul3A_2] : memref<10240xf32, #tpu.memory_space<vmem_shared>> -> memref<640xf32, #tpu.memory_space<vmem_shared>>
      %dma_start3A_303 = tpu.memref_slice %arg9[%mul3A_2] : memref<10240xf32, #tpu.memory_space<vmem_shared>> -> memref<640xf32, #tpu.memory_space<vmem_shared>>
      tpu.enqueue_dma source(%arg8 : memref<640xf32, #tpu.memory_space<vmem>>) target(%dma_start3A_303 : memref<640xf32, #tpu.memory_space<vmem_shared>>) target_semaphore(%run_scoped3A : memref<!tpu.dma_semaphore, #tpu.memory_space<semaphore_mem>>)
      %dma_wait3A_304 = tpu.memref_slice %arg9[%mul3A_2] : memref<10240xf32, #tpu.memory_space<vmem_shared>> -> memref<640xf32, #tpu.memory_space<vmem_shared>>
      %dma_wait3A_305 = tpu.memref_slice %arg9[%mul3A_2] : memref<10240xf32, #tpu.memory_space<vmem_shared>> -> memref<640xf32, #tpu.memory_space<vmem_shared>>
      tpu.wait_dma2 semaphore(%run_scoped3A : memref<!tpu.dma_semaphore, #tpu.memory_space<semaphore_mem>>) src(%arg8 : memref<640xf32, #tpu.memory_space<vmem>>) dst(%dma_wait3A_305 : memref<640xf32, #tpu.memory_space<vmem_shared>>)
      tpu.yield
    }) : () -> ()
    %barrier3A = arith.constant 0 : index
    tpu.barrier barrier_id(%barrier3A)
    %scan3A = arith.constant 0 : i32
    %scan3A_291 = arith.constant 0 : i32
    %scan3A_292 = arith.constant 40 : i32
    %scan3A_293 = arith.addi %scan3A_291, %scan3A_292 : i32
    %scan3A_294 = arith.constant 1 : i32
    scf.for %scan3A_303 = %scan3A_291 to %scan3A_293 step %scan3A_294  : i32 {
      %gt3A = arith.constant 0 : i32
      %gt3A_304 = arith.cmpi sgt, %scan3A_303, %gt3A : i32
      %convert_element_type3A = arith.extui %gt3A_304 : i1 to i32
      %cond3A = arith.constant 0 : i32
      %cond3A_305 = arith.cmpi ne, %convert_element_type3A, %cond3A : i32
      scf.if %cond3A_305 {
        %dma_wait3A_536 = arith.constant 0 : i32
        %dma_wait3A_537 = tpu.memref_slice %arg9[%dma_wait3A_536] : memref<10240xf32, #tpu.memory_space<vmem_shared>> -> memref<10240xf32, #tpu.memory_space<vmem_shared>>
        tpu.wait_indirect_dma semaphore(%arg10 : memref<!tpu.dma_semaphore, #tpu.memory_space<semaphore_mem>>) src(%arg7 : memref<128xf32, #tpu.memory_space<vmem>>) dst(%dma_wait3A_537 : memref<10240xf32, #tpu.memory_space<vmem_shared>>)
      } else {
      }
      %mul3A_306 = arith.constant 2 : i32
      %mul3A_307 = arith.muli %mul3A_306, %scan3A_303 : i32
      %get3A = arith.index_cast %mul3A_307 : i32 to index
      %get3A_308 = arith.constant 0 : index
      %get3A_309 = tpu.vector_load %arg4[%get3A, %get3A_308] {strides = array<i32>} : memref<80x128xi32, #tpu.memory_space<vmem>>, vector<1x16xi32>,
      %get3A_310 = vector.shape_cast %get3A_309 : vector<1x16xi32> to vector<16xi32>
      %shift_right_arithmetic3A = arith.constant 16 : i32
      %shift_right_arithmetic3A_311 = vector.broadcast %shift_right_arithmetic3A : i32 to vector<16xi32>
      %shift_right_arithmetic3A_312 = arith.shrsi %get3A_310, %shift_right_arithmetic3A_311 : vector<16xi32>
      %swap3A_313 = arith.constant 0 : index
      %swap3A_314 = tpu.vector_load %arg5[%swap3A_313] {strides = array<i32>} : memref<128xi32, #tpu.memory_space<vmem>>, vector<16xi32>,
      %swap3A_315 = vector.shape_cast %swap3A_314 : vector<16xi32> to vector<16xi32>
      %swap3A_316 = vector.shape_cast %shift_right_arithmetic3A_312 : vector<16xi32> to vector<16xi32>
      tpu.vector_store %arg5[%swap3A_313], %swap3A_316 {strides = array<i32>} : memref<128xi32, #tpu.memory_space<vmem>>, vector<16xi32>,
      %mul3A_317 = arith.constant 2 : i32
      %mul3A_318 = arith.muli %mul3A_317, %scan3A_303 : i32
      %get3A_319 = arith.index_cast %mul3A_318 : i32 to index
      %get3A_320 = arith.constant 16 : index
      %get3A_321 = tpu.vector_load %arg4[%get3A_319, %get3A_320] {strides = array<i32>} : memref<80x128xi32, #tpu.memory_space<vmem>>, vector<1x16xi32>,
      %get3A_322 = vector.shape_cast %get3A_321 : vector<1x16xi32> to vector<16xi32>
      %shift_right_arithmetic3A_323 = arith.constant 16 : i32
      %shift_right_arithmetic3A_324 = vector.broadcast %shift_right_arithmetic3A_323 : i32 to vector<16xi32>
      %shift_right_arithmetic3A_325 = arith.shrsi %get3A_322, %shift_right_arithmetic3A_324 : vector<16xi32>
      %swap3A_326 = arith.constant 16 : index
      %swap3A_327 = tpu.vector_load %arg5[%swap3A_326] {strides = array<i32>} : memref<128xi32, #tpu.memory_space<vmem>>, vector<16xi32>,
      %swap3A_328 = vector.shape_cast %swap3A_327 : vector<16xi32> to vector<16xi32>
      %swap3A_329 = vector.shape_cast %shift_right_arithmetic3A_325 : vector<16xi32> to vector<16xi32>
      tpu.vector_store %arg5[%swap3A_326], %swap3A_329 {strides = array<i32>} : memref<128xi32, #tpu.memory_space<vmem>>, vector<16xi32>,
      %mul3A_330 = arith.constant 2 : i32
      %mul3A_331 = arith.muli %mul3A_330, %scan3A_303 : i32
      %get3A_332 = arith.index_cast %mul3A_331 : i32 to index
      %get3A_333 = arith.constant 32 : index
      %get3A_334 = tpu.vector_load %arg4[%get3A_332, %get3A_333] {strides = array<i32>} : memref<80x128xi32, #tpu.memory_space<vmem>>, vector<1x16xi32>,
      %get3A_335 = vector.shape_cast %get3A_334 : vector<1x16xi32> to vector<16xi32>
      %shift_right_arithmetic3A_336 = arith.constant 16 : i32
      %shift_right_arithmetic3A_337 = vector.broadcast %shift_right_arithmetic3A_336 : i32 to vector<16xi32>
      %shift_right_arithmetic3A_338 = arith.shrsi %get3A_335, %shift_right_arithmetic3A_337 : vector<16xi32>
      %swap3A_339 = arith.constant 32 : index
      %swap3A_340 = tpu.vector_load %arg5[%swap3A_339] {strides = array<i32>} : memref<128xi32, #tpu.memory_space<vmem>>, vector<16xi32>,
      %swap3A_341 = vector.shape_cast %swap3A_340 : vector<16xi32> to vector<16xi32>
      %swap3A_342 = vector.shape_cast %shift_right_arithmetic3A_338 : vector<16xi32> to vector<16xi32>
      tpu.vector_store %arg5[%swap3A_339], %swap3A_342 {strides = array<i32>} : memref<128xi32, #tpu.memory_space<vmem>>, vector<16xi32>,
      %mul3A_343 = arith.constant 2 : i32
      %mul3A_344 = arith.muli %mul3A_343, %scan3A_303 : i32
      %get3A_345 = arith.index_cast %mul3A_344 : i32 to index
      %get3A_346 = arith.constant 48 : index
      %get3A_347 = tpu.vector_load %arg4[%get3A_345, %get3A_346] {strides = array<i32>} : memref<80x128xi32, #tpu.memory_space<vmem>>, vector<1x16xi32>,
      %get3A_348 = vector.shape_cast %get3A_347 : vector<1x16xi32> to vector<16xi32>
      %shift_right_arithmetic3A_349 = arith.constant 16 : i32
      %shift_right_arithmetic3A_350 = vector.broadcast %shift_right_arithmetic3A_349 : i32 to vector<16xi32>
      %shift_right_arithmetic3A_351 = arith.shrsi %get3A_348, %shift_right_arithmetic3A_350 : vector<16xi32>
      %swap3A_352 = arith.constant 48 : index
      %swap3A_353 = tpu.vector_load %arg5[%swap3A_352] {strides = array<i32>} : memref<128xi32, #tpu.memory_space<vmem>>, vector<16xi32>,
      %swap3A_354 = vector.shape_cast %swap3A_353 : vector<16xi32> to vector<16xi32>
      %swap3A_355 = vector.shape_cast %shift_right_arithmetic3A_351 : vector<16xi32> to vector<16xi32>
      tpu.vector_store %arg5[%swap3A_352], %swap3A_355 {strides = array<i32>} : memref<128xi32, #tpu.memory_space<vmem>>, vector<16xi32>,
      %mul3A_356 = arith.constant 2 : i32
      %mul3A_357 = arith.muli %mul3A_356, %scan3A_303 : i32
      %get3A_358 = arith.index_cast %mul3A_357 : i32 to index
      %get3A_359 = arith.constant 64 : index
      %get3A_360 = tpu.vector_load %arg4[%get3A_358, %get3A_359] {strides = array<i32>} : memref<80x128xi32, #tpu.memory_space<vmem>>, vector<1x16xi32>,
      %get3A_361 = vector.shape_cast %get3A_360 : vector<1x16xi32> to vector<16xi32>
      %shift_right_arithmetic3A_362 = arith.constant 16 : i32
      %shift_right_arithmetic3A_363 = vector.broadcast %shift_right_arithmetic3A_362 : i32 to vector<16xi32>
      %shift_right_arithmetic3A_364 = arith.shrsi %get3A_361, %shift_right_arithmetic3A_363 : vector<16xi32>
      %swap3A_365 = arith.constant 64 : index
      %swap3A_366 = tpu.vector_load %arg5[%swap3A_365] {strides = array<i32>} : memref<128xi32, #tpu.memory_space<vmem>>, vector<16xi32>,
      %swap3A_367 = vector.shape_cast %swap3A_366 : vector<16xi32> to vector<16xi32>
      %swap3A_368 = vector.shape_cast %shift_right_arithmetic3A_364 : vector<16xi32> to vector<16xi32>
      tpu.vector_store %arg5[%swap3A_365], %swap3A_368 {strides = array<i32>} : memref<128xi32, #tpu.memory_space<vmem>>, vector<16xi32>,
      %mul3A_369 = arith.constant 2 : i32
      %mul3A_370 = arith.muli %mul3A_369, %scan3A_303 : i32
      %get3A_371 = arith.index_cast %mul3A_370 : i32 to index
      %get3A_372 = arith.constant 80 : index
      %get3A_373 = tpu.vector_load %arg4[%get3A_371, %get3A_372] {strides = array<i32>} : memref<80x128xi32, #tpu.memory_space<vmem>>, vector<1x16xi32>,
      %get3A_374 = vector.shape_cast %get3A_373 : vector<1x16xi32> to vector<16xi32>
      %shift_right_arithmetic3A_375 = arith.constant 16 : i32
      %shift_right_arithmetic3A_376 = vector.broadcast %shift_right_arithmetic3A_375 : i32 to vector<16xi32>
      %shift_right_arithmetic3A_377 = arith.shrsi %get3A_374, %shift_right_arithmetic3A_376 : vector<16xi32>
      %swap3A_378 = arith.constant 80 : index
      %swap3A_379 = tpu.vector_load %arg5[%swap3A_378] {strides = array<i32>} : memref<128xi32, #tpu.memory_space<vmem>>, vector<16xi32>,
      %swap3A_380 = vector.shape_cast %swap3A_379 : vector<16xi32> to vector<16xi32>
      %swap3A_381 = vector.shape_cast %shift_right_arithmetic3A_377 : vector<16xi32> to vector<16xi32>
      tpu.vector_store %arg5[%swap3A_378], %swap3A_381 {strides = array<i32>} : memref<128xi32, #tpu.memory_space<vmem>>, vector<16xi32>,
      %mul3A_382 = arith.constant 2 : i32
      %mul3A_383 = arith.muli %mul3A_382, %scan3A_303 : i32
      %get3A_384 = arith.index_cast %mul3A_383 : i32 to index
      %get3A_385 = arith.constant 96 : index
      %get3A_386 = tpu.vector_load %arg4[%get3A_384, %get3A_385] {strides = array<i32>} : memref<80x128xi32, #tpu.memory_space<vmem>>, vector<1x16xi32>,
      %get3A_387 = vector.shape_cast %get3A_386 : vector<1x16xi32> to vector<16xi32>
      %shift_right_arithmetic3A_388 = arith.constant 16 : i32
      %shift_right_arithmetic3A_389 = vector.broadcast %shift_right_arithmetic3A_388 : i32 to vector<16xi32>
      %shift_right_arithmetic3A_390 = arith.shrsi %get3A_387, %shift_right_arithmetic3A_389 : vector<16xi32>
      %swap3A_391 = arith.constant 96 : index
      %swap3A_392 = tpu.vector_load %arg5[%swap3A_391] {strides = array<i32>} : memref<128xi32, #tpu.memory_space<vmem>>, vector<16xi32>,
      %swap3A_393 = vector.shape_cast %swap3A_392 : vector<16xi32> to vector<16xi32>
      %swap3A_394 = vector.shape_cast %shift_right_arithmetic3A_390 : vector<16xi32> to vector<16xi32>
      tpu.vector_store %arg5[%swap3A_391], %swap3A_394 {strides = array<i32>} : memref<128xi32, #tpu.memory_space<vmem>>, vector<16xi32>,
      %mul3A_395 = arith.constant 2 : i32
      %mul3A_396 = arith.muli %mul3A_395, %scan3A_303 : i32
      %get3A_397 = arith.index_cast %mul3A_396 : i32 to index
      %get3A_398 = arith.constant 112 : index
      %get3A_399 = tpu.vector_load %arg4[%get3A_397, %get3A_398] {strides = array<i32>} : memref<80x128xi32, #tpu.memory_space<vmem>>, vector<1x16xi32>,
      %get3A_400 = vector.shape_cast %get3A_399 : vector<1x16xi32> to vector<16xi32>
      %shift_right_arithmetic3A_401 = arith.constant 16 : i32
      %shift_right_arithmetic3A_402 = vector.broadcast %shift_right_arithmetic3A_401 : i32 to vector<16xi32>
      %shift_right_arithmetic3A_403 = arith.shrsi %get3A_400, %shift_right_arithmetic3A_402 : vector<16xi32>
      %swap3A_404 = arith.constant 112 : index
      %swap3A_405 = tpu.vector_load %arg5[%swap3A_404] {strides = array<i32>} : memref<128xi32, #tpu.memory_space<vmem>>, vector<16xi32>,
      %swap3A_406 = vector.shape_cast %swap3A_405 : vector<16xi32> to vector<16xi32>
      %swap3A_407 = vector.shape_cast %shift_right_arithmetic3A_403 : vector<16xi32> to vector<16xi32>
      tpu.vector_store %arg5[%swap3A_404], %swap3A_407 {strides = array<i32>} : memref<128xi32, #tpu.memory_space<vmem>>, vector<16xi32>,
      %dma_start3A = arith.constant 0 : i32
      %dma_start3A_408 = tpu.memref_slice %arg9[%dma_start3A] : memref<10240xf32, #tpu.memory_space<vmem_shared>> -> memref<10240xf32, #tpu.memory_space<vmem_shared>>
      tpu.enqueue_indirect_dma source(%arg7 : memref<128xf32, #tpu.memory_space<vmem>>) target(%dma_start3A_408 : memref<10240xf32, #tpu.memory_space<vmem_shared>>) offsets(%arg5 : memref<128xi32, #tpu.memory_space<vmem>>) semaphore(%arg10 : memref<!tpu.dma_semaphore, #tpu.memory_space<semaphore_mem>>) {add = true}
      %gt3A_409 = arith.constant 0 : i32
      %gt3A_410 = arith.cmpi sgt, %scan3A_303, %gt3A_409 : i32
      %convert_element_type3A_411 = arith.extui %gt3A_410 : i1 to i32
      %cond3A_412 = arith.constant 0 : i32
      %cond3A_413 = arith.cmpi ne, %convert_element_type3A_411, %cond3A_412 : i32
      scf.if %cond3A_413 {
        %dma_wait3A_536 = arith.constant 0 : i32
        %dma_wait3A_537 = tpu.memref_slice %arg9[%dma_wait3A_536] : memref<10240xf32, #tpu.memory_space<vmem_shared>> -> memref<10240xf32, #tpu.memory_space<vmem_shared>>
        tpu.wait_indirect_dma semaphore(%arg11 : memref<!tpu.dma_semaphore, #tpu.memory_space<semaphore_mem>>) src(%arg7 : memref<128xf32, #tpu.memory_space<vmem>>) dst(%dma_wait3A_537 : memref<10240xf32, #tpu.memory_space<vmem_shared>>)
      } else {
      }
      %mul3A_414 = arith.constant 2 : i32
      %mul3A_415 = arith.muli %mul3A_414, %scan3A_303 : i32
      %add3A_416 = arith.constant 1 : i32
      %add3A_417 = arith.addi %mul3A_415, %add3A_416 : i32
      %get3A_418 = arith.index_cast %add3A_417 : i32 to index
      %get3A_419 = arith.constant 0 : index
      %get3A_420 = tpu.vector_load %arg4[%get3A_418, %get3A_419] {strides = array<i32>} : memref<80x128xi32, #tpu.memory_space<vmem>>, vector<1x16xi32>,
      %get3A_421 = vector.shape_cast %get3A_420 : vector<1x16xi32> to vector<16xi32>
      %shift_right_arithmetic3A_422 = arith.constant 16 : i32
      %shift_right_arithmetic3A_423 = vector.broadcast %shift_right_arithmetic3A_422 : i32 to vector<16xi32>
      %shift_right_arithmetic3A_424 = arith.shrsi %get3A_421, %shift_right_arithmetic3A_423 : vector<16xi32>
      %swap3A_425 = arith.constant 0 : index
      %swap3A_426 = tpu.vector_load %arg6[%swap3A_425] {strides = array<i32>} : memref<128xi32, #tpu.memory_space<vmem>>, vector<16xi32>,
      %swap3A_427 = vector.shape_cast %swap3A_426 : vector<16xi32> to vector<16xi32>
      %swap3A_428 = vector.shape_cast %shift_right_arithmetic3A_424 : vector<16xi32> to vector<16xi32>
      tpu.vector_store %arg6[%swap3A_425], %swap3A_428 {strides = array<i32>} : memref<128xi32, #tpu.memory_space<vmem>>, vector<16xi32>,
      %mul3A_429 = arith.constant 2 : i32
      %mul3A_430 = arith.muli %mul3A_429, %scan3A_303 : i32
      %add3A_431 = arith.constant 1 : i32
      %add3A_432 = arith.addi %mul3A_430, %add3A_431 : i32
      %get3A_433 = arith.index_cast %add3A_432 : i32 to index
      %get3A_434 = arith.constant 16 : index
      %get3A_435 = tpu.vector_load %arg4[%get3A_433, %get3A_434] {strides = array<i32>} : memref<80x128xi32, #tpu.memory_space<vmem>>, vector<1x16xi32>,
      %get3A_436 = vector.shape_cast %get3A_435 : vector<1x16xi32> to vector<16xi32>
      %shift_right_arithmetic3A_437 = arith.constant 16 : i32
      %shift_right_arithmetic3A_438 = vector.broadcast %shift_right_arithmetic3A_437 : i32 to vector<16xi32>
      %shift_right_arithmetic3A_439 = arith.shrsi %get3A_436, %shift_right_arithmetic3A_438 : vector<16xi32>
      %swap3A_440 = arith.constant 16 : index
      %swap3A_441 = tpu.vector_load %arg6[%swap3A_440] {strides = array<i32>} : memref<128xi32, #tpu.memory_space<vmem>>, vector<16xi32>,
      %swap3A_442 = vector.shape_cast %swap3A_441 : vector<16xi32> to vector<16xi32>
      %swap3A_443 = vector.shape_cast %shift_right_arithmetic3A_439 : vector<16xi32> to vector<16xi32>
      tpu.vector_store %arg6[%swap3A_440], %swap3A_443 {strides = array<i32>} : memref<128xi32, #tpu.memory_space<vmem>>, vector<16xi32>,
      %mul3A_444 = arith.constant 2 : i32
      %mul3A_445 = arith.muli %mul3A_444, %scan3A_303 : i32
      %add3A_446 = arith.constant 1 : i32
      %add3A_447 = arith.addi %mul3A_445, %add3A_446 : i32
      %get3A_448 = arith.index_cast %add3A_447 : i32 to index
      %get3A_449 = arith.constant 32 : index
      %get3A_450 = tpu.vector_load %arg4[%get3A_448, %get3A_449] {strides = array<i32>} : memref<80x128xi32, #tpu.memory_space<vmem>>, vector<1x16xi32>,
      %get3A_451 = vector.shape_cast %get3A_450 : vector<1x16xi32> to vector<16xi32>
      %shift_right_arithmetic3A_452 = arith.constant 16 : i32
      %shift_right_arithmetic3A_453 = vector.broadcast %shift_right_arithmetic3A_452 : i32 to vector<16xi32>
      %shift_right_arithmetic3A_454 = arith.shrsi %get3A_451, %shift_right_arithmetic3A_453 : vector<16xi32>
      %swap3A_455 = arith.constant 32 : index
      %swap3A_456 = tpu.vector_load %arg6[%swap3A_455] {strides = array<i32>} : memref<128xi32, #tpu.memory_space<vmem>>, vector<16xi32>,
      %swap3A_457 = vector.shape_cast %swap3A_456 : vector<16xi32> to vector<16xi32>
      %swap3A_458 = vector.shape_cast %shift_right_arithmetic3A_454 : vector<16xi32> to vector<16xi32>
      tpu.vector_store %arg6[%swap3A_455], %swap3A_458 {strides = array<i32>} : memref<128xi32, #tpu.memory_space<vmem>>, vector<16xi32>,
      %mul3A_459 = arith.constant 2 : i32
      %mul3A_460 = arith.muli %mul3A_459, %scan3A_303 : i32
      %add3A_461 = arith.constant 1 : i32
      %add3A_462 = arith.addi %mul3A_460, %add3A_461 : i32
      %get3A_463 = arith.index_cast %add3A_462 : i32 to index
      %get3A_464 = arith.constant 48 : index
      %get3A_465 = tpu.vector_load %arg4[%get3A_463, %get3A_464] {strides = array<i32>} : memref<80x128xi32, #tpu.memory_space<vmem>>, vector<1x16xi32>,
      %get3A_466 = vector.shape_cast %get3A_465 : vector<1x16xi32> to vector<16xi32>
      %shift_right_arithmetic3A_467 = arith.constant 16 : i32
      %shift_right_arithmetic3A_468 = vector.broadcast %shift_right_arithmetic3A_467 : i32 to vector<16xi32>
      %shift_right_arithmetic3A_469 = arith.shrsi %get3A_466, %shift_right_arithmetic3A_468 : vector<16xi32>
      %swap3A_470 = arith.constant 48 : index
      %swap3A_471 = tpu.vector_load %arg6[%swap3A_470] {strides = array<i32>} : memref<128xi32, #tpu.memory_space<vmem>>, vector<16xi32>,
      %swap3A_472 = vector.shape_cast %swap3A_471 : vector<16xi32> to vector<16xi32>
      %swap3A_473 = vector.shape_cast %shift_right_arithmetic3A_469 : vector<16xi32> to vector<16xi32>
      tpu.vector_store %arg6[%swap3A_470], %swap3A_473 {strides = array<i32>} : memref<128xi32, #tpu.memory_space<vmem>>, vector<16xi32>,
      %mul3A_474 = arith.constant 2 : i32
      %mul3A_475 = arith.muli %mul3A_474, %scan3A_303 : i32
      %add3A_476 = arith.constant 1 : i32
      %add3A_477 = arith.addi %mul3A_475, %add3A_476 : i32
      %get3A_478 = arith.index_cast %add3A_477 : i32 to index
      %get3A_479 = arith.constant 64 : index
      %get3A_480 = tpu.vector_load %arg4[%get3A_478, %get3A_479] {strides = array<i32>} : memref<80x128xi32, #tpu.memory_space<vmem>>, vector<1x16xi32>,
      %get3A_481 = vector.shape_cast %get3A_480 : vector<1x16xi32> to vector<16xi32>
      %shift_right_arithmetic3A_482 = arith.constant 16 : i32
      %shift_right_arithmetic3A_483 = vector.broadcast %shift_right_arithmetic3A_482 : i32 to vector<16xi32>
      %shift_right_arithmetic3A_484 = arith.shrsi %get3A_481, %shift_right_arithmetic3A_483 : vector<16xi32>
      %swap3A_485 = arith.constant 64 : index
      %swap3A_486 = tpu.vector_load %arg6[%swap3A_485] {strides = array<i32>} : memref<128xi32, #tpu.memory_space<vmem>>, vector<16xi32>,
      %swap3A_487 = vector.shape_cast %swap3A_486 : vector<16xi32> to vector<16xi32>
      %swap3A_488 = vector.shape_cast %shift_right_arithmetic3A_484 : vector<16xi32> to vector<16xi32>
      tpu.vector_store %arg6[%swap3A_485], %swap3A_488 {strides = array<i32>} : memref<128xi32, #tpu.memory_space<vmem>>, vector<16xi32>,
      %mul3A_489 = arith.constant 2 : i32
      %mul3A_490 = arith.muli %mul3A_489, %scan3A_303 : i32
      %add3A_491 = arith.constant 1 : i32
      %add3A_492 = arith.addi %mul3A_490, %add3A_491 : i32
      %get3A_493 = arith.index_cast %add3A_492 : i32 to index
      %get3A_494 = arith.constant 80 : index
      %get3A_495 = tpu.vector_load %arg4[%get3A_493, %get3A_494] {strides = array<i32>} : memref<80x128xi32, #tpu.memory_space<vmem>>, vector<1x16xi32>,
      %get3A_496 = vector.shape_cast %get3A_495 : vector<1x16xi32> to vector<16xi32>
      %shift_right_arithmetic3A_497 = arith.constant 16 : i32
      %shift_right_arithmetic3A_498 = vector.broadcast %shift_right_arithmetic3A_497 : i32 to vector<16xi32>
      %shift_right_arithmetic3A_499 = arith.shrsi %get3A_496, %shift_right_arithmetic3A_498 : vector<16xi32>
      %swap3A_500 = arith.constant 80 : index
      %swap3A_501 = tpu.vector_load %arg6[%swap3A_500] {strides = array<i32>} : memref<128xi32, #tpu.memory_space<vmem>>, vector<16xi32>,
      %swap3A_502 = vector.shape_cast %swap3A_501 : vector<16xi32> to vector<16xi32>
      %swap3A_503 = vector.shape_cast %shift_right_arithmetic3A_499 : vector<16xi32> to vector<16xi32>
      tpu.vector_store %arg6[%swap3A_500], %swap3A_503 {strides = array<i32>} : memref<128xi32, #tpu.memory_space<vmem>>, vector<16xi32>,
      %mul3A_504 = arith.constant 2 : i32
      %mul3A_505 = arith.muli %mul3A_504, %scan3A_303 : i32
      %add3A_506 = arith.constant 1 : i32
      %add3A_507 = arith.addi %mul3A_505, %add3A_506 : i32
      %get3A_508 = arith.index_cast %add3A_507 : i32 to index
      %get3A_509 = arith.constant 96 : index
      %get3A_510 = tpu.vector_load %arg4[%get3A_508, %get3A_509] {strides = array<i32>} : memref<80x128xi32, #tpu.memory_space<vmem>>, vector<1x16xi32>,
      %get3A_511 = vector.shape_cast %get3A_510 : vector<1x16xi32> to vector<16xi32>
      %shift_right_arithmetic3A_512 = arith.constant 16 : i32
      %shift_right_arithmetic3A_513 = vector.broadcast %shift_right_arithmetic3A_512 : i32 to vector<16xi32>
      %shift_right_arithmetic3A_514 = arith.shrsi %get3A_511, %shift_right_arithmetic3A_513 : vector<16xi32>
      %swap3A_515 = arith.constant 96 : index
      %swap3A_516 = tpu.vector_load %arg6[%swap3A_515] {strides = array<i32>} : memref<128xi32, #tpu.memory_space<vmem>>, vector<16xi32>,
      %swap3A_517 = vector.shape_cast %swap3A_516 : vector<16xi32> to vector<16xi32>
      %swap3A_518 = vector.shape_cast %shift_right_arithmetic3A_514 : vector<16xi32> to vector<16xi32>
      tpu.vector_store %arg6[%swap3A_515], %swap3A_518 {strides = array<i32>} : memref<128xi32, #tpu.memory_space<vmem>>, vector<16xi32>,
      %mul3A_519 = arith.constant 2 : i32
      %mul3A_520 = arith.muli %mul3A_519, %scan3A_303 : i32
      %add3A_521 = arith.constant 1 : i32
      %add3A_522 = arith.addi %mul3A_520, %add3A_521 : i32
      %get3A_523 = arith.index_cast %add3A_522 : i32 to index
      %get3A_524 = arith.constant 112 : index
      %get3A_525 = tpu.vector_load %arg4[%get3A_523, %get3A_524] {strides = array<i32>} : memref<80x128xi32, #tpu.memory_space<vmem>>, vector<1x16xi32>,
      %get3A_526 = vector.shape_cast %get3A_525 : vector<1x16xi32> to vector<16xi32>
      %shift_right_arithmetic3A_527 = arith.constant 16 : i32
      %shift_right_arithmetic3A_528 = vector.broadcast %shift_right_arithmetic3A_527 : i32 to vector<16xi32>
      %shift_right_arithmetic3A_529 = arith.shrsi %get3A_526, %shift_right_arithmetic3A_528 : vector<16xi32>
      %swap3A_530 = arith.constant 112 : index
      %swap3A_531 = tpu.vector_load %arg6[%swap3A_530] {strides = array<i32>} : memref<128xi32, #tpu.memory_space<vmem>>, vector<16xi32>,
      %swap3A_532 = vector.shape_cast %swap3A_531 : vector<16xi32> to vector<16xi32>
      %swap3A_533 = vector.shape_cast %shift_right_arithmetic3A_529 : vector<16xi32> to vector<16xi32>
      tpu.vector_store %arg6[%swap3A_530], %swap3A_533 {strides = array<i32>} : memref<128xi32, #tpu.memory_space<vmem>>, vector<16xi32>,
      %dma_start3A_534 = arith.constant 0 : i32
      %dma_start3A_535 = tpu.memref_slice %arg9[%dma_start3A_534] : memref<10240xf32, #tpu.memory_space<vmem_shared>> -> memref<10240xf32, #tpu.memory_space<vmem_shared>>
      tpu.enqueue_indirect_dma source(%arg7 : memref<128xf32, #tpu.memory_space<vmem>>) target(%dma_start3A_535 : memref<10240xf32, #tpu.memory_space<vmem_shared>>) offsets(%arg6 : memref<128xi32, #tpu.memory_space<vmem>>) semaphore(%arg11 : memref<!tpu.dma_semaphore, #tpu.memory_space<semaphore_mem>>) {add = true}
    }
    %scan3A_295 = arith.constant 40 : i32
    %dma_wait3A = arith.constant 0 : i32
    %dma_wait3A_296 = tpu.memref_slice %arg9[%dma_wait3A] : memref<10240xf32, #tpu.memory_space<vmem_shared>> -> memref<10240xf32, #tpu.memory_space<vmem_shared>>
    tpu.wait_indirect_dma semaphore(%arg10 : memref<!tpu.dma_semaphore, #tpu.memory_space<semaphore_mem>>) src(%arg7 : memref<128xf32, #tpu.memory_space<vmem>>) dst(%dma_wait3A_296 : memref<10240xf32, #tpu.memory_space<vmem_shared>>)
    %dma_wait3A_297 = arith.constant 0 : i32
    %dma_wait3A_298 = tpu.memref_slice %arg9[%dma_wait3A_297] : memref<10240xf32, #tpu.memory_space<vmem_shared>> -> memref<10240xf32, #tpu.memory_space<vmem_shared>>
    tpu.wait_indirect_dma semaphore(%arg11 : memref<!tpu.dma_semaphore, #tpu.memory_space<semaphore_mem>>) src(%arg7 : memref<128xf32, #tpu.memory_space<vmem>>) dst(%dma_wait3A_298 : memref<10240xf32, #tpu.memory_space<vmem_shared>>)
    %barrier3A_299 = arith.constant 0 : index
    tpu.barrier barrier_id(%barrier3A_299)
    %mul3A_300 = arith.constant 10240 : i32
    %mul3A_301 = arith.muli %arg0, %mul3A_300 : i32
    %add3A_302 = arith.addi %mul3A_301, %mul3A_2 : i32
    "tpu.region"() ({
      %run_scoped3A = tpu.sem_alloc : memref<!tpu.dma_semaphore, #tpu.memory_space<semaphore_mem>>
      %dma_start3A = tpu.memref_slice %arg3[%add3A_302] : memref<20480xf32, #tpu.memory_space<hbm>> -> memref<640xf32, #tpu.memory_space<hbm>>
      %dma_start3A_303 = tpu.memref_slice %arg9[%mul3A_2] : memref<10240xf32, #tpu.memory_space<vmem_shared>> -> memref<640xf32, #tpu.memory_space<vmem_shared>>
      tpu.enqueue_dma source(%dma_start3A_303 : memref<640xf32, #tpu.memory_space<vmem_shared>>) target(%dma_start3A : memref<640xf32, #tpu.memory_space<hbm>>) target_semaphore(%run_scoped3A : memref<!tpu.dma_semaphore, #tpu.memory_space<semaphore_mem>>)
      %dma_wait3A_304 = tpu.memref_slice %arg3[%add3A_302] : memref<20480xf32, #tpu.memory_space<hbm>> -> memref<640xf32, #tpu.memory_space<hbm>>
      %dma_wait3A_305 = tpu.memref_slice %arg9[%mul3A_2] : memref<10240xf32, #tpu.memory_space<vmem_shared>> -> memref<640xf32, #tpu.memory_space<vmem_shared>>
      tpu.wait_dma2 semaphore(%run_scoped3A : memref<!tpu.dma_semaphore, #tpu.memory_space<semaphore_mem>>) src(%dma_wait3A_305 : memref<640xf32, #tpu.memory_space<vmem_shared>>) dst(%dma_wait3A_304 : memref<640xf32, #tpu.memory_space<hbm>>)
      tpu.yield
    }) : () -> ()
    return
  }
}

#map = affine_map<(d0, d1) -> (0, 0)>
module attributes {stable_mosaic.version = 14 : i64} {
  func.func @_scatter_kernel(%arg0: i32, %arg1: i32, %arg2: memref<10240x128xf32, #tpu.memory_space<hbm>>, %arg3: memref<2560x128xi32, #tpu.memory_space<hbm>>, %arg4: memref<640x128xf32, #tpu.memory_space<hbm>>, %arg5: memref<20480x128xf32, #tpu.memory_space<hbm>>, %arg6: memref<80x128xi32, #tpu.memory_space<vmem>>, %arg7: memref<2x32xi32, #tpu.memory_space<vmem>>, %arg8: memref<2x32xi32, #tpu.memory_space<vmem>>, %arg9: memref<2x32xi32, #tpu.memory_space<vmem>>, %arg10: memref<2x32xi32, #tpu.memory_space<vmem>>, %arg11: memref<2x32xi32, #tpu.memory_space<vmem>>, %arg12: memref<2x32xi32, #tpu.memory_space<vmem>>, %arg13: memref<2x32xi32, #tpu.memory_space<vmem>>, %arg14: memref<2x32xi32, #tpu.memory_space<vmem>>, %arg15: memref<32x128xf32, #tpu.memory_space<vmem>>, %arg16: memref<32x128xf32, #tpu.memory_space<vmem>>, %arg17: memref<32x128xf32, #tpu.memory_space<vmem>>, %arg18: memref<32x128xf32, #tpu.memory_space<vmem>>, %arg19: memref<32x128xf32, #tpu.memory_space<vmem>>, %arg20: memref<32x128xf32, #tpu.memory_space<vmem>>, %arg21: memref<32x128xf32, #tpu.memory_space<vmem>>, %arg22: memref<32x128xf32, #tpu.memory_space<vmem>>, %arg23: memref<10240x128xf32, #tpu.memory_space<vmem_shared>>, %arg24: memref<!tpu.dma_semaphore, #tpu.memory_space<semaphore_mem>>, %arg25: memref<!tpu.dma_semaphore, #tpu.memory_space<semaphore_mem>>, %arg26: memref<!tpu.dma_semaphore, #tpu.memory_space<semaphore_mem>>, %arg27: memref<!tpu.dma_semaphore, #tpu.memory_space<semaphore_mem>>, %arg28: memref<!tpu.dma_semaphore, #tpu.memory_space<semaphore_mem>>, %arg29: memref<!tpu.dma_semaphore, #tpu.memory_space<semaphore_mem>>, %arg30: memref<!tpu.dma_semaphore, #tpu.memory_space<semaphore_mem>>, %arg31: memref<!tpu.dma_semaphore, #tpu.memory_space<semaphore_mem>>, %arg32: memref<!tpu.dma_semaphore, #tpu.memory_space<semaphore_mem>>, %arg33: memref<!tpu.dma_semaphore, #tpu.memory_space<semaphore_mem>>, %arg34: memref<!tpu.dma_semaphore, #tpu.memory_space<semaphore_mem>>, %arg35: memref<!tpu.dma_semaphore, #tpu.memory_space<semaphore_mem>>, %arg36: memref<!tpu.dma_semaphore, #tpu.memory_space<semaphore_mem>>, %arg37: memref<!tpu.dma_semaphore, #tpu.memory_space<semaphore_mem>>, %arg38: memref<!tpu.dma_semaphore, #tpu.memory_space<semaphore_mem>>, %arg39: memref<!tpu.dma_semaphore, #tpu.memory_space<semaphore_mem>>) attributes {dimension_semantics = [#tpu.dimension_semantics<core_parallel>, #tpu.dimension_semantics<subcore_parallel>], iteration_bounds = array<i64: 2, 16>, scalar_prefetch = 0 : i64, scratch_operands = 34 : i64, tpu.core_type = #tpu.core_type<sc_vector_subcore>, window_params = [{transform_indices = #map}, {transform_indices = #map}, {transform_indices = #map}, {transform_indices = #map}]} {
    %mul3A = arith.constant 16 : i32
    %mul3A_0 = arith.muli %arg0, %mul3A : i32
    %add3A = arith.addi %mul3A_0, %arg1 : i32
    %mul3A_1 = arith.constant 640 : i32
    %mul3A_2 = arith.muli %arg1, %mul3A_1 : i32
    %mul3A_3 = arith.constant 80 : i32
    %mul3A_4 = arith.muli %add3A, %mul3A_3 : i32
    "tpu.region"() ({
      %run_scoped3A = tpu.sem_alloc : memref<!tpu.dma_semaphore, #tpu.memory_space<semaphore_mem>>
      %dma_start3A = arith.constant 0 : i32
      %dma_start3A_75 = tpu.memref_slice %arg3[%mul3A_4, %dma_start3A] : memref<2560x128xi32, #tpu.memory_space<hbm>> -> memref<80x128xi32, #tpu.memory_space<hbm>>
      %dma_start3A_76 = arith.constant 0 : i32
      %dma_start3A_77 = tpu.memref_slice %arg3[%mul3A_4, %dma_start3A_76] : memref<2560x128xi32, #tpu.memory_space<hbm>> -> memref<80x128xi32, #tpu.memory_space<hbm>>
      tpu.enqueue_dma source(%dma_start3A_77 : memref<80x128xi32, #tpu.memory_space<hbm>>) target(%arg6 : memref<80x128xi32, #tpu.memory_space<vmem>>) target_semaphore(%run_scoped3A : memref<!tpu.dma_semaphore, #tpu.memory_space<semaphore_mem>>)
      %dma_wait3A_78 = arith.constant 0 : i32
      %dma_wait3A_79 = tpu.memref_slice %arg3[%mul3A_4, %dma_wait3A_78] : memref<2560x128xi32, #tpu.memory_space<hbm>> -> memref<80x128xi32, #tpu.memory_space<hbm>>
      %dma_wait3A_80 = arith.constant 0 : i32
      %dma_wait3A_81 = tpu.memref_slice %arg3[%mul3A_4, %dma_wait3A_80] : memref<2560x128xi32, #tpu.memory_space<hbm>> -> memref<80x128xi32, #tpu.memory_space<hbm>>
      tpu.wait_dma2 semaphore(%run_scoped3A : memref<!tpu.dma_semaphore, #tpu.memory_space<semaphore_mem>>) src(%dma_wait3A_81 : memref<80x128xi32, #tpu.memory_space<hbm>>) dst(%arg6 : memref<80x128xi32, #tpu.memory_space<vmem>>)
      tpu.yield
    }) : () -> ()
    %eq3A = arith.constant 0 : i32
    %eq3A_5 = arith.cmpi eq, %arg0, %eq3A : i32
    %convert_element_type3A = arith.extui %eq3A_5 : i1 to i32
    %cond3A = arith.constant 0 : i32
    %cond3A_6 = arith.cmpi ne, %convert_element_type3A, %cond3A : i32
    scf.if %cond3A_6 {
      "tpu.region"() ({
        %run_scoped3A = tpu.sem_alloc : memref<!tpu.dma_semaphore, #tpu.memory_space<semaphore_mem>>
        %dma_start3A = arith.constant 0 : i32
        %dma_start3A_75 = tpu.memref_slice %arg23[%mul3A_2, %dma_start3A] : memref<10240x128xf32, #tpu.memory_space<vmem_shared>> -> memref<640x128xf32, #tpu.memory_space<vmem_shared>>
        %dma_start3A_76 = arith.constant 0 : i32
        %dma_start3A_77 = tpu.memref_slice %arg2[%mul3A_2, %dma_start3A_76] : memref<10240x128xf32, #tpu.memory_space<hbm>> -> memref<640x128xf32, #tpu.memory_space<hbm>>
        tpu.enqueue_dma source(%dma_start3A_77 : memref<640x128xf32, #tpu.memory_space<hbm>>) target(%dma_start3A_75 : memref<640x128xf32, #tpu.memory_space<vmem_shared>>) target_semaphore(%run_scoped3A : memref<!tpu.dma_semaphore, #tpu.memory_space<semaphore_mem>>)
        %dma_wait3A_78 = arith.constant 0 : i32
        %dma_wait3A_79 = tpu.memref_slice %arg23[%mul3A_2, %dma_wait3A_78] : memref<10240x128xf32, #tpu.memory_space<vmem_shared>> -> memref<640x128xf32, #tpu.memory_space<vmem_shared>>
        %dma_wait3A_80 = arith.constant 0 : i32
        %dma_wait3A_81 = tpu.memref_slice %arg2[%mul3A_2, %dma_wait3A_80] : memref<10240x128xf32, #tpu.memory_space<hbm>> -> memref<640x128xf32, #tpu.memory_space<hbm>>
        tpu.wait_dma2 semaphore(%run_scoped3A : memref<!tpu.dma_semaphore, #tpu.memory_space<semaphore_mem>>) src(%dma_wait3A_81 : memref<640x128xf32, #tpu.memory_space<hbm>>) dst(%dma_wait3A_79 : memref<640x128xf32, #tpu.memory_space<vmem_shared>>)
        tpu.yield
      }) : () -> ()
    } else {
    }
    %ne3A = arith.constant 0 : i32
    %ne3A_7 = arith.cmpi ne, %arg0, %ne3A : i32
    %convert_element_type3A_8 = arith.extui %ne3A_7 : i1 to i32
    %cond3A_9 = arith.constant 0 : i32
    %cond3A_10 = arith.cmpi ne, %convert_element_type3A_8, %cond3A_9 : i32
    scf.if %cond3A_10 {
      "tpu.region"() ({
        %run_scoped3A = tpu.sem_alloc : memref<!tpu.dma_semaphore, #tpu.memory_space<semaphore_mem>>
        %dma_start3A = arith.constant 0 : i32
        %dma_start3A_75 = tpu.memref_slice %arg23[%mul3A_2, %dma_start3A] : memref<10240x128xf32, #tpu.memory_space<vmem_shared>> -> memref<640x128xf32, #tpu.memory_space<vmem_shared>>
        tpu.enqueue_dma source(%arg4 : memref<640x128xf32, #tpu.memory_space<hbm>>) target(%dma_start3A_75 : memref<640x128xf32, #tpu.memory_space<vmem_shared>>) target_semaphore(%run_scoped3A : memref<!tpu.dma_semaphore, #tpu.memory_space<semaphore_mem>>)
        %dma_wait3A_76 = arith.constant 0 : i32
        %dma_wait3A_77 = tpu.memref_slice %arg23[%mul3A_2, %dma_wait3A_76] : memref<10240x128xf32, #tpu.memory_space<vmem_shared>> -> memref<640x128xf32, #tpu.memory_space<vmem_shared>>
        tpu.wait_dma2 semaphore(%run_scoped3A : memref<!tpu.dma_semaphore, #tpu.memory_space<semaphore_mem>>) src(%arg4 : memref<640x128xf32, #tpu.memory_space<hbm>>) dst(%dma_wait3A_77 : memref<640x128xf32, #tpu.memory_space<vmem_shared>>)
        tpu.yield
      }) : () -> ()
    } else {
    }
    %barrier3A = arith.constant 0 : index
    tpu.barrier barrier_id(%barrier3A)
    %scan3A = arith.constant 0 : i32
    %scan3A_11 = arith.constant 0 : i32
    %scan3A_12 = arith.constant 40 : i32
    %scan3A_13 = arith.addi %scan3A_11, %scan3A_12 : i32
    %scan3A_14 = arith.constant 1 : i32
    scf.for %scan3A_75 = %scan3A_11 to %scan3A_13 step %scan3A_14  : i32 {
      %mul3A_76 = arith.constant 2 : i32
      %mul3A_77 = arith.muli %mul3A_76, %scan3A_75 : i32
      %add3A_78 = arith.constant 0 : i32
      %add3A_79 = arith.addi %mul3A_77, %add3A_78 : i32
      %gt3A = arith.constant 0 : i32
      %gt3A_80 = arith.cmpi sgt, %scan3A_75, %gt3A : i32
      %convert_element_type3A_81 = arith.extui %gt3A_80 : i1 to i32
      %cond3A_82 = arith.constant 0 : i32
      %cond3A_83 = arith.cmpi ne, %convert_element_type3A_81, %cond3A_82 : i32
      scf.if %cond3A_83 {
        %dma_wait3A_662 = arith.constant 1 : i32
        %dma_wait3A_663 = arith.constant 0 : i32
        %dma_wait3A_664 = tpu.memref_slice %arg7[%dma_wait3A_662, %dma_wait3A_663] : memref<2x32xi32, #tpu.memory_space<vmem>> -> memref<1x32xi32, #tpu.memory_space<vmem>>
        %dma_wait3A_665 = tpu.memref_squeeze %dma_wait3A_664 : memref<1x32xi32, #tpu.memory_space<vmem>> -> memref<32xi32, #tpu.memory_space<vmem>>
        %dma_wait3A_666 = arith.constant 0 : i32
        %dma_wait3A_667 = arith.constant 0 : i32
        %dma_wait3A_668 = tpu.memref_slice %arg23[%dma_wait3A_666, %dma_wait3A_667] : memref<10240x128xf32, #tpu.memory_space<vmem_shared>> -> memref<10240x128xf32, #tpu.memory_space<vmem_shared>>
        tpu.wait_indirect_dma semaphore(%arg32 : memref<!tpu.dma_semaphore, #tpu.memory_space<semaphore_mem>>) src(%arg15 : memref<32x128xf32, #tpu.memory_space<vmem>>) dst(%dma_wait3A_668 : memref<10240x128xf32, #tpu.memory_space<vmem_shared>>)
      } else {
      }
      %get3A = arith.index_cast %add3A_79 : i32 to index
      %get3A_84 = arith.constant 0 : index
      %get3A_85 = tpu.vector_load %arg6[%get3A, %get3A_84] {strides = array<i32>} : memref<80x128xi32, #tpu.memory_space<vmem>>, vector<1x16xi32>,
      %get3A_86 = vector.shape_cast %get3A_85 : vector<1x16xi32> to vector<16xi32>
      %and3A = arith.constant 65535 : i32
      %and3A_87 = vector.broadcast %and3A : i32 to vector<16xi32>
      %and3A_88 = arith.andi %get3A_86, %and3A_87 : vector<16xi32>
      %swap3A = arith.constant 0 : i32
      %swap3A_89 = arith.index_cast %swap3A : i32 to index
      %swap3A_90 = arith.constant 0 : index
      %swap3A_91 = tpu.vector_load %arg7[%swap3A_89, %swap3A_90] {strides = array<i32>} : memref<2x32xi32, #tpu.memory_space<vmem>>, vector<1x16xi32>,
      %swap3A_92 = vector.shape_cast %swap3A_91 : vector<1x16xi32> to vector<16xi32>
      %swap3A_93 = vector.shape_cast %and3A_88 : vector<16xi32> to vector<1x16xi32>
      tpu.vector_store %arg7[%swap3A_89, %swap3A_90], %swap3A_93 {strides = array<i32>} : memref<2x32xi32, #tpu.memory_space<vmem>>, vector<1x16xi32>,
      %shift_right_arithmetic3A = arith.constant 16 : i32
      %shift_right_arithmetic3A_94 = vector.broadcast %shift_right_arithmetic3A : i32 to vector<16xi32>
      %shift_right_arithmetic3A_95 = arith.shrsi %get3A_86, %shift_right_arithmetic3A_94 : vector<16xi32>
      %swap3A_96 = arith.constant 1 : i32
      %swap3A_97 = arith.index_cast %swap3A_96 : i32 to index
      %swap3A_98 = arith.constant 0 : index
      %swap3A_99 = tpu.vector_load %arg7[%swap3A_97, %swap3A_98] {strides = array<i32>} : memref<2x32xi32, #tpu.memory_space<vmem>>, vector<1x16xi32>,
      %swap3A_100 = vector.shape_cast %swap3A_99 : vector<1x16xi32> to vector<16xi32>
      %swap3A_101 = vector.shape_cast %shift_right_arithmetic3A_95 : vector<16xi32> to vector<1x16xi32>
      tpu.vector_store %arg7[%swap3A_97, %swap3A_98], %swap3A_101 {strides = array<i32>} : memref<2x32xi32, #tpu.memory_space<vmem>>, vector<1x16xi32>,
      %get3A_102 = arith.index_cast %add3A_79 : i32 to index
      %get3A_103 = arith.constant 16 : index
      %get3A_104 = tpu.vector_load %arg6[%get3A_102, %get3A_103] {strides = array<i32>} : memref<80x128xi32, #tpu.memory_space<vmem>>, vector<1x16xi32>,
      %get3A_105 = vector.shape_cast %get3A_104 : vector<1x16xi32> to vector<16xi32>
      %and3A_106 = arith.constant 65535 : i32
      %and3A_107 = vector.broadcast %and3A_106 : i32 to vector<16xi32>
      %and3A_108 = arith.andi %get3A_105, %and3A_107 : vector<16xi32>
      %swap3A_109 = arith.constant 0 : i32
      %swap3A_110 = arith.index_cast %swap3A_109 : i32 to index
      %swap3A_111 = arith.constant 16 : index
      %swap3A_112 = tpu.vector_load %arg7[%swap3A_110, %swap3A_111] {strides = array<i32>} : memref<2x32xi32, #tpu.memory_space<vmem>>, vector<1x16xi32>,
      %swap3A_113 = vector.shape_cast %swap3A_112 : vector<1x16xi32> to vector<16xi32>
      %swap3A_114 = vector.shape_cast %and3A_108 : vector<16xi32> to vector<1x16xi32>
      tpu.vector_store %arg7[%swap3A_110, %swap3A_111], %swap3A_114 {strides = array<i32>} : memref<2x32xi32, #tpu.memory_space<vmem>>, vector<1x16xi32>,
      %shift_right_arithmetic3A_115 = arith.constant 16 : i32
      %shift_right_arithmetic3A_116 = vector.broadcast %shift_right_arithmetic3A_115 : i32 to vector<16xi32>
      %shift_right_arithmetic3A_117 = arith.shrsi %get3A_105, %shift_right_arithmetic3A_116 : vector<16xi32>
      %swap3A_118 = arith.constant 1 : i32
      %swap3A_119 = arith.index_cast %swap3A_118 : i32 to index
      %swap3A_120 = arith.constant 16 : index
      %swap3A_121 = tpu.vector_load %arg7[%swap3A_119, %swap3A_120] {strides = array<i32>} : memref<2x32xi32, #tpu.memory_space<vmem>>, vector<1x16xi32>,
      %swap3A_122 = vector.shape_cast %swap3A_121 : vector<1x16xi32> to vector<16xi32>
      %swap3A_123 = vector.shape_cast %shift_right_arithmetic3A_117 : vector<16xi32> to vector<1x16xi32>
      tpu.vector_store %arg7[%swap3A_119, %swap3A_120], %swap3A_123 {strides = array<i32>} : memref<2x32xi32, #tpu.memory_space<vmem>>, vector<1x16xi32>,
      %dma_start3A = arith.constant 0 : i32
      %dma_start3A_124 = arith.constant 0 : i32
      %dma_start3A_125 = tpu.memref_slice %arg7[%dma_start3A, %dma_start3A_124] : memref<2x32xi32, #tpu.memory_space<vmem>> -> memref<1x32xi32, #tpu.memory_space<vmem>>
      %dma_start3A_126 = tpu.memref_squeeze %dma_start3A_125 : memref<1x32xi32, #tpu.memory_space<vmem>> -> memref<32xi32, #tpu.memory_space<vmem>>
      %dma_start3A_127 = arith.constant 0 : i32
      %dma_start3A_128 = arith.constant 0 : i32
      %dma_start3A_129 = tpu.memref_slice %arg2[%dma_start3A_127, %dma_start3A_128] : memref<10240x128xf32, #tpu.memory_space<hbm>> -> memref<10240x128xf32, #tpu.memory_space<hbm>>
      tpu.enqueue_indirect_dma source(%dma_start3A_129 : memref<10240x128xf32, #tpu.memory_space<hbm>>) target(%arg15 : memref<32x128xf32, #tpu.memory_space<vmem>>) offsets(%dma_start3A_126 : memref<32xi32, #tpu.memory_space<vmem>>) semaphore(%arg24 : memref<!tpu.dma_semaphore, #tpu.memory_space<semaphore_mem>>)
      %mul3A_130 = arith.constant 2 : i32
      %mul3A_131 = arith.muli %mul3A_130, %scan3A_75 : i32
      %add3A_132 = arith.constant 0 : i32
      %add3A_133 = arith.addi %mul3A_131, %add3A_132 : i32
      %gt3A_134 = arith.constant 0 : i32
      %gt3A_135 = arith.cmpi sgt, %scan3A_75, %gt3A_134 : i32
      %convert_element_type3A_136 = arith.extui %gt3A_135 : i1 to i32
      %cond3A_137 = arith.constant 0 : i32
      %cond3A_138 = arith.cmpi ne, %convert_element_type3A_136, %cond3A_137 : i32
      scf.if %cond3A_138 {
        %dma_wait3A_662 = arith.constant 1 : i32
        %dma_wait3A_663 = arith.constant 0 : i32
        %dma_wait3A_664 = tpu.memref_slice %arg8[%dma_wait3A_662, %dma_wait3A_663] : memref<2x32xi32, #tpu.memory_space<vmem>> -> memref<1x32xi32, #tpu.memory_space<vmem>>
        %dma_wait3A_665 = tpu.memref_squeeze %dma_wait3A_664 : memref<1x32xi32, #tpu.memory_space<vmem>> -> memref<32xi32, #tpu.memory_space<vmem>>
        %dma_wait3A_666 = arith.constant 0 : i32
        %dma_wait3A_667 = arith.constant 0 : i32
        %dma_wait3A_668 = tpu.memref_slice %arg23[%dma_wait3A_666, %dma_wait3A_667] : memref<10240x128xf32, #tpu.memory_space<vmem_shared>> -> memref<10240x128xf32, #tpu.memory_space<vmem_shared>>
        tpu.wait_indirect_dma semaphore(%arg33 : memref<!tpu.dma_semaphore, #tpu.memory_space<semaphore_mem>>) src(%arg16 : memref<32x128xf32, #tpu.memory_space<vmem>>) dst(%dma_wait3A_668 : memref<10240x128xf32, #tpu.memory_space<vmem_shared>>)
      } else {
      }
      %get3A_139 = arith.index_cast %add3A_133 : i32 to index
      %get3A_140 = arith.constant 32 : index
      %get3A_141 = tpu.vector_load %arg6[%get3A_139, %get3A_140] {strides = array<i32>} : memref<80x128xi32, #tpu.memory_space<vmem>>, vector<1x16xi32>,
      %get3A_142 = vector.shape_cast %get3A_141 : vector<1x16xi32> to vector<16xi32>
      %and3A_143 = arith.constant 65535 : i32
      %and3A_144 = vector.broadcast %and3A_143 : i32 to vector<16xi32>
      %and3A_145 = arith.andi %get3A_142, %and3A_144 : vector<16xi32>
      %swap3A_146 = arith.constant 0 : i32
      %swap3A_147 = arith.index_cast %swap3A_146 : i32 to index
      %swap3A_148 = arith.constant 0 : index
      %swap3A_149 = tpu.vector_load %arg8[%swap3A_147, %swap3A_148] {strides = array<i32>} : memref<2x32xi32, #tpu.memory_space<vmem>>, vector<1x16xi32>,
      %swap3A_150 = vector.shape_cast %swap3A_149 : vector<1x16xi32> to vector<16xi32>
      %swap3A_151 = vector.shape_cast %and3A_145 : vector<16xi32> to vector<1x16xi32>
      tpu.vector_store %arg8[%swap3A_147, %swap3A_148], %swap3A_151 {strides = array<i32>} : memref<2x32xi32, #tpu.memory_space<vmem>>, vector<1x16xi32>,
      %shift_right_arithmetic3A_152 = arith.constant 16 : i32
      %shift_right_arithmetic3A_153 = vector.broadcast %shift_right_arithmetic3A_152 : i32 to vector<16xi32>
      %shift_right_arithmetic3A_154 = arith.shrsi %get3A_142, %shift_right_arithmetic3A_153 : vector<16xi32>
      %swap3A_155 = arith.constant 1 : i32
      %swap3A_156 = arith.index_cast %swap3A_155 : i32 to index
      %swap3A_157 = arith.constant 0 : index
      %swap3A_158 = tpu.vector_load %arg8[%swap3A_156, %swap3A_157] {strides = array<i32>} : memref<2x32xi32, #tpu.memory_space<vmem>>, vector<1x16xi32>,
      %swap3A_159 = vector.shape_cast %swap3A_158 : vector<1x16xi32> to vector<16xi32>
      %swap3A_160 = vector.shape_cast %shift_right_arithmetic3A_154 : vector<16xi32> to vector<1x16xi32>
      tpu.vector_store %arg8[%swap3A_156, %swap3A_157], %swap3A_160 {strides = array<i32>} : memref<2x32xi32, #tpu.memory_space<vmem>>, vector<1x16xi32>,
      %get3A_161 = arith.index_cast %add3A_133 : i32 to index
      %get3A_162 = arith.constant 48 : index
      %get3A_163 = tpu.vector_load %arg6[%get3A_161, %get3A_162] {strides = array<i32>} : memref<80x128xi32, #tpu.memory_space<vmem>>, vector<1x16xi32>,
      %get3A_164 = vector.shape_cast %get3A_163 : vector<1x16xi32> to vector<16xi32>
      %and3A_165 = arith.constant 65535 : i32
      %and3A_166 = vector.broadcast %and3A_165 : i32 to vector<16xi32>
      %and3A_167 = arith.andi %get3A_164, %and3A_166 : vector<16xi32>
      %swap3A_168 = arith.constant 0 : i32
      %swap3A_169 = arith.index_cast %swap3A_168 : i32 to index
      %swap3A_170 = arith.constant 16 : index
      %swap3A_171 = tpu.vector_load %arg8[%swap3A_169, %swap3A_170] {strides = array<i32>} : memref<2x32xi32, #tpu.memory_space<vmem>>, vector<1x16xi32>,
      %swap3A_172 = vector.shape_cast %swap3A_171 : vector<1x16xi32> to vector<16xi32>
      %swap3A_173 = vector.shape_cast %and3A_167 : vector<16xi32> to vector<1x16xi32>
      tpu.vector_store %arg8[%swap3A_169, %swap3A_170], %swap3A_173 {strides = array<i32>} : memref<2x32xi32, #tpu.memory_space<vmem>>, vector<1x16xi32>,
      %shift_right_arithmetic3A_174 = arith.constant 16 : i32
      %shift_right_arithmetic3A_175 = vector.broadcast %shift_right_arithmetic3A_174 : i32 to vector<16xi32>
      %shift_right_arithmetic3A_176 = arith.shrsi %get3A_164, %shift_right_arithmetic3A_175 : vector<16xi32>
      %swap3A_177 = arith.constant 1 : i32
      %swap3A_178 = arith.index_cast %swap3A_177 : i32 to index
      %swap3A_179 = arith.constant 16 : index
      %swap3A_180 = tpu.vector_load %arg8[%swap3A_178, %swap3A_179] {strides = array<i32>} : memref<2x32xi32, #tpu.memory_space<vmem>>, vector<1x16xi32>,
      %swap3A_181 = vector.shape_cast %swap3A_180 : vector<1x16xi32> to vector<16xi32>
      %swap3A_182 = vector.shape_cast %shift_right_arithmetic3A_176 : vector<16xi32> to vector<1x16xi32>
      tpu.vector_store %arg8[%swap3A_178, %swap3A_179], %swap3A_182 {strides = array<i32>} : memref<2x32xi32, #tpu.memory_space<vmem>>, vector<1x16xi32>,
      %dma_start3A_183 = arith.constant 0 : i32
      %dma_start3A_184 = arith.constant 0 : i32
      %dma_start3A_185 = tpu.memref_slice %arg8[%dma_start3A_183, %dma_start3A_184] : memref<2x32xi32, #tpu.memory_space<vmem>> -> memref<1x32xi32, #tpu.memory_space<vmem>>
      %dma_start3A_186 = tpu.memref_squeeze %dma_start3A_185 : memref<1x32xi32, #tpu.memory_space<vmem>> -> memref<32xi32, #tpu.memory_space<vmem>>
      %dma_start3A_187 = arith.constant 0 : i32
      %dma_start3A_188 = arith.constant 0 : i32
      %dma_start3A_189 = tpu.memref_slice %arg2[%dma_start3A_187, %dma_start3A_188] : memref<10240x128xf32, #tpu.memory_space<hbm>> -> memref<10240x128xf32, #tpu.memory_space<hbm>>
      tpu.enqueue_indirect_dma source(%dma_start3A_189 : memref<10240x128xf32, #tpu.memory_space<hbm>>) target(%arg16 : memref<32x128xf32, #tpu.memory_space<vmem>>) offsets(%dma_start3A_186 : memref<32xi32, #tpu.memory_space<vmem>>) semaphore(%arg25 : memref<!tpu.dma_semaphore, #tpu.memory_space<semaphore_mem>>)
      %mul3A_190 = arith.constant 2 : i32
      %mul3A_191 = arith.muli %mul3A_190, %scan3A_75 : i32
      %add3A_192 = arith.constant 0 : i32
      %add3A_193 = arith.addi %mul3A_191, %add3A_192 : i32
      %gt3A_194 = arith.constant 0 : i32
      %gt3A_195 = arith.cmpi sgt, %scan3A_75, %gt3A_194 : i32
      %convert_element_type3A_196 = arith.extui %gt3A_195 : i1 to i32
      %cond3A_197 = arith.constant 0 : i32
      %cond3A_198 = arith.cmpi ne, %convert_element_type3A_196, %cond3A_197 : i32
      scf.if %cond3A_198 {
        %dma_wait3A_662 = arith.constant 1 : i32
        %dma_wait3A_663 = arith.constant 0 : i32
        %dma_wait3A_664 = tpu.memref_slice %arg9[%dma_wait3A_662, %dma_wait3A_663] : memref<2x32xi32, #tpu.memory_space<vmem>> -> memref<1x32xi32, #tpu.memory_space<vmem>>
        %dma_wait3A_665 = tpu.memref_squeeze %dma_wait3A_664 : memref<1x32xi32, #tpu.memory_space<vmem>> -> memref<32xi32, #tpu.memory_space<vmem>>
        %dma_wait3A_666 = arith.constant 0 : i32
        %dma_wait3A_667 = arith.constant 0 : i32
        %dma_wait3A_668 = tpu.memref_slice %arg23[%dma_wait3A_666, %dma_wait3A_667] : memref<10240x128xf32, #tpu.memory_space<vmem_shared>> -> memref<10240x128xf32, #tpu.memory_space<vmem_shared>>
        tpu.wait_indirect_dma semaphore(%arg34 : memref<!tpu.dma_semaphore, #tpu.memory_space<semaphore_mem>>) src(%arg17 : memref<32x128xf32, #tpu.memory_space<vmem>>) dst(%dma_wait3A_668 : memref<10240x128xf32, #tpu.memory_space<vmem_shared>>)
      } else {
      }
      %get3A_199 = arith.index_cast %add3A_193 : i32 to index
      %get3A_200 = arith.constant 64 : index
      %get3A_201 = tpu.vector_load %arg6[%get3A_199, %get3A_200] {strides = array<i32>} : memref<80x128xi32, #tpu.memory_space<vmem>>, vector<1x16xi32>,
      %get3A_202 = vector.shape_cast %get3A_201 : vector<1x16xi32> to vector<16xi32>
      %and3A_203 = arith.constant 65535 : i32
      %and3A_204 = vector.broadcast %and3A_203 : i32 to vector<16xi32>
      %and3A_205 = arith.andi %get3A_202, %and3A_204 : vector<16xi32>
      %swap3A_206 = arith.constant 0 : i32
      %swap3A_207 = arith.index_cast %swap3A_206 : i32 to index
      %swap3A_208 = arith.constant 0 : index
      %swap3A_209 = tpu.vector_load %arg9[%swap3A_207, %swap3A_208] {strides = array<i32>} : memref<2x32xi32, #tpu.memory_space<vmem>>, vector<1x16xi32>,
      %swap3A_210 = vector.shape_cast %swap3A_209 : vector<1x16xi32> to vector<16xi32>
      %swap3A_211 = vector.shape_cast %and3A_205 : vector<16xi32> to vector<1x16xi32>
      tpu.vector_store %arg9[%swap3A_207, %swap3A_208], %swap3A_211 {strides = array<i32>} : memref<2x32xi32, #tpu.memory_space<vmem>>, vector<1x16xi32>,
      %shift_right_arithmetic3A_212 = arith.constant 16 : i32
      %shift_right_arithmetic3A_213 = vector.broadcast %shift_right_arithmetic3A_212 : i32 to vector<16xi32>
      %shift_right_arithmetic3A_214 = arith.shrsi %get3A_202, %shift_right_arithmetic3A_213 : vector<16xi32>
      %swap3A_215 = arith.constant 1 : i32
      %swap3A_216 = arith.index_cast %swap3A_215 : i32 to index
      %swap3A_217 = arith.constant 0 : index
      %swap3A_218 = tpu.vector_load %arg9[%swap3A_216, %swap3A_217] {strides = array<i32>} : memref<2x32xi32, #tpu.memory_space<vmem>>, vector<1x16xi32>,
      %swap3A_219 = vector.shape_cast %swap3A_218 : vector<1x16xi32> to vector<16xi32>
      %swap3A_220 = vector.shape_cast %shift_right_arithmetic3A_214 : vector<16xi32> to vector<1x16xi32>
      tpu.vector_store %arg9[%swap3A_216, %swap3A_217], %swap3A_220 {strides = array<i32>} : memref<2x32xi32, #tpu.memory_space<vmem>>, vector<1x16xi32>,
      %get3A_221 = arith.index_cast %add3A_193 : i32 to index
      %get3A_222 = arith.constant 80 : index
      %get3A_223 = tpu.vector_load %arg6[%get3A_221, %get3A_222] {strides = array<i32>} : memref<80x128xi32, #tpu.memory_space<vmem>>, vector<1x16xi32>,
      %get3A_224 = vector.shape_cast %get3A_223 : vector<1x16xi32> to vector<16xi32>
      %and3A_225 = arith.constant 65535 : i32
      %and3A_226 = vector.broadcast %and3A_225 : i32 to vector<16xi32>
      %and3A_227 = arith.andi %get3A_224, %and3A_226 : vector<16xi32>
      %swap3A_228 = arith.constant 0 : i32
      %swap3A_229 = arith.index_cast %swap3A_228 : i32 to index
      %swap3A_230 = arith.constant 16 : index
      %swap3A_231 = tpu.vector_load %arg9[%swap3A_229, %swap3A_230] {strides = array<i32>} : memref<2x32xi32, #tpu.memory_space<vmem>>, vector<1x16xi32>,
      %swap3A_232 = vector.shape_cast %swap3A_231 : vector<1x16xi32> to vector<16xi32>
      %swap3A_233 = vector.shape_cast %and3A_227 : vector<16xi32> to vector<1x16xi32>
      tpu.vector_store %arg9[%swap3A_229, %swap3A_230], %swap3A_233 {strides = array<i32>} : memref<2x32xi32, #tpu.memory_space<vmem>>, vector<1x16xi32>,
      %shift_right_arithmetic3A_234 = arith.constant 16 : i32
      %shift_right_arithmetic3A_235 = vector.broadcast %shift_right_arithmetic3A_234 : i32 to vector<16xi32>
      %shift_right_arithmetic3A_236 = arith.shrsi %get3A_224, %shift_right_arithmetic3A_235 : vector<16xi32>
      %swap3A_237 = arith.constant 1 : i32
      %swap3A_238 = arith.index_cast %swap3A_237 : i32 to index
      %swap3A_239 = arith.constant 16 : index
      %swap3A_240 = tpu.vector_load %arg9[%swap3A_238, %swap3A_239] {strides = array<i32>} : memref<2x32xi32, #tpu.memory_space<vmem>>, vector<1x16xi32>,
      %swap3A_241 = vector.shape_cast %swap3A_240 : vector<1x16xi32> to vector<16xi32>
      %swap3A_242 = vector.shape_cast %shift_right_arithmetic3A_236 : vector<16xi32> to vector<1x16xi32>
      tpu.vector_store %arg9[%swap3A_238, %swap3A_239], %swap3A_242 {strides = array<i32>} : memref<2x32xi32, #tpu.memory_space<vmem>>, vector<1x16xi32>,
      %dma_start3A_243 = arith.constant 0 : i32
      %dma_start3A_244 = arith.constant 0 : i32
      %dma_start3A_245 = tpu.memref_slice %arg9[%dma_start3A_243, %dma_start3A_244] : memref<2x32xi32, #tpu.memory_space<vmem>> -> memref<1x32xi32, #tpu.memory_space<vmem>>
      %dma_start3A_246 = tpu.memref_squeeze %dma_start3A_245 : memref<1x32xi32, #tpu.memory_space<vmem>> -> memref<32xi32, #tpu.memory_space<vmem>>
      %dma_start3A_247 = arith.constant 0 : i32
      %dma_start3A_248 = arith.constant 0 : i32
      %dma_start3A_249 = tpu.memref_slice %arg2[%dma_start3A_247, %dma_start3A_248] : memref<10240x128xf32, #tpu.memory_space<hbm>> -> memref<10240x128xf32, #tpu.memory_space<hbm>>
      tpu.enqueue_indirect_dma source(%dma_start3A_249 : memref<10240x128xf32, #tpu.memory_space<hbm>>) target(%arg17 : memref<32x128xf32, #tpu.memory_space<vmem>>) offsets(%dma_start3A_246 : memref<32xi32, #tpu.memory_space<vmem>>) semaphore(%arg26 : memref<!tpu.dma_semaphore, #tpu.memory_space<semaphore_mem>>)
      %mul3A_250 = arith.constant 2 : i32
      %mul3A_251 = arith.muli %mul3A_250, %scan3A_75 : i32
      %add3A_252 = arith.constant 0 : i32
      %add3A_253 = arith.addi %mul3A_251, %add3A_252 : i32
      %gt3A_254 = arith.constant 0 : i32
      %gt3A_255 = arith.cmpi sgt, %scan3A_75, %gt3A_254 : i32
      %convert_element_type3A_256 = arith.extui %gt3A_255 : i1 to i32
      %cond3A_257 = arith.constant 0 : i32
      %cond3A_258 = arith.cmpi ne, %convert_element_type3A_256, %cond3A_257 : i32
      scf.if %cond3A_258 {
        %dma_wait3A_662 = arith.constant 1 : i32
        %dma_wait3A_663 = arith.constant 0 : i32
        %dma_wait3A_664 = tpu.memref_slice %arg10[%dma_wait3A_662, %dma_wait3A_663] : memref<2x32xi32, #tpu.memory_space<vmem>> -> memref<1x32xi32, #tpu.memory_space<vmem>>
        %dma_wait3A_665 = tpu.memref_squeeze %dma_wait3A_664 : memref<1x32xi32, #tpu.memory_space<vmem>> -> memref<32xi32, #tpu.memory_space<vmem>>
        %dma_wait3A_666 = arith.constant 0 : i32
        %dma_wait3A_667 = arith.constant 0 : i32
        %dma_wait3A_668 = tpu.memref_slice %arg23[%dma_wait3A_666, %dma_wait3A_667] : memref<10240x128xf32, #tpu.memory_space<vmem_shared>> -> memref<10240x128xf32, #tpu.memory_space<vmem_shared>>
        tpu.wait_indirect_dma semaphore(%arg35 : memref<!tpu.dma_semaphore, #tpu.memory_space<semaphore_mem>>) src(%arg18 : memref<32x128xf32, #tpu.memory_space<vmem>>) dst(%dma_wait3A_668 : memref<10240x128xf32, #tpu.memory_space<vmem_shared>>)
      } else {
      }
      %get3A_259 = arith.index_cast %add3A_253 : i32 to index
      %get3A_260 = arith.constant 96 : index
      %get3A_261 = tpu.vector_load %arg6[%get3A_259, %get3A_260] {strides = array<i32>} : memref<80x128xi32, #tpu.memory_space<vmem>>, vector<1x16xi32>,
      %get3A_262 = vector.shape_cast %get3A_261 : vector<1x16xi32> to vector<16xi32>
      %and3A_263 = arith.constant 65535 : i32
      %and3A_264 = vector.broadcast %and3A_263 : i32 to vector<16xi32>
      %and3A_265 = arith.andi %get3A_262, %and3A_264 : vector<16xi32>
      %swap3A_266 = arith.constant 0 : i32
      %swap3A_267 = arith.index_cast %swap3A_266 : i32 to index
      %swap3A_268 = arith.constant 0 : index
      %swap3A_269 = tpu.vector_load %arg10[%swap3A_267, %swap3A_268] {strides = array<i32>} : memref<2x32xi32, #tpu.memory_space<vmem>>, vector<1x16xi32>,
      %swap3A_270 = vector.shape_cast %swap3A_269 : vector<1x16xi32> to vector<16xi32>
      %swap3A_271 = vector.shape_cast %and3A_265 : vector<16xi32> to vector<1x16xi32>
      tpu.vector_store %arg10[%swap3A_267, %swap3A_268], %swap3A_271 {strides = array<i32>} : memref<2x32xi32, #tpu.memory_space<vmem>>, vector<1x16xi32>,
      %shift_right_arithmetic3A_272 = arith.constant 16 : i32
      %shift_right_arithmetic3A_273 = vector.broadcast %shift_right_arithmetic3A_272 : i32 to vector<16xi32>
      %shift_right_arithmetic3A_274 = arith.shrsi %get3A_262, %shift_right_arithmetic3A_273 : vector<16xi32>
      %swap3A_275 = arith.constant 1 : i32
      %swap3A_276 = arith.index_cast %swap3A_275 : i32 to index
      %swap3A_277 = arith.constant 0 : index
      %swap3A_278 = tpu.vector_load %arg10[%swap3A_276, %swap3A_277] {strides = array<i32>} : memref<2x32xi32, #tpu.memory_space<vmem>>, vector<1x16xi32>,
      %swap3A_279 = vector.shape_cast %swap3A_278 : vector<1x16xi32> to vector<16xi32>
      %swap3A_280 = vector.shape_cast %shift_right_arithmetic3A_274 : vector<16xi32> to vector<1x16xi32>
      tpu.vector_store %arg10[%swap3A_276, %swap3A_277], %swap3A_280 {strides = array<i32>} : memref<2x32xi32, #tpu.memory_space<vmem>>, vector<1x16xi32>,
      %get3A_281 = arith.index_cast %add3A_253 : i32 to index
      %get3A_282 = arith.constant 112 : index
      %get3A_283 = tpu.vector_load %arg6[%get3A_281, %get3A_282] {strides = array<i32>} : memref<80x128xi32, #tpu.memory_space<vmem>>, vector<1x16xi32>,
      %get3A_284 = vector.shape_cast %get3A_283 : vector<1x16xi32> to vector<16xi32>
      %and3A_285 = arith.constant 65535 : i32
      %and3A_286 = vector.broadcast %and3A_285 : i32 to vector<16xi32>
      %and3A_287 = arith.andi %get3A_284, %and3A_286 : vector<16xi32>
      %swap3A_288 = arith.constant 0 : i32
      %swap3A_289 = arith.index_cast %swap3A_288 : i32 to index
      %swap3A_290 = arith.constant 16 : index
      %swap3A_291 = tpu.vector_load %arg10[%swap3A_289, %swap3A_290] {strides = array<i32>} : memref<2x32xi32, #tpu.memory_space<vmem>>, vector<1x16xi32>,
      %swap3A_292 = vector.shape_cast %swap3A_291 : vector<1x16xi32> to vector<16xi32>
      %swap3A_293 = vector.shape_cast %and3A_287 : vector<16xi32> to vector<1x16xi32>
      tpu.vector_store %arg10[%swap3A_289, %swap3A_290], %swap3A_293 {strides = array<i32>} : memref<2x32xi32, #tpu.memory_space<vmem>>, vector<1x16xi32>,
      %shift_right_arithmetic3A_294 = arith.constant 16 : i32
      %shift_right_arithmetic3A_295 = vector.broadcast %shift_right_arithmetic3A_294 : i32 to vector<16xi32>
      %shift_right_arithmetic3A_296 = arith.shrsi %get3A_284, %shift_right_arithmetic3A_295 : vector<16xi32>
      %swap3A_297 = arith.constant 1 : i32
      %swap3A_298 = arith.index_cast %swap3A_297 : i32 to index
      %swap3A_299 = arith.constant 16 : index
      %swap3A_300 = tpu.vector_load %arg10[%swap3A_298, %swap3A_299] {strides = array<i32>} : memref<2x32xi32, #tpu.memory_space<vmem>>, vector<1x16xi32>,
      %swap3A_301 = vector.shape_cast %swap3A_300 : vector<1x16xi32> to vector<16xi32>
      %swap3A_302 = vector.shape_cast %shift_right_arithmetic3A_296 : vector<16xi32> to vector<1x16xi32>
      tpu.vector_store %arg10[%swap3A_298, %swap3A_299], %swap3A_302 {strides = array<i32>} : memref<2x32xi32, #tpu.memory_space<vmem>>, vector<1x16xi32>,
      %dma_start3A_303 = arith.constant 0 : i32
      %dma_start3A_304 = arith.constant 0 : i32
      %dma_start3A_305 = tpu.memref_slice %arg10[%dma_start3A_303, %dma_start3A_304] : memref<2x32xi32, #tpu.memory_space<vmem>> -> memref<1x32xi32, #tpu.memory_space<vmem>>
      %dma_start3A_306 = tpu.memref_squeeze %dma_start3A_305 : memref<1x32xi32, #tpu.memory_space<vmem>> -> memref<32xi32, #tpu.memory_space<vmem>>
      %dma_start3A_307 = arith.constant 0 : i32
      %dma_start3A_308 = arith.constant 0 : i32
      %dma_start3A_309 = tpu.memref_slice %arg2[%dma_start3A_307, %dma_start3A_308] : memref<10240x128xf32, #tpu.memory_space<hbm>> -> memref<10240x128xf32, #tpu.memory_space<hbm>>
      tpu.enqueue_indirect_dma source(%dma_start3A_309 : memref<10240x128xf32, #tpu.memory_space<hbm>>) target(%arg18 : memref<32x128xf32, #tpu.memory_space<vmem>>) offsets(%dma_start3A_306 : memref<32xi32, #tpu.memory_space<vmem>>) semaphore(%arg27 : memref<!tpu.dma_semaphore, #tpu.memory_space<semaphore_mem>>)
      %mul3A_310 = arith.constant 2 : i32
      %mul3A_311 = arith.muli %mul3A_310, %scan3A_75 : i32
      %add3A_312 = arith.constant 1 : i32
      %add3A_313 = arith.addi %mul3A_311, %add3A_312 : i32
      %gt3A_314 = arith.constant 0 : i32
      %gt3A_315 = arith.cmpi sgt, %scan3A_75, %gt3A_314 : i32
      %convert_element_type3A_316 = arith.extui %gt3A_315 : i1 to i32
      %cond3A_317 = arith.constant 0 : i32
      %cond3A_318 = arith.cmpi ne, %convert_element_type3A_316, %cond3A_317 : i32
      scf.if %cond3A_318 {
        %dma_wait3A_662 = arith.constant 1 : i32
        %dma_wait3A_663 = arith.constant 0 : i32
        %dma_wait3A_664 = tpu.memref_slice %arg11[%dma_wait3A_662, %dma_wait3A_663] : memref<2x32xi32, #tpu.memory_space<vmem>> -> memref<1x32xi32, #tpu.memory_space<vmem>>
        %dma_wait3A_665 = tpu.memref_squeeze %dma_wait3A_664 : memref<1x32xi32, #tpu.memory_space<vmem>> -> memref<32xi32, #tpu.memory_space<vmem>>
        %dma_wait3A_666 = arith.constant 0 : i32
        %dma_wait3A_667 = arith.constant 0 : i32
        %dma_wait3A_668 = tpu.memref_slice %arg23[%dma_wait3A_666, %dma_wait3A_667] : memref<10240x128xf32, #tpu.memory_space<vmem_shared>> -> memref<10240x128xf32, #tpu.memory_space<vmem_shared>>
        tpu.wait_indirect_dma semaphore(%arg36 : memref<!tpu.dma_semaphore, #tpu.memory_space<semaphore_mem>>) src(%arg19 : memref<32x128xf32, #tpu.memory_space<vmem>>) dst(%dma_wait3A_668 : memref<10240x128xf32, #tpu.memory_space<vmem_shared>>)
      } else {
      }
      %get3A_319 = arith.index_cast %add3A_313 : i32 to index
      %get3A_320 = arith.constant 0 : index
      %get3A_321 = tpu.vector_load %arg6[%get3A_319, %get3A_320] {strides = array<i32>} : memref<80x128xi32, #tpu.memory_space<vmem>>, vector<1x16xi32>,
      %get3A_322 = vector.shape_cast %get3A_321 : vector<1x16xi32> to vector<16xi32>
      %and3A_323 = arith.constant 65535 : i32
      %and3A_324 = vector.broadcast %and3A_323 : i32 to vector<16xi32>
      %and3A_325 = arith.andi %get3A_322, %and3A_324 : vector<16xi32>
      %swap3A_326 = arith.constant 0 : i32
      %swap3A_327 = arith.index_cast %swap3A_326 : i32 to index
      %swap3A_328 = arith.constant 0 : index
      %swap3A_329 = tpu.vector_load %arg11[%swap3A_327, %swap3A_328] {strides = array<i32>} : memref<2x32xi32, #tpu.memory_space<vmem>>, vector<1x16xi32>,
      %swap3A_330 = vector.shape_cast %swap3A_329 : vector<1x16xi32> to vector<16xi32>
      %swap3A_331 = vector.shape_cast %and3A_325 : vector<16xi32> to vector<1x16xi32>
      tpu.vector_store %arg11[%swap3A_327, %swap3A_328], %swap3A_331 {strides = array<i32>} : memref<2x32xi32, #tpu.memory_space<vmem>>, vector<1x16xi32>,
      %shift_right_arithmetic3A_332 = arith.constant 16 : i32
      %shift_right_arithmetic3A_333 = vector.broadcast %shift_right_arithmetic3A_332 : i32 to vector<16xi32>
      %shift_right_arithmetic3A_334 = arith.shrsi %get3A_322, %shift_right_arithmetic3A_333 : vector<16xi32>
      %swap3A_335 = arith.constant 1 : i32
      %swap3A_336 = arith.index_cast %swap3A_335 : i32 to index
      %swap3A_337 = arith.constant 0 : index
      %swap3A_338 = tpu.vector_load %arg11[%swap3A_336, %swap3A_337] {strides = array<i32>} : memref<2x32xi32, #tpu.memory_space<vmem>>, vector<1x16xi32>,
      %swap3A_339 = vector.shape_cast %swap3A_338 : vector<1x16xi32> to vector<16xi32>
      %swap3A_340 = vector.shape_cast %shift_right_arithmetic3A_334 : vector<16xi32> to vector<1x16xi32>
      tpu.vector_store %arg11[%swap3A_336, %swap3A_337], %swap3A_340 {strides = array<i32>} : memref<2x32xi32, #tpu.memory_space<vmem>>, vector<1x16xi32>,
      %get3A_341 = arith.index_cast %add3A_313 : i32 to index
      %get3A_342 = arith.constant 16 : index
      %get3A_343 = tpu.vector_load %arg6[%get3A_341, %get3A_342] {strides = array<i32>} : memref<80x128xi32, #tpu.memory_space<vmem>>, vector<1x16xi32>,
      %get3A_344 = vector.shape_cast %get3A_343 : vector<1x16xi32> to vector<16xi32>
      %and3A_345 = arith.constant 65535 : i32
      %and3A_346 = vector.broadcast %and3A_345 : i32 to vector<16xi32>
      %and3A_347 = arith.andi %get3A_344, %and3A_346 : vector<16xi32>
      %swap3A_348 = arith.constant 0 : i32
      %swap3A_349 = arith.index_cast %swap3A_348 : i32 to index
      %swap3A_350 = arith.constant 16 : index
      %swap3A_351 = tpu.vector_load %arg11[%swap3A_349, %swap3A_350] {strides = array<i32>} : memref<2x32xi32, #tpu.memory_space<vmem>>, vector<1x16xi32>,
      %swap3A_352 = vector.shape_cast %swap3A_351 : vector<1x16xi32> to vector<16xi32>
      %swap3A_353 = vector.shape_cast %and3A_347 : vector<16xi32> to vector<1x16xi32>
      tpu.vector_store %arg11[%swap3A_349, %swap3A_350], %swap3A_353 {strides = array<i32>} : memref<2x32xi32, #tpu.memory_space<vmem>>, vector<1x16xi32>,
      %shift_right_arithmetic3A_354 = arith.constant 16 : i32
      %shift_right_arithmetic3A_355 = vector.broadcast %shift_right_arithmetic3A_354 : i32 to vector<16xi32>
      %shift_right_arithmetic3A_356 = arith.shrsi %get3A_344, %shift_right_arithmetic3A_355 : vector<16xi32>
      %swap3A_357 = arith.constant 1 : i32
      %swap3A_358 = arith.index_cast %swap3A_357 : i32 to index
      %swap3A_359 = arith.constant 16 : index
      %swap3A_360 = tpu.vector_load %arg11[%swap3A_358, %swap3A_359] {strides = array<i32>} : memref<2x32xi32, #tpu.memory_space<vmem>>, vector<1x16xi32>,
      %swap3A_361 = vector.shape_cast %swap3A_360 : vector<1x16xi32> to vector<16xi32>
      %swap3A_362 = vector.shape_cast %shift_right_arithmetic3A_356 : vector<16xi32> to vector<1x16xi32>
      tpu.vector_store %arg11[%swap3A_358, %swap3A_359], %swap3A_362 {strides = array<i32>} : memref<2x32xi32, #tpu.memory_space<vmem>>, vector<1x16xi32>,
      %dma_start3A_363 = arith.constant 0 : i32
      %dma_start3A_364 = arith.constant 0 : i32
      %dma_start3A_365 = tpu.memref_slice %arg11[%dma_start3A_363, %dma_start3A_364] : memref<2x32xi32, #tpu.memory_space<vmem>> -> memref<1x32xi32, #tpu.memory_space<vmem>>
      %dma_start3A_366 = tpu.memref_squeeze %dma_start3A_365 : memref<1x32xi32, #tpu.memory_space<vmem>> -> memref<32xi32, #tpu.memory_space<vmem>>
      %dma_start3A_367 = arith.constant 0 : i32
      %dma_start3A_368 = arith.constant 0 : i32
      %dma_start3A_369 = tpu.memref_slice %arg2[%dma_start3A_367, %dma_start3A_368] : memref<10240x128xf32, #tpu.memory_space<hbm>> -> memref<10240x128xf32, #tpu.memory_space<hbm>>
      tpu.enqueue_indirect_dma source(%dma_start3A_369 : memref<10240x128xf32, #tpu.memory_space<hbm>>) target(%arg19 : memref<32x128xf32, #tpu.memory_space<vmem>>) offsets(%dma_start3A_366 : memref<32xi32, #tpu.memory_space<vmem>>) semaphore(%arg28 : memref<!tpu.dma_semaphore, #tpu.memory_space<semaphore_mem>>)
      %mul3A_370 = arith.constant 2 : i32
      %mul3A_371 = arith.muli %mul3A_370, %scan3A_75 : i32
      %add3A_372 = arith.constant 1 : i32
      %add3A_373 = arith.addi %mul3A_371, %add3A_372 : i32
      %gt3A_374 = arith.constant 0 : i32
      %gt3A_375 = arith.cmpi sgt, %scan3A_75, %gt3A_374 : i32
      %convert_element_type3A_376 = arith.extui %gt3A_375 : i1 to i32
      %cond3A_377 = arith.constant 0 : i32
      %cond3A_378 = arith.cmpi ne, %convert_element_type3A_376, %cond3A_377 : i32
      scf.if %cond3A_378 {
        %dma_wait3A_662 = arith.constant 1 : i32
        %dma_wait3A_663 = arith.constant 0 : i32
        %dma_wait3A_664 = tpu.memref_slice %arg12[%dma_wait3A_662, %dma_wait3A_663] : memref<2x32xi32, #tpu.memory_space<vmem>> -> memref<1x32xi32, #tpu.memory_space<vmem>>
        %dma_wait3A_665 = tpu.memref_squeeze %dma_wait3A_664 : memref<1x32xi32, #tpu.memory_space<vmem>> -> memref<32xi32, #tpu.memory_space<vmem>>
        %dma_wait3A_666 = arith.constant 0 : i32
        %dma_wait3A_667 = arith.constant 0 : i32
        %dma_wait3A_668 = tpu.memref_slice %arg23[%dma_wait3A_666, %dma_wait3A_667] : memref<10240x128xf32, #tpu.memory_space<vmem_shared>> -> memref<10240x128xf32, #tpu.memory_space<vmem_shared>>
        tpu.wait_indirect_dma semaphore(%arg37 : memref<!tpu.dma_semaphore, #tpu.memory_space<semaphore_mem>>) src(%arg20 : memref<32x128xf32, #tpu.memory_space<vmem>>) dst(%dma_wait3A_668 : memref<10240x128xf32, #tpu.memory_space<vmem_shared>>)
      } else {
      }
      %get3A_379 = arith.index_cast %add3A_373 : i32 to index
      %get3A_380 = arith.constant 32 : index
      %get3A_381 = tpu.vector_load %arg6[%get3A_379, %get3A_380] {strides = array<i32>} : memref<80x128xi32, #tpu.memory_space<vmem>>, vector<1x16xi32>,
      %get3A_382 = vector.shape_cast %get3A_381 : vector<1x16xi32> to vector<16xi32>
      %and3A_383 = arith.constant 65535 : i32
      %and3A_384 = vector.broadcast %and3A_383 : i32 to vector<16xi32>
      %and3A_385 = arith.andi %get3A_382, %and3A_384 : vector<16xi32>
      %swap3A_386 = arith.constant 0 : i32
      %swap3A_387 = arith.index_cast %swap3A_386 : i32 to index
      %swap3A_388 = arith.constant 0 : index
      %swap3A_389 = tpu.vector_load %arg12[%swap3A_387, %swap3A_388] {strides = array<i32>} : memref<2x32xi32, #tpu.memory_space<vmem>>, vector<1x16xi32>,
      %swap3A_390 = vector.shape_cast %swap3A_389 : vector<1x16xi32> to vector<16xi32>
      %swap3A_391 = vector.shape_cast %and3A_385 : vector<16xi32> to vector<1x16xi32>
      tpu.vector_store %arg12[%swap3A_387, %swap3A_388], %swap3A_391 {strides = array<i32>} : memref<2x32xi32, #tpu.memory_space<vmem>>, vector<1x16xi32>,
      %shift_right_arithmetic3A_392 = arith.constant 16 : i32
      %shift_right_arithmetic3A_393 = vector.broadcast %shift_right_arithmetic3A_392 : i32 to vector<16xi32>
      %shift_right_arithmetic3A_394 = arith.shrsi %get3A_382, %shift_right_arithmetic3A_393 : vector<16xi32>
      %swap3A_395 = arith.constant 1 : i32
      %swap3A_396 = arith.index_cast %swap3A_395 : i32 to index
      %swap3A_397 = arith.constant 0 : index
      %swap3A_398 = tpu.vector_load %arg12[%swap3A_396, %swap3A_397] {strides = array<i32>} : memref<2x32xi32, #tpu.memory_space<vmem>>, vector<1x16xi32>,
      %swap3A_399 = vector.shape_cast %swap3A_398 : vector<1x16xi32> to vector<16xi32>
      %swap3A_400 = vector.shape_cast %shift_right_arithmetic3A_394 : vector<16xi32> to vector<1x16xi32>
      tpu.vector_store %arg12[%swap3A_396, %swap3A_397], %swap3A_400 {strides = array<i32>} : memref<2x32xi32, #tpu.memory_space<vmem>>, vector<1x16xi32>,
      %get3A_401 = arith.index_cast %add3A_373 : i32 to index
      %get3A_402 = arith.constant 48 : index
      %get3A_403 = tpu.vector_load %arg6[%get3A_401, %get3A_402] {strides = array<i32>} : memref<80x128xi32, #tpu.memory_space<vmem>>, vector<1x16xi32>,
      %get3A_404 = vector.shape_cast %get3A_403 : vector<1x16xi32> to vector<16xi32>
      %and3A_405 = arith.constant 65535 : i32
      %and3A_406 = vector.broadcast %and3A_405 : i32 to vector<16xi32>
      %and3A_407 = arith.andi %get3A_404, %and3A_406 : vector<16xi32>
      %swap3A_408 = arith.constant 0 : i32
      %swap3A_409 = arith.index_cast %swap3A_408 : i32 to index
      %swap3A_410 = arith.constant 16 : index
      %swap3A_411 = tpu.vector_load %arg12[%swap3A_409, %swap3A_410] {strides = array<i32>} : memref<2x32xi32, #tpu.memory_space<vmem>>, vector<1x16xi32>,
      %swap3A_412 = vector.shape_cast %swap3A_411 : vector<1x16xi32> to vector<16xi32>
      %swap3A_413 = vector.shape_cast %and3A_407 : vector<16xi32> to vector<1x16xi32>
      tpu.vector_store %arg12[%swap3A_409, %swap3A_410], %swap3A_413 {strides = array<i32>} : memref<2x32xi32, #tpu.memory_space<vmem>>, vector<1x16xi32>,
      %shift_right_arithmetic3A_414 = arith.constant 16 : i32
      %shift_right_arithmetic3A_415 = vector.broadcast %shift_right_arithmetic3A_414 : i32 to vector<16xi32>
      %shift_right_arithmetic3A_416 = arith.shrsi %get3A_404, %shift_right_arithmetic3A_415 : vector<16xi32>
      %swap3A_417 = arith.constant 1 : i32
      %swap3A_418 = arith.index_cast %swap3A_417 : i32 to index
      %swap3A_419 = arith.constant 16 : index
      %swap3A_420 = tpu.vector_load %arg12[%swap3A_418, %swap3A_419] {strides = array<i32>} : memref<2x32xi32, #tpu.memory_space<vmem>>, vector<1x16xi32>,
      %swap3A_421 = vector.shape_cast %swap3A_420 : vector<1x16xi32> to vector<16xi32>
      %swap3A_422 = vector.shape_cast %shift_right_arithmetic3A_416 : vector<16xi32> to vector<1x16xi32>
      tpu.vector_store %arg12[%swap3A_418, %swap3A_419], %swap3A_422 {strides = array<i32>} : memref<2x32xi32, #tpu.memory_space<vmem>>, vector<1x16xi32>,
      %dma_start3A_423 = arith.constant 0 : i32
      %dma_start3A_424 = arith.constant 0 : i32
      %dma_start3A_425 = tpu.memref_slice %arg12[%dma_start3A_423, %dma_start3A_424] : memref<2x32xi32, #tpu.memory_space<vmem>> -> memref<1x32xi32, #tpu.memory_space<vmem>>
      %dma_start3A_426 = tpu.memref_squeeze %dma_start3A_425 : memref<1x32xi32, #tpu.memory_space<vmem>> -> memref<32xi32, #tpu.memory_space<vmem>>
      %dma_start3A_427 = arith.constant 0 : i32
      %dma_start3A_428 = arith.constant 0 : i32
      %dma_start3A_429 = tpu.memref_slice %arg2[%dma_start3A_427, %dma_start3A_428] : memref<10240x128xf32, #tpu.memory_space<hbm>> -> memref<10240x128xf32, #tpu.memory_space<hbm>>
      tpu.enqueue_indirect_dma source(%dma_start3A_429 : memref<10240x128xf32, #tpu.memory_space<hbm>>) target(%arg20 : memref<32x128xf32, #tpu.memory_space<vmem>>) offsets(%dma_start3A_426 : memref<32xi32, #tpu.memory_space<vmem>>) semaphore(%arg29 : memref<!tpu.dma_semaphore, #tpu.memory_space<semaphore_mem>>)
      %mul3A_430 = arith.constant 2 : i32
      %mul3A_431 = arith.muli %mul3A_430, %scan3A_75 : i32
      %add3A_432 = arith.constant 1 : i32
      %add3A_433 = arith.addi %mul3A_431, %add3A_432 : i32
      %gt3A_434 = arith.constant 0 : i32
      %gt3A_435 = arith.cmpi sgt, %scan3A_75, %gt3A_434 : i32
      %convert_element_type3A_436 = arith.extui %gt3A_435 : i1 to i32
      %cond3A_437 = arith.constant 0 : i32
      %cond3A_438 = arith.cmpi ne, %convert_element_type3A_436, %cond3A_437 : i32
      scf.if %cond3A_438 {
        %dma_wait3A_662 = arith.constant 1 : i32
        %dma_wait3A_663 = arith.constant 0 : i32
        %dma_wait3A_664 = tpu.memref_slice %arg13[%dma_wait3A_662, %dma_wait3A_663] : memref<2x32xi32, #tpu.memory_space<vmem>> -> memref<1x32xi32, #tpu.memory_space<vmem>>
        %dma_wait3A_665 = tpu.memref_squeeze %dma_wait3A_664 : memref<1x32xi32, #tpu.memory_space<vmem>> -> memref<32xi32, #tpu.memory_space<vmem>>
        %dma_wait3A_666 = arith.constant 0 : i32
        %dma_wait3A_667 = arith.constant 0 : i32
        %dma_wait3A_668 = tpu.memref_slice %arg23[%dma_wait3A_666, %dma_wait3A_667] : memref<10240x128xf32, #tpu.memory_space<vmem_shared>> -> memref<10240x128xf32, #tpu.memory_space<vmem_shared>>
        tpu.wait_indirect_dma semaphore(%arg38 : memref<!tpu.dma_semaphore, #tpu.memory_space<semaphore_mem>>) src(%arg21 : memref<32x128xf32, #tpu.memory_space<vmem>>) dst(%dma_wait3A_668 : memref<10240x128xf32, #tpu.memory_space<vmem_shared>>)
      } else {
      }
      %get3A_439 = arith.index_cast %add3A_433 : i32 to index
      %get3A_440 = arith.constant 64 : index
      %get3A_441 = tpu.vector_load %arg6[%get3A_439, %get3A_440] {strides = array<i32>} : memref<80x128xi32, #tpu.memory_space<vmem>>, vector<1x16xi32>,
      %get3A_442 = vector.shape_cast %get3A_441 : vector<1x16xi32> to vector<16xi32>
      %and3A_443 = arith.constant 65535 : i32
      %and3A_444 = vector.broadcast %and3A_443 : i32 to vector<16xi32>
      %and3A_445 = arith.andi %get3A_442, %and3A_444 : vector<16xi32>
      %swap3A_446 = arith.constant 0 : i32
      %swap3A_447 = arith.index_cast %swap3A_446 : i32 to index
      %swap3A_448 = arith.constant 0 : index
      %swap3A_449 = tpu.vector_load %arg13[%swap3A_447, %swap3A_448] {strides = array<i32>} : memref<2x32xi32, #tpu.memory_space<vmem>>, vector<1x16xi32>,
      %swap3A_450 = vector.shape_cast %swap3A_449 : vector<1x16xi32> to vector<16xi32>
      %swap3A_451 = vector.shape_cast %and3A_445 : vector<16xi32> to vector<1x16xi32>
      tpu.vector_store %arg13[%swap3A_447, %swap3A_448], %swap3A_451 {strides = array<i32>} : memref<2x32xi32, #tpu.memory_space<vmem>>, vector<1x16xi32>,
      %shift_right_arithmetic3A_452 = arith.constant 16 : i32
      %shift_right_arithmetic3A_453 = vector.broadcast %shift_right_arithmetic3A_452 : i32 to vector<16xi32>
      %shift_right_arithmetic3A_454 = arith.shrsi %get3A_442, %shift_right_arithmetic3A_453 : vector<16xi32>
      %swap3A_455 = arith.constant 1 : i32
      %swap3A_456 = arith.index_cast %swap3A_455 : i32 to index
      %swap3A_457 = arith.constant 0 : index
      %swap3A_458 = tpu.vector_load %arg13[%swap3A_456, %swap3A_457] {strides = array<i32>} : memref<2x32xi32, #tpu.memory_space<vmem>>, vector<1x16xi32>,
      %swap3A_459 = vector.shape_cast %swap3A_458 : vector<1x16xi32> to vector<16xi32>
      %swap3A_460 = vector.shape_cast %shift_right_arithmetic3A_454 : vector<16xi32> to vector<1x16xi32>
      tpu.vector_store %arg13[%swap3A_456, %swap3A_457], %swap3A_460 {strides = array<i32>} : memref<2x32xi32, #tpu.memory_space<vmem>>, vector<1x16xi32>,
      %get3A_461 = arith.index_cast %add3A_433 : i32 to index
      %get3A_462 = arith.constant 80 : index
      %get3A_463 = tpu.vector_load %arg6[%get3A_461, %get3A_462] {strides = array<i32>} : memref<80x128xi32, #tpu.memory_space<vmem>>, vector<1x16xi32>,
      %get3A_464 = vector.shape_cast %get3A_463 : vector<1x16xi32> to vector<16xi32>
      %and3A_465 = arith.constant 65535 : i32
      %and3A_466 = vector.broadcast %and3A_465 : i32 to vector<16xi32>
      %and3A_467 = arith.andi %get3A_464, %and3A_466 : vector<16xi32>
      %swap3A_468 = arith.constant 0 : i32
      %swap3A_469 = arith.index_cast %swap3A_468 : i32 to index
      %swap3A_470 = arith.constant 16 : index
      %swap3A_471 = tpu.vector_load %arg13[%swap3A_469, %swap3A_470] {strides = array<i32>} : memref<2x32xi32, #tpu.memory_space<vmem>>, vector<1x16xi32>,
      %swap3A_472 = vector.shape_cast %swap3A_471 : vector<1x16xi32> to vector<16xi32>
      %swap3A_473 = vector.shape_cast %and3A_467 : vector<16xi32> to vector<1x16xi32>
      tpu.vector_store %arg13[%swap3A_469, %swap3A_470], %swap3A_473 {strides = array<i32>} : memref<2x32xi32, #tpu.memory_space<vmem>>, vector<1x16xi32>,
      %shift_right_arithmetic3A_474 = arith.constant 16 : i32
      %shift_right_arithmetic3A_475 = vector.broadcast %shift_right_arithmetic3A_474 : i32 to vector<16xi32>
      %shift_right_arithmetic3A_476 = arith.shrsi %get3A_464, %shift_right_arithmetic3A_475 : vector<16xi32>
      %swap3A_477 = arith.constant 1 : i32
      %swap3A_478 = arith.index_cast %swap3A_477 : i32 to index
      %swap3A_479 = arith.constant 16 : index
      %swap3A_480 = tpu.vector_load %arg13[%swap3A_478, %swap3A_479] {strides = array<i32>} : memref<2x32xi32, #tpu.memory_space<vmem>>, vector<1x16xi32>,
      %swap3A_481 = vector.shape_cast %swap3A_480 : vector<1x16xi32> to vector<16xi32>
      %swap3A_482 = vector.shape_cast %shift_right_arithmetic3A_476 : vector<16xi32> to vector<1x16xi32>
      tpu.vector_store %arg13[%swap3A_478, %swap3A_479], %swap3A_482 {strides = array<i32>} : memref<2x32xi32, #tpu.memory_space<vmem>>, vector<1x16xi32>,
      %dma_start3A_483 = arith.constant 0 : i32
      %dma_start3A_484 = arith.constant 0 : i32
      %dma_start3A_485 = tpu.memref_slice %arg13[%dma_start3A_483, %dma_start3A_484] : memref<2x32xi32, #tpu.memory_space<vmem>> -> memref<1x32xi32, #tpu.memory_space<vmem>>
      %dma_start3A_486 = tpu.memref_squeeze %dma_start3A_485 : memref<1x32xi32, #tpu.memory_space<vmem>> -> memref<32xi32, #tpu.memory_space<vmem>>
      %dma_start3A_487 = arith.constant 0 : i32
      %dma_start3A_488 = arith.constant 0 : i32
      %dma_start3A_489 = tpu.memref_slice %arg2[%dma_start3A_487, %dma_start3A_488] : memref<10240x128xf32, #tpu.memory_space<hbm>> -> memref<10240x128xf32, #tpu.memory_space<hbm>>
      tpu.enqueue_indirect_dma source(%dma_start3A_489 : memref<10240x128xf32, #tpu.memory_space<hbm>>) target(%arg21 : memref<32x128xf32, #tpu.memory_space<vmem>>) offsets(%dma_start3A_486 : memref<32xi32, #tpu.memory_space<vmem>>) semaphore(%arg30 : memref<!tpu.dma_semaphore, #tpu.memory_space<semaphore_mem>>)
      %mul3A_490 = arith.constant 2 : i32
      %mul3A_491 = arith.muli %mul3A_490, %scan3A_75 : i32
      %add3A_492 = arith.constant 1 : i32
      %add3A_493 = arith.addi %mul3A_491, %add3A_492 : i32
      %gt3A_494 = arith.constant 0 : i32
      %gt3A_495 = arith.cmpi sgt, %scan3A_75, %gt3A_494 : i32
      %convert_element_type3A_496 = arith.extui %gt3A_495 : i1 to i32
      %cond3A_497 = arith.constant 0 : i32
      %cond3A_498 = arith.cmpi ne, %convert_element_type3A_496, %cond3A_497 : i32
      scf.if %cond3A_498 {
        %dma_wait3A_662 = arith.constant 1 : i32
        %dma_wait3A_663 = arith.constant 0 : i32
        %dma_wait3A_664 = tpu.memref_slice %arg14[%dma_wait3A_662, %dma_wait3A_663] : memref<2x32xi32, #tpu.memory_space<vmem>> -> memref<1x32xi32, #tpu.memory_space<vmem>>
        %dma_wait3A_665 = tpu.memref_squeeze %dma_wait3A_664 : memref<1x32xi32, #tpu.memory_space<vmem>> -> memref<32xi32, #tpu.memory_space<vmem>>
        %dma_wait3A_666 = arith.constant 0 : i32
        %dma_wait3A_667 = arith.constant 0 : i32
        %dma_wait3A_668 = tpu.memref_slice %arg23[%dma_wait3A_666, %dma_wait3A_667] : memref<10240x128xf32, #tpu.memory_space<vmem_shared>> -> memref<10240x128xf32, #tpu.memory_space<vmem_shared>>
        tpu.wait_indirect_dma semaphore(%arg39 : memref<!tpu.dma_semaphore, #tpu.memory_space<semaphore_mem>>) src(%arg22 : memref<32x128xf32, #tpu.memory_space<vmem>>) dst(%dma_wait3A_668 : memref<10240x128xf32, #tpu.memory_space<vmem_shared>>)
      } else {
      }
      %get3A_499 = arith.index_cast %add3A_493 : i32 to index
      %get3A_500 = arith.constant 96 : index
      %get3A_501 = tpu.vector_load %arg6[%get3A_499, %get3A_500] {strides = array<i32>} : memref<80x128xi32, #tpu.memory_space<vmem>>, vector<1x16xi32>,
      %get3A_502 = vector.shape_cast %get3A_501 : vector<1x16xi32> to vector<16xi32>
      %and3A_503 = arith.constant 65535 : i32
      %and3A_504 = vector.broadcast %and3A_503 : i32 to vector<16xi32>
      %and3A_505 = arith.andi %get3A_502, %and3A_504 : vector<16xi32>
      %swap3A_506 = arith.constant 0 : i32
      %swap3A_507 = arith.index_cast %swap3A_506 : i32 to index
      %swap3A_508 = arith.constant 0 : index
      %swap3A_509 = tpu.vector_load %arg14[%swap3A_507, %swap3A_508] {strides = array<i32>} : memref<2x32xi32, #tpu.memory_space<vmem>>, vector<1x16xi32>,
      %swap3A_510 = vector.shape_cast %swap3A_509 : vector<1x16xi32> to vector<16xi32>
      %swap3A_511 = vector.shape_cast %and3A_505 : vector<16xi32> to vector<1x16xi32>
      tpu.vector_store %arg14[%swap3A_507, %swap3A_508], %swap3A_511 {strides = array<i32>} : memref<2x32xi32, #tpu.memory_space<vmem>>, vector<1x16xi32>,
      %shift_right_arithmetic3A_512 = arith.constant 16 : i32
      %shift_right_arithmetic3A_513 = vector.broadcast %shift_right_arithmetic3A_512 : i32 to vector<16xi32>
      %shift_right_arithmetic3A_514 = arith.shrsi %get3A_502, %shift_right_arithmetic3A_513 : vector<16xi32>
      %swap3A_515 = arith.constant 1 : i32
      %swap3A_516 = arith.index_cast %swap3A_515 : i32 to index
      %swap3A_517 = arith.constant 0 : index
      %swap3A_518 = tpu.vector_load %arg14[%swap3A_516, %swap3A_517] {strides = array<i32>} : memref<2x32xi32, #tpu.memory_space<vmem>>, vector<1x16xi32>,
      %swap3A_519 = vector.shape_cast %swap3A_518 : vector<1x16xi32> to vector<16xi32>
      %swap3A_520 = vector.shape_cast %shift_right_arithmetic3A_514 : vector<16xi32> to vector<1x16xi32>
      tpu.vector_store %arg14[%swap3A_516, %swap3A_517], %swap3A_520 {strides = array<i32>} : memref<2x32xi32, #tpu.memory_space<vmem>>, vector<1x16xi32>,
      %get3A_521 = arith.index_cast %add3A_493 : i32 to index
      %get3A_522 = arith.constant 112 : index
      %get3A_523 = tpu.vector_load %arg6[%get3A_521, %get3A_522] {strides = array<i32>} : memref<80x128xi32, #tpu.memory_space<vmem>>, vector<1x16xi32>,
      %get3A_524 = vector.shape_cast %get3A_523 : vector<1x16xi32> to vector<16xi32>
      %and3A_525 = arith.constant 65535 : i32
      %and3A_526 = vector.broadcast %and3A_525 : i32 to vector<16xi32>
      %and3A_527 = arith.andi %get3A_524, %and3A_526 : vector<16xi32>
      %swap3A_528 = arith.constant 0 : i32
      %swap3A_529 = arith.index_cast %swap3A_528 : i32 to index
      %swap3A_530 = arith.constant 16 : index
      %swap3A_531 = tpu.vector_load %arg14[%swap3A_529, %swap3A_530] {strides = array<i32>} : memref<2x32xi32, #tpu.memory_space<vmem>>, vector<1x16xi32>,
      %swap3A_532 = vector.shape_cast %swap3A_531 : vector<1x16xi32> to vector<16xi32>
      %swap3A_533 = vector.shape_cast %and3A_527 : vector<16xi32> to vector<1x16xi32>
      tpu.vector_store %arg14[%swap3A_529, %swap3A_530], %swap3A_533 {strides = array<i32>} : memref<2x32xi32, #tpu.memory_space<vmem>>, vector<1x16xi32>,
      %shift_right_arithmetic3A_534 = arith.constant 16 : i32
      %shift_right_arithmetic3A_535 = vector.broadcast %shift_right_arithmetic3A_534 : i32 to vector<16xi32>
      %shift_right_arithmetic3A_536 = arith.shrsi %get3A_524, %shift_right_arithmetic3A_535 : vector<16xi32>
      %swap3A_537 = arith.constant 1 : i32
      %swap3A_538 = arith.index_cast %swap3A_537 : i32 to index
      %swap3A_539 = arith.constant 16 : index
      %swap3A_540 = tpu.vector_load %arg14[%swap3A_538, %swap3A_539] {strides = array<i32>} : memref<2x32xi32, #tpu.memory_space<vmem>>, vector<1x16xi32>,
      %swap3A_541 = vector.shape_cast %swap3A_540 : vector<1x16xi32> to vector<16xi32>
      %swap3A_542 = vector.shape_cast %shift_right_arithmetic3A_536 : vector<16xi32> to vector<1x16xi32>
      tpu.vector_store %arg14[%swap3A_538, %swap3A_539], %swap3A_542 {strides = array<i32>} : memref<2x32xi32, #tpu.memory_space<vmem>>, vector<1x16xi32>,
      %dma_start3A_543 = arith.constant 0 : i32
      %dma_start3A_544 = arith.constant 0 : i32
      %dma_start3A_545 = tpu.memref_slice %arg14[%dma_start3A_543, %dma_start3A_544] : memref<2x32xi32, #tpu.memory_space<vmem>> -> memref<1x32xi32, #tpu.memory_space<vmem>>
      %dma_start3A_546 = tpu.memref_squeeze %dma_start3A_545 : memref<1x32xi32, #tpu.memory_space<vmem>> -> memref<32xi32, #tpu.memory_space<vmem>>
      %dma_start3A_547 = arith.constant 0 : i32
      %dma_start3A_548 = arith.constant 0 : i32
      %dma_start3A_549 = tpu.memref_slice %arg2[%dma_start3A_547, %dma_start3A_548] : memref<10240x128xf32, #tpu.memory_space<hbm>> -> memref<10240x128xf32, #tpu.memory_space<hbm>>
      tpu.enqueue_indirect_dma source(%dma_start3A_549 : memref<10240x128xf32, #tpu.memory_space<hbm>>) target(%arg22 : memref<32x128xf32, #tpu.memory_space<vmem>>) offsets(%dma_start3A_546 : memref<32xi32, #tpu.memory_space<vmem>>) semaphore(%arg31 : memref<!tpu.dma_semaphore, #tpu.memory_space<semaphore_mem>>)
      %dma_wait3A_550 = arith.constant 0 : i32
      %dma_wait3A_551 = arith.constant 0 : i32
      %dma_wait3A_552 = tpu.memref_slice %arg7[%dma_wait3A_550, %dma_wait3A_551] : memref<2x32xi32, #tpu.memory_space<vmem>> -> memref<1x32xi32, #tpu.memory_space<vmem>>
      %dma_wait3A_553 = tpu.memref_squeeze %dma_wait3A_552 : memref<1x32xi32, #tpu.memory_space<vmem>> -> memref<32xi32, #tpu.memory_space<vmem>>
      %dma_wait3A_554 = arith.constant 0 : i32
      %dma_wait3A_555 = arith.constant 0 : i32
      %dma_wait3A_556 = tpu.memref_slice %arg2[%dma_wait3A_554, %dma_wait3A_555] : memref<10240x128xf32, #tpu.memory_space<hbm>> -> memref<10240x128xf32, #tpu.memory_space<hbm>>
      tpu.wait_indirect_dma semaphore(%arg24 : memref<!tpu.dma_semaphore, #tpu.memory_space<semaphore_mem>>) src(%dma_wait3A_556 : memref<10240x128xf32, #tpu.memory_space<hbm>>) dst(%arg15 : memref<32x128xf32, #tpu.memory_space<vmem>>)
      %dma_start3A_557 = arith.constant 1 : i32
      %dma_start3A_558 = arith.constant 0 : i32
      %dma_start3A_559 = tpu.memref_slice %arg7[%dma_start3A_557, %dma_start3A_558] : memref<2x32xi32, #tpu.memory_space<vmem>> -> memref<1x32xi32, #tpu.memory_space<vmem>>
      %dma_start3A_560 = tpu.memref_squeeze %dma_start3A_559 : memref<1x32xi32, #tpu.memory_space<vmem>> -> memref<32xi32, #tpu.memory_space<vmem>>
      %dma_start3A_561 = arith.constant 0 : i32
      %dma_start3A_562 = arith.constant 0 : i32
      %dma_start3A_563 = tpu.memref_slice %arg23[%dma_start3A_561, %dma_start3A_562] : memref<10240x128xf32, #tpu.memory_space<vmem_shared>> -> memref<10240x128xf32, #tpu.memory_space<vmem_shared>>
      tpu.enqueue_indirect_dma source(%arg15 : memref<32x128xf32, #tpu.memory_space<vmem>>) target(%dma_start3A_563 : memref<10240x128xf32, #tpu.memory_space<vmem_shared>>) offsets(%dma_start3A_560 : memref<32xi32, #tpu.memory_space<vmem>>) semaphore(%arg32 : memref<!tpu.dma_semaphore, #tpu.memory_space<semaphore_mem>>) {add = true}
      %dma_wait3A_564 = arith.constant 0 : i32
      %dma_wait3A_565 = arith.constant 0 : i32
      %dma_wait3A_566 = tpu.memref_slice %arg8[%dma_wait3A_564, %dma_wait3A_565] : memref<2x32xi32, #tpu.memory_space<vmem>> -> memref<1x32xi32, #tpu.memory_space<vmem>>
      %dma_wait3A_567 = tpu.memref_squeeze %dma_wait3A_566 : memref<1x32xi32, #tpu.memory_space<vmem>> -> memref<32xi32, #tpu.memory_space<vmem>>
      %dma_wait3A_568 = arith.constant 0 : i32
      %dma_wait3A_569 = arith.constant 0 : i32
      %dma_wait3A_570 = tpu.memref_slice %arg2[%dma_wait3A_568, %dma_wait3A_569] : memref<10240x128xf32, #tpu.memory_space<hbm>> -> memref<10240x128xf32, #tpu.memory_space<hbm>>
      tpu.wait_indirect_dma semaphore(%arg25 : memref<!tpu.dma_semaphore, #tpu.memory_space<semaphore_mem>>) src(%dma_wait3A_570 : memref<10240x128xf32, #tpu.memory_space<hbm>>) dst(%arg16 : memref<32x128xf32, #tpu.memory_space<vmem>>)
      %dma_start3A_571 = arith.constant 1 : i32
      %dma_start3A_572 = arith.constant 0 : i32
      %dma_start3A_573 = tpu.memref_slice %arg8[%dma_start3A_571, %dma_start3A_572] : memref<2x32xi32, #tpu.memory_space<vmem>> -> memref<1x32xi32, #tpu.memory_space<vmem>>
      %dma_start3A_574 = tpu.memref_squeeze %dma_start3A_573 : memref<1x32xi32, #tpu.memory_space<vmem>> -> memref<32xi32, #tpu.memory_space<vmem>>
      %dma_start3A_575 = arith.constant 0 : i32
      %dma_start3A_576 = arith.constant 0 : i32
      %dma_start3A_577 = tpu.memref_slice %arg23[%dma_start3A_575, %dma_start3A_576] : memref<10240x128xf32, #tpu.memory_space<vmem_shared>> -> memref<10240x128xf32, #tpu.memory_space<vmem_shared>>
      tpu.enqueue_indirect_dma source(%arg16 : memref<32x128xf32, #tpu.memory_space<vmem>>) target(%dma_start3A_577 : memref<10240x128xf32, #tpu.memory_space<vmem_shared>>) offsets(%dma_start3A_574 : memref<32xi32, #tpu.memory_space<vmem>>) semaphore(%arg33 : memref<!tpu.dma_semaphore, #tpu.memory_space<semaphore_mem>>) {add = true}
      %dma_wait3A_578 = arith.constant 0 : i32
      %dma_wait3A_579 = arith.constant 0 : i32
      %dma_wait3A_580 = tpu.memref_slice %arg9[%dma_wait3A_578, %dma_wait3A_579] : memref<2x32xi32, #tpu.memory_space<vmem>> -> memref<1x32xi32, #tpu.memory_space<vmem>>
      %dma_wait3A_581 = tpu.memref_squeeze %dma_wait3A_580 : memref<1x32xi32, #tpu.memory_space<vmem>> -> memref<32xi32, #tpu.memory_space<vmem>>
      %dma_wait3A_582 = arith.constant 0 : i32
      %dma_wait3A_583 = arith.constant 0 : i32
      %dma_wait3A_584 = tpu.memref_slice %arg2[%dma_wait3A_582, %dma_wait3A_583] : memref<10240x128xf32, #tpu.memory_space<hbm>> -> memref<10240x128xf32, #tpu.memory_space<hbm>>
      tpu.wait_indirect_dma semaphore(%arg26 : memref<!tpu.dma_semaphore, #tpu.memory_space<semaphore_mem>>) src(%dma_wait3A_584 : memref<10240x128xf32, #tpu.memory_space<hbm>>) dst(%arg17 : memref<32x128xf32, #tpu.memory_space<vmem>>)
      %dma_start3A_585 = arith.constant 1 : i32
      %dma_start3A_586 = arith.constant 0 : i32
      %dma_start3A_587 = tpu.memref_slice %arg9[%dma_start3A_585, %dma_start3A_586] : memref<2x32xi32, #tpu.memory_space<vmem>> -> memref<1x32xi32, #tpu.memory_space<vmem>>
      %dma_start3A_588 = tpu.memref_squeeze %dma_start3A_587 : memref<1x32xi32, #tpu.memory_space<vmem>> -> memref<32xi32, #tpu.memory_space<vmem>>
      %dma_start3A_589 = arith.constant 0 : i32
      %dma_start3A_590 = arith.constant 0 : i32
      %dma_start3A_591 = tpu.memref_slice %arg23[%dma_start3A_589, %dma_start3A_590] : memref<10240x128xf32, #tpu.memory_space<vmem_shared>> -> memref<10240x128xf32, #tpu.memory_space<vmem_shared>>
      tpu.enqueue_indirect_dma source(%arg17 : memref<32x128xf32, #tpu.memory_space<vmem>>) target(%dma_start3A_591 : memref<10240x128xf32, #tpu.memory_space<vmem_shared>>) offsets(%dma_start3A_588 : memref<32xi32, #tpu.memory_space<vmem>>) semaphore(%arg34 : memref<!tpu.dma_semaphore, #tpu.memory_space<semaphore_mem>>) {add = true}
      %dma_wait3A_592 = arith.constant 0 : i32
      %dma_wait3A_593 = arith.constant 0 : i32
      %dma_wait3A_594 = tpu.memref_slice %arg10[%dma_wait3A_592, %dma_wait3A_593] : memref<2x32xi32, #tpu.memory_space<vmem>> -> memref<1x32xi32, #tpu.memory_space<vmem>>
      %dma_wait3A_595 = tpu.memref_squeeze %dma_wait3A_594 : memref<1x32xi32, #tpu.memory_space<vmem>> -> memref<32xi32, #tpu.memory_space<vmem>>
      %dma_wait3A_596 = arith.constant 0 : i32
      %dma_wait3A_597 = arith.constant 0 : i32
      %dma_wait3A_598 = tpu.memref_slice %arg2[%dma_wait3A_596, %dma_wait3A_597] : memref<10240x128xf32, #tpu.memory_space<hbm>> -> memref<10240x128xf32, #tpu.memory_space<hbm>>
      tpu.wait_indirect_dma semaphore(%arg27 : memref<!tpu.dma_semaphore, #tpu.memory_space<semaphore_mem>>) src(%dma_wait3A_598 : memref<10240x128xf32, #tpu.memory_space<hbm>>) dst(%arg18 : memref<32x128xf32, #tpu.memory_space<vmem>>)
      %dma_start3A_599 = arith.constant 1 : i32
      %dma_start3A_600 = arith.constant 0 : i32
      %dma_start3A_601 = tpu.memref_slice %arg10[%dma_start3A_599, %dma_start3A_600] : memref<2x32xi32, #tpu.memory_space<vmem>> -> memref<1x32xi32, #tpu.memory_space<vmem>>
      %dma_start3A_602 = tpu.memref_squeeze %dma_start3A_601 : memref<1x32xi32, #tpu.memory_space<vmem>> -> memref<32xi32, #tpu.memory_space<vmem>>
      %dma_start3A_603 = arith.constant 0 : i32
      %dma_start3A_604 = arith.constant 0 : i32
      %dma_start3A_605 = tpu.memref_slice %arg23[%dma_start3A_603, %dma_start3A_604] : memref<10240x128xf32, #tpu.memory_space<vmem_shared>> -> memref<10240x128xf32, #tpu.memory_space<vmem_shared>>
      tpu.enqueue_indirect_dma source(%arg18 : memref<32x128xf32, #tpu.memory_space<vmem>>) target(%dma_start3A_605 : memref<10240x128xf32, #tpu.memory_space<vmem_shared>>) offsets(%dma_start3A_602 : memref<32xi32, #tpu.memory_space<vmem>>) semaphore(%arg35 : memref<!tpu.dma_semaphore, #tpu.memory_space<semaphore_mem>>) {add = true}
      %dma_wait3A_606 = arith.constant 0 : i32
      %dma_wait3A_607 = arith.constant 0 : i32
      %dma_wait3A_608 = tpu.memref_slice %arg11[%dma_wait3A_606, %dma_wait3A_607] : memref<2x32xi32, #tpu.memory_space<vmem>> -> memref<1x32xi32, #tpu.memory_space<vmem>>
      %dma_wait3A_609 = tpu.memref_squeeze %dma_wait3A_608 : memref<1x32xi32, #tpu.memory_space<vmem>> -> memref<32xi32, #tpu.memory_space<vmem>>
      %dma_wait3A_610 = arith.constant 0 : i32
      %dma_wait3A_611 = arith.constant 0 : i32
      %dma_wait3A_612 = tpu.memref_slice %arg2[%dma_wait3A_610, %dma_wait3A_611] : memref<10240x128xf32, #tpu.memory_space<hbm>> -> memref<10240x128xf32, #tpu.memory_space<hbm>>
      tpu.wait_indirect_dma semaphore(%arg28 : memref<!tpu.dma_semaphore, #tpu.memory_space<semaphore_mem>>) src(%dma_wait3A_612 : memref<10240x128xf32, #tpu.memory_space<hbm>>) dst(%arg19 : memref<32x128xf32, #tpu.memory_space<vmem>>)
      %dma_start3A_613 = arith.constant 1 : i32
      %dma_start3A_614 = arith.constant 0 : i32
      %dma_start3A_615 = tpu.memref_slice %arg11[%dma_start3A_613, %dma_start3A_614] : memref<2x32xi32, #tpu.memory_space<vmem>> -> memref<1x32xi32, #tpu.memory_space<vmem>>
      %dma_start3A_616 = tpu.memref_squeeze %dma_start3A_615 : memref<1x32xi32, #tpu.memory_space<vmem>> -> memref<32xi32, #tpu.memory_space<vmem>>
      %dma_start3A_617 = arith.constant 0 : i32
      %dma_start3A_618 = arith.constant 0 : i32
      %dma_start3A_619 = tpu.memref_slice %arg23[%dma_start3A_617, %dma_start3A_618] : memref<10240x128xf32, #tpu.memory_space<vmem_shared>> -> memref<10240x128xf32, #tpu.memory_space<vmem_shared>>
      tpu.enqueue_indirect_dma source(%arg19 : memref<32x128xf32, #tpu.memory_space<vmem>>) target(%dma_start3A_619 : memref<10240x128xf32, #tpu.memory_space<vmem_shared>>) offsets(%dma_start3A_616 : memref<32xi32, #tpu.memory_space<vmem>>) semaphore(%arg36 : memref<!tpu.dma_semaphore, #tpu.memory_space<semaphore_mem>>) {add = true}
      %dma_wait3A_620 = arith.constant 0 : i32
      %dma_wait3A_621 = arith.constant 0 : i32
      %dma_wait3A_622 = tpu.memref_slice %arg12[%dma_wait3A_620, %dma_wait3A_621] : memref<2x32xi32, #tpu.memory_space<vmem>> -> memref<1x32xi32, #tpu.memory_space<vmem>>
      %dma_wait3A_623 = tpu.memref_squeeze %dma_wait3A_622 : memref<1x32xi32, #tpu.memory_space<vmem>> -> memref<32xi32, #tpu.memory_space<vmem>>
      %dma_wait3A_624 = arith.constant 0 : i32
      %dma_wait3A_625 = arith.constant 0 : i32
      %dma_wait3A_626 = tpu.memref_slice %arg2[%dma_wait3A_624, %dma_wait3A_625] : memref<10240x128xf32, #tpu.memory_space<hbm>> -> memref<10240x128xf32, #tpu.memory_space<hbm>>
      tpu.wait_indirect_dma semaphore(%arg29 : memref<!tpu.dma_semaphore, #tpu.memory_space<semaphore_mem>>) src(%dma_wait3A_626 : memref<10240x128xf32, #tpu.memory_space<hbm>>) dst(%arg20 : memref<32x128xf32, #tpu.memory_space<vmem>>)
      %dma_start3A_627 = arith.constant 1 : i32
      %dma_start3A_628 = arith.constant 0 : i32
      %dma_start3A_629 = tpu.memref_slice %arg12[%dma_start3A_627, %dma_start3A_628] : memref<2x32xi32, #tpu.memory_space<vmem>> -> memref<1x32xi32, #tpu.memory_space<vmem>>
      %dma_start3A_630 = tpu.memref_squeeze %dma_start3A_629 : memref<1x32xi32, #tpu.memory_space<vmem>> -> memref<32xi32, #tpu.memory_space<vmem>>
      %dma_start3A_631 = arith.constant 0 : i32
      %dma_start3A_632 = arith.constant 0 : i32
      %dma_start3A_633 = tpu.memref_slice %arg23[%dma_start3A_631, %dma_start3A_632] : memref<10240x128xf32, #tpu.memory_space<vmem_shared>> -> memref<10240x128xf32, #tpu.memory_space<vmem_shared>>
      tpu.enqueue_indirect_dma source(%arg20 : memref<32x128xf32, #tpu.memory_space<vmem>>) target(%dma_start3A_633 : memref<10240x128xf32, #tpu.memory_space<vmem_shared>>) offsets(%dma_start3A_630 : memref<32xi32, #tpu.memory_space<vmem>>) semaphore(%arg37 : memref<!tpu.dma_semaphore, #tpu.memory_space<semaphore_mem>>) {add = true}
      %dma_wait3A_634 = arith.constant 0 : i32
      %dma_wait3A_635 = arith.constant 0 : i32
      %dma_wait3A_636 = tpu.memref_slice %arg13[%dma_wait3A_634, %dma_wait3A_635] : memref<2x32xi32, #tpu.memory_space<vmem>> -> memref<1x32xi32, #tpu.memory_space<vmem>>
      %dma_wait3A_637 = tpu.memref_squeeze %dma_wait3A_636 : memref<1x32xi32, #tpu.memory_space<vmem>> -> memref<32xi32, #tpu.memory_space<vmem>>
      %dma_wait3A_638 = arith.constant 0 : i32
      %dma_wait3A_639 = arith.constant 0 : i32
      %dma_wait3A_640 = tpu.memref_slice %arg2[%dma_wait3A_638, %dma_wait3A_639] : memref<10240x128xf32, #tpu.memory_space<hbm>> -> memref<10240x128xf32, #tpu.memory_space<hbm>>
      tpu.wait_indirect_dma semaphore(%arg30 : memref<!tpu.dma_semaphore, #tpu.memory_space<semaphore_mem>>) src(%dma_wait3A_640 : memref<10240x128xf32, #tpu.memory_space<hbm>>) dst(%arg21 : memref<32x128xf32, #tpu.memory_space<vmem>>)
      %dma_start3A_641 = arith.constant 1 : i32
      %dma_start3A_642 = arith.constant 0 : i32
      %dma_start3A_643 = tpu.memref_slice %arg13[%dma_start3A_641, %dma_start3A_642] : memref<2x32xi32, #tpu.memory_space<vmem>> -> memref<1x32xi32, #tpu.memory_space<vmem>>
      %dma_start3A_644 = tpu.memref_squeeze %dma_start3A_643 : memref<1x32xi32, #tpu.memory_space<vmem>> -> memref<32xi32, #tpu.memory_space<vmem>>
      %dma_start3A_645 = arith.constant 0 : i32
      %dma_start3A_646 = arith.constant 0 : i32
      %dma_start3A_647 = tpu.memref_slice %arg23[%dma_start3A_645, %dma_start3A_646] : memref<10240x128xf32, #tpu.memory_space<vmem_shared>> -> memref<10240x128xf32, #tpu.memory_space<vmem_shared>>
      tpu.enqueue_indirect_dma source(%arg21 : memref<32x128xf32, #tpu.memory_space<vmem>>) target(%dma_start3A_647 : memref<10240x128xf32, #tpu.memory_space<vmem_shared>>) offsets(%dma_start3A_644 : memref<32xi32, #tpu.memory_space<vmem>>) semaphore(%arg38 : memref<!tpu.dma_semaphore, #tpu.memory_space<semaphore_mem>>) {add = true}
      %dma_wait3A_648 = arith.constant 0 : i32
      %dma_wait3A_649 = arith.constant 0 : i32
      %dma_wait3A_650 = tpu.memref_slice %arg14[%dma_wait3A_648, %dma_wait3A_649] : memref<2x32xi32, #tpu.memory_space<vmem>> -> memref<1x32xi32, #tpu.memory_space<vmem>>
      %dma_wait3A_651 = tpu.memref_squeeze %dma_wait3A_650 : memref<1x32xi32, #tpu.memory_space<vmem>> -> memref<32xi32, #tpu.memory_space<vmem>>
      %dma_wait3A_652 = arith.constant 0 : i32
      %dma_wait3A_653 = arith.constant 0 : i32
      %dma_wait3A_654 = tpu.memref_slice %arg2[%dma_wait3A_652, %dma_wait3A_653] : memref<10240x128xf32, #tpu.memory_space<hbm>> -> memref<10240x128xf32, #tpu.memory_space<hbm>>
      tpu.wait_indirect_dma semaphore(%arg31 : memref<!tpu.dma_semaphore, #tpu.memory_space<semaphore_mem>>) src(%dma_wait3A_654 : memref<10240x128xf32, #tpu.memory_space<hbm>>) dst(%arg22 : memref<32x128xf32, #tpu.memory_space<vmem>>)
      %dma_start3A_655 = arith.constant 1 : i32
      %dma_start3A_656 = arith.constant 0 : i32
      %dma_start3A_657 = tpu.memref_slice %arg14[%dma_start3A_655, %dma_start3A_656] : memref<2x32xi32, #tpu.memory_space<vmem>> -> memref<1x32xi32, #tpu.memory_space<vmem>>
      %dma_start3A_658 = tpu.memref_squeeze %dma_start3A_657 : memref<1x32xi32, #tpu.memory_space<vmem>> -> memref<32xi32, #tpu.memory_space<vmem>>
      %dma_start3A_659 = arith.constant 0 : i32
      %dma_start3A_660 = arith.constant 0 : i32
      %dma_start3A_661 = tpu.memref_slice %arg23[%dma_start3A_659, %dma_start3A_660] : memref<10240x128xf32, #tpu.memory_space<vmem_shared>> -> memref<10240x128xf32, #tpu.memory_space<vmem_shared>>
      tpu.enqueue_indirect_dma source(%arg22 : memref<32x128xf32, #tpu.memory_space<vmem>>) target(%dma_start3A_661 : memref<10240x128xf32, #tpu.memory_space<vmem_shared>>) offsets(%dma_start3A_658 : memref<32xi32, #tpu.memory_space<vmem>>) semaphore(%arg39 : memref<!tpu.dma_semaphore, #tpu.memory_space<semaphore_mem>>) {add = true}
    }
    %scan3A_15 = arith.constant 40 : i32
    %dma_wait3A = arith.constant 1 : i32
    %dma_wait3A_16 = arith.constant 0 : i32
    %dma_wait3A_17 = tpu.memref_slice %arg7[%dma_wait3A, %dma_wait3A_16] : memref<2x32xi32, #tpu.memory_space<vmem>> -> memref<1x32xi32, #tpu.memory_space<vmem>>
    %dma_wait3A_18 = tpu.memref_squeeze %dma_wait3A_17 : memref<1x32xi32, #tpu.memory_space<vmem>> -> memref<32xi32, #tpu.memory_space<vmem>>
    %dma_wait3A_19 = arith.constant 0 : i32
    %dma_wait3A_20 = arith.constant 0 : i32
    %dma_wait3A_21 = tpu.memref_slice %arg23[%dma_wait3A_19, %dma_wait3A_20] : memref<10240x128xf32, #tpu.memory_space<vmem_shared>> -> memref<10240x128xf32, #tpu.memory_space<vmem_shared>>
    tpu.wait_indirect_dma semaphore(%arg32 : memref<!tpu.dma_semaphore, #tpu.memory_space<semaphore_mem>>) src(%arg15 : memref<32x128xf32, #tpu.memory_space<vmem>>) dst(%dma_wait3A_21 : memref<10240x128xf32, #tpu.memory_space<vmem_shared>>)
    %dma_wait3A_22 = arith.constant 1 : i32
    %dma_wait3A_23 = arith.constant 0 : i32
    %dma_wait3A_24 = tpu.memref_slice %arg8[%dma_wait3A_22, %dma_wait3A_23] : memref<2x32xi32, #tpu.memory_space<vmem>> -> memref<1x32xi32, #tpu.memory_space<vmem>>
    %dma_wait3A_25 = tpu.memref_squeeze %dma_wait3A_24 : memref<1x32xi32, #tpu.memory_space<vmem>> -> memref<32xi32, #tpu.memory_space<vmem>>
    %dma_wait3A_26 = arith.constant 0 : i32
    %dma_wait3A_27 = arith.constant 0 : i32
    %dma_wait3A_28 = tpu.memref_slice %arg23[%dma_wait3A_26, %dma_wait3A_27] : memref<10240x128xf32, #tpu.memory_space<vmem_shared>> -> memref<10240x128xf32, #tpu.memory_space<vmem_shared>>
    tpu.wait_indirect_dma semaphore(%arg33 : memref<!tpu.dma_semaphore, #tpu.memory_space<semaphore_mem>>) src(%arg16 : memref<32x128xf32, #tpu.memory_space<vmem>>) dst(%dma_wait3A_28 : memref<10240x128xf32, #tpu.memory_space<vmem_shared>>)
    %dma_wait3A_29 = arith.constant 1 : i32
    %dma_wait3A_30 = arith.constant 0 : i32
    %dma_wait3A_31 = tpu.memref_slice %arg9[%dma_wait3A_29, %dma_wait3A_30] : memref<2x32xi32, #tpu.memory_space<vmem>> -> memref<1x32xi32, #tpu.memory_space<vmem>>
    %dma_wait3A_32 = tpu.memref_squeeze %dma_wait3A_31 : memref<1x32xi32, #tpu.memory_space<vmem>> -> memref<32xi32, #tpu.memory_space<vmem>>
    %dma_wait3A_33 = arith.constant 0 : i32
    %dma_wait3A_34 = arith.constant 0 : i32
    %dma_wait3A_35 = tpu.memref_slice %arg23[%dma_wait3A_33, %dma_wait3A_34] : memref<10240x128xf32, #tpu.memory_space<vmem_shared>> -> memref<10240x128xf32, #tpu.memory_space<vmem_shared>>
    tpu.wait_indirect_dma semaphore(%arg34 : memref<!tpu.dma_semaphore, #tpu.memory_space<semaphore_mem>>) src(%arg17 : memref<32x128xf32, #tpu.memory_space<vmem>>) dst(%dma_wait3A_35 : memref<10240x128xf32, #tpu.memory_space<vmem_shared>>)
    %dma_wait3A_36 = arith.constant 1 : i32
    %dma_wait3A_37 = arith.constant 0 : i32
    %dma_wait3A_38 = tpu.memref_slice %arg10[%dma_wait3A_36, %dma_wait3A_37] : memref<2x32xi32, #tpu.memory_space<vmem>> -> memref<1x32xi32, #tpu.memory_space<vmem>>
    %dma_wait3A_39 = tpu.memref_squeeze %dma_wait3A_38 : memref<1x32xi32, #tpu.memory_space<vmem>> -> memref<32xi32, #tpu.memory_space<vmem>>
    %dma_wait3A_40 = arith.constant 0 : i32
    %dma_wait3A_41 = arith.constant 0 : i32
    %dma_wait3A_42 = tpu.memref_slice %arg23[%dma_wait3A_40, %dma_wait3A_41] : memref<10240x128xf32, #tpu.memory_space<vmem_shared>> -> memref<10240x128xf32, #tpu.memory_space<vmem_shared>>
    tpu.wait_indirect_dma semaphore(%arg35 : memref<!tpu.dma_semaphore, #tpu.memory_space<semaphore_mem>>) src(%arg18 : memref<32x128xf32, #tpu.memory_space<vmem>>) dst(%dma_wait3A_42 : memref<10240x128xf32, #tpu.memory_space<vmem_shared>>)
    %dma_wait3A_43 = arith.constant 1 : i32
    %dma_wait3A_44 = arith.constant 0 : i32
    %dma_wait3A_45 = tpu.memref_slice %arg11[%dma_wait3A_43, %dma_wait3A_44] : memref<2x32xi32, #tpu.memory_space<vmem>> -> memref<1x32xi32, #tpu.memory_space<vmem>>
    %dma_wait3A_46 = tpu.memref_squeeze %dma_wait3A_45 : memref<1x32xi32, #tpu.memory_space<vmem>> -> memref<32xi32, #tpu.memory_space<vmem>>
    %dma_wait3A_47 = arith.constant 0 : i32
    %dma_wait3A_48 = arith.constant 0 : i32
    %dma_wait3A_49 = tpu.memref_slice %arg23[%dma_wait3A_47, %dma_wait3A_48] : memref<10240x128xf32, #tpu.memory_space<vmem_shared>> -> memref<10240x128xf32, #tpu.memory_space<vmem_shared>>
    tpu.wait_indirect_dma semaphore(%arg36 : memref<!tpu.dma_semaphore, #tpu.memory_space<semaphore_mem>>) src(%arg19 : memref<32x128xf32, #tpu.memory_space<vmem>>) dst(%dma_wait3A_49 : memref<10240x128xf32, #tpu.memory_space<vmem_shared>>)
    %dma_wait3A_50 = arith.constant 1 : i32
    %dma_wait3A_51 = arith.constant 0 : i32
    %dma_wait3A_52 = tpu.memref_slice %arg12[%dma_wait3A_50, %dma_wait3A_51] : memref<2x32xi32, #tpu.memory_space<vmem>> -> memref<1x32xi32, #tpu.memory_space<vmem>>
    %dma_wait3A_53 = tpu.memref_squeeze %dma_wait3A_52 : memref<1x32xi32, #tpu.memory_space<vmem>> -> memref<32xi32, #tpu.memory_space<vmem>>
    %dma_wait3A_54 = arith.constant 0 : i32
    %dma_wait3A_55 = arith.constant 0 : i32
    %dma_wait3A_56 = tpu.memref_slice %arg23[%dma_wait3A_54, %dma_wait3A_55] : memref<10240x128xf32, #tpu.memory_space<vmem_shared>> -> memref<10240x128xf32, #tpu.memory_space<vmem_shared>>
    tpu.wait_indirect_dma semaphore(%arg37 : memref<!tpu.dma_semaphore, #tpu.memory_space<semaphore_mem>>) src(%arg20 : memref<32x128xf32, #tpu.memory_space<vmem>>) dst(%dma_wait3A_56 : memref<10240x128xf32, #tpu.memory_space<vmem_shared>>)
    %dma_wait3A_57 = arith.constant 1 : i32
    %dma_wait3A_58 = arith.constant 0 : i32
    %dma_wait3A_59 = tpu.memref_slice %arg13[%dma_wait3A_57, %dma_wait3A_58] : memref<2x32xi32, #tpu.memory_space<vmem>> -> memref<1x32xi32, #tpu.memory_space<vmem>>
    %dma_wait3A_60 = tpu.memref_squeeze %dma_wait3A_59 : memref<1x32xi32, #tpu.memory_space<vmem>> -> memref<32xi32, #tpu.memory_space<vmem>>
    %dma_wait3A_61 = arith.constant 0 : i32
    %dma_wait3A_62 = arith.constant 0 : i32
    %dma_wait3A_63 = tpu.memref_slice %arg23[%dma_wait3A_61, %dma_wait3A_62] : memref<10240x128xf32, #tpu.memory_space<vmem_shared>> -> memref<10240x128xf32, #tpu.memory_space<vmem_shared>>
    tpu.wait_indirect_dma semaphore(%arg38 : memref<!tpu.dma_semaphore, #tpu.memory_space<semaphore_mem>>) src(%arg21 : memref<32x128xf32, #tpu.memory_space<vmem>>) dst(%dma_wait3A_63 : memref<10240x128xf32, #tpu.memory_space<vmem_shared>>)
    %dma_wait3A_64 = arith.constant 1 : i32
    %dma_wait3A_65 = arith.constant 0 : i32
    %dma_wait3A_66 = tpu.memref_slice %arg14[%dma_wait3A_64, %dma_wait3A_65] : memref<2x32xi32, #tpu.memory_space<vmem>> -> memref<1x32xi32, #tpu.memory_space<vmem>>
    %dma_wait3A_67 = tpu.memref_squeeze %dma_wait3A_66 : memref<1x32xi32, #tpu.memory_space<vmem>> -> memref<32xi32, #tpu.memory_space<vmem>>
    %dma_wait3A_68 = arith.constant 0 : i32
    %dma_wait3A_69 = arith.constant 0 : i32
    %dma_wait3A_70 = tpu.memref_slice %arg23[%dma_wait3A_68, %dma_wait3A_69] : memref<10240x128xf32, #tpu.memory_space<vmem_shared>> -> memref<10240x128xf32, #tpu.memory_space<vmem_shared>>
    tpu.wait_indirect_dma semaphore(%arg39 : memref<!tpu.dma_semaphore, #tpu.memory_space<semaphore_mem>>) src(%arg22 : memref<32x128xf32, #tpu.memory_space<vmem>>) dst(%dma_wait3A_70 : memref<10240x128xf32, #tpu.memory_space<vmem_shared>>)
    %barrier3A_71 = arith.constant 0 : index
    tpu.barrier barrier_id(%barrier3A_71)
    %mul3A_72 = arith.constant 10240 : i32
    %mul3A_73 = arith.muli %arg0, %mul3A_72 : i32
    %add3A_74 = arith.addi %mul3A_73, %mul3A_2 : i32
    "tpu.region"() ({
      %run_scoped3A = tpu.sem_alloc : memref<!tpu.dma_semaphore, #tpu.memory_space<semaphore_mem>>
      %dma_start3A = arith.constant 0 : i32
      %dma_start3A_75 = tpu.memref_slice %arg5[%add3A_74, %dma_start3A] : memref<20480x128xf32, #tpu.memory_space<hbm>> -> memref<640x128xf32, #tpu.memory_space<hbm>>
      %dma_start3A_76 = arith.constant 0 : i32
      %dma_start3A_77 = tpu.memref_slice %arg23[%mul3A_2, %dma_start3A_76] : memref<10240x128xf32, #tpu.memory_space<vmem_shared>> -> memref<640x128xf32, #tpu.memory_space<vmem_shared>>
      tpu.enqueue_dma source(%dma_start3A_77 : memref<640x128xf32, #tpu.memory_space<vmem_shared>>) target(%dma_start3A_75 : memref<640x128xf32, #tpu.memory_space<hbm>>) target_semaphore(%run_scoped3A : memref<!tpu.dma_semaphore, #tpu.memory_space<semaphore_mem>>)
      %dma_wait3A_78 = arith.constant 0 : i32
      %dma_wait3A_79 = tpu.memref_slice %arg5[%add3A_74, %dma_wait3A_78] : memref<20480x128xf32, #tpu.memory_space<hbm>> -> memref<640x128xf32, #tpu.memory_space<hbm>>
      %dma_wait3A_80 = arith.constant 0 : i32
      %dma_wait3A_81 = tpu.memref_slice %arg23[%mul3A_2, %dma_wait3A_80] : memref<10240x128xf32, #tpu.memory_space<vmem_shared>> -> memref<640x128xf32, #tpu.memory_space<vmem_shared>>
      tpu.wait_dma2 semaphore(%run_scoped3A : memref<!tpu.dma_semaphore, #tpu.memory_space<semaphore_mem>>) src(%dma_wait3A_81 : memref<640x128xf32, #tpu.memory_space<vmem_shared>>) dst(%dma_wait3A_79 : memref<640x128xf32, #tpu.memory_space<hbm>>)
      tpu.yield
    }) : () -> ()
    return
  }
}

module attributes {stable_mosaic.version = 14 : i64} {
  func.func @_prep_body(%arg0: i32, %arg1: memref<1024x128xf32, #tpu.memory_space<vmem>>, %arg2: memref<1024x1xf32, #tpu.memory_space<vmem>>, %arg3: memref<1024x1xf32, #tpu.memory_space<vmem>>, %arg4: memref<1024x128xf32, #tpu.memory_space<vmem>>, %arg5: memref<1024x1xf32, #tpu.memory_space<vmem>>, %arg6: memref<1024x1xf32, #tpu.memory_space<vmem>>) attributes {dimension_semantics = [#tpu.dimension_semantics<arbitrary>], iteration_bounds = array<i64: 10>, scalar_prefetch = 0 : i64, scratch_operands = 0 : i64, tpu.core_type = #tpu.core_type<tc>, window_params = [{transform_indices = @transform_0, window_bounds = array<i64: 1024, 128>}, {transform_indices = @transform_1, window_bounds = array<i64: 1024, 1>}, {transform_indices = @transform_2, window_bounds = array<i64: 1024, 1>}, {transform_indices = @transform_3, window_bounds = array<i64: 1024, 128>}, {transform_indices = @transform_4, window_bounds = array<i64: 1024, 1>}, {transform_indices = @transform_5, window_bounds = array<i64: 1024, 1>}]} {
    %get3A = arith.constant 0 : index
    %get3A_0 = arith.constant 0 : index
    %get3A_1 = vector.load %arg2[%get3A, %get3A_0] : memref<1024x1xf32, #tpu.memory_space<vmem>>, vector<1024x1xf32>
    %get3A_2 = arith.constant 0 : index
    %get3A_3 = arith.constant 0 : index
    %get3A_4 = vector.load %arg3[%get3A_2, %get3A_3] : memref<1024x1xf32, #tpu.memory_space<vmem>>, vector<1024x1xf32>
    %add3A = arith.addf %get3A_1, %get3A_4 : vector<1024x1xf32>
    %add3A_5 = arith.constant 1.000000e+00 : f32
    %add3A_6 = vector.broadcast %add3A_5 : f32 to vector<1024x1xf32>
    %add3A_7 = arith.addf %add3A, %add3A_6 : vector<1024x1xf32>
    %rsqrt3A = math.rsqrt %add3A_7 : vector<1024x1xf32>
    %get3A_8 = arith.constant 0 : index
    %get3A_9 = arith.constant 0 : index
    %get3A_10 = vector.load %arg1[%get3A_8, %get3A_9] : memref<1024x128xf32, #tpu.memory_space<vmem>>, vector<1024x128xf32>
    %mul3A = vector.broadcast %rsqrt3A : vector<1024x1xf32> to vector<1024x128xf32>
    %mul3A_11 = arith.mulf %get3A_10, %mul3A : vector<1024x128xf32>
    %swap3A = arith.constant 0 : index
    %swap3A_12 = arith.constant 0 : index
    %swap3A_13 = vector.load %arg4[%swap3A, %swap3A_12] : memref<1024x128xf32, #tpu.memory_space<vmem>>, vector<1024x128xf32>
    tpu.vector_store %arg4[%swap3A, %swap3A_12], %mul3A_11 {strides = array<i32>} : memref<1024x128xf32, #tpu.memory_space<vmem>>, vector<1024x128xf32>,
    %swap3A_14 = arith.constant 0 : index
    %swap3A_15 = arith.constant 0 : index
    %swap3A_16 = vector.load %arg5[%swap3A_14, %swap3A_15] : memref<1024x1xf32, #tpu.memory_space<vmem>>, vector<1024x1xf32>
    tpu.vector_store %arg5[%swap3A_14, %swap3A_15], %rsqrt3A {strides = array<i32>} : memref<1024x1xf32, #tpu.memory_space<vmem>>, vector<1024x1xf32>,
    %mul3A_17 = arith.mulf %rsqrt3A, %rsqrt3A : vector<1024x1xf32>
    %swap3A_18 = arith.constant 0 : index
    %swap3A_19 = arith.constant 0 : index
    %swap3A_20 = vector.load %arg6[%swap3A_18, %swap3A_19] : memref<1024x1xf32, #tpu.memory_space<vmem>>, vector<1024x1xf32>
    tpu.vector_store %arg6[%swap3A_18, %swap3A_19], %mul3A_17 {strides = array<i32>} : memref<1024x1xf32, #tpu.memory_space<vmem>>, vector<1024x1xf32>,
    return
  }
  func.func @transform_0(%arg0: i32) -> (i32, i32) {
    %c0_i32 = arith.constant 0 : i32
    %c0_i32_0 = arith.constant 0 : i32
    return %arg0, %c0_i32 : i32, i32
  }
  func.func @transform_1(%arg0: i32) -> (i32, i32) {
    %c0_i32 = arith.constant 0 : i32
    %c0_i32_0 = arith.constant 0 : i32
    return %arg0, %c0_i32 : i32, i32
  }
  func.func @transform_2(%arg0: i32) -> (i32, i32) {
    %c0_i32 = arith.constant 0 : i32
    %c0_i32_0 = arith.constant 0 : i32
    return %arg0, %c0_i32 : i32, i32
  }
  func.func @transform_3(%arg0: i32) -> (i32, i32) {
    %c0_i32 = arith.constant 0 : i32
    %c0_i32_0 = arith.constant 0 : i32
    return %arg0, %c0_i32 : i32, i32
  }
  func.func @transform_4(%arg0: i32) -> (i32, i32) {
    %c0_i32 = arith.constant 0 : i32
    %c0_i32_0 = arith.constant 0 : i32
    return %arg0, %c0_i32 : i32, i32
  }
  func.func @transform_5(%arg0: i32) -> (i32, i32) {
    %c0_i32 = arith.constant 0 : i32
    %c0_i32_0 = arith.constant 0 : i32
    return %arg0, %c0_i32 : i32, i32
  }
}

module attributes {stable_mosaic.version = 14 : i64} {
  func.func @_combine_body(%arg0: i32, %arg1: memref<1024x128xf32, #tpu.memory_space<vmem>>, %arg2: memref<1024x128xf32, #tpu.memory_space<vmem>>, %arg3: memref<1024x1xf32, #tpu.memory_space<vmem>>, %arg4: memref<1024x128xf32, #tpu.memory_space<vmem>>) attributes {dimension_semantics = [#tpu.dimension_semantics<arbitrary>], iteration_bounds = array<i64: 10>, scalar_prefetch = 0 : i64, scratch_operands = 0 : i64, tpu.core_type = #tpu.core_type<tc>, window_params = [{transform_indices = @transform_0, window_bounds = array<i64: 1024, 128>}, {transform_indices = @transform_1, window_bounds = array<i64: 1024, 128>}, {transform_indices = @transform_2, window_bounds = array<i64: 1024, 1>}, {transform_indices = @transform_3, window_bounds = array<i64: 1024, 128>}]} {
    %get3A = arith.constant 0 : index
    %get3A_0 = arith.constant 0 : index
    %get3A_1 = vector.load %arg1[%get3A, %get3A_0] : memref<1024x128xf32, #tpu.memory_space<vmem>>, vector<1024x128xf32>
    %get3A_2 = arith.constant 0 : index
    %get3A_3 = arith.constant 0 : index
    %get3A_4 = vector.load %arg2[%get3A_2, %get3A_3] : memref<1024x128xf32, #tpu.memory_space<vmem>>, vector<1024x128xf32>
    %add3A = arith.addf %get3A_1, %get3A_4 : vector<1024x128xf32>
    %get3A_5 = arith.constant 0 : index
    %get3A_6 = arith.constant 0 : index
    %get3A_7 = vector.load %arg3[%get3A_5, %get3A_6] : memref<1024x1xf32, #tpu.memory_space<vmem>>, vector<1024x1xf32>
    %mul3A = vector.broadcast %get3A_7 : vector<1024x1xf32> to vector<1024x128xf32>
    %mul3A_8 = arith.mulf %add3A, %mul3A : vector<1024x128xf32>
    %swap3A = arith.constant 0 : index
    %swap3A_9 = arith.constant 0 : index
    %swap3A_10 = vector.load %arg4[%swap3A, %swap3A_9] : memref<1024x128xf32, #tpu.memory_space<vmem>>, vector<1024x128xf32>
    tpu.vector_store %arg4[%swap3A, %swap3A_9], %mul3A_8 {strides = array<i32>} : memref<1024x128xf32, #tpu.memory_space<vmem>>, vector<1024x128xf32>,
    return
  }
  func.func @transform_0(%arg0: i32) -> (i32, i32) {
    %c0_i32 = arith.constant 0 : i32
    %c0_i32_0 = arith.constant 0 : i32
    return %arg0, %c0_i32 : i32, i32
  }
  func.func @transform_1(%arg0: i32) -> (i32, i32) {
    %add3A = arith.constant 10 : i32
    %add3A_0 = arith.addi %arg0, %add3A : i32
    %c0_i32 = arith.constant 0 : i32
    %c0_i32_1 = arith.constant 0 : i32
    return %add3A_0, %c0_i32 : i32, i32
  }
  func.func @transform_2(%arg0: i32) -> (i32, i32) {
    %c0_i32 = arith.constant 0 : i32
    %c0_i32_0 = arith.constant 0 : i32
    return %arg0, %c0_i32 : i32, i32
  }
  func.func @transform_3(%arg0: i32) -> (i32, i32) {
    %c0_i32 = arith.constant 0 : i32
    %c0_i32_0 = arith.constant 0 : i32
    return %arg0, %c0_i32 : i32, i32
  }
}

module attributes {stable_mosaic.version = 14 : i64} {
  func.func @_final_body(%arg0: i32, %arg1: memref<1024x128xf32, #tpu.memory_space<vmem>>, %arg2: memref<1024x128xf32, #tpu.memory_space<vmem>>, %arg3: memref<1024x1xf32, #tpu.memory_space<vmem>>, %arg4: memref<128x128xf32, #tpu.memory_space<vmem>>, %arg5: memref<1x128xf32, #tpu.memory_space<vmem>>, %arg6: memref<1024x128xf32, #tpu.memory_space<vmem>>, %arg7: memref<1024x128xf32, #tpu.memory_space<vmem>>) attributes {dimension_semantics = [#tpu.dimension_semantics<arbitrary>], iteration_bounds = array<i64: 10>, scalar_prefetch = 0 : i64, scratch_operands = 0 : i64, tpu.core_type = #tpu.core_type<tc>, window_params = [{transform_indices = @transform_0, window_bounds = array<i64: 1024, 128>}, {transform_indices = @transform_1, window_bounds = array<i64: 1024, 128>}, {transform_indices = @transform_2, window_bounds = array<i64: 1024, 1>}, {pipeline_mode = #tpu.pipeline_mode<synchronous>, transform_indices = @transform_3, window_bounds = array<i64: 128, 128>}, {pipeline_mode = #tpu.pipeline_mode<synchronous>, transform_indices = @transform_4, window_bounds = array<i64: 1, 128>}, {transform_indices = @transform_5, window_bounds = array<i64: 1024, 128>}, {transform_indices = @transform_6, window_bounds = array<i64: 1024, 128>}]} {
    %get3A = arith.constant 0 : index
    %get3A_0 = arith.constant 0 : index
    %get3A_1 = vector.load %arg1[%get3A, %get3A_0] : memref<1024x128xf32, #tpu.memory_space<vmem>>, vector<1024x128xf32>
    %get3A_2 = arith.constant 0 : index
    %get3A_3 = arith.constant 0 : index
    %get3A_4 = vector.load %arg2[%get3A_2, %get3A_3] : memref<1024x128xf32, #tpu.memory_space<vmem>>, vector<1024x128xf32>
    %add3A = arith.addf %get3A_1, %get3A_4 : vector<1024x128xf32>
    %get3A_5 = arith.constant 0 : index
    %get3A_6 = arith.constant 0 : index
    %get3A_7 = vector.load %arg3[%get3A_5, %get3A_6] : memref<1024x1xf32, #tpu.memory_space<vmem>>, vector<1024x1xf32>
    %mul3A = vector.broadcast %get3A_7 : vector<1024x1xf32> to vector<1024x128xf32>
    %mul3A_8 = arith.mulf %add3A, %mul3A : vector<1024x128xf32>
    %get3A_9 = arith.constant 0 : index
    %get3A_10 = arith.constant 0 : index
    %get3A_11 = vector.load %arg4[%get3A_9, %get3A_10] : memref<128x128xf32, #tpu.memory_space<vmem>>, vector<128x128xf32>
    %dot_general3A = arith.constant dense<0.000000e+00> : vector<1024x128xf32>
    %dot_general3A_12 = tpu.matmul %mul3A_8, %get3A_11, %dot_general3A {dimension_numbers = #tpu.dot_dimension_numbers<[1], [0], [0], [1], [0, 0, 1, 1], [], []>, transpose_lhs_hint = false} : vector<1024x128xf32>, vector<128x128xf32>, vector<1024x128xf32> -> vector<1024x128xf32>
    %get3A_13 = arith.constant 0 : index
    %get3A_14 = arith.constant 0 : index
    %get3A_15 = vector.load %arg5[%get3A_13, %get3A_14] : memref<1x128xf32, #tpu.memory_space<vmem>>, vector<1x128xf32>
    %add3A_16 = vector.broadcast %get3A_15 : vector<1x128xf32> to vector<1024x128xf32>
    %add3A_17 = arith.addf %dot_general3A_12, %add3A_16 : vector<1024x128xf32>
    %iota3A = tpu.iota {dimensions = array<i32: 1>} : vector<1024x128xi32>
    %lt3A = arith.constant 40 : i32
    %lt3A_18 = vector.broadcast %lt3A : i32 to vector<1024x128xi32>
    %lt3A_19 = arith.cmpi slt, %iota3A, %lt3A_18 : vector<1024x128xi32>
    %jit3A = arith.constant -1.000000e+30 : f32
    %broadcast_in_dim3A = vector.broadcast %jit3A : f32 to vector<1024x128xf32>
    %select_n3A = arith.select %lt3A_19, %add3A_17, %broadcast_in_dim3A : vector<1024x128xi1>, vector<1024x128xf32>
    %reduce_max3A = arith.constant dense<0xFF800000> : vector<1024xf32>
    %reduce_max3A_20 = vector.multi_reduction <maximumf>, %select_n3A, %reduce_max3A [1] : vector<1024x128xf32> to vector<1024xf32>
    %broadcast_in_dim3A_21 = vector.shape_cast %reduce_max3A_20 : vector<1024xf32> to vector<1024x1xf32>
    %sub3A = vector.broadcast %broadcast_in_dim3A_21 : vector<1024x1xf32> to vector<1024x128xf32>
    %sub3A_22 = arith.subf %select_n3A, %sub3A : vector<1024x128xf32>
    %exp3A = math.exp %sub3A_22 : vector<1024x128xf32>
    %reduce_sum3A = arith.constant dense<0.000000e+00> : vector<1024xf32>
    %reduce_sum3A_23 = vector.multi_reduction <add>, %exp3A, %reduce_sum3A [1] : vector<1024x128xf32> to vector<1024xf32>
    %broadcast_in_dim3A_24 = vector.shape_cast %reduce_sum3A_23 : vector<1024xf32> to vector<1024x1xf32>
    %log3A = math.log %broadcast_in_dim3A_24 : vector<1024x1xf32>
    %add3A_25 = arith.addf %log3A, %broadcast_in_dim3A_21 : vector<1024x1xf32>
    %swap3A = arith.constant 0 : index
    %swap3A_26 = arith.constant 0 : index
    %swap3A_27 = vector.load %arg7[%swap3A, %swap3A_26] : memref<1024x128xf32, #tpu.memory_space<vmem>>, vector<1024x128xf32>
    tpu.vector_store %arg7[%swap3A, %swap3A_26], %add3A_17 {strides = array<i32>} : memref<1024x128xf32, #tpu.memory_space<vmem>>, vector<1024x128xf32>,
    %sub3A_28 = vector.broadcast %add3A_25 : vector<1024x1xf32> to vector<1024x128xf32>
    %sub3A_29 = arith.subf %add3A_17, %sub3A_28 : vector<1024x128xf32>
    %swap3A_30 = arith.constant 0 : index
    %swap3A_31 = arith.constant 0 : index
    %swap3A_32 = vector.load %arg6[%swap3A_30, %swap3A_31] : memref<1024x128xf32, #tpu.memory_space<vmem>>, vector<1024x128xf32>
    tpu.vector_store %arg6[%swap3A_30, %swap3A_31], %sub3A_29 {strides = array<i32>} : memref<1024x128xf32, #tpu.memory_space<vmem>>, vector<1024x128xf32>,
    return
  }
  func.func @transform_0(%arg0: i32) -> (i32, i32) {
    %c0_i32 = arith.constant 0 : i32
    %c0_i32_0 = arith.constant 0 : i32
    return %arg0, %c0_i32 : i32, i32
  }
  func.func @transform_1(%arg0: i32) -> (i32, i32) {
    %add3A = arith.constant 10 : i32
    %add3A_0 = arith.addi %arg0, %add3A : i32
    %c0_i32 = arith.constant 0 : i32
    %c0_i32_1 = arith.constant 0 : i32
    return %add3A_0, %c0_i32 : i32, i32
  }
  func.func @transform_2(%arg0: i32) -> (i32, i32) {
    %c0_i32 = arith.constant 0 : i32
    %c0_i32_0 = arith.constant 0 : i32
    return %arg0, %c0_i32 : i32, i32
  }
  func.func @transform_3(%arg0: i32) -> (i32, i32) {
    %c0_i32 = arith.constant 0 : i32
    %c0_i32_0 = arith.constant 0 : i32
    %c0_i32_1 = arith.constant 0 : i32
    return %c0_i32, %c0_i32_0 : i32, i32
  }
  func.func @transform_4(%arg0: i32) -> (i32, i32) {
    %c0_i32 = arith.constant 0 : i32
    %c0_i32_0 = arith.constant 0 : i32
    %c0_i32_1 = arith.constant 0 : i32
    return %c0_i32, %c0_i32_0 : i32, i32
  }
  func.func @transform_5(%arg0: i32) -> (i32, i32) {
    %c0_i32 = arith.constant 0 : i32
    %c0_i32_0 = arith.constant 0 : i32
    return %arg0, %c0_i32 : i32, i32
  }
  func.func @transform_6(%arg0: i32) -> (i32, i32) {
    %c0_i32 = arith.constant 0 : i32
    %c0_i32_0 = arith.constant 0 : i32
    return %arg0, %c0_i32 : i32, i32
  }
}

</mosaic_0001>

<sc_bundles>
// kernel: kernel.11.cloned.1.call-start
scs
__scs_entry_jumppad:
0x0: {  	(pc) =	sbr.rel $0x88, $3  }
0x1: {  	(tag) =	ssettag $0x0;
	lr =	simm.s32 $0x1  }
0x2: {  	[smem:$0x3F9D] =	sst lr;
	_ =	strace $0xD0000000  }
0x3: {  	_ = 	snop  }
0x4: {  	_ = 	snop  }
0x5: {  	_ = 	snop  }
0x6: {  	_ = 	snop  }
0x7: {  	_ = 	snop  }
__scs_overlays_trampoline_lowered:
0x8: {  	[smem:$0x3FAC] =	sst s0  }
0x9: {  	[smem:$0x3FAD] =	sst s1  }
0xa: {  	[smem:$0x3FAE] =	sst s2  }
0xb: {  	[smem:$0x3FAF] =	sst s3  }
0xc: {  	[smem:$0x3FB0] =	sst s4  }
0xd: {  	[smem:$0x3FB1] =	sst s5  }
0xe: {  	[smem:$0x3FB2] =	sst s6  }
0xf: {  	[smem:$0x3FB3] =	sst s7  }
0x10: {  	[smem:$0x3FB4] =	sst s8  }
0x11: {  	[smem:$0x3FB5] =	sst s9;
	s0 =	simm.s32 @!p0 $0x0  }
0x12: {  	s1 =	sld [smem:$0x3F9B];
	s0 =	simm.s32 @p0 $0x1  }
0x13: {  	[smem:$0x3FB6] =	sst s0;
	s0 =	simm.s32 @!p1 $0x0  }
0x14: {  	s2 =	sld [smem:$0x3F9A];
	s0 =	simm.s32 @p1 $0x1  }
0x15: {  	[smem:$0x3FB7] =	sst s0;
	s0 =	simm.s32 @!p2 $0x0  }
0x16: {  	s3 =	sld [smem:$0x3FDB];
	s0 =	simm.s32 @p2 $0x1  }
0x17: {  	s4 =	simm.s32 $0x1BF5;
	[smem:$0x3FB9] =	sst s0  }
0x18: {  	s0 =	sld [smem:$0x3F9C];
	_ =	swait.ge [sflag:s4], $0x0  }
0x19: {  	s7 =	sld [smem:$0x3F9D]  }
0x1a: {  	s8 =	sadd.s32 $0xFFFFE003, lr  }
0x1b: {  	s9 =	sadd.s32 $0xFFFFFEF7, lr;
	s5 =	simm.s32 $0xFFFFFFFF;
	p2 =	slt.u32 s8, $0xFFFFF086  }
0x1c: {  	p1 =	slt.u32 s9, $0xF7A;
	s5 =	simm.s32 @!p2 $0x0  }
0x1d: {  	s5 =	simm.s32 @p1 $0x1;
	p0 =	seq.s32 s7, s2  }
0x1e: {  	s7 =	smul.u32 @!p0 $0xF7A, s2;
	p2 =	seq.s32 @!p0 s5, $0x0  }
0x1f: {  	s9 =	smul.u32 $0xF7A, s1;
	s8 =	simm.s32 @!p0 $0x1BF5;
	p2 =	por !p2, p0  }
0x20: {  	[sflag:s8] =	ssyncset.s32 @!p0 $0xFFFFF086;
	s6 =	sadd.s32 @!p0 s3, s7;
	s7 =	simm.s32 @!p0 $0x108  }
0x21: {  	s3 =	sadd.s32 s3, s9;
	s6 =	sadd.s32 @!p0 $0x88, s6;
	s7 =	simm.s32 @p2 $0x1082  }
0x22: {  	[simem:s7], [sflag:s8] =	dma.local @!p0 [hbm:s6], $0xF7A  }
0x23: {  	s9 =	sor.u32 $0xD0000000, s2;
	s6 =	simm.s32 $0x108;
	_ =	swait.ge @!p0 [sflag:s8], $0x0  }
0x24: {  	s3 =	sadd.s32 $0x88, s3;
	s6 =	simm.s32 @!p1 $0x1082;
	[sflag:s4] =	ssyncset.s32 $0xFFFFF086  }
0x25: {  	[simem:s6], [sflag:s4] =	dma.local [hbm:s3], $0xF7A  }
0x26: {  	[smem:$0x3F9D] =	sst s1;
	(tag) =	ssettag s2;
	_ =	strace s9  }
0x27: {  	s1 =	sld [smem:$0x3FAD]  }
0x28: {  	s2 =	sld [smem:$0x3FAE]  }
0x29: {  	s4 =	sld [smem:$0x3FB0]  }
0x2a: {  	p0 =	seq.s32 s5, $0x0;
	s5 =	sld [smem:$0x3FB1]  }
0x2b: {  	s6 =	sld [smem:$0x3FB2]  }
0x2c: {  	s7 =	sld [smem:$0x3FB3]  }
0x2d: {  	s3 =	simm.s32 $0x108;
	s8 =	sld [smem:$0x3FB4]  }
0x2e: {  	s3 =	simm.s32 @!p0 $0x1082;
	s9 =	sld [smem:$0x3FB5]  }
0x2f: {  	lr =	sadd.s32 s0, s3;
	s0 =	sld [smem:$0x3FAC]  }
0x30: {  	s3 =	sld [smem:$0x3FAF]  }
0x31: {  	[smem:$0x3FB8] =	sst s10  }
0x32: {  	s10 =	sld [smem:$0x3FB6];
	_ =	sdelay $0x3  }
0x33: {  	p0 =	seq.s32 s10, $0x1;
	s10 =	sld [smem:$0x3FB8];
	_ =	sdelay $0x3  }
0x34: {  	[smem:$0x3FB8] =	sst s10  }
0x35: {  	s10 =	sld [smem:$0x3FB7];
	_ =	sdelay $0x3  }
0x36: {  	p1 =	seq.s32 s10, $0x1;
	s10 =	sld [smem:$0x3FB8];
	_ =	sdelay $0x3  }
0x37: {  	[smem:$0x3FB8] =	sst s10  }
0x38: {  	s10 =	sld [smem:$0x3FB9]  }
0x39: {  	_ = 	snop;
	(pc) =	sbr.ind lr, $3  }
0x3a: {  	_ = 	snop  }
0x3b: {  	_ = 	snop  }
0x3c: {  	p2 =	seq.s32 s10, $0x1;
	s10 =	sld [smem:$0x3FB8]  }
0x3d: {  	_ =	shalt  }
0x3e: {  	_ =	shalt  }
0x3f: {  	_ =	shalt  }
0x40: {  	_ =	shalt  }
0x41: {  	_ =	shalt  }
0x42: {  	_ =	shalt  }
0x43: {  	_ =	shalt  }
0x44: {  	_ =	shalt  }
0x45: {  	_ =	shalt  }
0x46: {  	_ =	shalt  }
0x47: {  	_ =	shalt  }
0x48: {  	_ =	shalt  }
0x49: {  	_ =	shalt  }
0x4a: {  	_ =	shalt  }
0x4b: {  	_ =	shalt  }
0x4c: {  	_ =	shalt  }
0x4d: {  	_ =	shalt  }
0x4e: {  	_ =	shalt  }
0x4f: {  	_ =	shalt  }
0x50: {  	_ =	shalt  }
0x51: {  	_ =	shalt  }
0x52: {  	_ =	shalt  }
0x53: {  	_ =	shalt  }
0x54: {  	_ =	shalt  }
0x55: {  	_ =	shalt  }
0x56: {  	_ =	shalt  }
0x57: {  	_ =	shalt  }
0x58: {  	_ =	shalt  }
0x59: {  	_ =	shalt  }
0x5a: {  	_ =	shalt  }
0x5b: {  	_ =	shalt  }
0x5c: {  	_ =	shalt  }
0x5d: {  	_ =	shalt  }
0x5e: {  	_ =	shalt  }
0x5f: {  	_ =	shalt  }
0x60: {  	_ =	shalt  }
0x61: {  	_ =	shalt  }
0x62: {  	_ =	shalt  }
0x63: {  	_ =	shalt  }
0x64: {  	_ =	shalt  }
0x65: {  	_ =	shalt  }
0x66: {  	_ =	shalt  }
0x67: {  	_ =	shalt  }
0x68: {  	_ =	shalt  }
0x69: {  	_ =	shalt  }
0x6a: {  	_ =	shalt  }
0x6b: {  	_ =	shalt  }
0x6c: {  	_ =	shalt  }
0x6d: {  	_ =	shalt  }
0x6e: {  	_ =	shalt  }
0x6f: {  	_ =	shalt  }
0x70: {  	_ =	shalt  }
0x71: {  	_ =	shalt  }
0x72: {  	_ =	shalt  }
0x73: {  	_ =	shalt  }
0x74: {  	_ =	shalt  }
0x75: {  	_ =	shalt  }
0x76: {  	_ =	shalt  }
0x77: {  	_ =	shalt  }
0x78: {  	_ =	shalt  }
0x79: {  	_ =	shalt  }
0x7a: {  	_ =	shalt  }
0x7b: {  	_ =	shalt  }
0x7c: {  	_ =	shalt  }
0x7d: {  	_ =	shalt  }
0x7e: {  	_ =	shalt  }
0x7f: {  	_ =	shalt  }
0x80: {  	_ =	shalt  }
0x81: {  	_ =	shalt  }
0x82: {  	_ =	shalt  }
0x83: {  	_ =	shalt  }
0x84: {  	_ =	shalt  }
0x85: {  	_ =	shalt  }
0x86: {  	_ =	shalt  }
0x87: {  	_ =	shalt  }
.Lfunc_end0:
.L_simem_size_0:
called_computation.1_lowered:
.L_overlay_start_0:
0x88: {  	s2 =	sld [smem:$0x3FD9]  }
0x89: {  	s3 =	sld [smem:$0x3FFE];
	_ =	sdelay $0x1  }
0x8a: {  	s1 =	srdreg.scid  }
0x8b: {  	s0 =	sand.u32 $0x1, s1  }
0x8c: {  	s14 =	sshll.u32 s0, $0xA;
	s2 =	sadd.s32 s3, s2  }
0x8d: {  	s2 =	sadd.s32 s2, s14  }
0x8e: {  	[smem:$0x3FC4] =	sst s2  }
0x8f: {  	_ = 	snop  }
0x90: {  	s2 =	sld [smem:$0x3FD0];
	_ =	sdelay $0x2  }
0x91: {  	s15 =	simm.s32 $0xA;
	s4 =	simm.s32 $0x10  }
0x92: {  	[smem:s4], [sflag:s15] =	dma.local [hbm:s2], $0x1  }
0x93: {  	_ =	swait.eq [sflag:s15], $0x1  }
0x94: {  	[sflag:s15] =	ssyncset.done $0x0  }
0x95: {  	s16 =	sld [smem:$0x10];
	[sflag:s15] =	ssyncadd.s32 $0xFFFFFFFF  }
0x96: {  	s17 =	sld [smem:$0x11];
	(tm) =	ssettm $0x1  }
0x97: {  	s18 =	sld [smem:$0x3FFB];
	_ =	sdelay $0x3  }
0x98: {  	_ =	strace s18  }
0x99: {  	s4 =	sld [smem:$0x3FFC];
	_ =	sdelay $0x3  }
0x9a: {  	_ =	strace s4  }
0x9b: {  	s4 =	sld [smem:$0x3FFD];
	_ =	sdelay $0x3  }
0x9c: {  	_ =	strace s4  }
0x9d: {  	_ =	strace $0x8FFFFFFF  }
0x9e: {  	s19 =	sld [smem:$0x3FDB];
	_ =	sdelay $0x1  }
0x9f: {  	s5 =	simm.s32 $_scs_section_size  }
0xa0: {  	s6 =	simm.s32 $_size__tile_overlayer_lowered;
	s7 =	simm.s32 $_tile_overlayer_lowered  }
0xa1: {  	s22 =	simm.s32 $0x1BFF;
	s21 =	sshll.u32 s7, $0x1;
	s4 =	sadd.s32 s5, s19  }
0xa2: {  	s8 =	simm.s32 $0x0;
	s20 =	sshll.u32 s6, $0x1;
	s6 =	sadd.s32 s21, s4  }
0xa3: {  	[timem:s8], [sflag:s22] =	dma.local [hbm:s6], s20  }
0xa4: {  	_ =	swait.ge [sflag:s22], s20  }
0xa5: {  	s5 =	ssub.s32 $0x0, s20;
	[sflag:s22] =	ssyncset.done $0x0  }
0xa6: {  	[sflag:s22] =	ssyncadd.s32 s5;
	_ =	sdelay $0x1  }
0xa7: {  	s23 =	simm.s32 $0x1B8B  }
0xa8: {  	_ =	swait.ge [sflag:s23], $0x1  }
0xa9: {  	[sflag:s23] =	ssyncset.done $0x0  }
0xaa: {  	s25 =	simm.s32 $0x1B8E;
	s24 =	sld [smem:$0x3FFE];
	[sflag:s23] =	ssyncadd.s32 $0xFFFFFFFF  }
0xab: {  	s26 =	simm.s32 $execute0_lowered;
	[smem:$0x3FD2] =	sst s25  }
0xac: {  	s6 =	sshll.u32 s26, $0x1;
	_ =	strace $0x80000049;
	[dreg:$0x1] =	wrdreg $0xFFFFFFFF  }
0xad: {  	s28 =	simm.s32 $_size_execute0_lowered;
	s4 =	sadd.s32 s4, s6;
	[dreg:$0x0] =	wrdreg $0x0  }
0xae: {  	s6 =	sshll.u32 s28, $0x1;
	[dreg:$0x2] =	wrdreg s4  }
0xaf: {  	[dreg:$0x3] =	wrdreg s6  }
0xb0: {  	[dreg:$0x4] =	wrdreg $0xC0  }
0xb1: {  	_ =	task [dreg:s8], $0x5FFFF  }
0xb2: {  	[dreg:$0x1] =	wrdreg $0xFFFFFFFF  }
0xb3: {  	[dreg:$0x0] =	wrdreg $0x60  }
0xb4: {  	[dreg:$0x2] =	wrdreg s24  }
0xb5: {  	[dreg:$0x3] =	wrdreg s17  }
0xb6: {  	[dreg:$0x4] =	wrdreg s16  }
0xb7: {  	[dreg:$0x5] =	wrdreg $0xB0000  }
0xb8: {  	[dreg:$0x6] =	wrdreg $0x9  }
0xb9: {  	_ =	task.clear_ibuf [dreg:s8], $0x7FFFF;
	_ =	strace $0x90000049  }
0xba: {  	s29 =	simm.s32 $0x9;
	_ =	strace $0x8000004B  }
0xbb: {  	_ =	swait.ge [sflag:s29], $0x1  }
0xbc: {  	[sflag:s29] =	ssyncadd.s32 $0xFFFFFFFF  }
0xbd: {  	_ =	strace $0x9000004B  }
0xbe: {  	_ =	sfence  }
0xbf: {  	s30 =	sld [smem:$0x0];
	_ =	sdelay $0x2  }
0xc0: {  	s31 =	sshll.u32 s1, $0xD;
	s1 =	sshrl.u32 s1, $0x2  }
0xc1: {  	s3 =	sand.u32 $0x4000, s31;
	s1 =	sadd.s32 s1, s30  }
0xc2: {  	s0 =	sor.u32 s3, s0;
	s1 =	sshll.u32 s1, $0x11  }
0xc3: {  	s0 =	sor.u32 s1, s0  }
0xc4: {  	s0 =	sadd.s32 $0x8F2B, s0  }
0xc5: {  	[sflag:s0] =	ssyncadd.remote.s32 $0x1  }
0xc6: {  	_ =	sfence.sel $0xFFFF  }
0xc7: {  	[dreg:$0x0] =	wrdreg $0xFFFFFFFF;
	(pc) =	sbr.abs _section_cstart, $3  }
0xc8: {  	[dreg:$0x1] =	wrdreg $0xFFFFFFFF  }
0xc9: {  	_ =	task.clear_ibuf [dreg:s8], $0x2FFFF;
	_ =	strace $0x9FFFFFFF  }
0xca: {  	(tm) =	ssettm $0x7FFFFFFF  }
0xcb: {  	_ =	shalt  }
tec
execute0_lowered:
.L_overlay_start_1:
0x0: {  	(tag) =	ssettag $0x1  }
0x1: {  	s0 =	rddreg [dreg:$0x0]  }
0x2: {  	s1 =	rddreg [dreg:$0x1]  }
0x3: {  	s3 =	rddreg [dreg:$0x2]  }
0x4: {  	s2 =	rddreg [dreg:$0x3]  }
0x5: {  	s4 =	srdreg.scid;
	s11 =	stileid.u32;
	s7 =	simm.s32 $0x0  }
0x6: {  	s13 =	simm.s32 $0x2800;
	s14 =	simm.s32 $0x2900;
	s15 =	simm.s32 $0x2A00  }
0x7: {  	s16 =	simm.s32 $0x2B00;
	s17 =	simm.s32 $0x2C00;
	s18 =	simm.s32 $0x2D00  }
0x8: {  	s19 =	simm.s32 $0x2E00;
	s20 =	simm.s32 $0x2F00;
	s21 =	simm.s32 $0x2880  }
0x9: {  	s22 =	simm.s32 $0x2980;
	s23 =	simm.s32 $0x2A80;
	[smem:$0x7FF] =	sst s7  }
0xa: {  	s24 =	simm.s32 $0x2B80;
	_ =	strace $0x8000004A;
	[dreg:$0x5] =	wrdreg s13  }
0xb: {  	s28 =	simm.s32 $0x7;
	s29 =	simm.s32 $0x2E80;
	[dreg:$0x6] =	wrdreg s14  }
0xc: {  	s30 =	simm.s32 $0x8;
	s31 =	simm.s32 $0x2F80;
	[dreg:$0x7] =	wrdreg s15  }
0xd: {  	s5 =	sand.u32 $0x1, s4;
	s6 =	smul.u32 $0x2800, s11;
	[dreg:$0x8] =	wrdreg s16  }
0xe: {  	s10 =	smul.u32 $0x50000, s11;
	s12 =	sshll.u32 s11, $0x6;
	[dreg:$0x9] =	wrdreg s17  }
0xf: {  	s4 =	sshll.u32 s5, $0x4;
	s25 =	smul.u32 $0x28000, s5;
	[dreg:$0xa] =	wrdreg s18  }
0x10: {  	s9 =	ssub.s32 $0x2, s5;
	p0 =	sne.s32 s5, $0x0;
	[dreg:$0xb] =	wrdreg s19  }
0x11: {  	s13 =	simm.s32 $0x3000;
	s14 =	simm.s32 $0x4000;
	[dreg:$0xc] =	wrdreg s20  }
0x12: {  	s15 =	simm.s32 $0x5000;
	s16 =	simm.s32 $0x6000;
	[dreg:$0xd] =	wrdreg s21  }
0x13: {  	s17 =	simm.s32 $0x7000;
	s18 =	simm.s32 $0x8000;
	[dreg:$0xe] =	wrdreg s22  }
0x14: {  	s19 =	simm.s32 $0x9000;
	s20 =	simm.s32 $0xA000;
	[dreg:$0xf] =	wrdreg s23  }
0x15: {  	s21 =	simm.s32 $0x1;
	[dreg:$0x10] =	wrdreg s24;
	s22 =	simm.s32 $0x2  }
0x16: {  	s23 =	simm.s32 $0x3;
	s24 =	simm.s32 $0x4;
	s4 =	sor.u32 s11, s4  }
0x17: {  	s26 =	sshrl.u32 s9, $0x1;
	s8 =	smul.u32 $0x500, s4;
	s7 =	sadd.s32 s6, s25  }
0x18: {  	s4 =	sadd.s32 $0x1A00, s0;
	s25 =	simm.s32 $0x2C80;
	s0 =	sadd.s32 s7, s0  }
0x19: {  	s7 =	ssub.s32 s9, s26;
	[dreg:$0x11] =	wrdreg s25;
	s26 =	simm.s32 $0x2D80  }
0x1a: {  	s9 =	sshrl.u32 s10, $0x2;
	s1 =	sadd.s32 s1, s8;
	[dreg:$0x12] =	wrdreg s26  }
0x1b: {  	s6 =	sadd.s32 s4, s6;
	s0 =	sadd.s32 $0x29A00, s0;
	[dreg:$0x13] =	wrdreg s1  }
0x1c: {  	s25 =	simm.s32 $0x5;
	s10 =	smax.u32 s7, $0x1;
	[dreg:$0x15] =	wrdreg s0  }
0x1d: {  	s6 =	smov.u32 @p0 s3;
	s26 =	simm.s32 $0x6;
	[dreg:$0x16] =	wrdreg s10  }
0x1e: {  	s1 =	sadd.s32 s9, s2;
	s9 =	simm.s32 $0x11;
	[dreg:$0x14] =	wrdreg s6  }
0x1f: {  	s10 =	sor.u32 $0x1C11, s12;
	s12 =	simm.s32 $0x20;
	s6 =	simm.s32 $0xF  }
0x20: {  	s0 =	simm.s32 $0x10;
	s11 =	sshrl.u32 s1, $0x3;
	s1 =	simm.s32 $0x0  }
.LBB2_1:
0x21: {  	s3 =	simm.s32 $0x0;
	s5 =	rddreg [dreg:$0x13]  }
0x22: {  	[tilespmem:s3], [sflag:$0x11] =	stream.linear.gather [hbm4b:s5+s3], $0x2800, $0x38;
	[tilespmem:$0x1F000] =	vst v63  }
0x23: {  	_ =	swait.ge [sflag:s9], $0x2800  }
0x24: {  	[sflag:s9] =	ssyncset.done $0x0  }
0x25: {  	s7 =	rddreg [dreg:$0x14];
	[sflag:s9] =	ssyncadd.s32 $0xFFFFD800  }
0x26: {  	[spmem:s11], [sflag:s10] =	dma.local [hbm:s7], $0x2800  }
0x27: {  	_ =	swait.ge [sflag:s9], $0x2800  }
0x28: {  	[sflag:s9] =	ssyncset.done $0x0  }
0x29: {  	p0 =	por $0x1, $0x1;
	[sflag:s9] =	ssyncadd.s32 $0xFFFFD800  }
0x2a: {  	s3 =	simm.s32 @!p0 $0x9;
	[bflag:$0x0] =	sbarrier.arrive $0xFFFF  }
0x2b: {  	_ =	swait.ge @!p0 [sflag:s3], $0x1000  }
0x2c: {  	[sflag:s3] =	ssyncset.done @!p0 $0x0  }
0x2d: {  	[sflag:s3] =	ssyncadd.s32 @!p0 $0xFFFFF000;
	s3 =	simm.s32 $0x0  }
0x2e: {  	v0 =	vld [tilespmem:s3+$0x0];
	_ =	sdelay $0x4  }
0x2f: {  	v1 =	vand.u32 $0xFFFF, v0  }
0x30: {  	v0 =	vshra.s32 v0, $0x10;
	[tilespmem:$0x2800] =	vst v1  }
0x31: {  	[tilespmem:$0x2880] =	vst v0  }
0x32: {  	v0 =	vld [tilespmem:s3+$0x10];
	_ =	sdelay $0x4  }
0x33: {  	v42 =	vand.u32 $0xFFFF, v0  }
0x34: {  	v0 =	vshra.s32 v0, $0x10;
	[tilespmem:$0x2810] =	vst v42  }
0x35: {  	s7 =	simm.s32 @!p0 $0xA;
	s8 =	rddreg [dreg:$0x5];
	[tilespmem:$0x2890] =	vst v0  }
0x36: {  	[tilespmem:s13], [sflag:$0x1] =	stream.indirect.gather [hbm4b:s4+s12], $0x80, s8, s12, $0xb8;
	[tilespmem:$0x1F000] =	vst v63  }
0x37: {  	_ =	swait.ge @!p0 [sflag:s7], $0x1000  }
0x38: {  	[sflag:s7] =	ssyncset.done @!p0 $0x0  }
0x39: {  	[sflag:s7] =	ssyncadd.s32 @!p0 $0xFFFFF000  }
0x3a: {  	v43 =	vld [tilespmem:s3+$0x20];
	_ =	sdelay $0x4  }
0x3b: {  	v44 =	vand.u32 $0xFFFF, v43  }
0x3c: {  	v0 =	vshra.s32 v43, $0x10;
	[tilespmem:$0x2900] =	vst v44  }
0x3d: {  	[tilespmem:$0x2980] =	vst v0  }
0x3e: {  	v0 =	vld [tilespmem:s3+$0x30];
	_ =	sdelay $0x4  }
0x3f: {  	v45 =	vand.u32 $0xFFFF, v0  }
0x40: {  	v0 =	vshra.s32 v0, $0x10;
	[tilespmem:$0x2910] =	vst v45  }
0x41: {  	s8 =	rddreg [dreg:$0x6];
	s7 =	simm.s32 @!p0 $0xB;
	[tilespmem:$0x2990] =	vst v0  }
0x42: {  	[tilespmem:s14], [sflag:$0x2] =	stream.indirect.gather [hbm4b:s4+s12], $0x80, s8, s12, $0xb8;
	[tilespmem:$0x1F000] =	vst v63  }
0x43: {  	_ =	swait.ge @!p0 [sflag:s7], $0x1000  }
0x44: {  	[sflag:s7] =	ssyncset.done @!p0 $0x0  }
0x45: {  	[sflag:s7] =	ssyncadd.s32 @!p0 $0xFFFFF000  }
0x46: {  	v46 =	vld [tilespmem:s3+$0x40];
	_ =	sdelay $0x4  }
0x47: {  	v47 =	vand.u32 $0xFFFF, v46  }
0x48: {  	v0 =	vshra.s32 v46, $0x10;
	[tilespmem:$0x2A00] =	vst v47  }
0x49: {  	[tilespmem:$0x2A80] =	vst v0  }
0x4a: {  	v0 =	vld [tilespmem:s3+$0x50];
	_ =	sdelay $0x4  }
0x4b: {  	v48 =	vand.u32 $0xFFFF, v0  }
0x4c: {  	v0 =	vshra.s32 v0, $0x10;
	[tilespmem:$0x2A10] =	vst v48  }
0x4d: {  	s8 =	rddreg [dreg:$0x7];
	s7 =	simm.s32 @!p0 $0xC;
	[tilespmem:$0x2A90] =	vst v0  }
0x4e: {  	[tilespmem:s15], [sflag:$0x3] =	stream.indirect.gather [hbm4b:s4+s12], $0x80, s8, s12, $0xb8;
	[tilespmem:$0x1F000] =	vst v63  }
0x4f: {  	_ =	swait.ge @!p0 [sflag:s7], $0x1000  }
0x50: {  	[sflag:s7] =	ssyncset.done @!p0 $0x0  }
0x51: {  	[sflag:s7] =	ssyncadd.s32 @!p0 $0xFFFFF000  }
0x52: {  	v49 =	vld [tilespmem:s3+$0x60];
	_ =	sdelay $0x4  }
0x53: {  	v50 =	vand.u32 $0xFFFF, v49  }
0x54: {  	v0 =	vshra.s32 v49, $0x10;
	[tilespmem:$0x2B00] =	vst v50  }
0x55: {  	[tilespmem:$0x2B80] =	vst v0  }
0x56: {  	v0 =	vld [tilespmem:s3+$0x70];
	_ =	sdelay $0x4  }
0x57: {  	v51 =	vand.u32 $0xFFFF, v0  }
0x58: {  	v0 =	vshra.s32 v0, $0x10;
	[tilespmem:$0x2B10] =	vst v51  }
0x59: {  	s8 =	rddreg [dreg:$0x8];
	s7 =	simm.s32 @!p0 $0xD;
	[tilespmem:$0x2B90] =	vst v0  }
0x5a: {  	[tilespmem:s16], [sflag:$0x4] =	stream.indirect.gather [hbm4b:s4+s12], $0x80, s8, s12, $0xb8;
	[tilespmem:$0x1F000] =	vst v63  }
0x5b: {  	_ =	swait.ge @!p0 [sflag:s7], $0x1000  }
0x5c: {  	[sflag:s7] =	ssyncset.done @!p0 $0x0  }
0x5d: {  	[sflag:s7] =	ssyncadd.s32 @!p0 $0xFFFFF000  }
0x5e: {  	v52 =	vld [tilespmem:s3+$0x80];
	_ =	sdelay $0x4  }
0x5f: {  	v53 =	vand.u32 $0xFFFF, v52  }
0x60: {  	v0 =	vshra.s32 v52, $0x10;
	[tilespmem:$0x2C00] =	vst v53  }
0x61: {  	[tilespmem:$0x2C80] =	vst v0  }
0x62: {  	v0 =	vld [tilespmem:s3+$0x90];
	_ =	sdelay $0x4  }
0x63: {  	v54 =	vand.u32 $0xFFFF, v0  }
0x64: {  	v0 =	vshra.s32 v0, $0x10;
	[tilespmem:$0x2C10] =	vst v54  }
0x65: {  	s8 =	rddreg [dreg:$0x9];
	s7 =	simm.s32 @!p0 $0xE;
	[tilespmem:$0x2C90] =	vst v0  }
0x66: {  	[tilespmem:s17], [sflag:$0x5] =	stream.indirect.gather [hbm4b:s4+s12], $0x80, s8, s12, $0xb8;
	[tilespmem:$0x1F000] =	vst v63  }
0x67: {  	_ =	swait.ge @!p0 [sflag:s7], $0x1000  }
0x68: {  	[sflag:s7] =	ssyncset.done @!p0 $0x0  }
0x69: {  	[sflag:s7] =	ssyncadd.s32 @!p0 $0xFFFFF000  }
0x6a: {  	v55 =	vld [tilespmem:s3+$0xA0];
	_ =	sdelay $0x4  }
0x6b: {  	v56 =	vand.u32 $0xFFFF, v55  }
0x6c: {  	v0 =	vshra.s32 v55, $0x10;
	[tilespmem:$0x2D00] =	vst v56  }
0x6d: {  	[tilespmem:$0x2D80] =	vst v0  }
0x6e: {  	v0 =	vld [tilespmem:s3+$0xB0];
	_ =	sdelay $0x4  }
0x6f: {  	v57 =	vand.u32 $0xFFFF, v0  }
0x70: {  	v0 =	vshra.s32 v0, $0x10;
	[tilespmem:$0x2D10] =	vst v57  }
0x71: {  	s8 =	rddreg [dreg:$0xa];
	s7 =	simm.s32 @!p0 $0xF;
	[tilespmem:$0x2D90] =	vst v0  }
0x72: {  	[tilespmem:s18], [sflag:$0x6] =	stream.indirect.gather [hbm4b:s4+s12], $0x80, s8, s12, $0xb8;
	[tilespmem:$0x1F000] =	vst v63  }
0x73: {  	_ =	swait.ge @!p0 [sflag:s7], $0x1000  }
0x74: {  	[sflag:s7] =	ssyncset.done @!p0 $0x0  }
0x75: {  	[sflag:s7] =	ssyncadd.s32 @!p0 $0xFFFFF000  }
0x76: {  	v58 =	vld [tilespmem:s3+$0xC0];
	_ =	sdelay $0x4  }
0x77: {  	v59 =	vand.u32 $0xFFFF, v58  }
0x78: {  	v0 =	vshra.s32 v58, $0x10;
	[tilespmem:$0x2E00] =	vst v59  }
0x79: {  	[tilespmem:$0x2E80] =	vst v0  }
0x7a: {  	v0 =	vld [tilespmem:s3+$0xD0];
	_ =	sdelay $0x4  }
0x7b: {  	v60 =	vand.u32 $0xFFFF, v0  }
0x7c: {  	v0 =	vshra.s32 v0, $0x10;
	[tilespmem:$0x2E10] =	vst v60  }
0x7d: {  	s8 =	rddreg [dreg:$0xb];
	s7 =	simm.s32 @!p0 $0x10;
	[tilespmem:$0x2E90] =	vst v0  }
0x7e: {  	[tilespmem:s19], [sflag:$0x7] =	stream.indirect.gather [hbm4b:s4+s12], $0x80, s8, s12, $0xb8;
	[tilespmem:$0x1F000] =	vst v63  }
0x7f: {  	_ =	swait.ge @!p0 [sflag:s7], $0x1000  }
0x80: {  	[sflag:s7] =	ssyncset.done @!p0 $0x0  }
0x81: {  	[sflag:s7] =	ssyncadd.s32 @!p0 $0xFFFFF000  }
0x82: {  	v61 =	vld [tilespmem:s3+$0xE0];
	_ =	sdelay $0x4  }
0x83: {  	v62 =	vand.u32 $0xFFFF, v61  }
0x84: {  	v0 =	vshra.s32 v61, $0x10;
	[tilespmem:$0x2F00] =	vst v62  }
0x85: {  	[tilespmem:$0x2F80] =	vst v0  }
0x86: {  	v0 =	vld [tilespmem:s3+$0xF0];
	_ =	sdelay $0x4  }
0x87: {  	v63 =	vand.u32 $0xFFFF, v0  }
0x88: {  	v0 =	vshra.s32 v0, $0x10;
	[tilespmem:$0x2F10] =	vst v63  }
0x89: {  	s7 =	rddreg [dreg:$0xc];
	[tilespmem:$0x2F90] =	vst v0  }
0x8a: {  	[tilespmem:s20], [sflag:$0x8] =	stream.indirect.gather [hbm4b:s4+s12], $0x80, s7, s12, $0xb8;
	[tilespmem:$0x1F000] =	vst v63  }
0x8b: {  	_ =	swait.ge [sflag:s21], $0x1000  }
0x8c: {  	[sflag:s21] =	ssyncset.done $0x0  }
0x8d: {  	s8 =	rddreg [dreg:$0xd];
	[sflag:s21] =	ssyncadd.s32 $0xFFFFF000  }
0x8e: {  	[spmem:s2] =	stream.indirect.scatter.add.f32 [tilespmem:s13], [sflag:$0x9], $0x80, s8, s12, $0xb8;
	[tilespmem:$0x1F000] =	vst v63  }
0x8f: {  	_ =	swait.ge [sflag:s22], $0x1000  }
0x90: {  	[sflag:s22] =	ssyncset.done $0x0  }
0x91: {  	s5 =	rddreg [dreg:$0xe];
	[sflag:s22] =	ssyncadd.s32 $0xFFFFF000  }
0x92: {  	[spmem:s2] =	stream.indirect.scatter.add.f32 [tilespmem:s14], [sflag:$0xA], $0x80, s5, s12, $0xb8;
	[tilespmem:$0x1F000] =	vst v63  }
0x93: {  	_ =	swait.ge [sflag:s23], $0x1000  }
0x94: {  	[sflag:s23] =	ssyncset.done $0x0  }
0x95: {  	s7 =	rddreg [dreg:$0xf];
	[sflag:s23] =	ssyncadd.s32 $0xFFFFF000  }
0x96: {  	[spmem:s2] =	stream.indirect.scatter.add.f32 [tilespmem:s15], [sflag:$0xB], $0x80, s7, s12, $0xb8;
	[tilespmem:$0x1F000] =	vst v63  }
0x97: {  	_ =	swait.ge [sflag:s24], $0x1000  }
0x98: {  	[sflag:s24] =	ssyncset.done $0x0  }
0x99: {  	s3 =	simm.s32 $0x400;
	s8 =	rddreg [dreg:$0x10];
	[sflag:s24] =	ssyncadd.s32 $0xFFFFF000  }
0x9a: {  	[spmem:s2] =	stream.indirect.scatter.add.f32 [tilespmem:s16], [sflag:$0xC], $0x80, s8, s12, $0xb8;
	[tilespmem:$0x1F000] =	vst v63  }
.LBB2_2:
0x9b: {  	_ =	swait.ge [sflag:s25], $0x1000  }
0x9c: {  	[sflag:s25] =	ssyncset.done $0x0  }
0x9d: {  	s7 =	rddreg [dreg:$0x11];
	[sflag:s25] =	ssyncadd.s32 $0xFFFFF000  }
0x9e: {  	[spmem:s2] =	stream.indirect.scatter.add.f32 [tilespmem:s17], [sflag:$0xD], $0x80, s7, s12, $0xb8;
	[tilespmem:$0x1F000] =	vst v63  }
0x9f: {  	_ =	swait.ge [sflag:s26], $0x1000  }
0xa0: {  	[sflag:s26] =	ssyncset.done $0x0  }
0xa1: {  	s8 =	rddreg [dreg:$0x12];
	[sflag:s26] =	ssyncadd.s32 $0xFFFFF000  }
0xa2: {  	[spmem:s2] =	stream.indirect.scatter.add.f32 [tilespmem:s18], [sflag:$0xE], $0x80, s8, s12, $0xb8;
	[tilespmem:$0x1F000] =	vst v63  }
0xa3: {  	_ =	swait.ge [sflag:s28], $0x1000  }
0xa4: {  	[sflag:s28] =	ssyncset.done $0x0  }
0xa5: {  	[sflag:s28] =	ssyncadd.s32 $0xFFFFF000  }
0xa6: {  	[spmem:s2] =	stream.indirect.scatter.add.f32 [tilespmem:s19], [sflag:$0xF], $0x80, s29, s12, $0xb8;
	[tilespmem:$0x1F000] =	vst v63  }
0xa7: {  	s5 =	smov.u32 s3;
	_ =	swait.ge [sflag:s30], $0x1000  }
0xa8: {  	p1 =	seq.s32 s5, $0x0;
	[sflag:s30] =	ssyncset.done $0x0  }
0xa9: {  	s7 =	simm.s32 @!p1 $0x9;
	[sflag:s30] =	ssyncadd.s32 $0xFFFFF000  }
0xaa: {  	[spmem:s2] =	stream.indirect.scatter.add.f32 [tilespmem:s20], [sflag:$0x10], $0x80, s31, s12, $0xb8;
	[tilespmem:$0x1F000] =	vst v63  }
0xab: {  	_ =	swait.ge @!p1 [sflag:s7], $0x1000  }
0xac: {  	[sflag:s7] =	ssyncset.done @!p1 $0x0  }
0xad: {  	s5 =	sshra.s32 s5, $0x2;
	[sflag:s7] =	ssyncadd.s32 @!p1 $0xFFFFF000  }
0xae: {  	v0 =	vld [tilespmem:s5+$0x0];
	_ =	sdelay $0x4  }
0xaf: {  	v1 =	vand.u32 $0xFFFF, v0  }
0xb0: {  	v0 =	vshra.s32 v0, $0x10;
	[tilespmem:$0x2800] =	vst v1  }
0xb1: {  	[tilespmem:$0x2880] =	vst v0  }
0xb2: {  	v0 =	vld [tilespmem:s5+$0x10];
	_ =	sdelay $0x4  }
0xb3: {  	v42 =	vand.u32 $0xFFFF, v0  }
0xb4: {  	v0 =	vshra.s32 v0, $0x10;
	[tilespmem:$0x2810] =	vst v42  }
0xb5: {  	s8 =	simm.s32 @!p1 $0xA;
	s7 =	rddreg [dreg:$0x5];
	[tilespmem:$0x2890] =	vst v0  }
0xb6: {  	[tilespmem:s13], [sflag:$0x1] =	stream.indirect.gather [hbm4b:s4+s12], $0x80, s7, s12, $0xb8;
	[tilespmem:$0x1F000] =	vst v63  }
0xb7: {  	_ =	swait.ge @!p1 [sflag:s8], $0x1000  }
0xb8: {  	[sflag:s8] =	ssyncset.done @!p1 $0x0  }
0xb9: {  	[sflag:s8] =	ssyncadd.s32 @!p1 $0xFFFFF000  }
0xba: {  	v43 =	vld [tilespmem:s5+$0x20];
	_ =	sdelay $0x4  }
0xbb: {  	v44 =	vand.u32 $0xFFFF, v43  }
0xbc: {  	v0 =	vshra.s32 v43, $0x10;
	[tilespmem:$0x2900] =	vst v44  }
0xbd: {  	[tilespmem:$0x2980] =	vst v0  }
0xbe: {  	v0 =	vld [tilespmem:s5+$0x30];
	_ =	sdelay $0x4  }
0xbf: {  	v45 =	vand.u32 $0xFFFF, v0  }
0xc0: {  	v0 =	vshra.s32 v0, $0x10;
	[tilespmem:$0x2910] =	vst v45  }
0xc1: {  	s7 =	rddreg [dreg:$0x6];
	s8 =	simm.s32 @!p1 $0xB;
	[tilespmem:$0x2990] =	vst v0  }
0xc2: {  	[tilespmem:s14], [sflag:$0x2] =	stream.indirect.gather [hbm4b:s4+s12], $0x80, s7, s12, $0xb8;
	[tilespmem:$0x1F000] =	vst v63  }
0xc3: {  	_ =	swait.ge @!p1 [sflag:s8], $0x1000  }
0xc4: {  	[sflag:s8] =	ssyncset.done @!p1 $0x0  }
0xc5: {  	[sflag:s8] =	ssyncadd.s32 @!p1 $0xFFFFF000  }
0xc6: {  	v46 =	vld [tilespmem:s5+$0x40];
	_ =	sdelay $0x4  }
0xc7: {  	v47 =	vand.u32 $0xFFFF, v46  }
0xc8: {  	v0 =	vshra.s32 v46, $0x10;
	[tilespmem:$0x2A00] =	vst v47  }
0xc9: {  	[tilespmem:$0x2A80] =	vst v0  }
0xca: {  	v0 =	vld [tilespmem:s5+$0x50];
	_ =	sdelay $0x4  }
0xcb: {  	v48 =	vand.u32 $0xFFFF, v0  }
0xcc: {  	v0 =	vshra.s32 v0, $0x10;
	[tilespmem:$0x2A10] =	vst v48  }
0xcd: {  	s7 =	rddreg [dreg:$0x7];
	s8 =	simm.s32 @!p1 $0xC;
	[tilespmem:$0x2A90] =	vst v0  }
0xce: {  	[tilespmem:s15], [sflag:$0x3] =	stream.indirect.gather [hbm4b:s4+s12], $0x80, s7, s12, $0xb8;
	[tilespmem:$0x1F000] =	vst v63  }
0xcf: {  	_ =	swait.ge @!p1 [sflag:s8], $0x1000  }
0xd0: {  	[sflag:s8] =	ssyncset.done @!p1 $0x0  }
0xd1: {  	[sflag:s8] =	ssyncadd.s32 @!p1 $0xFFFFF000  }
0xd2: {  	v49 =	vld [tilespmem:s5+$0x60];
	_ =	sdelay $0x4  }
0xd3: {  	v50 =	vand.u32 $0xFFFF, v49  }
0xd4: {  	v0 =	vshra.s32 v49, $0x10;
	[tilespmem:$0x2B00] =	vst v50  }
0xd5: {  	[tilespmem:$0x2B80] =	vst v0  }
0xd6: {  	v0 =	vld [tilespmem:s5+$0x70];
	_ =	sdelay $0x4  }
0xd7: {  	v51 =	vand.u32 $0xFFFF, v0  }
0xd8: {  	v0 =	vshra.s32 v0, $0x10;
	[tilespmem:$0x2B10] =	vst v51  }
0xd9: {  	s7 =	rddreg [dreg:$0x8];
	s8 =	simm.s32 @!p1 $0xD;
	[tilespmem:$0x2B90] =	vst v0  }
0xda: {  	[tilespmem:s16], [sflag:$0x4] =	stream.indirect.gather [hbm4b:s4+s12], $0x80, s7, s12, $0xb8;
	[tilespmem:$0x1F000] =	vst v63  }
0xdb: {  	_ =	swait.ge @!p1 [sflag:s8], $0x1000  }
0xdc: {  	[sflag:s8] =	ssyncset.done @!p1 $0x0  }
0xdd: {  	[sflag:s8] =	ssyncadd.s32 @!p1 $0xFFFFF000  }
0xde: {  	v52 =	vld [tilespmem:s5+$0x80];
	_ =	sdelay $0x4  }
0xdf: {  	v53 =	vand.u32 $0xFFFF, v52  }
0xe0: {  	v0 =	vshra.s32 v52, $0x10;
	[tilespmem:$0x2C00] =	vst v53  }
0xe1: {  	[tilespmem:$0x2C80] =	vst v0  }
0xe2: {  	v0 =	vld [tilespmem:s5+$0x90];
	_ =	sdelay $0x4  }
0xe3: {  	v54 =	vand.u32 $0xFFFF, v0  }
0xe4: {  	v0 =	vshra.s32 v0, $0x10;
	[tilespmem:$0x2C10] =	vst v54  }
0xe5: {  	s7 =	rddreg [dreg:$0x9];
	s8 =	simm.s32 @!p1 $0xE;
	[tilespmem:$0x2C90] =	vst v0  }
0xe6: {  	[tilespmem:s17], [sflag:$0x5] =	stream.indirect.gather [hbm4b:s4+s12], $0x80, s7, s12, $0xb8;
	[tilespmem:$0x1F000] =	vst v63  }
0xe7: {  	_ =	swait.ge @!p1 [sflag:s8], $0x1000  }
0xe8: {  	[sflag:s8] =	ssyncset.done @!p1 $0x0  }
0xe9: {  	[sflag:s8] =	ssyncadd.s32 @!p1 $0xFFFFF000  }
0xea: {  	v55 =	vld [tilespmem:s5+$0xA0];
	_ =	sdelay $0x4  }
0xeb: {  	v56 =	vand.u32 $0xFFFF, v55  }
0xec: {  	v0 =	vshra.s32 v55, $0x10;
	[tilespmem:$0x2D00] =	vst v56  }
0xed: {  	[tilespmem:$0x2D80] =	vst v0  }
0xee: {  	v0 =	vld [tilespmem:s5+$0xB0];
	_ =	sdelay $0x4  }
0xef: {  	v57 =	vand.u32 $0xFFFF, v0  }
0xf0: {  	v0 =	vshra.s32 v0, $0x10;
	[tilespmem:$0x2D10] =	vst v57  }
0xf1: {  	s7 =	rddreg [dreg:$0xa];
	s8 =	simm.s32 @!p1 $0xF;
	[tilespmem:$0x2D90] =	vst v0  }
0xf2: {  	[tilespmem:s18], [sflag:$0x6] =	stream.indirect.gather [hbm4b:s4+s12], $0x80, s7, s12, $0xb8;
	[tilespmem:$0x1F000] =	vst v63  }
0xf3: {  	_ =	swait.ge @!p1 [sflag:s8], $0x1000  }
0xf4: {  	[sflag:s8] =	ssyncset.done @!p1 $0x0  }
0xf5: {  	[sflag:s8] =	ssyncadd.s32 @!p1 $0xFFFFF000  }
0xf6: {  	v58 =	vld [tilespmem:s5+$0xC0];
	_ =	sdelay $0x4  }
0xf7: {  	v59 =	vand.u32 $0xFFFF, v58  }
0xf8: {  	v0 =	vshra.s32 v58, $0x10;
	[tilespmem:$0x2E00] =	vst v59  }
0xf9: {  	[tilespmem:$0x2E80] =	vst v0  }
0xfa: {  	v0 =	vld [tilespmem:s5+$0xD0];
	_ =	sdelay $0x4  }
0xfb: {  	v60 =	vand.u32 $0xFFFF, v0  }
0xfc: {  	v0 =	vshra.s32 v0, $0x10;
	[tilespmem:$0x2E10] =	vst v60  }
0xfd: {  	s7 =	rddreg [dreg:$0xb];
	s8 =	simm.s32 @!p1 $0x10;
	[tilespmem:$0x2E90] =	vst v0  }
0xfe: {  	[tilespmem:s19], [sflag:$0x7] =	stream.indirect.gather [hbm4b:s4+s12], $0x80, s7, s12, $0xb8;
	[tilespmem:$0x1F000] =	vst v63  }
0xff: {  	_ =	swait.ge @!p1 [sflag:s8], $0x1000  }
0x100: {  	[sflag:s8] =	ssyncset.done @!p1 $0x0  }
0x101: {  	[sflag:s8] =	ssyncadd.s32 @!p1 $0xFFFFF000  }
0x102: {  	v61 =	vld [tilespmem:s5+$0xE0];
	_ =	sdelay $0x4  }
0x103: {  	v62 =	vand.u32 $0xFFFF, v61  }
0x104: {  	v0 =	vshra.s32 v61, $0x10;
	[tilespmem:$0x2F00] =	vst v62  }
0x105: {  	[tilespmem:$0x2F80] =	vst v0  }
0x106: {  	v0 =	vld [tilespmem:s5+$0xF0];
	_ =	sdelay $0x4  }
0x107: {  	v63 =	vand.u32 $0xFFFF, v0  }
0x108: {  	v0 =	vshra.s32 v0, $0x10;
	[tilespmem:$0x2F10] =	vst v63  }
0x109: {  	s8 =	rddreg [dreg:$0xc];
	[tilespmem:$0x2F90] =	vst v0  }
0x10a: {  	[tilespmem:s20], [sflag:$0x8] =	stream.indirect.gather [hbm4b:s4+s12], $0x80, s8, s12, $0xb8;
	[tilespmem:$0x1F000] =	vst v63  }
0x10b: {  	_ =	swait.ge [sflag:s21], $0x1000  }
0x10c: {  	[sflag:s21] =	ssyncset.done $0x0  }
0x10d: {  	s7 =	rddreg [dreg:$0xd];
	[sflag:s21] =	ssyncadd.s32 $0xFFFFF000  }
0x10e: {  	[spmem:s2] =	stream.indirect.scatter.add.f32 [tilespmem:s13], [sflag:$0x9], $0x80, s7, s12, $0xb8;
	[tilespmem:$0x1F000] =	vst v63  }
0x10f: {  	_ =	swait.ge [sflag:s22], $0x1000  }
0x110: {  	[sflag:s22] =	ssyncset.done $0x0  }
0x111: {  	s8 =	rddreg [dreg:$0xe];
	[sflag:s22] =	ssyncadd.s32 $0xFFFFF000  }
0x112: {  	[spmem:s2] =	stream.indirect.scatter.add.f32 [tilespmem:s14], [sflag:$0xA], $0x80, s8, s12, $0xb8;
	[tilespmem:$0x1F000] =	vst v63  }
0x113: {  	_ =	swait.ge [sflag:s23], $0x1000  }
0x114: {  	s3 =	sadd.s32 $0x400, s3;
	[sflag:s23] =	ssyncset.done $0x0  }
0x115: {  	p0 =	sne.s32 s3, $0xA000;
	s7 =	rddreg [dreg:$0xf];
	[sflag:s23] =	ssyncadd.s32 $0xFFFFF000  }
0x116: {  	[spmem:s2] =	stream.indirect.scatter.add.f32 [tilespmem:s15], [sflag:$0xB], $0x80, s7, s12, $0xb8;
	[tilespmem:$0x1F000] =	vst v63  }
.Ltmp0:
0x117: {  	_ = 	snop;
	(pc) =	sbr.rel @p0 .LBB2_2-.Ltmp0, $4  }
0x118: {  	_ =	swait.ge [sflag:s24], $0x1000  }
0x119: {  	[sflag:s24] =	ssyncset.done $0x0  }
0x11a: {  	s8 =	rddreg [dreg:$0x10];
	[sflag:s24] =	ssyncadd.s32 $0xFFFFF000  }
0x11b: {  	[spmem:s2] =	stream.indirect.scatter.add.f32 [tilespmem:s16], [sflag:$0xC], $0x80, s8, s12, $0xb8;
	[tilespmem:$0x1F000] =	vst v63  }
0x11c: {  	_ =	swait.ge [sflag:s25], $0x1000  }
0x11d: {  	[sflag:s25] =	ssyncset.done $0x0  }
0x11e: {  	s3 =	rddreg [dreg:$0x11];
	[sflag:s25] =	ssyncadd.s32 $0xFFFFF000  }
0x11f: {  	[spmem:s2] =	stream.indirect.scatter.add.f32 [tilespmem:s17], [sflag:$0xD], $0x80, s3, s12, $0xb8;
	[tilespmem:$0x1F000] =	vst v63  }
0x120: {  	_ =	swait.ge [sflag:s26], $0x1000  }
0x121: {  	[sflag:s26] =	ssyncset.done $0x0  }
0x122: {  	s5 =	rddreg [dreg:$0x12];
	[sflag:s26] =	ssyncadd.s32 $0xFFFFF000  }
0x123: {  	[spmem:s2] =	stream.indirect.scatter.add.f32 [tilespmem:s18], [sflag:$0xE], $0x80, s5, s12, $0xb8;
	[tilespmem:$0x1F000] =	vst v63  }
0x124: {  	_ =	swait.ge [sflag:s28], $0x1000  }
0x125: {  	[sflag:s28] =	ssyncset.done $0x0  }
0x126: {  	[sflag:s28] =	ssyncadd.s32 $0xFFFFF000  }
0x127: {  	[spmem:s2] =	stream.indirect.scatter.add.f32 [tilespmem:s19], [sflag:$0xF], $0x80, s29, s12, $0xb8;
	[tilespmem:$0x1F000] =	vst v63  }
0x128: {  	_ =	swait.ge [sflag:s30], $0x1000  }
0x129: {  	[sflag:s30] =	ssyncset.done $0x0  }
0x12a: {  	s7 =	simm.s32 $0x9;
	[sflag:s30] =	ssyncadd.s32 $0xFFFFF000  }
0x12b: {  	[spmem:s2] =	stream.indirect.scatter.add.f32 [tilespmem:s20], [sflag:$0x10], $0x80, s31, s12, $0xb8;
	[tilespmem:$0x1F000] =	vst v63  }
0x12c: {  	_ =	swait.ge [sflag:s7], $0x1000  }
0x12d: {  	[sflag:s7] =	ssyncset.done $0x0  }
0x12e: {  	s8 =	simm.s32 $0xA;
	[sflag:s7] =	ssyncadd.s32 $0xFFFFF000  }
0x12f: {  	_ =	swait.ge [sflag:s8], $0x1000  }
0x130: {  	[sflag:s8] =	ssyncset.done $0x0  }
0x131: {  	s5 =	simm.s32 $0xB;
	[sflag:s8] =	ssyncadd.s32 $0xFFFFF000  }
0x132: {  	_ =	swait.ge [sflag:s5], $0x1000  }
0x133: {  	[sflag:s5] =	ssyncset.done $0x0  }
0x134: {  	s7 =	simm.s32 $0xC;
	[sflag:s5] =	ssyncadd.s32 $0xFFFFF000  }
0x135: {  	_ =	swait.ge [sflag:s7], $0x1000  }
0x136: {  	[sflag:s7] =	ssyncset.done $0x0  }
0x137: {  	s8 =	simm.s32 $0xD;
	[sflag:s7] =	ssyncadd.s32 $0xFFFFF000  }
0x138: {  	_ =	swait.ge [sflag:s8], $0x1000  }
0x139: {  	[sflag:s8] =	ssyncset.done $0x0  }
0x13a: {  	s5 =	simm.s32 $0xE;
	[sflag:s8] =	ssyncadd.s32 $0xFFFFF000  }
0x13b: {  	_ =	swait.ge [sflag:s5], $0x1000  }
0x13c: {  	[sflag:s5] =	ssyncset.done $0x0  }
0x13d: {  	[sflag:s5] =	ssyncadd.s32 $0xFFFFF000  }
0x13e: {  	_ =	swait.ge [sflag:s6], $0x1000  }
0x13f: {  	[sflag:s6] =	ssyncset.done $0x0  }
0x140: {  	[sflag:s6] =	ssyncadd.s32 $0xFFFFF000  }
0x141: {  	_ =	swait.ge [sflag:s0], $0x1000  }
0x142: {  	[sflag:s0] =	ssyncset.done $0x0  }
0x143: {  	[sflag:s0] =	ssyncadd.s32 $0xFFFFF000  }
0x144: {  	[bflag:$0x0] =	sbarrier.arrive $0xFFFF  }
0x145: {  	s7 =	rddreg [dreg:$0x15]  }
0x146: {  	[hbm:s7], [sflag:s10] =	dma.local [spmem:s11], $0x2800  }
0x147: {  	_ =	swait.ge [sflag:s9], $0x2800  }
0x148: {  	s1 =	sadd.s32 $0x1, s1;
	s8 =	rddreg [dreg:$0x16]  }
0x149: {  	p0 =	sne.s32 s1, s8  }
.Ltmp1:
0x14a: {  	_ = 	snop;
	(pc) =	sbr.rel @p0 .LBB2_1-.Ltmp1, $3  }
0x14b: {  	_ =	sdelay $0x1  }
0x14c: {  	[sflag:s9] =	ssyncset.done $0x0  }
0x14d: {  	[sflag:s9] =	ssyncadd.s32 $0xFFFFD800  }
0x14e: {  	_ =	sfence.sel $0x180000  }
0x14f: {  	[bflag:$0x0] =	sbarrier.arrive $0xFFFF  }
0x150: {  	_ =	strace $0x9000004A  }
0x151: {  	s0 =	stileid.u32;
	[bflag:$0x2] =	sbarrier.arrive $0xFFFF  }
0x152: {  	p0 =	sne.s32 s0, $0x0;
	s0 =	rddreg [dreg:$0x4]  }
0x153: {  	s0 =	sadd.s32 @!p0 $0x100000, s0  }
0x154: {  	[sflag:s0] =	ssyncadd.tile.s32 @!p0 $0x1;
	_ =	shalt  }
.Lfunc_end2:
_tile_overlayer_lowered:
.L_overlay_start_2:
0x155: {  	(tag) =	ssettag $0x2  }
0x156: {  	s0 =	rddreg [dreg:$0x0];
	s2 =	stileid.u32  }
0x157: {  	s1 =	rddreg [dreg:$0x1];
	p0 =	sne.s32 s2, $0x0  }
0x158: {  	s3 =	rddreg [dreg:$0x2];
	[bflag:$0x3] =	sbarrier.arrive $0xFFFF;
	s2 =	simm.s32 @!p0 $0x1C11  }
0x159: {  	[timem:s3], [sflag:s2] =	dma.local @!p0 [hbm:s0], s1  }
0x15a: {  	s0 =	simm.s32 @!p0 $0x11  }
0x15b: {  	_ =	swait.ge @!p0 [sflag:s0], s1  }
0x15c: {  	s1 =	ssub.s32 @!p0 $0x0, s1;
	[sflag:s0] =	ssyncset.done @!p0 $0x0  }
0x15d: {  	[sflag:s0] =	ssyncadd.s32 @!p0 s1  }
0x15e: {  	[bflag:$0x3] =	sbarrier.arrive $0xFFFF  }
0x15f: {  	_ =	shalt  }

// kernel: kernel.14.cloned.1.call-start
scs
__scs_entry_jumppad:
0x0: {  	(pc) =	sbr.rel $0x88, $3  }
0x1: {  	(tag) =	ssettag $0x0;
	lr =	simm.s32 $0x1  }
0x2: {  	[smem:$0x3F9D] =	sst lr;
	_ =	strace $0xD0000000  }
0x3: {  	_ = 	snop  }
0x4: {  	_ = 	snop  }
0x5: {  	_ = 	snop  }
0x6: {  	_ = 	snop  }
0x7: {  	_ = 	snop  }
__scs_overlays_trampoline_lowered:
0x8: {  	[smem:$0x3FAC] =	sst s0  }
0x9: {  	[smem:$0x3FAD] =	sst s1  }
0xa: {  	[smem:$0x3FAE] =	sst s2  }
0xb: {  	[smem:$0x3FAF] =	sst s3  }
0xc: {  	[smem:$0x3FB0] =	sst s4  }
0xd: {  	[smem:$0x3FB1] =	sst s5  }
0xe: {  	[smem:$0x3FB2] =	sst s6  }
0xf: {  	[smem:$0x3FB3] =	sst s7  }
0x10: {  	[smem:$0x3FB4] =	sst s8  }
0x11: {  	[smem:$0x3FB5] =	sst s9;
	s0 =	simm.s32 @!p0 $0x0  }
0x12: {  	s1 =	sld [smem:$0x3F9B];
	s0 =	simm.s32 @p0 $0x1  }
0x13: {  	[smem:$0x3FB6] =	sst s0;
	s0 =	simm.s32 @!p1 $0x0  }
0x14: {  	s2 =	sld [smem:$0x3F9A];
	s0 =	simm.s32 @p1 $0x1  }
0x15: {  	[smem:$0x3FB7] =	sst s0;
	s0 =	simm.s32 @!p2 $0x0  }
0x16: {  	s3 =	sld [smem:$0x3FDB];
	s0 =	simm.s32 @p2 $0x1  }
0x17: {  	s4 =	simm.s32 $0x1BF5;
	[smem:$0x3FB9] =	sst s0  }
0x18: {  	s0 =	sld [smem:$0x3F9C];
	_ =	swait.ge [sflag:s4], $0x0  }
0x19: {  	s7 =	sld [smem:$0x3F9D]  }
0x1a: {  	s8 =	sadd.s32 $0xFFFFE003, lr  }
0x1b: {  	s9 =	sadd.s32 $0xFFFFFEF7, lr;
	s5 =	simm.s32 $0xFFFFFFFF;
	p2 =	slt.u32 s8, $0xFFFFF086  }
0x1c: {  	p1 =	slt.u32 s9, $0xF7A;
	s5 =	simm.s32 @!p2 $0x0  }
0x1d: {  	s5 =	simm.s32 @p1 $0x1;
	p0 =	seq.s32 s7, s2  }
0x1e: {  	s7 =	smul.u32 @!p0 $0xF7A, s2;
	p2 =	seq.s32 @!p0 s5, $0x0  }
0x1f: {  	s9 =	smul.u32 $0xF7A, s1;
	s8 =	simm.s32 @!p0 $0x1BF5;
	p2 =	por !p2, p0  }
0x20: {  	[sflag:s8] =	ssyncset.s32 @!p0 $0xFFFFF086;
	s6 =	sadd.s32 @!p0 s3, s7;
	s7 =	simm.s32 @!p0 $0x108  }
0x21: {  	s3 =	sadd.s32 s3, s9;
	s6 =	sadd.s32 @!p0 $0x88, s6;
	s7 =	simm.s32 @p2 $0x1082  }
0x22: {  	[simem:s7], [sflag:s8] =	dma.local @!p0 [hbm:s6], $0xF7A  }
0x23: {  	s9 =	sor.u32 $0xD0000000, s2;
	s6 =	simm.s32 $0x108;
	_ =	swait.ge @!p0 [sflag:s8], $0x0  }
0x24: {  	s3 =	sadd.s32 $0x88, s3;
	s6 =	simm.s32 @!p1 $0x1082;
	[sflag:s4] =	ssyncset.s32 $0xFFFFF086  }
0x25: {  	[simem:s6], [sflag:s4] =	dma.local [hbm:s3], $0xF7A  }
0x26: {  	[smem:$0x3F9D] =	sst s1;
	(tag) =	ssettag s2;
	_ =	strace s9  }
0x27: {  	s1 =	sld [smem:$0x3FAD]  }
0x28: {  	s2 =	sld [smem:$0x3FAE]  }
0x29: {  	s4 =	sld [smem:$0x3FB0]  }
0x2a: {  	p0 =	seq.s32 s5, $0x0;
	s5 =	sld [smem:$0x3FB1]  }
0x2b: {  	s6 =	sld [smem:$0x3FB2]  }
0x2c: {  	s7 =	sld [smem:$0x3FB3]  }
0x2d: {  	s3 =	simm.s32 $0x108;
	s8 =	sld [smem:$0x3FB4]  }
0x2e: {  	s3 =	simm.s32 @!p0 $0x1082;
	s9 =	sld [smem:$0x3FB5]  }
0x2f: {  	lr =	sadd.s32 s0, s3;
	s0 =	sld [smem:$0x3FAC]  }
0x30: {  	s3 =	sld [smem:$0x3FAF]  }
0x31: {  	[smem:$0x3FB8] =	sst s10  }
0x32: {  	s10 =	sld [smem:$0x3FB6];
	_ =	sdelay $0x3  }
0x33: {  	p0 =	seq.s32 s10, $0x1;
	s10 =	sld [smem:$0x3FB8];
	_ =	sdelay $0x3  }
0x34: {  	[smem:$0x3FB8] =	sst s10  }
0x35: {  	s10 =	sld [smem:$0x3FB7];
	_ =	sdelay $0x3  }
0x36: {  	p1 =	seq.s32 s10, $0x1;
	s10 =	sld [smem:$0x3FB8];
	_ =	sdelay $0x3  }
0x37: {  	[smem:$0x3FB8] =	sst s10  }
0x38: {  	s10 =	sld [smem:$0x3FB9]  }
0x39: {  	_ = 	snop;
	(pc) =	sbr.ind lr, $3  }
0x3a: {  	_ = 	snop  }
0x3b: {  	_ = 	snop  }
0x3c: {  	p2 =	seq.s32 s10, $0x1;
	s10 =	sld [smem:$0x3FB8]  }
0x3d: {  	_ =	shalt  }
0x3e: {  	_ =	shalt  }
0x3f: {  	_ =	shalt  }
0x40: {  	_ =	shalt  }
0x41: {  	_ =	shalt  }
0x42: {  	_ =	shalt  }
0x43: {  	_ =	shalt  }
0x44: {  	_ =	shalt  }
0x45: {  	_ =	shalt  }
0x46: {  	_ =	shalt  }
0x47: {  	_ =	shalt  }
0x48: {  	_ =	shalt  }
0x49: {  	_ =	shalt  }
0x4a: {  	_ =	shalt  }
0x4b: {  	_ =	shalt  }
0x4c: {  	_ =	shalt  }
0x4d: {  	_ =	shalt  }
0x4e: {  	_ =	shalt  }
0x4f: {  	_ =	shalt  }
0x50: {  	_ =	shalt  }
0x51: {  	_ =	shalt  }
0x52: {  	_ =	shalt  }
0x53: {  	_ =	shalt  }
0x54: {  	_ =	shalt  }
0x55: {  	_ =	shalt  }
0x56: {  	_ =	shalt  }
0x57: {  	_ =	shalt  }
0x58: {  	_ =	shalt  }
0x59: {  	_ =	shalt  }
0x5a: {  	_ =	shalt  }
0x5b: {  	_ =	shalt  }
0x5c: {  	_ =	shalt  }
0x5d: {  	_ =	shalt  }
0x5e: {  	_ =	shalt  }
0x5f: {  	_ =	shalt  }
0x60: {  	_ =	shalt  }
0x61: {  	_ =	shalt  }
0x62: {  	_ =	shalt  }
0x63: {  	_ =	shalt  }
0x64: {  	_ =	shalt  }
0x65: {  	_ =	shalt  }
0x66: {  	_ =	shalt  }
0x67: {  	_ =	shalt  }
0x68: {  	_ =	shalt  }
0x69: {  	_ =	shalt  }
0x6a: {  	_ =	shalt  }
0x6b: {  	_ =	shalt  }
0x6c: {  	_ =	shalt  }
0x6d: {  	_ =	shalt  }
0x6e: {  	_ =	shalt  }
0x6f: {  	_ =	shalt  }
0x70: {  	_ =	shalt  }
0x71: {  	_ =	shalt  }
0x72: {  	_ =	shalt  }
0x73: {  	_ =	shalt  }
0x74: {  	_ =	shalt  }
0x75: {  	_ =	shalt  }
0x76: {  	_ =	shalt  }
0x77: {  	_ =	shalt  }
0x78: {  	_ =	shalt  }
0x79: {  	_ =	shalt  }
0x7a: {  	_ =	shalt  }
0x7b: {  	_ =	shalt  }
0x7c: {  	_ =	shalt  }
0x7d: {  	_ =	shalt  }
0x7e: {  	_ =	shalt  }
0x7f: {  	_ =	shalt  }
0x80: {  	_ =	shalt  }
0x81: {  	_ =	shalt  }
0x82: {  	_ =	shalt  }
0x83: {  	_ =	shalt  }
0x84: {  	_ =	shalt  }
0x85: {  	_ =	shalt  }
0x86: {  	_ =	shalt  }
0x87: {  	_ =	shalt  }
.Lfunc_end0:
.L_simem_size_0:
called_computation.2_lowered:
.L_overlay_start_0:
0x88: {  	s2 =	sld [smem:$0x3FD9]  }
0x89: {  	s3 =	sld [smem:$0x3FFE];
	_ =	sdelay $0x1  }
0x8a: {  	s1 =	srdreg.scid  }
0x8b: {  	s0 =	sand.u32 $0x1, s1  }
0x8c: {  	s14 =	sshll.u32 s0, $0xA;
	s2 =	sadd.s32 s3, s2  }
0x8d: {  	s2 =	sadd.s32 s2, s14  }
0x8e: {  	[smem:$0x3FC4] =	sst s2  }
0x8f: {  	_ = 	snop  }
0x90: {  	s2 =	sld [smem:$0x3FD0];
	_ =	sdelay $0x2  }
0x91: {  	s15 =	simm.s32 $0xA;
	s4 =	simm.s32 $0x10  }
0x92: {  	[smem:s4], [sflag:s15] =	dma.local [hbm:s2], $0x1  }
0x93: {  	_ =	swait.eq [sflag:s15], $0x1  }
0x94: {  	[sflag:s15] =	ssyncset.done $0x0  }
0x95: {  	s16 =	sld [smem:$0x10];
	[sflag:s15] =	ssyncadd.s32 $0xFFFFFFFF  }
0x96: {  	s17 =	sld [smem:$0x11];
	(tm) =	ssettm $0x1  }
0x97: {  	s18 =	sld [smem:$0x3FFB];
	_ =	sdelay $0x3  }
0x98: {  	_ =	strace s18  }
0x99: {  	s4 =	sld [smem:$0x3FFC];
	_ =	sdelay $0x3  }
0x9a: {  	_ =	strace s4  }
0x9b: {  	s4 =	sld [smem:$0x3FFD];
	_ =	sdelay $0x3  }
0x9c: {  	_ =	strace s4  }
0x9d: {  	_ =	strace $0x8FFFFFFF  }
0x9e: {  	s19 =	sld [smem:$0x3FDB];
	_ =	sdelay $0x1  }
0x9f: {  	s5 =	simm.s32 $_scs_section_size  }
0xa0: {  	s6 =	simm.s32 $_size__tile_overlayer_lowered;
	s7 =	simm.s32 $_tile_overlayer_lowered  }
0xa1: {  	s22 =	simm.s32 $0x1BFF;
	s21 =	sshll.u32 s7, $0x1;
	s4 =	sadd.s32 s5, s19  }
0xa2: {  	s8 =	simm.s32 $0x0;
	s20 =	sshll.u32 s6, $0x1;
	s6 =	sadd.s32 s21, s4  }
0xa3: {  	[timem:s8], [sflag:s22] =	dma.local [hbm:s6], s20  }
0xa4: {  	_ =	swait.ge [sflag:s22], s20  }
0xa5: {  	s5 =	ssub.s32 $0x0, s20;
	[sflag:s22] =	ssyncset.done $0x0  }
0xa6: {  	[sflag:s22] =	ssyncadd.s32 s5;
	_ =	sdelay $0x1  }
0xa7: {  	s23 =	simm.s32 $0x1B8B  }
0xa8: {  	_ =	swait.ge [sflag:s23], $0x1  }
0xa9: {  	[sflag:s23] =	ssyncset.done $0x0  }
0xaa: {  	s25 =	simm.s32 $0x1B8E;
	s24 =	sld [smem:$0x3FFE];
	[sflag:s23] =	ssyncadd.s32 $0xFFFFFFFF  }
0xab: {  	s26 =	simm.s32 $execute0_lowered;
	[smem:$0x3FD2] =	sst s25  }
0xac: {  	s6 =	sshll.u32 s26, $0x1;
	_ =	strace $0x8000004C;
	[dreg:$0x1] =	wrdreg $0xFFFFFFFF  }
0xad: {  	s28 =	simm.s32 $_size_execute0_lowered;
	s4 =	sadd.s32 s4, s6;
	[dreg:$0x0] =	wrdreg $0x0  }
0xae: {  	s6 =	sshll.u32 s28, $0x1;
	[dreg:$0x2] =	wrdreg s4  }
0xaf: {  	[dreg:$0x3] =	wrdreg s6  }
0xb0: {  	[dreg:$0x4] =	wrdreg $0xC0  }
0xb1: {  	_ =	task [dreg:s8], $0x5FFFF  }
0xb2: {  	[dreg:$0x1] =	wrdreg $0xFFFFFFFF  }
0xb3: {  	[dreg:$0x0] =	wrdreg $0x60  }
0xb4: {  	[dreg:$0x2] =	wrdreg s24  }
0xb5: {  	[dreg:$0x3] =	wrdreg s17  }
0xb6: {  	[dreg:$0x4] =	wrdreg s16  }
0xb7: {  	[dreg:$0x5] =	wrdreg $0xB0000  }
0xb8: {  	[dreg:$0x6] =	wrdreg $0x9  }
0xb9: {  	_ =	task.clear_ibuf [dreg:s8], $0x7FFFF;
	_ =	strace $0x9000004C  }
0xba: {  	s29 =	simm.s32 $0x9;
	_ =	strace $0x8000004E  }
0xbb: {  	_ =	swait.ge [sflag:s29], $0x1  }
0xbc: {  	[sflag:s29] =	ssyncadd.s32 $0xFFFFFFFF  }
0xbd: {  	_ =	strace $0x9000004E  }
0xbe: {  	_ =	sfence  }
0xbf: {  	s30 =	sld [smem:$0x0];
	_ =	sdelay $0x2  }
0xc0: {  	s31 =	sshll.u32 s1, $0xD;
	s1 =	sshrl.u32 s1, $0x2  }
0xc1: {  	s3 =	sand.u32 $0x4000, s31;
	s1 =	sadd.s32 s1, s30  }
0xc2: {  	s0 =	sor.u32 s3, s0;
	s1 =	sshll.u32 s1, $0x11  }
0xc3: {  	s0 =	sor.u32 s1, s0  }
0xc4: {  	s0 =	sadd.s32 $0x8F2B, s0  }
0xc5: {  	[sflag:s0] =	ssyncadd.remote.s32 $0x1  }
0xc6: {  	_ =	sfence.sel $0xFFFF  }
0xc7: {  	[dreg:$0x0] =	wrdreg $0xFFFFFFFF;
	(pc) =	sbr.abs _section_cstart, $3  }
0xc8: {  	[dreg:$0x1] =	wrdreg $0xFFFFFFFF  }
0xc9: {  	_ =	task.clear_ibuf [dreg:s8], $0x2FFFF;
	_ =	strace $0x9FFFFFFF  }
0xca: {  	(tm) =	ssettm $0x7FFFFFFF  }
0xcb: {  	_ =	shalt  }
tec
execute0_lowered:
.L_overlay_start_1:
0x0: {  	(tag) =	ssettag $0x1  }
0x1: {  	s0 =	rddreg [dreg:$0x0]  }
0x2: {  	s1 =	rddreg [dreg:$0x1]  }
0x3: {  	s3 =	rddreg [dreg:$0x2]  }
0x4: {  	s2 =	rddreg [dreg:$0x3]  }
0x5: {  	s4 =	srdreg.scid;
	s11 =	stileid.u32;
	s7 =	simm.s32 $0x0  }
0x6: {  	s13 =	simm.s32 $0x2800;
	s14 =	simm.s32 $0x2900;
	s15 =	simm.s32 $0x2A00  }
0x7: {  	s16 =	simm.s32 $0x2B00;
	s17 =	simm.s32 $0x2C00;
	s18 =	simm.s32 $0x2D00  }
0x8: {  	s19 =	simm.s32 $0x2E00;
	s20 =	simm.s32 $0x2F00;
	s21 =	simm.s32 $0x2880  }
0x9: {  	s22 =	simm.s32 $0x2980;
	s23 =	simm.s32 $0x2A80;
	[smem:$0x7FF] =	sst s7  }
0xa: {  	s24 =	simm.s32 $0x2B80;
	_ =	strace $0x8000004D;
	[dreg:$0x5] =	wrdreg s13  }
0xb: {  	s28 =	simm.s32 $0x7;
	s29 =	simm.s32 $0x2E80;
	[dreg:$0x6] =	wrdreg s14  }
0xc: {  	s30 =	simm.s32 $0x8;
	s31 =	simm.s32 $0x2F80;
	[dreg:$0x7] =	wrdreg s15  }
0xd: {  	s5 =	sand.u32 $0x1, s4;
	s6 =	smul.u32 $0x2800, s11;
	[dreg:$0x8] =	wrdreg s16  }
0xe: {  	s10 =	smul.u32 $0x50000, s11;
	s12 =	sshll.u32 s11, $0x6;
	[dreg:$0x9] =	wrdreg s17  }
0xf: {  	s4 =	sshll.u32 s5, $0x4;
	s25 =	smul.u32 $0x28000, s5;
	[dreg:$0xa] =	wrdreg s18  }
0x10: {  	s9 =	ssub.s32 $0x2, s5;
	p0 =	sne.s32 s5, $0x0;
	[dreg:$0xb] =	wrdreg s19  }
0x11: {  	s13 =	simm.s32 $0x3000;
	s14 =	simm.s32 $0x4000;
	[dreg:$0xc] =	wrdreg s20  }
0x12: {  	s15 =	simm.s32 $0x5000;
	s16 =	simm.s32 $0x6000;
	[dreg:$0xd] =	wrdreg s21  }
0x13: {  	s17 =	simm.s32 $0x7000;
	s18 =	simm.s32 $0x8000;
	[dreg:$0xe] =	wrdreg s22  }
0x14: {  	s19 =	simm.s32 $0x9000;
	s20 =	simm.s32 $0xA000;
	[dreg:$0xf] =	wrdreg s23  }
0x15: {  	s21 =	simm.s32 $0x1;
	[dreg:$0x10] =	wrdreg s24;
	s22 =	simm.s32 $0x2  }
0x16: {  	s23 =	simm.s32 $0x3;
	s24 =	simm.s32 $0x4;
	s4 =	sor.u32 s11, s4  }
0x17: {  	s26 =	sshrl.u32 s9, $0x1;
	s8 =	smul.u32 $0x500, s4;
	s7 =	sadd.s32 s6, s25  }
0x18: {  	s4 =	sadd.s32 $0x1A00, s0;
	s25 =	simm.s32 $0x2C80;
	s0 =	sadd.s32 s7, s0  }
0x19: {  	s7 =	ssub.s32 s9, s26;
	[dreg:$0x11] =	wrdreg s25;
	s26 =	simm.s32 $0x2D80  }
0x1a: {  	s9 =	sshrl.u32 s10, $0x2;
	s1 =	sadd.s32 s1, s8;
	[dreg:$0x12] =	wrdreg s26  }
0x1b: {  	s6 =	sadd.s32 s4, s6;
	s0 =	sadd.s32 $0x29A00, s0;
	[dreg:$0x13] =	wrdreg s1  }
0x1c: {  	s25 =	simm.s32 $0x5;
	s10 =	smax.u32 s7, $0x1;
	[dreg:$0x15] =	wrdreg s0  }
0x1d: {  	s6 =	smov.u32 @p0 s3;
	s26 =	simm.s32 $0x6;
	[dreg:$0x16] =	wrdreg s10  }
0x1e: {  	s1 =	sadd.s32 s9, s2;
	s9 =	simm.s32 $0x11;
	[dreg:$0x14] =	wrdreg s6  }
0x1f: {  	s10 =	sor.u32 $0x1C11, s12;
	s12 =	simm.s32 $0x20;
	s6 =	simm.s32 $0xF  }
0x20: {  	s0 =	simm.s32 $0x10;
	s11 =	sshrl.u32 s1, $0x3;
	s1 =	simm.s32 $0x0  }
.LBB2_1:
0x21: {  	s3 =	simm.s32 $0x0;
	s5 =	rddreg [dreg:$0x13]  }
0x22: {  	[tilespmem:s3], [sflag:$0x11] =	stream.linear.gather [hbm4b:s5+s3], $0x2800, $0x38;
	[tilespmem:$0x1F000] =	vst v63  }
0x23: {  	_ =	swait.ge [sflag:s9], $0x2800  }
0x24: {  	[sflag:s9] =	ssyncset.done $0x0  }
0x25: {  	s7 =	rddreg [dreg:$0x14];
	[sflag:s9] =	ssyncadd.s32 $0xFFFFD800  }
0x26: {  	[spmem:s11], [sflag:s10] =	dma.local [hbm:s7], $0x2800  }
0x27: {  	_ =	swait.ge [sflag:s9], $0x2800  }
0x28: {  	[sflag:s9] =	ssyncset.done $0x0  }
0x29: {  	p0 =	por $0x1, $0x1;
	[sflag:s9] =	ssyncadd.s32 $0xFFFFD800  }
0x2a: {  	s3 =	simm.s32 @!p0 $0x9;
	[bflag:$0x0] =	sbarrier.arrive $0xFFFF  }
0x2b: {  	_ =	swait.ge @!p0 [sflag:s3], $0x1000  }
0x2c: {  	[sflag:s3] =	ssyncset.done @!p0 $0x0  }
0x2d: {  	[sflag:s3] =	ssyncadd.s32 @!p0 $0xFFFFF000;
	s3 =	simm.s32 $0x0  }
0x2e: {  	v0 =	vld [tilespmem:s3+$0x0];
	_ =	sdelay $0x4  }
0x2f: {  	v1 =	vand.u32 $0xFFFF, v0  }
0x30: {  	v0 =	vshra.s32 v0, $0x10;
	[tilespmem:$0x2800] =	vst v1  }
0x31: {  	[tilespmem:$0x2880] =	vst v0  }
0x32: {  	v0 =	vld [tilespmem:s3+$0x10];
	_ =	sdelay $0x4  }
0x33: {  	v42 =	vand.u32 $0xFFFF, v0  }
0x34: {  	v0 =	vshra.s32 v0, $0x10;
	[tilespmem:$0x2810] =	vst v42  }
0x35: {  	s7 =	simm.s32 @!p0 $0xA;
	s8 =	rddreg [dreg:$0x5];
	[tilespmem:$0x2890] =	vst v0  }
0x36: {  	[tilespmem:s13], [sflag:$0x1] =	stream.indirect.gather [hbm4b:s4+s12], $0x80, s8, s12, $0xb8;
	[tilespmem:$0x1F000] =	vst v63  }
0x37: {  	_ =	swait.ge @!p0 [sflag:s7], $0x1000  }
0x38: {  	[sflag:s7] =	ssyncset.done @!p0 $0x0  }
0x39: {  	[sflag:s7] =	ssyncadd.s32 @!p0 $0xFFFFF000  }
0x3a: {  	v43 =	vld [tilespmem:s3+$0x20];
	_ =	sdelay $0x4  }
0x3b: {  	v44 =	vand.u32 $0xFFFF, v43  }
0x3c: {  	v0 =	vshra.s32 v43, $0x10;
	[tilespmem:$0x2900] =	vst v44  }
0x3d: {  	[tilespmem:$0x2980] =	vst v0  }
0x3e: {  	v0 =	vld [tilespmem:s3+$0x30];
	_ =	sdelay $0x4  }
0x3f: {  	v45 =	vand.u32 $0xFFFF, v0  }
0x40: {  	v0 =	vshra.s32 v0, $0x10;
	[tilespmem:$0x2910] =	vst v45  }
0x41: {  	s8 =	rddreg [dreg:$0x6];
	s7 =	simm.s32 @!p0 $0xB;
	[tilespmem:$0x2990] =	vst v0  }
0x42: {  	[tilespmem:s14], [sflag:$0x2] =	stream.indirect.gather [hbm4b:s4+s12], $0x80, s8, s12, $0xb8;
	[tilespmem:$0x1F000] =	vst v63  }
0x43: {  	_ =	swait.ge @!p0 [sflag:s7], $0x1000  }
0x44: {  	[sflag:s7] =	ssyncset.done @!p0 $0x0  }
0x45: {  	[sflag:s7] =	ssyncadd.s32 @!p0 $0xFFFFF000  }
0x46: {  	v46 =	vld [tilespmem:s3+$0x40];
	_ =	sdelay $0x4  }
0x47: {  	v47 =	vand.u32 $0xFFFF, v46  }
0x48: {  	v0 =	vshra.s32 v46, $0x10;
	[tilespmem:$0x2A00] =	vst v47  }
0x49: {  	[tilespmem:$0x2A80] =	vst v0  }
0x4a: {  	v0 =	vld [tilespmem:s3+$0x50];
	_ =	sdelay $0x4  }
0x4b: {  	v48 =	vand.u32 $0xFFFF, v0  }
0x4c: {  	v0 =	vshra.s32 v0, $0x10;
	[tilespmem:$0x2A10] =	vst v48  }
0x4d: {  	s8 =	rddreg [dreg:$0x7];
	s7 =	simm.s32 @!p0 $0xC;
	[tilespmem:$0x2A90] =	vst v0  }
0x4e: {  	[tilespmem:s15], [sflag:$0x3] =	stream.indirect.gather [hbm4b:s4+s12], $0x80, s8, s12, $0xb8;
	[tilespmem:$0x1F000] =	vst v63  }
0x4f: {  	_ =	swait.ge @!p0 [sflag:s7], $0x1000  }
0x50: {  	[sflag:s7] =	ssyncset.done @!p0 $0x0  }
0x51: {  	[sflag:s7] =	ssyncadd.s32 @!p0 $0xFFFFF000  }
0x52: {  	v49 =	vld [tilespmem:s3+$0x60];
	_ =	sdelay $0x4  }
0x53: {  	v50 =	vand.u32 $0xFFFF, v49  }
0x54: {  	v0 =	vshra.s32 v49, $0x10;
	[tilespmem:$0x2B00] =	vst v50  }
0x55: {  	[tilespmem:$0x2B80] =	vst v0  }
0x56: {  	v0 =	vld [tilespmem:s3+$0x70];
	_ =	sdelay $0x4  }
0x57: {  	v51 =	vand.u32 $0xFFFF, v0  }
0x58: {  	v0 =	vshra.s32 v0, $0x10;
	[tilespmem:$0x2B10] =	vst v51  }
0x59: {  	s8 =	rddreg [dreg:$0x8];
	s7 =	simm.s32 @!p0 $0xD;
	[tilespmem:$0x2B90] =	vst v0  }
0x5a: {  	[tilespmem:s16], [sflag:$0x4] =	stream.indirect.gather [hbm4b:s4+s12], $0x80, s8, s12, $0xb8;
	[tilespmem:$0x1F000] =	vst v63  }
0x5b: {  	_ =	swait.ge @!p0 [sflag:s7], $0x1000  }
0x5c: {  	[sflag:s7] =	ssyncset.done @!p0 $0x0  }
0x5d: {  	[sflag:s7] =	ssyncadd.s32 @!p0 $0xFFFFF000  }
0x5e: {  	v52 =	vld [tilespmem:s3+$0x80];
	_ =	sdelay $0x4  }
0x5f: {  	v53 =	vand.u32 $0xFFFF, v52  }
0x60: {  	v0 =	vshra.s32 v52, $0x10;
	[tilespmem:$0x2C00] =	vst v53  }
0x61: {  	[tilespmem:$0x2C80] =	vst v0  }
0x62: {  	v0 =	vld [tilespmem:s3+$0x90];
	_ =	sdelay $0x4  }
0x63: {  	v54 =	vand.u32 $0xFFFF, v0  }
0x64: {  	v0 =	vshra.s32 v0, $0x10;
	[tilespmem:$0x2C10] =	vst v54  }
0x65: {  	s8 =	rddreg [dreg:$0x9];
	s7 =	simm.s32 @!p0 $0xE;
	[tilespmem:$0x2C90] =	vst v0  }
0x66: {  	[tilespmem:s17], [sflag:$0x5] =	stream.indirect.gather [hbm4b:s4+s12], $0x80, s8, s12, $0xb8;
	[tilespmem:$0x1F000] =	vst v63  }
0x67: {  	_ =	swait.ge @!p0 [sflag:s7], $0x1000  }
0x68: {  	[sflag:s7] =	ssyncset.done @!p0 $0x0  }
0x69: {  	[sflag:s7] =	ssyncadd.s32 @!p0 $0xFFFFF000  }
0x6a: {  	v55 =	vld [tilespmem:s3+$0xA0];
	_ =	sdelay $0x4  }
0x6b: {  	v56 =	vand.u32 $0xFFFF, v55  }
0x6c: {  	v0 =	vshra.s32 v55, $0x10;
	[tilespmem:$0x2D00] =	vst v56  }
0x6d: {  	[tilespmem:$0x2D80] =	vst v0  }
0x6e: {  	v0 =	vld [tilespmem:s3+$0xB0];
	_ =	sdelay $0x4  }
0x6f: {  	v57 =	vand.u32 $0xFFFF, v0  }
0x70: {  	v0 =	vshra.s32 v0, $0x10;
	[tilespmem:$0x2D10] =	vst v57  }
0x71: {  	s8 =	rddreg [dreg:$0xa];
	s7 =	simm.s32 @!p0 $0xF;
	[tilespmem:$0x2D90] =	vst v0  }
0x72: {  	[tilespmem:s18], [sflag:$0x6] =	stream.indirect.gather [hbm4b:s4+s12], $0x80, s8, s12, $0xb8;
	[tilespmem:$0x1F000] =	vst v63  }
0x73: {  	_ =	swait.ge @!p0 [sflag:s7], $0x1000  }
0x74: {  	[sflag:s7] =	ssyncset.done @!p0 $0x0  }
0x75: {  	[sflag:s7] =	ssyncadd.s32 @!p0 $0xFFFFF000  }
0x76: {  	v58 =	vld [tilespmem:s3+$0xC0];
	_ =	sdelay $0x4  }
0x77: {  	v59 =	vand.u32 $0xFFFF, v58  }
0x78: {  	v0 =	vshra.s32 v58, $0x10;
	[tilespmem:$0x2E00] =	vst v59  }
0x79: {  	[tilespmem:$0x2E80] =	vst v0  }
0x7a: {  	v0 =	vld [tilespmem:s3+$0xD0];
	_ =	sdelay $0x4  }
0x7b: {  	v60 =	vand.u32 $0xFFFF, v0  }
0x7c: {  	v0 =	vshra.s32 v0, $0x10;
	[tilespmem:$0x2E10] =	vst v60  }
0x7d: {  	s8 =	rddreg [dreg:$0xb];
	s7 =	simm.s32 @!p0 $0x10;
	[tilespmem:$0x2E90] =	vst v0  }
0x7e: {  	[tilespmem:s19], [sflag:$0x7] =	stream.indirect.gather [hbm4b:s4+s12], $0x80, s8, s12, $0xb8;
	[tilespmem:$0x1F000] =	vst v63  }
0x7f: {  	_ =	swait.ge @!p0 [sflag:s7], $0x1000  }
0x80: {  	[sflag:s7] =	ssyncset.done @!p0 $0x0  }
0x81: {  	[sflag:s7] =	ssyncadd.s32 @!p0 $0xFFFFF000  }
0x82: {  	v61 =	vld [tilespmem:s3+$0xE0];
	_ =	sdelay $0x4  }
0x83: {  	v62 =	vand.u32 $0xFFFF, v61  }
0x84: {  	v0 =	vshra.s32 v61, $0x10;
	[tilespmem:$0x2F00] =	vst v62  }
0x85: {  	[tilespmem:$0x2F80] =	vst v0  }
0x86: {  	v0 =	vld [tilespmem:s3+$0xF0];
	_ =	sdelay $0x4  }
0x87: {  	v63 =	vand.u32 $0xFFFF, v0  }
0x88: {  	v0 =	vshra.s32 v0, $0x10;
	[tilespmem:$0x2F10] =	vst v63  }
0x89: {  	s7 =	rddreg [dreg:$0xc];
	[tilespmem:$0x2F90] =	vst v0  }
0x8a: {  	[tilespmem:s20], [sflag:$0x8] =	stream.indirect.gather [hbm4b:s4+s12], $0x80, s7, s12, $0xb8;
	[tilespmem:$0x1F000] =	vst v63  }
0x8b: {  	_ =	swait.ge [sflag:s21], $0x1000  }
0x8c: {  	[sflag:s21] =	ssyncset.done $0x0  }
0x8d: {  	s8 =	rddreg [dreg:$0xd];
	[sflag:s21] =	ssyncadd.s32 $0xFFFFF000  }
0x8e: {  	[spmem:s2] =	stream.indirect.scatter.add.f32 [tilespmem:s13], [sflag:$0x9], $0x80, s8, s12, $0xb8;
	[tilespmem:$0x1F000] =	vst v63  }
0x8f: {  	_ =	swait.ge [sflag:s22], $0x1000  }
0x90: {  	[sflag:s22] =	ssyncset.done $0x0  }
0x91: {  	s5 =	rddreg [dreg:$0xe];
	[sflag:s22] =	ssyncadd.s32 $0xFFFFF000  }
0x92: {  	[spmem:s2] =	stream.indirect.scatter.add.f32 [tilespmem:s14], [sflag:$0xA], $0x80, s5, s12, $0xb8;
	[tilespmem:$0x1F000] =	vst v63  }
0x93: {  	_ =	swait.ge [sflag:s23], $0x1000  }
0x94: {  	[sflag:s23] =	ssyncset.done $0x0  }
0x95: {  	s7 =	rddreg [dreg:$0xf];
	[sflag:s23] =	ssyncadd.s32 $0xFFFFF000  }
0x96: {  	[spmem:s2] =	stream.indirect.scatter.add.f32 [tilespmem:s15], [sflag:$0xB], $0x80, s7, s12, $0xb8;
	[tilespmem:$0x1F000] =	vst v63  }
0x97: {  	_ =	swait.ge [sflag:s24], $0x1000  }
0x98: {  	[sflag:s24] =	ssyncset.done $0x0  }
0x99: {  	s3 =	simm.s32 $0x400;
	s8 =	rddreg [dreg:$0x10];
	[sflag:s24] =	ssyncadd.s32 $0xFFFFF000  }
0x9a: {  	[spmem:s2] =	stream.indirect.scatter.add.f32 [tilespmem:s16], [sflag:$0xC], $0x80, s8, s12, $0xb8;
	[tilespmem:$0x1F000] =	vst v63  }
.LBB2_2:
0x9b: {  	_ =	swait.ge [sflag:s25], $0x1000  }
0x9c: {  	[sflag:s25] =	ssyncset.done $0x0  }
0x9d: {  	s7 =	rddreg [dreg:$0x11];
	[sflag:s25] =	ssyncadd.s32 $0xFFFFF000  }
0x9e: {  	[spmem:s2] =	stream.indirect.scatter.add.f32 [tilespmem:s17], [sflag:$0xD], $0x80, s7, s12, $0xb8;
	[tilespmem:$0x1F000] =	vst v63  }
0x9f: {  	_ =	swait.ge [sflag:s26], $0x1000  }
0xa0: {  	[sflag:s26] =	ssyncset.done $0x0  }
0xa1: {  	s8 =	rddreg [dreg:$0x12];
	[sflag:s26] =	ssyncadd.s32 $0xFFFFF000  }
0xa2: {  	[spmem:s2] =	stream.indirect.scatter.add.f32 [tilespmem:s18], [sflag:$0xE], $0x80, s8, s12, $0xb8;
	[tilespmem:$0x1F000] =	vst v63  }
0xa3: {  	_ =	swait.ge [sflag:s28], $0x1000  }
0xa4: {  	[sflag:s28] =	ssyncset.done $0x0  }
0xa5: {  	[sflag:s28] =	ssyncadd.s32 $0xFFFFF000  }
0xa6: {  	[spmem:s2] =	stream.indirect.scatter.add.f32 [tilespmem:s19], [sflag:$0xF], $0x80, s29, s12, $0xb8;
	[tilespmem:$0x1F000] =	vst v63  }
0xa7: {  	s5 =	smov.u32 s3;
	_ =	swait.ge [sflag:s30], $0x1000  }
0xa8: {  	p1 =	seq.s32 s5, $0x0;
	[sflag:s30] =	ssyncset.done $0x0  }
0xa9: {  	s7 =	simm.s32 @!p1 $0x9;
	[sflag:s30] =	ssyncadd.s32 $0xFFFFF000  }
0xaa: {  	[spmem:s2] =	stream.indirect.scatter.add.f32 [tilespmem:s20], [sflag:$0x10], $0x80, s31, s12, $0xb8;
	[tilespmem:$0x1F000] =	vst v63  }
0xab: {  	_ =	swait.ge @!p1 [sflag:s7], $0x1000  }
0xac: {  	[sflag:s7] =	ssyncset.done @!p1 $0x0  }
0xad: {  	s5 =	sshra.s32 s5, $0x2;
	[sflag:s7] =	ssyncadd.s32 @!p1 $0xFFFFF000  }
0xae: {  	v0 =	vld [tilespmem:s5+$0x0];
	_ =	sdelay $0x4  }
0xaf: {  	v1 =	vand.u32 $0xFFFF, v0  }
0xb0: {  	v0 =	vshra.s32 v0, $0x10;
	[tilespmem:$0x2800] =	vst v1  }
0xb1: {  	[tilespmem:$0x2880] =	vst v0  }
0xb2: {  	v0 =	vld [tilespmem:s5+$0x10];
	_ =	sdelay $0x4  }
0xb3: {  	v42 =	vand.u32 $0xFFFF, v0  }
0xb4: {  	v0 =	vshra.s32 v0, $0x10;
	[tilespmem:$0x2810] =	vst v42  }
0xb5: {  	s8 =	simm.s32 @!p1 $0xA;
	s7 =	rddreg [dreg:$0x5];
	[tilespmem:$0x2890] =	vst v0  }
0xb6: {  	[tilespmem:s13], [sflag:$0x1] =	stream.indirect.gather [hbm4b:s4+s12], $0x80, s7, s12, $0xb8;
	[tilespmem:$0x1F000] =	vst v63  }
0xb7: {  	_ =	swait.ge @!p1 [sflag:s8], $0x1000  }
0xb8: {  	[sflag:s8] =	ssyncset.done @!p1 $0x0  }
0xb9: {  	[sflag:s8] =	ssyncadd.s32 @!p1 $0xFFFFF000  }
0xba: {  	v43 =	vld [tilespmem:s5+$0x20];
	_ =	sdelay $0x4  }
0xbb: {  	v44 =	vand.u32 $0xFFFF, v43  }
0xbc: {  	v0 =	vshra.s32 v43, $0x10;
	[tilespmem:$0x2900] =	vst v44  }
0xbd: {  	[tilespmem:$0x2980] =	vst v0  }
0xbe: {  	v0 =	vld [tilespmem:s5+$0x30];
	_ =	sdelay $0x4  }
0xbf: {  	v45 =	vand.u32 $0xFFFF, v0  }
0xc0: {  	v0 =	vshra.s32 v0, $0x10;
	[tilespmem:$0x2910] =	vst v45  }
0xc1: {  	s7 =	rddreg [dreg:$0x6];
	s8 =	simm.s32 @!p1 $0xB;
	[tilespmem:$0x2990] =	vst v0  }
0xc2: {  	[tilespmem:s14], [sflag:$0x2] =	stream.indirect.gather [hbm4b:s4+s12], $0x80, s7, s12, $0xb8;
	[tilespmem:$0x1F000] =	vst v63  }
0xc3: {  	_ =	swait.ge @!p1 [sflag:s8], $0x1000  }
0xc4: {  	[sflag:s8] =	ssyncset.done @!p1 $0x0  }
0xc5: {  	[sflag:s8] =	ssyncadd.s32 @!p1 $0xFFFFF000  }
0xc6: {  	v46 =	vld [tilespmem:s5+$0x40];
	_ =	sdelay $0x4  }
0xc7: {  	v47 =	vand.u32 $0xFFFF, v46  }
0xc8: {  	v0 =	vshra.s32 v46, $0x10;
	[tilespmem:$0x2A00] =	vst v47  }
0xc9: {  	[tilespmem:$0x2A80] =	vst v0  }
0xca: {  	v0 =	vld [tilespmem:s5+$0x50];
	_ =	sdelay $0x4  }
0xcb: {  	v48 =	vand.u32 $0xFFFF, v0  }
0xcc: {  	v0 =	vshra.s32 v0, $0x10;
	[tilespmem:$0x2A10] =	vst v48  }
0xcd: {  	s7 =	rddreg [dreg:$0x7];
	s8 =	simm.s32 @!p1 $0xC;
	[tilespmem:$0x2A90] =	vst v0  }
0xce: {  	[tilespmem:s15], [sflag:$0x3] =	stream.indirect.gather [hbm4b:s4+s12], $0x80, s7, s12, $0xb8;
	[tilespmem:$0x1F000] =	vst v63  }
0xcf: {  	_ =	swait.ge @!p1 [sflag:s8], $0x1000  }
0xd0: {  	[sflag:s8] =	ssyncset.done @!p1 $0x0  }
0xd1: {  	[sflag:s8] =	ssyncadd.s32 @!p1 $0xFFFFF000  }
0xd2: {  	v49 =	vld [tilespmem:s5+$0x60];
	_ =	sdelay $0x4  }
0xd3: {  	v50 =	vand.u32 $0xFFFF, v49  }
0xd4: {  	v0 =	vshra.s32 v49, $0x10;
	[tilespmem:$0x2B00] =	vst v50  }
0xd5: {  	[tilespmem:$0x2B80] =	vst v0  }
0xd6: {  	v0 =	vld [tilespmem:s5+$0x70];
	_ =	sdelay $0x4  }
0xd7: {  	v51 =	vand.u32 $0xFFFF, v0  }
0xd8: {  	v0 =	vshra.s32 v0, $0x10;
	[tilespmem:$0x2B10] =	vst v51  }
0xd9: {  	s7 =	rddreg [dreg:$0x8];
	s8 =	simm.s32 @!p1 $0xD;
	[tilespmem:$0x2B90] =	vst v0  }
0xda: {  	[tilespmem:s16], [sflag:$0x4] =	stream.indirect.gather [hbm4b:s4+s12], $0x80, s7, s12, $0xb8;
	[tilespmem:$0x1F000] =	vst v63  }
0xdb: {  	_ =	swait.ge @!p1 [sflag:s8], $0x1000  }
0xdc: {  	[sflag:s8] =	ssyncset.done @!p1 $0x0  }
0xdd: {  	[sflag:s8] =	ssyncadd.s32 @!p1 $0xFFFFF000  }
0xde: {  	v52 =	vld [tilespmem:s5+$0x80];
	_ =	sdelay $0x4  }
0xdf: {  	v53 =	vand.u32 $0xFFFF, v52  }
0xe0: {  	v0 =	vshra.s32 v52, $0x10;
	[tilespmem:$0x2C00] =	vst v53  }
0xe1: {  	[tilespmem:$0x2C80] =	vst v0  }
0xe2: {  	v0 =	vld [tilespmem:s5+$0x90];
	_ =	sdelay $0x4  }
0xe3: {  	v54 =	vand.u32 $0xFFFF, v0  }
0xe4: {  	v0 =	vshra.s32 v0, $0x10;
	[tilespmem:$0x2C10] =	vst v54  }
0xe5: {  	s7 =	rddreg [dreg:$0x9];
	s8 =	simm.s32 @!p1 $0xE;
	[tilespmem:$0x2C90] =	vst v0  }
0xe6: {  	[tilespmem:s17], [sflag:$0x5] =	stream.indirect.gather [hbm4b:s4+s12], $0x80, s7, s12, $0xb8;
	[tilespmem:$0x1F000] =	vst v63  }
0xe7: {  	_ =	swait.ge @!p1 [sflag:s8], $0x1000  }
0xe8: {  	[sflag:s8] =	ssyncset.done @!p1 $0x0  }
0xe9: {  	[sflag:s8] =	ssyncadd.s32 @!p1 $0xFFFFF000  }
0xea: {  	v55 =	vld [tilespmem:s5+$0xA0];
	_ =	sdelay $0x4  }
0xeb: {  	v56 =	vand.u32 $0xFFFF, v55  }
0xec: {  	v0 =	vshra.s32 v55, $0x10;
	[tilespmem:$0x2D00] =	vst v56  }
0xed: {  	[tilespmem:$0x2D80] =	vst v0  }
0xee: {  	v0 =	vld [tilespmem:s5+$0xB0];
	_ =	sdelay $0x4  }
0xef: {  	v57 =	vand.u32 $0xFFFF, v0  }
0xf0: {  	v0 =	vshra.s32 v0, $0x10;
	[tilespmem:$0x2D10] =	vst v57  }
0xf1: {  	s7 =	rddreg [dreg:$0xa];
	s8 =	simm.s32 @!p1 $0xF;
	[tilespmem:$0x2D90] =	vst v0  }
0xf2: {  	[tilespmem:s18], [sflag:$0x6] =	stream.indirect.gather [hbm4b:s4+s12], $0x80, s7, s12, $0xb8;
	[tilespmem:$0x1F000] =	vst v63  }
0xf3: {  	_ =	swait.ge @!p1 [sflag:s8], $0x1000  }
0xf4: {  	[sflag:s8] =	ssyncset.done @!p1 $0x0  }
0xf5: {  	[sflag:s8] =	ssyncadd.s32 @!p1 $0xFFFFF000  }
0xf6: {  	v58 =	vld [tilespmem:s5+$0xC0];
	_ =	sdelay $0x4  }
0xf7: {  	v59 =	vand.u32 $0xFFFF, v58  }
0xf8: {  	v0 =	vshra.s32 v58, $0x10;
	[tilespmem:$0x2E00] =	vst v59  }
0xf9: {  	[tilespmem:$0x2E80] =	vst v0  }
0xfa: {  	v0 =	vld [tilespmem:s5+$0xD0];
	_ =	sdelay $0x4  }
0xfb: {  	v60 =	vand.u32 $0xFFFF, v0  }
0xfc: {  	v0 =	vshra.s32 v0, $0x10;
	[tilespmem:$0x2E10] =	vst v60  }
0xfd: {  	s7 =	rddreg [dreg:$0xb];
	s8 =	simm.s32 @!p1 $0x10;
	[tilespmem:$0x2E90] =	vst v0  }
0xfe: {  	[tilespmem:s19], [sflag:$0x7] =	stream.indirect.gather [hbm4b:s4+s12], $0x80, s7, s12, $0xb8;
	[tilespmem:$0x1F000] =	vst v63  }
0xff: {  	_ =	swait.ge @!p1 [sflag:s8], $0x1000  }
0x100: {  	[sflag:s8] =	ssyncset.done @!p1 $0x0  }
0x101: {  	[sflag:s8] =	ssyncadd.s32 @!p1 $0xFFFFF000  }
0x102: {  	v61 =	vld [tilespmem:s5+$0xE0];
	_ =	sdelay $0x4  }
0x103: {  	v62 =	vand.u32 $0xFFFF, v61  }
0x104: {  	v0 =	vshra.s32 v61, $0x10;
	[tilespmem:$0x2F00] =	vst v62  }
0x105: {  	[tilespmem:$0x2F80] =	vst v0  }
0x106: {  	v0 =	vld [tilespmem:s5+$0xF0];
	_ =	sdelay $0x4  }
0x107: {  	v63 =	vand.u32 $0xFFFF, v0  }
0x108: {  	v0 =	vshra.s32 v0, $0x10;
	[tilespmem:$0x2F10] =	vst v63  }
0x109: {  	s8 =	rddreg [dreg:$0xc];
	[tilespmem:$0x2F90] =	vst v0  }
0x10a: {  	[tilespmem:s20], [sflag:$0x8] =	stream.indirect.gather [hbm4b:s4+s12], $0x80, s8, s12, $0xb8;
	[tilespmem:$0x1F000] =	vst v63  }
0x10b: {  	_ =	swait.ge [sflag:s21], $0x1000  }
0x10c: {  	[sflag:s21] =	ssyncset.done $0x0  }
0x10d: {  	s7 =	rddreg [dreg:$0xd];
	[sflag:s21] =	ssyncadd.s32 $0xFFFFF000  }
0x10e: {  	[spmem:s2] =	stream.indirect.scatter.add.f32 [tilespmem:s13], [sflag:$0x9], $0x80, s7, s12, $0xb8;
	[tilespmem:$0x1F000] =	vst v63  }
0x10f: {  	_ =	swait.ge [sflag:s22], $0x1000  }
0x110: {  	[sflag:s22] =	ssyncset.done $0x0  }
0x111: {  	s8 =	rddreg [dreg:$0xe];
	[sflag:s22] =	ssyncadd.s32 $0xFFFFF000  }
0x112: {  	[spmem:s2] =	stream.indirect.scatter.add.f32 [tilespmem:s14], [sflag:$0xA], $0x80, s8, s12, $0xb8;
	[tilespmem:$0x1F000] =	vst v63  }
0x113: {  	_ =	swait.ge [sflag:s23], $0x1000  }
0x114: {  	s3 =	sadd.s32 $0x400, s3;
	[sflag:s23] =	ssyncset.done $0x0  }
0x115: {  	p0 =	sne.s32 s3, $0xA000;
	s7 =	rddreg [dreg:$0xf];
	[sflag:s23] =	ssyncadd.s32 $0xFFFFF000  }
0x116: {  	[spmem:s2] =	stream.indirect.scatter.add.f32 [tilespmem:s15], [sflag:$0xB], $0x80, s7, s12, $0xb8;
	[tilespmem:$0x1F000] =	vst v63  }
.Ltmp0:
0x117: {  	_ = 	snop;
	(pc) =	sbr.rel @p0 .LBB2_2-.Ltmp0, $4  }
0x118: {  	_ =	swait.ge [sflag:s24], $0x1000  }
0x119: {  	[sflag:s24] =	ssyncset.done $0x0  }
0x11a: {  	s8 =	rddreg [dreg:$0x10];
	[sflag:s24] =	ssyncadd.s32 $0xFFFFF000  }
0x11b: {  	[spmem:s2] =	stream.indirect.scatter.add.f32 [tilespmem:s16], [sflag:$0xC], $0x80, s8, s12, $0xb8;
	[tilespmem:$0x1F000] =	vst v63  }
0x11c: {  	_ =	swait.ge [sflag:s25], $0x1000  }
0x11d: {  	[sflag:s25] =	ssyncset.done $0x0  }
0x11e: {  	s3 =	rddreg [dreg:$0x11];
	[sflag:s25] =	ssyncadd.s32 $0xFFFFF000  }
0x11f: {  	[spmem:s2] =	stream.indirect.scatter.add.f32 [tilespmem:s17], [sflag:$0xD], $0x80, s3, s12, $0xb8;
	[tilespmem:$0x1F000] =	vst v63  }
0x120: {  	_ =	swait.ge [sflag:s26], $0x1000  }
0x121: {  	[sflag:s26] =	ssyncset.done $0x0  }
0x122: {  	s5 =	rddreg [dreg:$0x12];
	[sflag:s26] =	ssyncadd.s32 $0xFFFFF000  }
0x123: {  	[spmem:s2] =	stream.indirect.scatter.add.f32 [tilespmem:s18], [sflag:$0xE], $0x80, s5, s12, $0xb8;
	[tilespmem:$0x1F000] =	vst v63  }
0x124: {  	_ =	swait.ge [sflag:s28], $0x1000  }
0x125: {  	[sflag:s28] =	ssyncset.done $0x0  }
0x126: {  	[sflag:s28] =	ssyncadd.s32 $0xFFFFF000  }
0x127: {  	[spmem:s2] =	stream.indirect.scatter.add.f32 [tilespmem:s19], [sflag:$0xF], $0x80, s29, s12, $0xb8;
	[tilespmem:$0x1F000] =	vst v63  }
0x128: {  	_ =	swait.ge [sflag:s30], $0x1000  }
0x129: {  	[sflag:s30] =	ssyncset.done $0x0  }
0x12a: {  	s7 =	simm.s32 $0x9;
	[sflag:s30] =	ssyncadd.s32 $0xFFFFF000  }
0x12b: {  	[spmem:s2] =	stream.indirect.scatter.add.f32 [tilespmem:s20], [sflag:$0x10], $0x80, s31, s12, $0xb8;
	[tilespmem:$0x1F000] =	vst v63  }
0x12c: {  	_ =	swait.ge [sflag:s7], $0x1000  }
0x12d: {  	[sflag:s7] =	ssyncset.done $0x0  }
0x12e: {  	s8 =	simm.s32 $0xA;
	[sflag:s7] =	ssyncadd.s32 $0xFFFFF000  }
0x12f: {  	_ =	swait.ge [sflag:s8], $0x1000  }
0x130: {  	[sflag:s8] =	ssyncset.done $0x0  }
0x131: {  	s5 =	simm.s32 $0xB;
	[sflag:s8] =	ssyncadd.s32 $0xFFFFF000  }
0x132: {  	_ =	swait.ge [sflag:s5], $0x1000  }
0x133: {  	[sflag:s5] =	ssyncset.done $0x0  }
0x134: {  	s7 =	simm.s32 $0xC;
	[sflag:s5] =	ssyncadd.s32 $0xFFFFF000  }
0x135: {  	_ =	swait.ge [sflag:s7], $0x1000  }
0x136: {  	[sflag:s7] =	ssyncset.done $0x0  }
0x137: {  	s8 =	simm.s32 $0xD;
	[sflag:s7] =	ssyncadd.s32 $0xFFFFF000  }
0x138: {  	_ =	swait.ge [sflag:s8], $0x1000  }
0x139: {  	[sflag:s8] =	ssyncset.done $0x0  }
0x13a: {  	s5 =	simm.s32 $0xE;
	[sflag:s8] =	ssyncadd.s32 $0xFFFFF000  }
0x13b: {  	_ =	swait.ge [sflag:s5], $0x1000  }
0x13c: {  	[sflag:s5] =	ssyncset.done $0x0  }
0x13d: {  	[sflag:s5] =	ssyncadd.s32 $0xFFFFF000  }
0x13e: {  	_ =	swait.ge [sflag:s6], $0x1000  }
0x13f: {  	[sflag:s6] =	ssyncset.done $0x0  }
0x140: {  	[sflag:s6] =	ssyncadd.s32 $0xFFFFF000  }
0x141: {  	_ =	swait.ge [sflag:s0], $0x1000  }
0x142: {  	[sflag:s0] =	ssyncset.done $0x0  }
0x143: {  	[sflag:s0] =	ssyncadd.s32 $0xFFFFF000  }
0x144: {  	[bflag:$0x0] =	sbarrier.arrive $0xFFFF  }
0x145: {  	s7 =	rddreg [dreg:$0x15]  }
0x146: {  	[hbm:s7], [sflag:s10] =	dma.local [spmem:s11], $0x2800  }
0x147: {  	_ =	swait.ge [sflag:s9], $0x2800  }
0x148: {  	s1 =	sadd.s32 $0x1, s1;
	s8 =	rddreg [dreg:$0x16]  }
0x149: {  	p0 =	sne.s32 s1, s8  }
.Ltmp1:
0x14a: {  	_ = 	snop;
	(pc) =	sbr.rel @p0 .LBB2_1-.Ltmp1, $3  }
0x14b: {  	_ =	sdelay $0x1  }
0x14c: {  	[sflag:s9] =	ssyncset.done $0x0  }
0x14d: {  	[sflag:s9] =	ssyncadd.s32 $0xFFFFD800  }
0x14e: {  	_ =	sfence.sel $0x180000  }
0x14f: {  	[bflag:$0x0] =	sbarrier.arrive $0xFFFF  }
0x150: {  	_ =	strace $0x9000004D  }
0x151: {  	s0 =	stileid.u32;
	[bflag:$0x2] =	sbarrier.arrive $0xFFFF  }
0x152: {  	p0 =	sne.s32 s0, $0x0;
	s0 =	rddreg [dreg:$0x4]  }
0x153: {  	s0 =	sadd.s32 @!p0 $0x100000, s0  }
0x154: {  	[sflag:s0] =	ssyncadd.tile.s32 @!p0 $0x1;
	_ =	shalt  }
.Lfunc_end2:
_tile_overlayer_lowered:
.L_overlay_start_2:
0x155: {  	(tag) =	ssettag $0x2  }
0x156: {  	s0 =	rddreg [dreg:$0x0];
	s2 =	stileid.u32  }
0x157: {  	s1 =	rddreg [dreg:$0x1];
	p0 =	sne.s32 s2, $0x0  }
0x158: {  	s3 =	rddreg [dreg:$0x2];
	[bflag:$0x3] =	sbarrier.arrive $0xFFFF;
	s2 =	simm.s32 @!p0 $0x1C11  }
0x159: {  	[timem:s3], [sflag:s2] =	dma.local @!p0 [hbm:s0], s1  }
0x15a: {  	s0 =	simm.s32 @!p0 $0x11  }
0x15b: {  	_ =	swait.ge @!p0 [sflag:s0], s1  }
0x15c: {  	s1 =	ssub.s32 @!p0 $0x0, s1;
	[sflag:s0] =	ssyncset.done @!p0 $0x0  }
0x15d: {  	[sflag:s0] =	ssyncadd.s32 @!p0 s1  }
0x15e: {  	[bflag:$0x3] =	sbarrier.arrive $0xFFFF  }
0x15f: {  	_ =	shalt  }

// kernel: kernel.8.cloned.1.call-start
scs
__scs_entry_jumppad:
0x0: {  	(pc) =	sbr.rel $0x88, $3  }
0x1: {  	(tag) =	ssettag $0x0;
	lr =	simm.s32 $0x1  }
0x2: {  	[smem:$0x3F9D] =	sst lr;
	_ =	strace $0xD0000000  }
0x3: {  	_ = 	snop  }
0x4: {  	_ = 	snop  }
0x5: {  	_ = 	snop  }
0x6: {  	_ = 	snop  }
0x7: {  	_ = 	snop  }
__scs_overlays_trampoline_lowered:
0x8: {  	[smem:$0x3FAC] =	sst s0  }
0x9: {  	[smem:$0x3FAD] =	sst s1  }
0xa: {  	[smem:$0x3FAE] =	sst s2  }
0xb: {  	[smem:$0x3FAF] =	sst s3  }
0xc: {  	[smem:$0x3FB0] =	sst s4  }
0xd: {  	[smem:$0x3FB1] =	sst s5  }
0xe: {  	[smem:$0x3FB2] =	sst s6  }
0xf: {  	[smem:$0x3FB3] =	sst s7  }
0x10: {  	[smem:$0x3FB4] =	sst s8  }
0x11: {  	[smem:$0x3FB5] =	sst s9;
	s0 =	simm.s32 @!p0 $0x0  }
0x12: {  	s1 =	sld [smem:$0x3F9B];
	s0 =	simm.s32 @p0 $0x1  }
0x13: {  	[smem:$0x3FB6] =	sst s0;
	s0 =	simm.s32 @!p1 $0x0  }
0x14: {  	s2 =	sld [smem:$0x3F9A];
	s0 =	simm.s32 @p1 $0x1  }
0x15: {  	[smem:$0x3FB7] =	sst s0;
	s0 =	simm.s32 @!p2 $0x0  }
0x16: {  	s3 =	sld [smem:$0x3FDB];
	s0 =	simm.s32 @p2 $0x1  }
0x17: {  	s4 =	simm.s32 $0x1BF5;
	[smem:$0x3FB9] =	sst s0  }
0x18: {  	s0 =	sld [smem:$0x3F9C];
	_ =	swait.ge [sflag:s4], $0x0  }
0x19: {  	s7 =	sld [smem:$0x3F9D]  }
0x1a: {  	s8 =	sadd.s32 $0xFFFFE003, lr  }
0x1b: {  	s9 =	sadd.s32 $0xFFFFFEF7, lr;
	s5 =	simm.s32 $0xFFFFFFFF;
	p2 =	slt.u32 s8, $0xFFFFF086  }
0x1c: {  	p1 =	slt.u32 s9, $0xF7A;
	s5 =	simm.s32 @!p2 $0x0  }
0x1d: {  	s5 =	simm.s32 @p1 $0x1;
	p0 =	seq.s32 s7, s2  }
0x1e: {  	s7 =	smul.u32 @!p0 $0xF7A, s2;
	p2 =	seq.s32 @!p0 s5, $0x0  }
0x1f: {  	s9 =	smul.u32 $0xF7A, s1;
	s8 =	simm.s32 @!p0 $0x1BF5;
	p2 =	por !p2, p0  }
0x20: {  	[sflag:s8] =	ssyncset.s32 @!p0 $0xFFFFF086;
	s6 =	sadd.s32 @!p0 s3, s7;
	s7 =	simm.s32 @!p0 $0x108  }
0x21: {  	s3 =	sadd.s32 s3, s9;
	s6 =	sadd.s32 @!p0 $0x88, s6;
	s7 =	simm.s32 @p2 $0x1082  }
0x22: {  	[simem:s7], [sflag:s8] =	dma.local @!p0 [hbm:s6], $0xF7A  }
0x23: {  	s9 =	sor.u32 $0xD0000000, s2;
	s6 =	simm.s32 $0x108;
	_ =	swait.ge @!p0 [sflag:s8], $0x0  }
0x24: {  	s3 =	sadd.s32 $0x88, s3;
	s6 =	simm.s32 @!p1 $0x1082;
	[sflag:s4] =	ssyncset.s32 $0xFFFFF086  }
0x25: {  	[simem:s6], [sflag:s4] =	dma.local [hbm:s3], $0xF7A  }
0x26: {  	[smem:$0x3F9D] =	sst s1;
	(tag) =	ssettag s2;
	_ =	strace s9  }
0x27: {  	s1 =	sld [smem:$0x3FAD]  }
0x28: {  	s2 =	sld [smem:$0x3FAE]  }
0x29: {  	s4 =	sld [smem:$0x3FB0]  }
0x2a: {  	p0 =	seq.s32 s5, $0x0;
	s5 =	sld [smem:$0x3FB1]  }
0x2b: {  	s6 =	sld [smem:$0x3FB2]  }
0x2c: {  	s7 =	sld [smem:$0x3FB3]  }
0x2d: {  	s3 =	simm.s32 $0x108;
	s8 =	sld [smem:$0x3FB4]  }
0x2e: {  	s3 =	simm.s32 @!p0 $0x1082;
	s9 =	sld [smem:$0x3FB5]  }
0x2f: {  	lr =	sadd.s32 s0, s3;
	s0 =	sld [smem:$0x3FAC]  }
0x30: {  	s3 =	sld [smem:$0x3FAF]  }
0x31: {  	[smem:$0x3FB8] =	sst s10  }
0x32: {  	s10 =	sld [smem:$0x3FB6];
	_ =	sdelay $0x3  }
0x33: {  	p0 =	seq.s32 s10, $0x1;
	s10 =	sld [smem:$0x3FB8];
	_ =	sdelay $0x3  }
0x34: {  	[smem:$0x3FB8] =	sst s10  }
0x35: {  	s10 =	sld [smem:$0x3FB7];
	_ =	sdelay $0x3  }
0x36: {  	p1 =	seq.s32 s10, $0x1;
	s10 =	sld [smem:$0x3FB8];
	_ =	sdelay $0x3  }
0x37: {  	[smem:$0x3FB8] =	sst s10  }
0x38: {  	s10 =	sld [smem:$0x3FB9]  }
0x39: {  	_ = 	snop;
	(pc) =	sbr.ind lr, $3  }
0x3a: {  	_ = 	snop  }
0x3b: {  	_ = 	snop  }
0x3c: {  	p2 =	seq.s32 s10, $0x1;
	s10 =	sld [smem:$0x3FB8]  }
0x3d: {  	_ =	shalt  }
0x3e: {  	_ =	shalt  }
0x3f: {  	_ =	shalt  }
0x40: {  	_ =	shalt  }
0x41: {  	_ =	shalt  }
0x42: {  	_ =	shalt  }
0x43: {  	_ =	shalt  }
0x44: {  	_ =	shalt  }
0x45: {  	_ =	shalt  }
0x46: {  	_ =	shalt  }
0x47: {  	_ =	shalt  }
0x48: {  	_ =	shalt  }
0x49: {  	_ =	shalt  }
0x4a: {  	_ =	shalt  }
0x4b: {  	_ =	shalt  }
0x4c: {  	_ =	shalt  }
0x4d: {  	_ =	shalt  }
0x4e: {  	_ =	shalt  }
0x4f: {  	_ =	shalt  }
0x50: {  	_ =	shalt  }
0x51: {  	_ =	shalt  }
0x52: {  	_ =	shalt  }
0x53: {  	_ =	shalt  }
0x54: {  	_ =	shalt  }
0x55: {  	_ =	shalt  }
0x56: {  	_ =	shalt  }
0x57: {  	_ =	shalt  }
0x58: {  	_ =	shalt  }
0x59: {  	_ =	shalt  }
0x5a: {  	_ =	shalt  }
0x5b: {  	_ =	shalt  }
0x5c: {  	_ =	shalt  }
0x5d: {  	_ =	shalt  }
0x5e: {  	_ =	shalt  }
0x5f: {  	_ =	shalt  }
0x60: {  	_ =	shalt  }
0x61: {  	_ =	shalt  }
0x62: {  	_ =	shalt  }
0x63: {  	_ =	shalt  }
0x64: {  	_ =	shalt  }
0x65: {  	_ =	shalt  }
0x66: {  	_ =	shalt  }
0x67: {  	_ =	shalt  }
0x68: {  	_ =	shalt  }
0x69: {  	_ =	shalt  }
0x6a: {  	_ =	shalt  }
0x6b: {  	_ =	shalt  }
0x6c: {  	_ =	shalt  }
0x6d: {  	_ =	shalt  }
0x6e: {  	_ =	shalt  }
0x6f: {  	_ =	shalt  }
0x70: {  	_ =	shalt  }
0x71: {  	_ =	shalt  }
0x72: {  	_ =	shalt  }
0x73: {  	_ =	shalt  }
0x74: {  	_ =	shalt  }
0x75: {  	_ =	shalt  }
0x76: {  	_ =	shalt  }
0x77: {  	_ =	shalt  }
0x78: {  	_ =	shalt  }
0x79: {  	_ =	shalt  }
0x7a: {  	_ =	shalt  }
0x7b: {  	_ =	shalt  }
0x7c: {  	_ =	shalt  }
0x7d: {  	_ =	shalt  }
0x7e: {  	_ =	shalt  }
0x7f: {  	_ =	shalt  }
0x80: {  	_ =	shalt  }
0x81: {  	_ =	shalt  }
0x82: {  	_ =	shalt  }
0x83: {  	_ =	shalt  }
0x84: {  	_ =	shalt  }
0x85: {  	_ =	shalt  }
0x86: {  	_ =	shalt  }
0x87: {  	_ =	shalt  }
.Lfunc_end0:
.L_simem_size_0:
called_computation_lowered:
.L_overlay_start_0:
0x88: {  	s2 =	sld [smem:$0x3FD9]  }
0x89: {  	s3 =	sld [smem:$0x3FFE];
	_ =	sdelay $0x1  }
0x8a: {  	s1 =	srdreg.scid  }
0x8b: {  	s0 =	sand.u32 $0x1, s1  }
0x8c: {  	s15 =	sshll.u32 s0, $0xA;
	s2 =	sadd.s32 s3, s2  }
0x8d: {  	s2 =	sadd.s32 s2, s15  }
0x8e: {  	[smem:$0x3FC4] =	sst s2  }
0x8f: {  	_ = 	snop  }
0x90: {  	s2 =	sld [smem:$0x3FD0];
	_ =	sdelay $0x2  }
0x91: {  	s16 =	simm.s32 $0xA;
	s4 =	simm.s32 $0x10  }
0x92: {  	[smem:s4], [sflag:s16] =	dma.local [hbm:s2], $0x1  }
0x93: {  	_ =	swait.eq [sflag:s16], $0x1  }
0x94: {  	[sflag:s16] =	ssyncset.done $0x0  }
0x95: {  	s17 =	sld [smem:$0x10];
	[sflag:s16] =	ssyncadd.s32 $0xFFFFFFFF  }
0x96: {  	s18 =	sld [smem:$0x11];
	(tm) =	ssettm $0x1  }
0x97: {  	s19 =	sld [smem:$0x3FFB];
	_ =	sdelay $0x3  }
0x98: {  	_ =	strace s19  }
0x99: {  	s4 =	sld [smem:$0x3FFC];
	_ =	sdelay $0x3  }
0x9a: {  	_ =	strace s4  }
0x9b: {  	s4 =	sld [smem:$0x3FFD];
	_ =	sdelay $0x3  }
0x9c: {  	_ =	strace s4  }
0x9d: {  	_ =	strace $0x8FFFFFFF  }
0x9e: {  	s20 =	sld [smem:$0x3FDB];
	_ =	sdelay $0x1  }
0x9f: {  	s5 =	simm.s32 $_scs_section_size  }
0xa0: {  	s6 =	simm.s32 $_size__tile_overlayer_lowered;
	s7 =	simm.s32 $_tile_overlayer_lowered  }
0xa1: {  	s23 =	simm.s32 $0x1BFF;
	s22 =	sshll.u32 s7, $0x1;
	s4 =	sadd.s32 s5, s20  }
0xa2: {  	s8 =	simm.s32 $0x0;
	s21 =	sshll.u32 s6, $0x1;
	s6 =	sadd.s32 s22, s4  }
0xa3: {  	[timem:s8], [sflag:s23] =	dma.local [hbm:s6], s21  }
0xa4: {  	_ =	swait.ge [sflag:s23], s21  }
0xa5: {  	s5 =	ssub.s32 $0x0, s21;
	[sflag:s23] =	ssyncset.done $0x0  }
0xa6: {  	[sflag:s23] =	ssyncadd.s32 s5;
	_ =	sdelay $0x1  }
0xa7: {  	s24 =	simm.s32 $0x1B8B  }
0xa8: {  	_ =	swait.ge [sflag:s24], $0x1  }
0xa9: {  	[sflag:s24] =	ssyncset.done $0x0  }
0xaa: {  	s25 =	simm.s32 $0x1B8E;
	[sflag:s24] =	ssyncadd.s32 $0xFFFFFFFF  }
0xab: {  	s26 =	simm.s32 $execute0_lowered;
	[smem:$0x3FD2] =	sst s25  }
0xac: {  	s5 =	sshll.u32 s26, $0x1;
	_ =	strace $0x80000046;
	[dreg:$0x1] =	wrdreg $0xFFFFFFFF  }
0xad: {  	s28 =	simm.s32 $_size_execute0_lowered;
	s4 =	sadd.s32 s4, s5;
	[dreg:$0x0] =	wrdreg $0x0  }
0xae: {  	s5 =	sshll.u32 s28, $0x1;
	[dreg:$0x2] =	wrdreg s4  }
0xaf: {  	[dreg:$0x3] =	wrdreg s5  }
0xb0: {  	[dreg:$0x4] =	wrdreg $0xC0  }
0xb1: {  	_ =	task [dreg:s8], $0x5FFFF  }
0xb2: {  	[dreg:$0x1] =	wrdreg $0xFFFFFFFF  }
0xb3: {  	[dreg:$0x0] =	wrdreg $0x60  }
0xb4: {  	[dreg:$0x2] =	wrdreg s18  }
0xb5: {  	[dreg:$0x3] =	wrdreg s17  }
0xb6: {  	[dreg:$0x4] =	wrdreg $0x2C000  }
0xb7: {  	[dreg:$0x5] =	wrdreg $0x9  }
0xb8: {  	_ =	task.clear_ibuf [dreg:s8], $0x6FFFF;
	_ =	strace $0x90000046  }
0xb9: {  	s29 =	simm.s32 $0x9;
	_ =	strace $0x80000048  }
0xba: {  	_ =	swait.ge [sflag:s29], $0x1  }
0xbb: {  	[sflag:s29] =	ssyncadd.s32 $0xFFFFFFFF  }
0xbc: {  	_ =	strace $0x90000048  }
0xbd: {  	_ =	sfence  }
0xbe: {  	s30 =	sld [smem:$0x0];
	_ =	sdelay $0x2  }
0xbf: {  	s31 =	sshll.u32 s1, $0xD;
	s1 =	sshrl.u32 s1, $0x2  }
0xc0: {  	s3 =	sand.u32 $0x4000, s31;
	s1 =	sadd.s32 s1, s30  }
0xc1: {  	s0 =	sor.u32 s3, s0;
	s1 =	sshll.u32 s1, $0x11  }
0xc2: {  	s0 =	sor.u32 s1, s0  }
0xc3: {  	s0 =	sadd.s32 $0x8F2B, s0  }
0xc4: {  	[sflag:s0] =	ssyncadd.remote.s32 $0x1  }
0xc5: {  	_ =	sfence.sel $0xFFFF  }
0xc6: {  	[dreg:$0x0] =	wrdreg $0xFFFFFFFF;
	(pc) =	sbr.abs _section_cstart, $3  }
0xc7: {  	[dreg:$0x1] =	wrdreg $0xFFFFFFFF  }
0xc8: {  	_ =	task.clear_ibuf [dreg:s8], $0x2FFFF;
	_ =	strace $0x9FFFFFFF  }
0xc9: {  	(tm) =	ssettm $0x7FFFFFFF  }
tec
execute0_lowered:
.L_overlay_start_1:
0x0: {  	(tag) =	ssettag $0x1  }
0x1: {  	s4 =	rddreg [dreg:$0x0]  }
0x2: {  	s6 =	rddreg [dreg:$0x1];
	s0 =	srdreg.scid  }
0x3: {  	s2 =	rddreg [dreg:$0x2];
	s1 =	stileid.u32;
	s3 =	simm.s32 $0x0  }
0x4: {  	s11 =	simm.s32 $0x2800;
	s12 =	simm.s32 $0x2900;
	s13 =	simm.s32 $0x2880  }
0x5: {  	s14 =	simm.s32 $0x1;
	s15 =	simm.s32 $0x2;
	s18 =	simm.s32 $0x0  }
0x6: {  	s5 =	sand.u32 $0x1, s0;
	s0 =	rddreg [dreg:$0x3];
	s7 =	smul.u32 $0x280, s1  }
0x7: {  	[smem:$0x7FF] =	sst s3;
	s16 =	sshll.u32 s1, $0x6;
	s8 =	sshll.u32 s5, $0x4  }
0x8: {  	s9 =	smul.u32 $0x2800, s5;
	s5 =	ssub.s32 $0x2, s5;
	_ =	strace $0x80000047  }
0x9: {  	s16 =	sor.u32 $0x1C03, s16;
	s8 =	sor.u32 s1, s8;
	s10 =	sshrl.u32 s5, $0x1  }
0xa: {  	s8 =	smul.u32 $0x500, s8;
	s9 =	sadd.s32 s7, s9;
	s10 =	ssub.s32 s5, s10  }
0xb: {  	s5 =	sadd.s32 s7, s2;
	s31 =	sshrl.u32 s9, $0x3;
	s7 =	smax.u32 s10, $0x1  }
0xc: {  	s9 =	simm.s32 $0x2980;
	s10 =	simm.s32 $0x80;
	s17 =	sshrl.u32 s5, $0x3  }
0xd: {  	v0 =	vimm.f32 $1.000000000e+00;
	v1 =	vimm.f32 $0.0e+00;
	s4 =	sadd.s32 s4, s8;
	s6 =	sadd.s32 s6, s31;
	s8 =	simm.s32 $0x3  }
.LBB2_1:
0xe: {  	[tilespmem:$0x2900] =	vst v0  }
0xf: {  	[tilespmem:$0x2910] =	vst v0  }
0x10: {  	[tilespmem:$0x2920] =	vst v0  }
0x11: {  	[tilespmem:$0x2930] =	vst v0  }
0x12: {  	[tilespmem:$0x2940] =	vst v0  }
0x13: {  	[tilespmem:$0x2950] =	vst v0  }
0x14: {  	[tilespmem:$0x2960] =	vst v0  }
0x15: {  	[tilespmem:$0x2970] =	vst v0  }
0x16: {  	[tilespmem:$0x2980] =	vst v1  }
0x17: {  	[tilespmem:$0x2990] =	vst v1  }
0x18: {  	[tilespmem:$0x29A0] =	vst v1  }
0x19: {  	[tilespmem:$0x29B0] =	vst v1  }
0x1a: {  	[tilespmem:$0x29C0] =	vst v1  }
0x1b: {  	[tilespmem:$0x29D0] =	vst v1  }
0x1c: {  	[tilespmem:$0x29E0] =	vst v1  }
0x1d: {  	[tilespmem:$0x29F0] =	vst v1  }
0x1e: {  	[tilespmem:$0x2A00] =	vst v1  }
0x1f: {  	[tilespmem:$0x2A10] =	vst v1  }
0x20: {  	[tilespmem:$0x2A20] =	vst v1  }
0x21: {  	[tilespmem:$0x2A30] =	vst v1  }
0x22: {  	[tilespmem:$0x2A40] =	vst v1  }
0x23: {  	[tilespmem:$0x2A50] =	vst v1  }
0x24: {  	[tilespmem:$0x2A60] =	vst v1  }
0x25: {  	[tilespmem:$0x2A70] =	vst v1  }
0x26: {  	[tilespmem:$0x2A80] =	vst v1  }
0x27: {  	[tilespmem:$0x2A90] =	vst v1  }
0x28: {  	[tilespmem:$0x2AA0] =	vst v1  }
0x29: {  	[tilespmem:$0x2AB0] =	vst v1  }
0x2a: {  	[tilespmem:$0x2AC0] =	vst v1  }
0x2b: {  	[tilespmem:$0x2AD0] =	vst v1  }
0x2c: {  	[tilespmem:$0x2AE0] =	vst v1  }
0x2d: {  	[tilespmem:$0x2AF0] =	vst v1  }
0x2e: {  	[tilespmem:$0x2B00] =	vst v1  }
0x2f: {  	[tilespmem:$0x2B10] =	vst v1  }
0x30: {  	[tilespmem:$0x2B20] =	vst v1  }
0x31: {  	[tilespmem:$0x2B30] =	vst v1  }
0x32: {  	[tilespmem:$0x2B40] =	vst v1  }
0x33: {  	[tilespmem:$0x2B50] =	vst v1  }
0x34: {  	[tilespmem:$0x2B60] =	vst v1  }
0x35: {  	[tilespmem:$0x2B70] =	vst v1  }
0x36: {  	[tilespmem:$0x2B80] =	vst v1  }
0x37: {  	[tilespmem:$0x2B90] =	vst v1  }
0x38: {  	[tilespmem:$0x2BA0] =	vst v1  }
0x39: {  	[tilespmem:$0x2BB0] =	vst v1  }
0x3a: {  	[tilespmem:$0x2BC0] =	vst v1  }
0x3b: {  	[tilespmem:$0x2BD0] =	vst v1  }
0x3c: {  	[tilespmem:$0x2BE0] =	vst v1  }
0x3d: {  	[tilespmem:$0x2BF0] =	vst v1  }
0x3e: {  	[tilespmem:s3], [sflag:$0x3] =	stream.linear.gather [hbm4b:s4+s3], $0x2800, $0x38;
	[tilespmem:$0x2E80] =	vst v63  }
0x3f: {  	_ =	swait.ge [sflag:s8], $0x2800  }
0x40: {  	[sflag:s8] =	ssyncset.done $0x0  }
0x41: {  	[sflag:s8] =	ssyncadd.s32 $0xFFFFD800  }
0x42: {  	[spmem:s5] =	stream.linear.scatter [tilespmem:s9], [sflag:$0x3], $0x280, $0x38;
	[tilespmem:$0x2E80] =	vst v63  }
0x43: {  	_ =	swait.ge [sflag:s8], $0x280  }
0x44: {  	[sflag:s8] =	ssyncset.done $0x0  }
0x45: {  	[sflag:s8] =	ssyncadd.s32 $0xFFFFFD80  }
0x46: {  	[bflag:$0x0] =	sbarrier.arrive $0xFFFF  }
0x47: {  	v2 =	vld [tilespmem:$0x0]  }
0x48: {  	v3 =	vld [tilespmem:$0x10]  }
0x49: {  	v4 =	vld [tilespmem:$0x20]  }
0x4a: {  	v5 =	vld [tilespmem:$0x30]  }
0x4b: {  	v6 =	vld [tilespmem:$0x40]  }
0x4c: {  	v7 =	vld [tilespmem:$0x50];
	v2 =	vshra.s32 v2, $0x10  }
0x4d: {  	[tilespmem:$0x2800] =	vst v2;
	v2 =	vshra.s32 v3, $0x10;
	v3 =	vld [tilespmem:$0x60]  }
0x4e: {  	v58 =	vld [tilespmem:$0x70];
	[tilespmem:$0x2810] =	vst v2;
	v2 =	vshra.s32 v4, $0x10  }
0x4f: {  	[tilespmem:$0x2820] =	vst v2;
	v2 =	vshra.s32 v5, $0x10  }
0x50: {  	[tilespmem:$0x2830] =	vst v2;
	v2 =	vshra.s32 v6, $0x10  }
0x51: {  	[tilespmem:$0x2840] =	vst v2;
	v2 =	vshra.s32 v7, $0x10  }
0x52: {  	[tilespmem:$0x2850] =	vst v2;
	v2 =	vshra.s32 v3, $0x10  }
0x53: {  	[tilespmem:$0x2860] =	vst v2;
	v2 =	vshra.s32 v58, $0x10  }
0x54: {  	[tilespmem:$0x2870] =	vst v2  }
0x55: {  	[spmem:s2] =	stream.indirect.scatter.add.f32 [tilespmem:s12], [sflag:$0x1], $0x1, s11, s10, $0xb8;
	[tilespmem:$0x2E80] =	vst v63  }
0x56: {  	v2 =	vld [tilespmem:$0x80]  }
0x57: {  	v3 =	vld [tilespmem:$0x90]  }
0x58: {  	v59 =	vld [tilespmem:$0xA0]  }
0x59: {  	v60 =	vld [tilespmem:$0xB0]  }
0x5a: {  	v61 =	vld [tilespmem:$0xC0]  }
0x5b: {  	v62 =	vld [tilespmem:$0xD0];
	v2 =	vshra.s32 v2, $0x10  }
0x5c: {  	[tilespmem:$0x2880] =	vst v2;
	v2 =	vshra.s32 v3, $0x10;
	v3 =	vld [tilespmem:$0xE0]  }
0x5d: {  	v63 =	vld [tilespmem:$0xF0];
	[tilespmem:$0x2890] =	vst v2;
	v2 =	vshra.s32 v59, $0x10  }
0x5e: {  	[tilespmem:$0x28A0] =	vst v2;
	v2 =	vshra.s32 v60, $0x10  }
0x5f: {  	[tilespmem:$0x28B0] =	vst v2;
	v2 =	vshra.s32 v61, $0x10  }
0x60: {  	[tilespmem:$0x28C0] =	vst v2;
	v2 =	vshra.s32 v62, $0x10  }
0x61: {  	[tilespmem:$0x28D0] =	vst v2;
	v2 =	vshra.s32 v3, $0x10  }
0x62: {  	[tilespmem:$0x28E0] =	vst v2;
	v2 =	vshra.s32 v63, $0x10  }
0x63: {  	[tilespmem:$0x28F0] =	vst v2  }
0x64: {  	[spmem:s2] =	stream.indirect.scatter.add.f32 [tilespmem:s12], [sflag:$0x2], $0x1, s13, s10, $0xb8;
	[tilespmem:$0x2E80] =	vst v63  }
0x65: {  	_ =	swait.ge [sflag:s14], $0x80  }
0x66: {  	[sflag:s14] =	ssyncset.done $0x0  }
0x67: {  	s19 =	simm.s32 $0x1F0;
	[sflag:s14] =	ssyncadd.s32 $0xFFFFFF80  }
0x68: {  	v2 =	vld [tilespmem:s19+$0xFFFFFF10];
	_ =	sdelay $0x4  }
0x69: {  	v2 =	vshra.s32 v2, $0x10  }
0x6a: {  	[tilespmem:$0x2800] =	vst v2  }
0x6b: {  	v2 =	vld [tilespmem:s19+$0xFFFFFF20];
	_ =	sdelay $0x4  }
0x6c: {  	v2 =	vshra.s32 v2, $0x10  }
0x6d: {  	[tilespmem:$0x2810] =	vst v2  }
0x6e: {  	v2 =	vld [tilespmem:s19+$0xFFFFFF30];
	_ =	sdelay $0x4  }
0x6f: {  	v2 =	vshra.s32 v2, $0x10  }
0x70: {  	[tilespmem:$0x2820] =	vst v2  }
0x71: {  	v2 =	vld [tilespmem:s19+$0xFFFFFF40];
	_ =	sdelay $0x4  }
0x72: {  	v2 =	vshra.s32 v2, $0x10  }
0x73: {  	[tilespmem:$0x2830] =	vst v2  }
0x74: {  	v2 =	vld [tilespmem:s19+$0xFFFFFF50];
	_ =	sdelay $0x4  }
0x75: {  	v2 =	vshra.s32 v2, $0x10  }
0x76: {  	[tilespmem:$0x2840] =	vst v2  }
0x77: {  	v2 =	vld [tilespmem:s19+$0xFFFFFF60];
	_ =	sdelay $0x4  }
0x78: {  	v2 =	vshra.s32 v2, $0x10  }
0x79: {  	[tilespmem:$0x2850] =	vst v2  }
0x7a: {  	v2 =	vld [tilespmem:s19+$0xFFFFFF70];
	_ =	sdelay $0x4  }
0x7b: {  	v2 =	vshra.s32 v2, $0x10  }
0x7c: {  	[tilespmem:$0x2860] =	vst v2  }
0x7d: {  	v2 =	vld [tilespmem:s19+$0xFFFFFF80];
	_ =	sdelay $0x4  }
0x7e: {  	v2 =	vshra.s32 v2, $0x10  }
0x7f: {  	[tilespmem:$0x2870] =	vst v2  }
0x80: {  	[spmem:s2] =	stream.indirect.scatter.add.f32 [tilespmem:s12], [sflag:$0x1], $0x1, s11, s10, $0xb8;
	[tilespmem:$0x2E80] =	vst v63  }
0x81: {  	_ =	swait.ge [sflag:s15], $0x80  }
0x82: {  	[sflag:s15] =	ssyncset.done $0x0  }
0x83: {  	[sflag:s15] =	ssyncadd.s32 $0xFFFFFF80  }
0x84: {  	v2 =	vld [tilespmem:s19+$0xFFFFFF90];
	_ =	sdelay $0x4  }
0x85: {  	v2 =	vshra.s32 v2, $0x10  }
0x86: {  	[tilespmem:$0x2880] =	vst v2  }
0x87: {  	v2 =	vld [tilespmem:s19+$0xFFFFFFA0];
	_ =	sdelay $0x4  }
0x88: {  	v2 =	vshra.s32 v2, $0x10  }
0x89: {  	[tilespmem:$0x2890] =	vst v2  }
0x8a: {  	v2 =	vld [tilespmem:s19+$0xFFFFFFB0];
	_ =	sdelay $0x4  }
0x8b: {  	v2 =	vshra.s32 v2, $0x10  }
0x8c: {  	[tilespmem:$0x28A0] =	vst v2  }
0x8d: {  	v2 =	vld [tilespmem:s19+$0xFFFFFFC0];
	_ =	sdelay $0x4  }
0x8e: {  	v2 =	vshra.s32 v2, $0x10  }
0x8f: {  	[tilespmem:$0x28B0] =	vst v2  }
0x90: {  	v2 =	vld [tilespmem:s19+$0xFFFFFFD0];
	_ =	sdelay $0x4  }
0x91: {  	v2 =	vshra.s32 v2, $0x10  }
0x92: {  	[tilespmem:$0x28C0] =	vst v2  }
0x93: {  	v2 =	vld [tilespmem:s19+$0xFFFFFFE0];
	_ =	sdelay $0x4  }
0x94: {  	v2 =	vshra.s32 v2, $0x10  }
0x95: {  	[tilespmem:$0x28D0] =	vst v2  }
0x96: {  	v2 =	vld [tilespmem:s19+$0xFFFFFFF0];
	_ =	sdelay $0x4  }
0x97: {  	v2 =	vshra.s32 v2, $0x10  }
0x98: {  	[tilespmem:$0x28E0] =	vst v2  }
0x99: {  	v2 =	vld [tilespmem:s19+$0x0];
	_ =	sdelay $0x4  }
0x9a: {  	v2 =	vshra.s32 v2, $0x10  }
0x9b: {  	s19 =	simm.s32 $0xBC0;
	[tilespmem:$0x28F0] =	vst v2  }
.LBB2_2:
0x9c: {  	[spmem:s2] =	stream.indirect.scatter.add.f32 [tilespmem:s12], [sflag:$0x2], $0x1, s13, s10, $0xb8;
	[tilespmem:$0x2E80] =	vst v63  }
0x9d: {  	s20 =	smov.u32 s19  }
0x9e: {  	p0 =	sne.s32 s19, $0x9FC0;
	s19 =	sadd.s32 $0x400, s19;
	_ =	swait.ge [sflag:s14], $0x80  }
0x9f: {  	[sflag:s14] =	ssyncset.done $0x0  }
0xa0: {  	s20 =	sshra.s32 s20, $0x2;
	[sflag:s14] =	ssyncadd.s32 $0xFFFFFF80  }
0xa1: {  	v2 =	vld [tilespmem:s20+$0xFFFFFF10];
	_ =	sdelay $0x4  }
0xa2: {  	v2 =	vshra.s32 v2, $0x10  }
0xa3: {  	[tilespmem:$0x2800] =	vst v2  }
0xa4: {  	v2 =	vld [tilespmem:s20+$0xFFFFFF20];
	_ =	sdelay $0x4  }
0xa5: {  	v2 =	vshra.s32 v2, $0x10  }
0xa6: {  	[tilespmem:$0x2810] =	vst v2  }
0xa7: {  	v2 =	vld [tilespmem:s20+$0xFFFFFF30];
	_ =	sdelay $0x4  }
0xa8: {  	v2 =	vshra.s32 v2, $0x10  }
0xa9: {  	[tilespmem:$0x2820] =	vst v2  }
0xaa: {  	v2 =	vld [tilespmem:s20+$0xFFFFFF40];
	_ =	sdelay $0x4  }
0xab: {  	v2 =	vshra.s32 v2, $0x10  }
0xac: {  	[tilespmem:$0x2830] =	vst v2  }
0xad: {  	v2 =	vld [tilespmem:s20+$0xFFFFFF50];
	_ =	sdelay $0x4  }
0xae: {  	v2 =	vshra.s32 v2, $0x10  }
0xaf: {  	[tilespmem:$0x2840] =	vst v2  }
0xb0: {  	v2 =	vld [tilespmem:s20+$0xFFFFFF60];
	_ =	sdelay $0x4  }
0xb1: {  	v2 =	vshra.s32 v2, $0x10  }
0xb2: {  	[tilespmem:$0x2850] =	vst v2  }
0xb3: {  	v2 =	vld [tilespmem:s20+$0xFFFFFF70];
	_ =	sdelay $0x4  }
0xb4: {  	v2 =	vshra.s32 v2, $0x10  }
0xb5: {  	[tilespmem:$0x2860] =	vst v2  }
0xb6: {  	v2 =	vld [tilespmem:s20+$0xFFFFFF80];
	_ =	sdelay $0x4  }
0xb7: {  	v2 =	vshra.s32 v2, $0x10  }
0xb8: {  	[tilespmem:$0x2870] =	vst v2  }
0xb9: {  	[spmem:s2] =	stream.indirect.scatter.add.f32 [tilespmem:s12], [sflag:$0x1], $0x1, s11, s10, $0xb8;
	[tilespmem:$0x2E80] =	vst v63  }
0xba: {  	_ =	swait.ge [sflag:s15], $0x80  }
0xbb: {  	[sflag:s15] =	ssyncset.done $0x0  }
0xbc: {  	[sflag:s15] =	ssyncadd.s32 $0xFFFFFF80  }
0xbd: {  	v2 =	vld [tilespmem:s20+$0xFFFFFF90];
	_ =	sdelay $0x4  }
0xbe: {  	v2 =	vshra.s32 v2, $0x10  }
0xbf: {  	[tilespmem:$0x2880] =	vst v2  }
0xc0: {  	v2 =	vld [tilespmem:s20+$0xFFFFFFA0];
	_ =	sdelay $0x4  }
0xc1: {  	v2 =	vshra.s32 v2, $0x10  }
0xc2: {  	[tilespmem:$0x2890] =	vst v2  }
0xc3: {  	v2 =	vld [tilespmem:s20+$0xFFFFFFB0];
	_ =	sdelay $0x4  }
0xc4: {  	v2 =	vshra.s32 v2, $0x10  }
0xc5: {  	[tilespmem:$0x28A0] =	vst v2  }
0xc6: {  	v2 =	vld [tilespmem:s20+$0xFFFFFFC0];
	_ =	sdelay $0x4  }
0xc7: {  	v2 =	vshra.s32 v2, $0x10  }
0xc8: {  	[tilespmem:$0x28B0] =	vst v2  }
0xc9: {  	v2 =	vld [tilespmem:s20+$0xFFFFFFD0];
	_ =	sdelay $0x4  }
0xca: {  	v2 =	vshra.s32 v2, $0x10  }
0xcb: {  	[tilespmem:$0x28C0] =	vst v2  }
0xcc: {  	v2 =	vld [tilespmem:s20+$0xFFFFFFE0];
	_ =	sdelay $0x4  }
0xcd: {  	v2 =	vshra.s32 v2, $0x10  }
0xce: {  	[tilespmem:$0x28D0] =	vst v2  }
0xcf: {  	v2 =	vld [tilespmem:s20+$0xFFFFFFF0];
	_ =	sdelay $0x4  }
0xd0: {  	v2 =	vshra.s32 v2, $0x10  }
0xd1: {  	[tilespmem:$0x28E0] =	vst v2  }
0xd2: {  	v2 =	vld [tilespmem:s20+$0x0];
	_ =	sdelay $0x1  }
.Ltmp0:
0xd3: {  	(pc) =	sbr.rel @p0 .LBB2_2-.Ltmp0, $3  }
0xd4: {  	_ =	sdelay $0x1  }
0xd5: {  	v2 =	vshra.s32 v2, $0x10  }
0xd6: {  	[tilespmem:$0x28F0] =	vst v2  }
0xd7: {  	[spmem:s2] =	stream.indirect.scatter.add.f32 [tilespmem:s12], [sflag:$0x2], $0x1, s13, s10, $0xb8;
	[tilespmem:$0x2E80] =	vst v63  }
0xd8: {  	_ =	swait.ge [sflag:s14], $0x80  }
0xd9: {  	[sflag:s14] =	ssyncset.done $0x0  }
0xda: {  	[sflag:s14] =	ssyncadd.s32 $0xFFFFFF80  }
0xdb: {  	_ =	swait.ge [sflag:s15], $0x80  }
0xdc: {  	s18 =	sadd.s32 $0x1, s18;
	[sflag:s15] =	ssyncset.done $0x0  }
0xdd: {  	p0 =	sne.s32 s18, s7;
	[sflag:s15] =	ssyncadd.s32 $0xFFFFFF80  }
.Ltmp1:
0xde: {  	[bflag:$0x0] =	sbarrier.arrive $0xFFFF;
	(pc) =	sbr.rel @p0 .LBB2_1-.Ltmp1, $4  }
0xdf: {  	[hbm:s6], [sflag:s16] =	dma.local [spmem:s17], $0x50  }
0xe0: {  	_ =	swait.ge [sflag:s8], $0x50  }
0xe1: {  	[sflag:s8] =	ssyncset.done $0x0  }
0xe2: {  	[sflag:s8] =	ssyncadd.s32 $0xFFFFFFB0  }
0xe3: {  	_ =	sfence.sel $0x180000  }
0xe4: {  	[bflag:$0x0] =	sbarrier.arrive $0xFFFF  }
0xe5: {  	p0 =	sne.s32 s1, $0x0;
	_ =	strace $0x90000047  }
0xe6: {  	s0 =	sadd.s32 @!p0 $0x100000, s0;
	[bflag:$0x2] =	sbarrier.arrive $0xFFFF  }
0xe7: {  	[sflag:s0] =	ssyncadd.tile.s32 @!p0 $0x1;
	_ =	shalt  }
.Lfunc_end2:
_tile_overlayer_lowered:
.L_overlay_start_2:
0xe8: {  	(tag) =	ssettag $0x2  }
0xe9: {  	s0 =	rddreg [dreg:$0x0];
	s2 =	stileid.u32  }
0xea: {  	s1 =	rddreg [dreg:$0x1];
	p0 =	sne.s32 s2, $0x0  }
0xeb: {  	s3 =	rddreg [dreg:$0x2];
	[bflag:$0x3] =	sbarrier.arrive $0xFFFF;
	s2 =	simm.s32 @!p0 $0x1C03  }
0xec: {  	[timem:s3], [sflag:s2] =	dma.local @!p0 [hbm:s0], s1  }
0xed: {  	s0 =	simm.s32 @!p0 $0x3  }
0xee: {  	_ =	swait.ge @!p0 [sflag:s0], s1  }
0xef: {  	s1 =	ssub.s32 @!p0 $0x0, s1;
	[sflag:s0] =	ssyncset.done @!p0 $0x0  }
0xf0: {  	[sflag:s0] =	ssyncadd.s32 @!p0 s1  }
0xf1: {  	[bflag:$0x3] =	sbarrier.arrive $0xFFFF  }
0xf2: {  	_ =	shalt  }

</sc_bundles>
